<compile_context>
chip_gen: v7x
topology: tpu7x:2x2x1
jax: 0.10.2.dev20260603
libtpu: 0.0.44.dev20260713+nightly
codegen_flags: <defaults>
</compile_context>

<pallas_src>
import functools

import jax
import jax.numpy as jnp
from jax import lax
from jax.experimental import pallas as pl
from jax.experimental.pallas import tpu as pltpu
from jax.experimental.pallas import tpu_sc as plsc

_NC = 2
_NS = 16
_NW = _NC * _NS


def _bf(v):
    return v.astype(jnp.bfloat16).astype(jnp.float32)


def _knn_body(k_nn, n, base, q_ref, xt_ref, idx_ref):
    q = q_ref[0]
    qx, qy, qz = q[:, 0:1], q[:, 1:2], q[:, 2:3]
    xt = xt_ref[0]
    x0, x1, x2 = xt[0:1, :], xt[1:2, :], xt[2:3, :]

    qn = qx * qx + qy * qy + qz * qz
    xn = x0 * x0 + x1 * x1 + x2 * x2
    dot = jnp.dot(q.astype(jnp.bfloat16), xt.astype(jnp.bfloat16),
                  preferred_element_type=jnp.float32)
    d2 = (qn - 2.0 * dot) + xn

    qb = q.shape[0]
    inf = jnp.float32(jnp.inf)

    f_ch = 32
    s_sl = n // f_ch
    parts = [d2[:, f * s_sl:(f + 1) * s_sl] for f in range(f_ch)]

    def running_min(masked_parts):
        v = masked_parts[0]
        c = jnp.zeros((qb, s_sl), jnp.int32)
        for f in range(1, f_ch):
            lt = masked_parts[f] < v
            v = jnp.where(lt, masked_parts[f], v)
            c = jnp.where(lt, jnp.int32(f), c)
        return v, c

    v1, c1 = running_min(parts)
    parts2 = [jnp.where(c1 == f, inf, parts[f]) for f in range(f_ch)]
    v2, c2 = running_min(parts2)
    parts3 = [jnp.where(c2 == f, inf, parts2[f]) for f in range(f_ch)]
    v3, c3 = running_min(parts3)

    si = lax.broadcasted_iota(jnp.int32, (1, s_sl), 1)
    a_v, b_v, c_v = v1, v2, v3
    a_g = c1 * s_sl + si
    b_g = c2 * s_sl + si
    c_g = c3 * s_sl + si

    sent = jnp.int32(2 * n)
    depth = jnp.zeros((qb, s_sl), jnp.int32)
    bad = jnp.zeros((qb, 1), jnp.bool_)
    cols = []
    for j in range(k_nn):
        m = jnp.min(a_v, axis=1, keepdims=True)
        g = jnp.min(jnp.where(a_v == m, a_g, sent), axis=1, keepdims=True)
        cols.append(g)
        sel = (a_g == g) & (a_v == m)
        if j < k_nn - 1:
            bad = bad | jnp.any(sel & (depth == 2), axis=1, keepdims=True)
            depth = depth + sel.astype(jnp.int32)
            a_v = jnp.where(sel, b_v, a_v)
            a_g = jnp.where(sel, b_g, a_g)
            b_v = jnp.where(sel, c_v, b_v)
            b_g = jnp.where(sel, c_g, b_g)
            c_v = jnp.where(sel, inf, c_v)
    fast = jnp.concatenate(cols, axis=1)

    def slow_path(_):
        dd = d2
        iota = lax.broadcasted_iota(jnp.int32, (qb, n), 1)
        cc = []
        for _ in range(k_nn):
            ik = jnp.argmin(dd, axis=1).reshape(qb, 1)
            cc.append(ik)
            dd = jnp.where(iota == ik, inf, dd)
        return jnp.concatenate(cc, axis=1)

    idxs = lax.cond(jnp.any(bad), slow_path, lambda _: fast, None)
    idx_ref[0] = jnp.transpose(idxs + base, (1, 0))


def _knn(query, xyzt, k_nn, qb, base):
    b_dim, q_dim, _ = query.shape
    n = xyzt.shape[2]
    return pl.pallas_call(
        functools.partial(_knn_body, k_nn, n, base),
        grid=(b_dim, q_dim // qb),
        in_specs=[
            pl.BlockSpec((1, qb, 3), lambda b, q: (b, q, 0)),
            pl.BlockSpec((1, 3, n), lambda b, q: (b, 0, 0)),
        ],
        out_specs=pl.BlockSpec((1, k_nn, qb), lambda b, q: (b, 0, q)),
        out_shape=jax.ShapeDtypeStruct((b_dim, k_nn, q_dim), jnp.int32),
    )(query, xyzt)


def _sc_gather(idx_flat, tp, tf):
    total = idx_flat.shape[0]
    per_w = total // _NW
    chunk = 256
    nchunks = per_w // chunk
    dp = tp.shape[1]
    df = tf.shape[1]
    mesh = plsc.VectorSubcoreMesh(core_axis_name="c", subcore_axis_name="s")

    @functools.partial(
        pl.kernel,
        out_type=[
            jax.ShapeDtypeStruct((total, dp), jnp.float32),
            jax.ShapeDtypeStruct((total, df), jnp.float32),
        ],
        mesh=mesh,
        scratch_types=[
            pltpu.VMEM((per_w,), jnp.int32),
            pltpu.VMEM((chunk, dp), jnp.float32),
            pltpu.VMEM((chunk, df), jnp.float32),
            pltpu.SemaphoreType.DMA,
            pltpu.SemaphoreType.DMA,
        ],
    )
    def gather_k(idx_hbm, tp_hbm, tf_hbm, gp_hbm, gf_hbm,
                 idx_v, bufp, buff, semp, semf):
        wid = lax.axis_index("s") * _NC + lax.axis_index("c")
        base = wid * per_w
        pltpu.sync_copy(idx_hbm.at[pl.ds(base, per_w)], idx_v)
        for c in range(nchunks):
            sl = idx_v.at[pl.ds(c * chunk, chunk)]
            cp_p = pltpu.async_copy(tp_hbm.at[sl], bufp, semp)
            cp_f = pltpu.async_copy(tf_hbm.at[sl], buff, semf)
            cp_p.wait()
            cp_f.wait()
            pltpu.sync_copy(bufp, gp_hbm.at[pl.ds(base + c * chunk, chunk)])
            pltpu.sync_copy(buff, gf_hbm.at[pl.ds(base + c * chunk, chunk)])

    return gather_k(idx_flat, tp, tf)


def _mlp_body(k_nn, dp, pos, q_ref, gp_ref, gf_ref, wpos_ref, bpos_ref,
              w0_ref, b0_ref, w1_ref, b1_ref, w2_ref, b2_ref,
              w3_ref, b3_ref, w4_ref, b4_ref, wout_ref, out_ref):
    q = q_ref[0]
    qx, qy, qz = q[:, 0:1], q[:, 1:2], q[:, 2:3]
    wpos = wpos_ref[...]
    bpos = bpos_ref[...]

    pieces = []
    for k in range(k_nn):
        gpk = gp_ref[0, k]
        px, py, pz = gpk[:, 0:1], gpk[:, 1:2], gpk[:, 2:3]
        ins = jnp.concatenate(
            (qx, qy, qz, px, py, pz, px - qx, py - qy, pz - qz), axis=1)
        acc = jnp.dot(ins.astype(jnp.bfloat16), wpos,
                      preferred_element_type=jnp.float32) + bpos
        posk = jnp.maximum(acc, 0.0).astype(jnp.bfloat16)
        pieces.append(posk)
        pieces.append(gf_ref[0, k].astype(jnp.bfloat16))
    x = jnp.concatenate(pieces, axis=1)

    def layer(h, w_ref, b_ref):
        hh = jnp.dot(h.astype(jnp.bfloat16), w_ref[...],
                     preferred_element_type=jnp.float32)
        return jnp.maximum(hh + b_ref[...], 0.0)

    h = layer(x, w0_ref, b0_ref)
    h = layer(h, w1_ref, b1_ref)
    h = layer(h, w2_ref, b2_ref)
    h = layer(h, w3_ref, b3_ref)
    h = layer(h, w4_ref, b4_ref)
    wo = wout_ref[...].astype(jnp.float32)
    out_ref[0] = jnp.sum(_bf(h) * wo, axis=1, keepdims=True)


def _mlp(query, gp4, gf4, wpos, bpos, w0, b0, w1, b1, w2, b2, w3, b3,
         w4, b4, wout_row, k_nn, dp, qb2):
    b_dim, q_dim, _ = query.shape
    pos = wpos.shape[1]
    df = gf4.shape[3]
    c0 = w0.shape[0]
    e2 = w0.shape[1]
    e = w1.shape[1]
    nq = q_dim // qb2
    full = lambda shape: pl.BlockSpec(shape, lambda i: tuple(0 for _ in shape))
    return pl.pallas_call(
        functools.partial(_mlp_body, k_nn, dp, pos),
        grid=(b_dim * nq,),
        in_specs=[
            pl.BlockSpec((1, qb2, 3), lambda i: (i // nq, i % nq, 0)),
            pl.BlockSpec((1, k_nn, qb2, dp),
                         lambda i: (i // nq, 0, i % nq, 0)),
            pl.BlockSpec((1, k_nn, qb2, df),
                         lambda i: (i // nq, 0, i % nq, 0)),
            full((9, pos)), full((1, pos)),
            full((c0, e2)), full((1, e2)),
            full((e2, e)), full((1, e)),
            full((e, e)), full((1, e)),
            full((e, e)), full((1, e)),
            full((e, e)), full((1, e)),
            full((1, e)),
        ],
        out_specs=pl.BlockSpec((1, qb2, 1), lambda i: (i // nq, i % nq, 0)),
        out_shape=jax.ShapeDtypeStruct((b_dim, q_dim, 1), jnp.float32),
    )(query, gp4, gf4, wpos, bpos, w0, b0, w1, b1, w2, b2, w3, b3, w4,
      b4, wout_row)


def kernel(query, xyz, pcl_feat, W_pos, b_pos, W0, b0, W1, b1, W2, b2,
           W3, b3, W4, b4, Wout, bout):
    b_dim, q_dim, _ = query.shape
    n = xyz.shape[1]
    out_dim = pcl_feat.shape[-1]
    pos = W_pos.shape[1]
    k_nn = W0.shape[0] // (pos + out_dim)
    dp = 128

    xyzt = jnp.transpose(xyz, (0, 2, 1))
    xyzp = jnp.pad(xyz.reshape(b_dim * n, 3), ((0, 0), (0, dp - 3)))
    pf = pcl_feat.reshape(b_dim * n, out_dim)

    wargs = (
        W_pos.astype(jnp.bfloat16), b_pos.reshape(1, pos),
        W0.astype(jnp.bfloat16), b0.reshape(1, -1),
        W1.astype(jnp.bfloat16), b1.reshape(1, -1),
        W2.astype(jnp.bfloat16), b2.reshape(1, -1),
        W3.astype(jnp.bfloat16), b3.reshape(1, -1),
        W4.astype(jnp.bfloat16), b4.reshape(1, -1),
        Wout.reshape(1, -1).astype(jnp.bfloat16),
    )

    idxs = [
        _knn(query[b:b + 1], xyzt[b:b + 1], k_nn, qb=128, base=b * n)
        for b in range(b_dim)
    ]
    outs = []
    for b in range(b_dim):
        gp, gf = _sc_gather(idxs[b].reshape(-1), xyzp, pf)
        outs.append(_mlp(
            query[b:b + 1],
            gp.reshape(1, k_nn, q_dim, dp),
            gf.reshape(1, k_nn, q_dim, out_dim),
            *wargs, k_nn=k_nn, dp=dp, qb2=256,
        ))
    return jnp.concatenate(outs, axis=0) + bout

# --- scband reference (transcript-rebuilt; emitter-appended) ---
"""Pipeline reference for scband-offset-nvf-82179904242037 (READ-ONLY COPY).

The authoritative reference and input builder live on the scoring server;
editing this copy changes nothing except your own understanding.
"""

import jax, jax.numpy as jnp
import numpy as np

EMB = 256
K = 8
POS = 128
OUT = 128
B = 2
Q = 2048
N = 8192


def setup_inputs(seed: int = 0) -> dict:
    key = jax.random.key(seed)
    ks = jax.random.split(key, 12)
    inp = {}
    inp['query'] = jax.random.normal(ks[0], (B, Q, 3), dtype=jnp.float32)
    inp['xyz'] = jax.random.normal(ks[1], (B, N, 3), dtype=jnp.float32)
    inp['pcl_feat'] = jax.random.normal(ks[2], (B, N, OUT), dtype=jnp.float32)

    def lin(k, i, o):
        s = 1.0 / np.sqrt(i)
        return jax.random.uniform(k, (i, o), minval=-s, maxval=s, dtype=jnp.float32)

    cin = (OUT + POS) * K
    inp['W_pos'] = lin(ks[3], 9, POS)
    inp['b_pos'] = jnp.zeros((POS,), jnp.float32)
    inp['W0'] = lin(ks[4], cin, EMB * 2)
    inp['b0'] = jnp.zeros((EMB * 2,), jnp.float32)
    inp['W1'] = lin(ks[5], EMB * 2, EMB)
    inp['b1'] = jnp.zeros((EMB,), jnp.float32)
    inp['W2'] = lin(ks[6], EMB, EMB)
    inp['b2'] = jnp.zeros((EMB,), jnp.float32)
    inp['W3'] = lin(ks[7], EMB, EMB)
    inp['b3'] = jnp.zeros((EMB,), jnp.float32)
    inp['W4'] = lin(ks[8], EMB, EMB)
    inp['b4'] = jnp.zeros((EMB,), jnp.float32)
    inp['Wout'] = lin(ks[9], EMB, 1)
    inp['bout'] = jnp.zeros((1,), jnp.float32)
    return inp


def reference(query, xyz, pcl_feat, W_pos, b_pos, W0, b0, W1, b1, W2, b2, W3, b3, W4, b4, Wout, bout):
    # knn_points: brute-force squared-distance + top-k (smallest)
    d2 = (jnp.sum(query ** 2, -1)[:, :, None]
          - 2.0 * jnp.einsum('bqd,bnd->bqn', query, xyz)
          + jnp.sum(xyz ** 2, -1)[:, None, :])
    _, idx = jax.lax.top_k(-d2, K)  # idx: [B, Q, K]
    # return_nn=True -> gather nearest points; knn_gather -> gather features
    nn_pts = jax.vmap(lambda p, i: p[i])(xyz, idx)       # [B, Q, K, 3]
    nn_feat = jax.vmap(lambda f, i: f[i])(pcl_feat, idx)  # [B, Q, K, OUT]
    qk = jnp.broadcast_to(query[:, :, None, :], (query.shape[0], query.shape[1], K, 3))
    pos_in = jnp.concatenate([qk, nn_pts, nn_pts - qk], axis=-1)  # [B, Q, K, 9]
    pos_feature = jax.nn.relu(pos_in @ W_pos + b_pos)             # [B, Q, K, POS]
    feats = jnp.concatenate([pos_feature, nn_feat], axis=-1).reshape(query.shape[0], query.shape[1], -1)
    # Conv1d with kernel size 1 == per-position linear over channels
    h = jax.nn.relu(feats @ W0 + b0)
    h = jax.nn.relu(h @ W1 + b1)
    h = jax.nn.relu(h @ W2 + b2)
    net = jax.nn.relu(h @ W3 + b3)
    net = jax.nn.relu(net @ W4 + b4)
    out = net @ Wout + bout  # [B, Q, 1]
    return out

if __name__ == "__main__":
    import jax
    _d = setup_inputs()
    print(jax.jit(kernel)(*tuple(_d.values())))

</pallas_src>

<mosaic_0001>
#map = affine_map<(d0, d1) -> (0)>
#map1 = affine_map<(d0, d1) -> (0, 0)>
module attributes {stable_mosaic.version = 14 : i64} {
  func.func @gather_k(%arg0: i32, %arg1: i32, %arg2: memref<16384xi32, #tpu.memory_space<hbm>>, %arg3: memref<16384x128xf32, #tpu.memory_space<hbm>>, %arg4: memref<16384x128xf32, #tpu.memory_space<hbm>>, %arg5: memref<16384x128xf32, #tpu.memory_space<hbm>>, %arg6: memref<16384x128xf32, #tpu.memory_space<hbm>>, %arg7: memref<512xi32, #tpu.memory_space<vmem>>, %arg8: memref<256x128xf32, #tpu.memory_space<vmem>>, %arg9: memref<256x128xf32, #tpu.memory_space<vmem>>, %arg10: memref<!tpu.dma_semaphore, #tpu.memory_space<semaphore_mem>>, %arg11: memref<!tpu.dma_semaphore, #tpu.memory_space<semaphore_mem>>) attributes {dimension_semantics = [#tpu.dimension_semantics<core_parallel>, #tpu.dimension_semantics<subcore_parallel>], iteration_bounds = array<i64: 2, 16>, scalar_prefetch = 0 : i64, scratch_operands = 5 : i64, tpu.core_type = #tpu.core_type<sc_vector_subcore>, window_params = [{transform_indices = #map}, {transform_indices = #map1}, {transform_indices = #map1}, {transform_indices = #map1}, {transform_indices = #map1}]} {
    %mul3A = arith.constant 2 : i32
    %mul3A_0 = arith.muli %arg1, %mul3A : i32
    %add3A = arith.addi %mul3A_0, %arg0 : i32
    %mul3A_1 = arith.constant 512 : i32
    %mul3A_2 = arith.muli %add3A, %mul3A_1 : i32
    "tpu.region"() ({
      %run_scoped3A = tpu.sem_alloc : memref<!tpu.dma_semaphore, #tpu.memory_space<semaphore_mem>>
      %dma_start3A_49 = tpu.memref_slice %arg2[%mul3A_2] : memref<16384xi32, #tpu.memory_space<hbm>> -> memref<512xi32, #tpu.memory_space<hbm>>
      %dma_start3A_50 = tpu.memref_slice %arg2[%mul3A_2] : memref<16384xi32, #tpu.memory_space<hbm>> -> memref<512xi32, #tpu.memory_space<hbm>>
      tpu.enqueue_dma source(%dma_start3A_50 : memref<512xi32, #tpu.memory_space<hbm>>) target(%arg7 : memref<512xi32, #tpu.memory_space<vmem>>) target_semaphore(%run_scoped3A : memref<!tpu.dma_semaphore, #tpu.memory_space<semaphore_mem>>)
      %dma_wait3A_51 = tpu.memref_slice %arg2[%mul3A_2] : memref<16384xi32, #tpu.memory_space<hbm>> -> memref<512xi32, #tpu.memory_space<hbm>>
      %dma_wait3A_52 = tpu.memref_slice %arg2[%mul3A_2] : memref<16384xi32, #tpu.memory_space<hbm>> -> memref<512xi32, #tpu.memory_space<hbm>>
      tpu.wait_dma2 semaphore(%run_scoped3A : memref<!tpu.dma_semaphore, #tpu.memory_space<semaphore_mem>>) src(%dma_wait3A_52 : memref<512xi32, #tpu.memory_space<hbm>>) dst(%arg7 : memref<512xi32, #tpu.memory_space<vmem>>)
      tpu.yield
    }) : () -> ()
    %dma_start3A = arith.constant 0 : i32
    %dma_start3A_3 = tpu.memref_slice %arg7[%dma_start3A] : memref<512xi32, #tpu.memory_space<vmem>> -> memref<256xi32, #tpu.memory_space<vmem>>
    %dma_start3A_4 = arith.constant 0 : i32
    %dma_start3A_5 = arith.constant 0 : i32
    %dma_start3A_6 = tpu.memref_slice %arg3[%dma_start3A_4, %dma_start3A_5] : memref<16384x128xf32, #tpu.memory_space<hbm>> -> memref<16384x128xf32, #tpu.memory_space<hbm>>
    tpu.enqueue_indirect_dma source(%dma_start3A_6 : memref<16384x128xf32, #tpu.memory_space<hbm>>) target(%arg8 : memref<256x128xf32, #tpu.memory_space<vmem>>) offsets(%dma_start3A_3 : memref<256xi32, #tpu.memory_space<vmem>>) semaphore(%arg10 : memref<!tpu.dma_semaphore, #tpu.memory_space<semaphore_mem>>)
    %dma_start3A_7 = arith.constant 0 : i32
    %dma_start3A_8 = tpu.memref_slice %arg7[%dma_start3A_7] : memref<512xi32, #tpu.memory_space<vmem>> -> memref<256xi32, #tpu.memory_space<vmem>>
    %dma_start3A_9 = arith.constant 0 : i32
    %dma_start3A_10 = arith.constant 0 : i32
    %dma_start3A_11 = tpu.memref_slice %arg4[%dma_start3A_9, %dma_start3A_10] : memref<16384x128xf32, #tpu.memory_space<hbm>> -> memref<16384x128xf32, #tpu.memory_space<hbm>>
    tpu.enqueue_indirect_dma source(%dma_start3A_11 : memref<16384x128xf32, #tpu.memory_space<hbm>>) target(%arg9 : memref<256x128xf32, #tpu.memory_space<vmem>>) offsets(%dma_start3A_8 : memref<256xi32, #tpu.memory_space<vmem>>) semaphore(%arg11 : memref<!tpu.dma_semaphore, #tpu.memory_space<semaphore_mem>>)
    %dma_wait3A = arith.constant 0 : i32
    %dma_wait3A_12 = tpu.memref_slice %arg7[%dma_wait3A] : memref<512xi32, #tpu.memory_space<vmem>> -> memref<256xi32, #tpu.memory_space<vmem>>
    %dma_wait3A_13 = arith.constant 0 : i32
    %dma_wait3A_14 = arith.constant 0 : i32
    %dma_wait3A_15 = tpu.memref_slice %arg3[%dma_wait3A_13, %dma_wait3A_14] : memref<16384x128xf32, #tpu.memory_space<hbm>> -> memref<16384x128xf32, #tpu.memory_space<hbm>>
    tpu.wait_indirect_dma semaphore(%arg10 : memref<!tpu.dma_semaphore, #tpu.memory_space<semaphore_mem>>) src(%dma_wait3A_15 : memref<16384x128xf32, #tpu.memory_space<hbm>>) dst(%arg8 : memref<256x128xf32, #tpu.memory_space<vmem>>)
    %dma_wait3A_16 = arith.constant 0 : i32
    %dma_wait3A_17 = tpu.memref_slice %arg7[%dma_wait3A_16] : memref<512xi32, #tpu.memory_space<vmem>> -> memref<256xi32, #tpu.memory_space<vmem>>
    %dma_wait3A_18 = arith.constant 0 : i32
    %dma_wait3A_19 = arith.constant 0 : i32
    %dma_wait3A_20 = tpu.memref_slice %arg4[%dma_wait3A_18, %dma_wait3A_19] : memref<16384x128xf32, #tpu.memory_space<hbm>> -> memref<16384x128xf32, #tpu.memory_space<hbm>>
    tpu.wait_indirect_dma semaphore(%arg11 : memref<!tpu.dma_semaphore, #tpu.memory_space<semaphore_mem>>) src(%dma_wait3A_20 : memref<16384x128xf32, #tpu.memory_space<hbm>>) dst(%arg9 : memref<256x128xf32, #tpu.memory_space<vmem>>)
    %add3A_21 = arith.constant 0 : i32
    %add3A_22 = arith.addi %mul3A_2, %add3A_21 : i32
    "tpu.region"() ({
      %run_scoped3A = tpu.sem_alloc : memref<!tpu.dma_semaphore, #tpu.memory_space<semaphore_mem>>
      %dma_start3A_49 = arith.constant 0 : i32
      %dma_start3A_50 = tpu.memref_slice %arg5[%add3A_22, %dma_start3A_49] : memref<16384x128xf32, #tpu.memory_space<hbm>> -> memref<256x128xf32, #tpu.memory_space<hbm>>
      %dma_start3A_51 = arith.constant 0 : i32
      %dma_start3A_52 = tpu.memref_slice %arg5[%add3A_22, %dma_start3A_51] : memref<16384x128xf32, #tpu.memory_space<hbm>> -> memref<256x128xf32, #tpu.memory_space<hbm>>
      tpu.enqueue_dma source(%arg8 : memref<256x128xf32, #tpu.memory_space<vmem>>) target(%dma_start3A_52 : memref<256x128xf32, #tpu.memory_space<hbm>>) target_semaphore(%run_scoped3A : memref<!tpu.dma_semaphore, #tpu.memory_space<semaphore_mem>>)
      %dma_wait3A_53 = arith.constant 0 : i32
      %dma_wait3A_54 = tpu.memref_slice %arg5[%add3A_22, %dma_wait3A_53] : memref<16384x128xf32, #tpu.memory_space<hbm>> -> memref<256x128xf32, #tpu.memory_space<hbm>>
      %dma_wait3A_55 = arith.constant 0 : i32
      %dma_wait3A_56 = tpu.memref_slice %arg5[%add3A_22, %dma_wait3A_55] : memref<16384x128xf32, #tpu.memory_space<hbm>> -> memref<256x128xf32, #tpu.memory_space<hbm>>
      tpu.wait_dma2 semaphore(%run_scoped3A : memref<!tpu.dma_semaphore, #tpu.memory_space<semaphore_mem>>) src(%arg8 : memref<256x128xf32, #tpu.memory_space<vmem>>) dst(%dma_wait3A_56 : memref<256x128xf32, #tpu.memory_space<hbm>>)
      tpu.yield
    }) : () -> ()
    %add3A_23 = arith.constant 0 : i32
    %add3A_24 = arith.addi %mul3A_2, %add3A_23 : i32
    "tpu.region"() ({
      %run_scoped3A = tpu.sem_alloc : memref<!tpu.dma_semaphore, #tpu.memory_space<semaphore_mem>>
      %dma_start3A_49 = arith.constant 0 : i32
      %dma_start3A_50 = tpu.memref_slice %arg6[%add3A_24, %dma_start3A_49] : memref<16384x128xf32, #tpu.memory_space<hbm>> -> memref<256x128xf32, #tpu.memory_space<hbm>>
      %dma_start3A_51 = arith.constant 0 : i32
      %dma_start3A_52 = tpu.memref_slice %arg6[%add3A_24, %dma_start3A_51] : memref<16384x128xf32, #tpu.memory_space<hbm>> -> memref<256x128xf32, #tpu.memory_space<hbm>>
      tpu.enqueue_dma source(%arg9 : memref<256x128xf32, #tpu.memory_space<vmem>>) target(%dma_start3A_52 : memref<256x128xf32, #tpu.memory_space<hbm>>) target_semaphore(%run_scoped3A : memref<!tpu.dma_semaphore, #tpu.memory_space<semaphore_mem>>)
      %dma_wait3A_53 = arith.constant 0 : i32
      %dma_wait3A_54 = tpu.memref_slice %arg6[%add3A_24, %dma_wait3A_53] : memref<16384x128xf32, #tpu.memory_space<hbm>> -> memref<256x128xf32, #tpu.memory_space<hbm>>
      %dma_wait3A_55 = arith.constant 0 : i32
      %dma_wait3A_56 = tpu.memref_slice %arg6[%add3A_24, %dma_wait3A_55] : memref<16384x128xf32, #tpu.memory_space<hbm>> -> memref<256x128xf32, #tpu.memory_space<hbm>>
      tpu.wait_dma2 semaphore(%run_scoped3A : memref<!tpu.dma_semaphore, #tpu.memory_space<semaphore_mem>>) src(%arg9 : memref<256x128xf32, #tpu.memory_space<vmem>>) dst(%dma_wait3A_56 : memref<256x128xf32, #tpu.memory_space<hbm>>)
      tpu.yield
    }) : () -> ()
    %dma_start3A_25 = arith.constant 256 : i32
    %dma_start3A_26 = tpu.memref_slice %arg7[%dma_start3A_25] : memref<512xi32, #tpu.memory_space<vmem>> -> memref<256xi32, #tpu.memory_space<vmem>>
    %dma_start3A_27 = arith.constant 0 : i32
    %dma_start3A_28 = arith.constant 0 : i32
    %dma_start3A_29 = tpu.memref_slice %arg3[%dma_start3A_27, %dma_start3A_28] : memref<16384x128xf32, #tpu.memory_space<hbm>> -> memref<16384x128xf32, #tpu.memory_space<hbm>>
    tpu.enqueue_indirect_dma source(%dma_start3A_29 : memref<16384x128xf32, #tpu.memory_space<hbm>>) target(%arg8 : memref<256x128xf32, #tpu.memory_space<vmem>>) offsets(%dma_start3A_26 : memref<256xi32, #tpu.memory_space<vmem>>) semaphore(%arg10 : memref<!tpu.dma_semaphore, #tpu.memory_space<semaphore_mem>>)
    %dma_start3A_30 = arith.constant 256 : i32
    %dma_start3A_31 = tpu.memref_slice %arg7[%dma_start3A_30] : memref<512xi32, #tpu.memory_space<vmem>> -> memref<256xi32, #tpu.memory_space<vmem>>
    %dma_start3A_32 = arith.constant 0 : i32
    %dma_start3A_33 = arith.constant 0 : i32
    %dma_start3A_34 = tpu.memref_slice %arg4[%dma_start3A_32, %dma_start3A_33] : memref<16384x128xf32, #tpu.memory_space<hbm>> -> memref<16384x128xf32, #tpu.memory_space<hbm>>
    tpu.enqueue_indirect_dma source(%dma_start3A_34 : memref<16384x128xf32, #tpu.memory_space<hbm>>) target(%arg9 : memref<256x128xf32, #tpu.memory_space<vmem>>) offsets(%dma_start3A_31 : memref<256xi32, #tpu.memory_space<vmem>>) semaphore(%arg11 : memref<!tpu.dma_semaphore, #tpu.memory_space<semaphore_mem>>)
    %dma_wait3A_35 = arith.constant 256 : i32
    %dma_wait3A_36 = tpu.memref_slice %arg7[%dma_wait3A_35] : memref<512xi32, #tpu.memory_space<vmem>> -> memref<256xi32, #tpu.memory_space<vmem>>
    %dma_wait3A_37 = arith.constant 0 : i32
    %dma_wait3A_38 = arith.constant 0 : i32
    %dma_wait3A_39 = tpu.memref_slice %arg3[%dma_wait3A_37, %dma_wait3A_38] : memref<16384x128xf32, #tpu.memory_space<hbm>> -> memref<16384x128xf32, #tpu.memory_space<hbm>>
    tpu.wait_indirect_dma semaphore(%arg10 : memref<!tpu.dma_semaphore, #tpu.memory_space<semaphore_mem>>) src(%dma_wait3A_39 : memref<16384x128xf32, #tpu.memory_space<hbm>>) dst(%arg8 : memref<256x128xf32, #tpu.memory_space<vmem>>)
    %dma_wait3A_40 = arith.constant 256 : i32
    %dma_wait3A_41 = tpu.memref_slice %arg7[%dma_wait3A_40] : memref<512xi32, #tpu.memory_space<vmem>> -> memref<256xi32, #tpu.memory_space<vmem>>
    %dma_wait3A_42 = arith.constant 0 : i32
    %dma_wait3A_43 = arith.constant 0 : i32
    %dma_wait3A_44 = tpu.memref_slice %arg4[%dma_wait3A_42, %dma_wait3A_43] : memref<16384x128xf32, #tpu.memory_space<hbm>> -> memref<16384x128xf32, #tpu.memory_space<hbm>>
    tpu.wait_indirect_dma semaphore(%arg11 : memref<!tpu.dma_semaphore, #tpu.memory_space<semaphore_mem>>) src(%dma_wait3A_44 : memref<16384x128xf32, #tpu.memory_space<hbm>>) dst(%arg9 : memref<256x128xf32, #tpu.memory_space<vmem>>)
    %add3A_45 = arith.constant 256 : i32
    %add3A_46 = arith.addi %mul3A_2, %add3A_45 : i32
    "tpu.region"() ({
      %run_scoped3A = tpu.sem_alloc : memref<!tpu.dma_semaphore, #tpu.memory_space<semaphore_mem>>
      %dma_start3A_49 = arith.constant 0 : i32
      %dma_start3A_50 = tpu.memref_slice %arg5[%add3A_46, %dma_start3A_49] : memref<16384x128xf32, #tpu.memory_space<hbm>> -> memref<256x128xf32, #tpu.memory_space<hbm>>
      %dma_start3A_51 = arith.constant 0 : i32
      %dma_start3A_52 = tpu.memref_slice %arg5[%add3A_46, %dma_start3A_51] : memref<16384x128xf32, #tpu.memory_space<hbm>> -> memref<256x128xf32, #tpu.memory_space<hbm>>
      tpu.enqueue_dma source(%arg8 : memref<256x128xf32, #tpu.memory_space<vmem>>) target(%dma_start3A_52 : memref<256x128xf32, #tpu.memory_space<hbm>>) target_semaphore(%run_scoped3A : memref<!tpu.dma_semaphore, #tpu.memory_space<semaphore_mem>>)
      %dma_wait3A_53 = arith.constant 0 : i32
      %dma_wait3A_54 = tpu.memref_slice %arg5[%add3A_46, %dma_wait3A_53] : memref<16384x128xf32, #tpu.memory_space<hbm>> -> memref<256x128xf32, #tpu.memory_space<hbm>>
      %dma_wait3A_55 = arith.constant 0 : i32
      %dma_wait3A_56 = tpu.memref_slice %arg5[%add3A_46, %dma_wait3A_55] : memref<16384x128xf32, #tpu.memory_space<hbm>> -> memref<256x128xf32, #tpu.memory_space<hbm>>
      tpu.wait_dma2 semaphore(%run_scoped3A : memref<!tpu.dma_semaphore, #tpu.memory_space<semaphore_mem>>) src(%arg8 : memref<256x128xf32, #tpu.memory_space<vmem>>) dst(%dma_wait3A_56 : memref<256x128xf32, #tpu.memory_space<hbm>>)
      tpu.yield
    }) : () -> ()
    %add3A_47 = arith.constant 256 : i32
    %add3A_48 = arith.addi %mul3A_2, %add3A_47 : i32
    "tpu.region"() ({
      %run_scoped3A = tpu.sem_alloc : memref<!tpu.dma_semaphore, #tpu.memory_space<semaphore_mem>>
      %dma_start3A_49 = arith.constant 0 : i32
      %dma_start3A_50 = tpu.memref_slice %arg6[%add3A_48, %dma_start3A_49] : memref<16384x128xf32, #tpu.memory_space<hbm>> -> memref<256x128xf32, #tpu.memory_space<hbm>>
      %dma_start3A_51 = arith.constant 0 : i32
      %dma_start3A_52 = tpu.memref_slice %arg6[%add3A_48, %dma_start3A_51] : memref<16384x128xf32, #tpu.memory_space<hbm>> -> memref<256x128xf32, #tpu.memory_space<hbm>>
      tpu.enqueue_dma source(%arg9 : memref<256x128xf32, #tpu.memory_space<vmem>>) target(%dma_start3A_52 : memref<256x128xf32, #tpu.memory_space<hbm>>) target_semaphore(%run_scoped3A : memref<!tpu.dma_semaphore, #tpu.memory_space<semaphore_mem>>)
      %dma_wait3A_53 = arith.constant 0 : i32
      %dma_wait3A_54 = tpu.memref_slice %arg6[%add3A_48, %dma_wait3A_53] : memref<16384x128xf32, #tpu.memory_space<hbm>> -> memref<256x128xf32, #tpu.memory_space<hbm>>
      %dma_wait3A_55 = arith.constant 0 : i32
      %dma_wait3A_56 = tpu.memref_slice %arg6[%add3A_48, %dma_wait3A_55] : memref<16384x128xf32, #tpu.memory_space<hbm>> -> memref<256x128xf32, #tpu.memory_space<hbm>>
      tpu.wait_dma2 semaphore(%run_scoped3A : memref<!tpu.dma_semaphore, #tpu.memory_space<semaphore_mem>>) src(%arg9 : memref<256x128xf32, #tpu.memory_space<vmem>>) dst(%dma_wait3A_56 : memref<256x128xf32, #tpu.memory_space<hbm>>)
      tpu.yield
    }) : () -> ()
    return
  }
}

#map = affine_map<(d0, d1) -> (0)>
#map1 = affine_map<(d0, d1) -> (0, 0)>
module attributes {stable_mosaic.version = 14 : i64} {
  func.func @gather_k(%arg0: i32, %arg1: i32, %arg2: memref<16384xi32, #tpu.memory_space<hbm>>, %arg3: memref<16384x128xf32, #tpu.memory_space<hbm>>, %arg4: memref<16384x128xf32, #tpu.memory_space<hbm>>, %arg5: memref<16384x128xf32, #tpu.memory_space<hbm>>, %arg6: memref<16384x128xf32, #tpu.memory_space<hbm>>, %arg7: memref<512xi32, #tpu.memory_space<vmem>>, %arg8: memref<256x128xf32, #tpu.memory_space<vmem>>, %arg9: memref<256x128xf32, #tpu.memory_space<vmem>>, %arg10: memref<!tpu.dma_semaphore, #tpu.memory_space<semaphore_mem>>, %arg11: memref<!tpu.dma_semaphore, #tpu.memory_space<semaphore_mem>>) attributes {dimension_semantics = [#tpu.dimension_semantics<core_parallel>, #tpu.dimension_semantics<subcore_parallel>], iteration_bounds = array<i64: 2, 16>, scalar_prefetch = 0 : i64, scratch_operands = 5 : i64, tpu.core_type = #tpu.core_type<sc_vector_subcore>, window_params = [{transform_indices = #map}, {transform_indices = #map1}, {transform_indices = #map1}, {transform_indices = #map1}, {transform_indices = #map1}]} {
    %mul3A = arith.constant 2 : i32
    %mul3A_0 = arith.muli %arg1, %mul3A : i32
    %add3A = arith.addi %mul3A_0, %arg0 : i32
    %mul3A_1 = arith.constant 512 : i32
    %mul3A_2 = arith.muli %add3A, %mul3A_1 : i32
    "tpu.region"() ({
      %run_scoped3A = tpu.sem_alloc : memref<!tpu.dma_semaphore, #tpu.memory_space<semaphore_mem>>
      %dma_start3A_49 = tpu.memref_slice %arg2[%mul3A_2] : memref<16384xi32, #tpu.memory_space<hbm>> -> memref<512xi32, #tpu.memory_space<hbm>>
      %dma_start3A_50 = tpu.memref_slice %arg2[%mul3A_2] : memref<16384xi32, #tpu.memory_space<hbm>> -> memref<512xi32, #tpu.memory_space<hbm>>
      tpu.enqueue_dma source(%dma_start3A_50 : memref<512xi32, #tpu.memory_space<hbm>>) target(%arg7 : memref<512xi32, #tpu.memory_space<vmem>>) target_semaphore(%run_scoped3A : memref<!tpu.dma_semaphore, #tpu.memory_space<semaphore_mem>>)
      %dma_wait3A_51 = tpu.memref_slice %arg2[%mul3A_2] : memref<16384xi32, #tpu.memory_space<hbm>> -> memref<512xi32, #tpu.memory_space<hbm>>
      %dma_wait3A_52 = tpu.memref_slice %arg2[%mul3A_2] : memref<16384xi32, #tpu.memory_space<hbm>> -> memref<512xi32, #tpu.memory_space<hbm>>
      tpu.wait_dma2 semaphore(%run_scoped3A : memref<!tpu.dma_semaphore, #tpu.memory_space<semaphore_mem>>) src(%dma_wait3A_52 : memref<512xi32, #tpu.memory_space<hbm>>) dst(%arg7 : memref<512xi32, #tpu.memory_space<vmem>>)
      tpu.yield
    }) : () -> ()
    %dma_start3A = arith.constant 0 : i32
    %dma_start3A_3 = tpu.memref_slice %arg7[%dma_start3A] : memref<512xi32, #tpu.memory_space<vmem>> -> memref<256xi32, #tpu.memory_space<vmem>>
    %dma_start3A_4 = arith.constant 0 : i32
    %dma_start3A_5 = arith.constant 0 : i32
    %dma_start3A_6 = tpu.memref_slice %arg3[%dma_start3A_4, %dma_start3A_5] : memref<16384x128xf32, #tpu.memory_space<hbm>> -> memref<16384x128xf32, #tpu.memory_space<hbm>>
    tpu.enqueue_indirect_dma source(%dma_start3A_6 : memref<16384x128xf32, #tpu.memory_space<hbm>>) target(%arg8 : memref<256x128xf32, #tpu.memory_space<vmem>>) offsets(%dma_start3A_3 : memref<256xi32, #tpu.memory_space<vmem>>) semaphore(%arg10 : memref<!tpu.dma_semaphore, #tpu.memory_space<semaphore_mem>>)
    %dma_start3A_7 = arith.constant 0 : i32
    %dma_start3A_8 = tpu.memref_slice %arg7[%dma_start3A_7] : memref<512xi32, #tpu.memory_space<vmem>> -> memref<256xi32, #tpu.memory_space<vmem>>
    %dma_start3A_9 = arith.constant 0 : i32
    %dma_start3A_10 = arith.constant 0 : i32
    %dma_start3A_11 = tpu.memref_slice %arg4[%dma_start3A_9, %dma_start3A_10] : memref<16384x128xf32, #tpu.memory_space<hbm>> -> memref<16384x128xf32, #tpu.memory_space<hbm>>
    tpu.enqueue_indirect_dma source(%dma_start3A_11 : memref<16384x128xf32, #tpu.memory_space<hbm>>) target(%arg9 : memref<256x128xf32, #tpu.memory_space<vmem>>) offsets(%dma_start3A_8 : memref<256xi32, #tpu.memory_space<vmem>>) semaphore(%arg11 : memref<!tpu.dma_semaphore, #tpu.memory_space<semaphore_mem>>)
    %dma_wait3A = arith.constant 0 : i32
    %dma_wait3A_12 = tpu.memref_slice %arg7[%dma_wait3A] : memref<512xi32, #tpu.memory_space<vmem>> -> memref<256xi32, #tpu.memory_space<vmem>>
    %dma_wait3A_13 = arith.constant 0 : i32
    %dma_wait3A_14 = arith.constant 0 : i32
    %dma_wait3A_15 = tpu.memref_slice %arg3[%dma_wait3A_13, %dma_wait3A_14] : memref<16384x128xf32, #tpu.memory_space<hbm>> -> memref<16384x128xf32, #tpu.memory_space<hbm>>
    tpu.wait_indirect_dma semaphore(%arg10 : memref<!tpu.dma_semaphore, #tpu.memory_space<semaphore_mem>>) src(%dma_wait3A_15 : memref<16384x128xf32, #tpu.memory_space<hbm>>) dst(%arg8 : memref<256x128xf32, #tpu.memory_space<vmem>>)
    %dma_wait3A_16 = arith.constant 0 : i32
    %dma_wait3A_17 = tpu.memref_slice %arg7[%dma_wait3A_16] : memref<512xi32, #tpu.memory_space<vmem>> -> memref<256xi32, #tpu.memory_space<vmem>>
    %dma_wait3A_18 = arith.constant 0 : i32
    %dma_wait3A_19 = arith.constant 0 : i32
    %dma_wait3A_20 = tpu.memref_slice %arg4[%dma_wait3A_18, %dma_wait3A_19] : memref<16384x128xf32, #tpu.memory_space<hbm>> -> memref<16384x128xf32, #tpu.memory_space<hbm>>
    tpu.wait_indirect_dma semaphore(%arg11 : memref<!tpu.dma_semaphore, #tpu.memory_space<semaphore_mem>>) src(%dma_wait3A_20 : memref<16384x128xf32, #tpu.memory_space<hbm>>) dst(%arg9 : memref<256x128xf32, #tpu.memory_space<vmem>>)
    %add3A_21 = arith.constant 0 : i32
    %add3A_22 = arith.addi %mul3A_2, %add3A_21 : i32
    "tpu.region"() ({
      %run_scoped3A = tpu.sem_alloc : memref<!tpu.dma_semaphore, #tpu.memory_space<semaphore_mem>>
      %dma_start3A_49 = arith.constant 0 : i32
      %dma_start3A_50 = tpu.memref_slice %arg5[%add3A_22, %dma_start3A_49] : memref<16384x128xf32, #tpu.memory_space<hbm>> -> memref<256x128xf32, #tpu.memory_space<hbm>>
      %dma_start3A_51 = arith.constant 0 : i32
      %dma_start3A_52 = tpu.memref_slice %arg5[%add3A_22, %dma_start3A_51] : memref<16384x128xf32, #tpu.memory_space<hbm>> -> memref<256x128xf32, #tpu.memory_space<hbm>>
      tpu.enqueue_dma source(%arg8 : memref<256x128xf32, #tpu.memory_space<vmem>>) target(%dma_start3A_52 : memref<256x128xf32, #tpu.memory_space<hbm>>) target_semaphore(%run_scoped3A : memref<!tpu.dma_semaphore, #tpu.memory_space<semaphore_mem>>)
      %dma_wait3A_53 = arith.constant 0 : i32
      %dma_wait3A_54 = tpu.memref_slice %arg5[%add3A_22, %dma_wait3A_53] : memref<16384x128xf32, #tpu.memory_space<hbm>> -> memref<256x128xf32, #tpu.memory_space<hbm>>
      %dma_wait3A_55 = arith.constant 0 : i32
      %dma_wait3A_56 = tpu.memref_slice %arg5[%add3A_22, %dma_wait3A_55] : memref<16384x128xf32, #tpu.memory_space<hbm>> -> memref<256x128xf32, #tpu.memory_space<hbm>>
      tpu.wait_dma2 semaphore(%run_scoped3A : memref<!tpu.dma_semaphore, #tpu.memory_space<semaphore_mem>>) src(%arg8 : memref<256x128xf32, #tpu.memory_space<vmem>>) dst(%dma_wait3A_56 : memref<256x128xf32, #tpu.memory_space<hbm>>)
      tpu.yield
    }) : () -> ()
    %add3A_23 = arith.constant 0 : i32
    %add3A_24 = arith.addi %mul3A_2, %add3A_23 : i32
    "tpu.region"() ({
      %run_scoped3A = tpu.sem_alloc : memref<!tpu.dma_semaphore, #tpu.memory_space<semaphore_mem>>
      %dma_start3A_49 = arith.constant 0 : i32
      %dma_start3A_50 = tpu.memref_slice %arg6[%add3A_24, %dma_start3A_49] : memref<16384x128xf32, #tpu.memory_space<hbm>> -> memref<256x128xf32, #tpu.memory_space<hbm>>
      %dma_start3A_51 = arith.constant 0 : i32
      %dma_start3A_52 = tpu.memref_slice %arg6[%add3A_24, %dma_start3A_51] : memref<16384x128xf32, #tpu.memory_space<hbm>> -> memref<256x128xf32, #tpu.memory_space<hbm>>
      tpu.enqueue_dma source(%arg9 : memref<256x128xf32, #tpu.memory_space<vmem>>) target(%dma_start3A_52 : memref<256x128xf32, #tpu.memory_space<hbm>>) target_semaphore(%run_scoped3A : memref<!tpu.dma_semaphore, #tpu.memory_space<semaphore_mem>>)
      %dma_wait3A_53 = arith.constant 0 : i32
      %dma_wait3A_54 = tpu.memref_slice %arg6[%add3A_24, %dma_wait3A_53] : memref<16384x128xf32, #tpu.memory_space<hbm>> -> memref<256x128xf32, #tpu.memory_space<hbm>>
      %dma_wait3A_55 = arith.constant 0 : i32
      %dma_wait3A_56 = tpu.memref_slice %arg6[%add3A_24, %dma_wait3A_55] : memref<16384x128xf32, #tpu.memory_space<hbm>> -> memref<256x128xf32, #tpu.memory_space<hbm>>
      tpu.wait_dma2 semaphore(%run_scoped3A : memref<!tpu.dma_semaphore, #tpu.memory_space<semaphore_mem>>) src(%arg9 : memref<256x128xf32, #tpu.memory_space<vmem>>) dst(%dma_wait3A_56 : memref<256x128xf32, #tpu.memory_space<hbm>>)
      tpu.yield
    }) : () -> ()
    %dma_start3A_25 = arith.constant 256 : i32
    %dma_start3A_26 = tpu.memref_slice %arg7[%dma_start3A_25] : memref<512xi32, #tpu.memory_space<vmem>> -> memref<256xi32, #tpu.memory_space<vmem>>
    %dma_start3A_27 = arith.constant 0 : i32
    %dma_start3A_28 = arith.constant 0 : i32
    %dma_start3A_29 = tpu.memref_slice %arg3[%dma_start3A_27, %dma_start3A_28] : memref<16384x128xf32, #tpu.memory_space<hbm>> -> memref<16384x128xf32, #tpu.memory_space<hbm>>
    tpu.enqueue_indirect_dma source(%dma_start3A_29 : memref<16384x128xf32, #tpu.memory_space<hbm>>) target(%arg8 : memref<256x128xf32, #tpu.memory_space<vmem>>) offsets(%dma_start3A_26 : memref<256xi32, #tpu.memory_space<vmem>>) semaphore(%arg10 : memref<!tpu.dma_semaphore, #tpu.memory_space<semaphore_mem>>)
    %dma_start3A_30 = arith.constant 256 : i32
    %dma_start3A_31 = tpu.memref_slice %arg7[%dma_start3A_30] : memref<512xi32, #tpu.memory_space<vmem>> -> memref<256xi32, #tpu.memory_space<vmem>>
    %dma_start3A_32 = arith.constant 0 : i32
    %dma_start3A_33 = arith.constant 0 : i32
    %dma_start3A_34 = tpu.memref_slice %arg4[%dma_start3A_32, %dma_start3A_33] : memref<16384x128xf32, #tpu.memory_space<hbm>> -> memref<16384x128xf32, #tpu.memory_space<hbm>>
    tpu.enqueue_indirect_dma source(%dma_start3A_34 : memref<16384x128xf32, #tpu.memory_space<hbm>>) target(%arg9 : memref<256x128xf32, #tpu.memory_space<vmem>>) offsets(%dma_start3A_31 : memref<256xi32, #tpu.memory_space<vmem>>) semaphore(%arg11 : memref<!tpu.dma_semaphore, #tpu.memory_space<semaphore_mem>>)
    %dma_wait3A_35 = arith.constant 256 : i32
    %dma_wait3A_36 = tpu.memref_slice %arg7[%dma_wait3A_35] : memref<512xi32, #tpu.memory_space<vmem>> -> memref<256xi32, #tpu.memory_space<vmem>>
    %dma_wait3A_37 = arith.constant 0 : i32
    %dma_wait3A_38 = arith.constant 0 : i32
    %dma_wait3A_39 = tpu.memref_slice %arg3[%dma_wait3A_37, %dma_wait3A_38] : memref<16384x128xf32, #tpu.memory_space<hbm>> -> memref<16384x128xf32, #tpu.memory_space<hbm>>
    tpu.wait_indirect_dma semaphore(%arg10 : memref<!tpu.dma_semaphore, #tpu.memory_space<semaphore_mem>>) src(%dma_wait3A_39 : memref<16384x128xf32, #tpu.memory_space<hbm>>) dst(%arg8 : memref<256x128xf32, #tpu.memory_space<vmem>>)
    %dma_wait3A_40 = arith.constant 256 : i32
    %dma_wait3A_41 = tpu.memref_slice %arg7[%dma_wait3A_40] : memref<512xi32, #tpu.memory_space<vmem>> -> memref<256xi32, #tpu.memory_space<vmem>>
    %dma_wait3A_42 = arith.constant 0 : i32
    %dma_wait3A_43 = arith.constant 0 : i32
    %dma_wait3A_44 = tpu.memref_slice %arg4[%dma_wait3A_42, %dma_wait3A_43] : memref<16384x128xf32, #tpu.memory_space<hbm>> -> memref<16384x128xf32, #tpu.memory_space<hbm>>
    tpu.wait_indirect_dma semaphore(%arg11 : memref<!tpu.dma_semaphore, #tpu.memory_space<semaphore_mem>>) src(%dma_wait3A_44 : memref<16384x128xf32, #tpu.memory_space<hbm>>) dst(%arg9 : memref<256x128xf32, #tpu.memory_space<vmem>>)
    %add3A_45 = arith.constant 256 : i32
    %add3A_46 = arith.addi %mul3A_2, %add3A_45 : i32
    "tpu.region"() ({
      %run_scoped3A = tpu.sem_alloc : memref<!tpu.dma_semaphore, #tpu.memory_space<semaphore_mem>>
      %dma_start3A_49 = arith.constant 0 : i32
      %dma_start3A_50 = tpu.memref_slice %arg5[%add3A_46, %dma_start3A_49] : memref<16384x128xf32, #tpu.memory_space<hbm>> -> memref<256x128xf32, #tpu.memory_space<hbm>>
      %dma_start3A_51 = arith.constant 0 : i32
      %dma_start3A_52 = tpu.memref_slice %arg5[%add3A_46, %dma_start3A_51] : memref<16384x128xf32, #tpu.memory_space<hbm>> -> memref<256x128xf32, #tpu.memory_space<hbm>>
      tpu.enqueue_dma source(%arg8 : memref<256x128xf32, #tpu.memory_space<vmem>>) target(%dma_start3A_52 : memref<256x128xf32, #tpu.memory_space<hbm>>) target_semaphore(%run_scoped3A : memref<!tpu.dma_semaphore, #tpu.memory_space<semaphore_mem>>)
      %dma_wait3A_53 = arith.constant 0 : i32
      %dma_wait3A_54 = tpu.memref_slice %arg5[%add3A_46, %dma_wait3A_53] : memref<16384x128xf32, #tpu.memory_space<hbm>> -> memref<256x128xf32, #tpu.memory_space<hbm>>
      %dma_wait3A_55 = arith.constant 0 : i32
      %dma_wait3A_56 = tpu.memref_slice %arg5[%add3A_46, %dma_wait3A_55] : memref<16384x128xf32, #tpu.memory_space<hbm>> -> memref<256x128xf32, #tpu.memory_space<hbm>>
      tpu.wait_dma2 semaphore(%run_scoped3A : memref<!tpu.dma_semaphore, #tpu.memory_space<semaphore_mem>>) src(%arg8 : memref<256x128xf32, #tpu.memory_space<vmem>>) dst(%dma_wait3A_56 : memref<256x128xf32, #tpu.memory_space<hbm>>)
      tpu.yield
    }) : () -> ()
    %add3A_47 = arith.constant 256 : i32
    %add3A_48 = arith.addi %mul3A_2, %add3A_47 : i32
    "tpu.region"() ({
      %run_scoped3A = tpu.sem_alloc : memref<!tpu.dma_semaphore, #tpu.memory_space<semaphore_mem>>
      %dma_start3A_49 = arith.constant 0 : i32
      %dma_start3A_50 = tpu.memref_slice %arg6[%add3A_48, %dma_start3A_49] : memref<16384x128xf32, #tpu.memory_space<hbm>> -> memref<256x128xf32, #tpu.memory_space<hbm>>
      %dma_start3A_51 = arith.constant 0 : i32
      %dma_start3A_52 = tpu.memref_slice %arg6[%add3A_48, %dma_start3A_51] : memref<16384x128xf32, #tpu.memory_space<hbm>> -> memref<256x128xf32, #tpu.memory_space<hbm>>
      tpu.enqueue_dma source(%arg9 : memref<256x128xf32, #tpu.memory_space<vmem>>) target(%dma_start3A_52 : memref<256x128xf32, #tpu.memory_space<hbm>>) target_semaphore(%run_scoped3A : memref<!tpu.dma_semaphore, #tpu.memory_space<semaphore_mem>>)
      %dma_wait3A_53 = arith.constant 0 : i32
      %dma_wait3A_54 = tpu.memref_slice %arg6[%add3A_48, %dma_wait3A_53] : memref<16384x128xf32, #tpu.memory_space<hbm>> -> memref<256x128xf32, #tpu.memory_space<hbm>>
      %dma_wait3A_55 = arith.constant 0 : i32
      %dma_wait3A_56 = tpu.memref_slice %arg6[%add3A_48, %dma_wait3A_55] : memref<16384x128xf32, #tpu.memory_space<hbm>> -> memref<256x128xf32, #tpu.memory_space<hbm>>
      tpu.wait_dma2 semaphore(%run_scoped3A : memref<!tpu.dma_semaphore, #tpu.memory_space<semaphore_mem>>) src(%arg9 : memref<256x128xf32, #tpu.memory_space<vmem>>) dst(%dma_wait3A_56 : memref<256x128xf32, #tpu.memory_space<hbm>>)
      tpu.yield
    }) : () -> ()
    return
  }
}

module attributes {stable_mosaic.version = 14 : i64} {
  func.func @_knn_body(%arg0: i32, %arg1: i32, %arg2: memref<1x128x3xf32, #tpu.memory_space<vmem>>, %arg3: memref<1x3x8192xf32, #tpu.memory_space<vmem>>, %arg4: memref<1x8x128xi32, #tpu.memory_space<vmem>>) attributes {dimension_semantics = [#tpu.dimension_semantics<arbitrary>, #tpu.dimension_semantics<arbitrary>], iteration_bounds = array<i64: 1, 16>, scalar_prefetch = 0 : i64, scratch_operands = 0 : i64, tpu.core_type = #tpu.core_type<tc>, window_params = [{transform_indices = @transform_0, window_bounds = array<i64: 1, 128, 3>}, {transform_indices = @transform_1, window_bounds = array<i64: 1, 3, 8192>}, {transform_indices = @transform_2, window_bounds = array<i64: 1, 8, 128>}]} {
    %get3A = arith.constant 0 : index
    %get3A_0 = arith.constant 0 : index
    %get3A_1 = arith.constant 0 : index
    %get3A_2 = vector.load %arg2[%get3A, %get3A_0, %get3A_1] : memref<1x128x3xf32, #tpu.memory_space<vmem>>, vector<1x128x3xf32>
    %get3A_3 = vector.shape_cast %get3A_2 : vector<1x128x3xf32> to vector<128x3xf32>
    %slice3A = vector.extract_strided_slice %get3A_3 {offsets = [0, 0], sizes = [128, 1], strides = [1, 1]} : vector<128x3xf32> to vector<128x1xf32>
    %slice3A_4 = vector.extract_strided_slice %get3A_3 {offsets = [0, 1], sizes = [128, 1], strides = [1, 1]} : vector<128x3xf32> to vector<128x1xf32>
    %slice3A_5 = vector.extract_strided_slice %get3A_3 {offsets = [0, 2], sizes = [128, 1], strides = [1, 1]} : vector<128x3xf32> to vector<128x1xf32>
    %get3A_6 = arith.constant 0 : index
    %get3A_7 = arith.constant 0 : index
    %get3A_8 = arith.constant 0 : index
    %get3A_9 = vector.load %arg3[%get3A_6, %get3A_7, %get3A_8] : memref<1x3x8192xf32, #tpu.memory_space<vmem>>, vector<1x3x8192xf32>
    %get3A_10 = vector.shape_cast %get3A_9 : vector<1x3x8192xf32> to vector<3x8192xf32>
    %slice3A_11 = vector.extract_strided_slice %get3A_10 {offsets = [0, 0], sizes = [1, 8192], strides = [1, 1]} : vector<3x8192xf32> to vector<1x8192xf32>
    %slice3A_12 = vector.extract_strided_slice %get3A_10 {offsets = [1, 0], sizes = [1, 8192], strides = [1, 1]} : vector<3x8192xf32> to vector<1x8192xf32>
    %slice3A_13 = vector.extract_strided_slice %get3A_10 {offsets = [2, 0], sizes = [1, 8192], strides = [1, 1]} : vector<3x8192xf32> to vector<1x8192xf32>
    %mul3A = arith.mulf %slice3A, %slice3A : vector<128x1xf32>
    %mul3A_14 = arith.mulf %slice3A_4, %slice3A_4 : vector<128x1xf32>
    %add3A = arith.addf %mul3A, %mul3A_14 : vector<128x1xf32>
    %mul3A_15 = arith.mulf %slice3A_5, %slice3A_5 : vector<128x1xf32>
    %add3A_16 = arith.addf %add3A, %mul3A_15 : vector<128x1xf32>
    %mul3A_17 = arith.mulf %slice3A_11, %slice3A_11 : vector<1x8192xf32>
    %mul3A_18 = arith.mulf %slice3A_12, %slice3A_12 : vector<1x8192xf32>
    %add3A_19 = arith.addf %mul3A_17, %mul3A_18 : vector<1x8192xf32>
    %mul3A_20 = arith.mulf %slice3A_13, %slice3A_13 : vector<1x8192xf32>
    %add3A_21 = arith.addf %add3A_19, %mul3A_20 : vector<1x8192xf32>
    %convert_element_type3A = arith.truncf %get3A_3 : vector<128x3xf32> to vector<128x3xbf16>
    %convert_element_type3A_22 = arith.truncf %get3A_10 : vector<3x8192xf32> to vector<3x8192xbf16>
    %dot_general3A = arith.constant dense<0.000000e+00> : vector<128x8192xf32>
    %dot_general3A_23 = tpu.matmul %convert_element_type3A, %convert_element_type3A_22, %dot_general3A {dimension_numbers = #tpu.dot_dimension_numbers<[1], [0], [0], [1], [0, 0, 1, 1], [], []>, transpose_lhs_hint = false} : vector<128x3xbf16>, vector<3x8192xbf16>, vector<128x8192xf32> -> vector<128x8192xf32>
    %mul3A_24 = arith.constant 2.000000e+00 : f32
    %mul3A_25 = vector.broadcast %mul3A_24 : f32 to vector<128x8192xf32>
    %mul3A_26 = arith.mulf %mul3A_25, %dot_general3A_23 : vector<128x8192xf32>
    %sub3A = vector.broadcast %add3A_16 : vector<128x1xf32> to vector<128x8192xf32>
    %sub3A_27 = arith.subf %sub3A, %mul3A_26 : vector<128x8192xf32>
    %add3A_28 = vector.broadcast %add3A_21 : vector<1x8192xf32> to vector<128x8192xf32>
    %add3A_29 = arith.addf %sub3A_27, %add3A_28 : vector<128x8192xf32>
    %slice3A_30 = vector.extract_strided_slice %add3A_29 {offsets = [0, 0], sizes = [128, 256], strides = [1, 1]} : vector<128x8192xf32> to vector<128x256xf32>
    %slice3A_31 = vector.extract_strided_slice %add3A_29 {offsets = [0, 256], sizes = [128, 256], strides = [1, 1]} : vector<128x8192xf32> to vector<128x256xf32>
    %slice3A_32 = vector.extract_strided_slice %add3A_29 {offsets = [0, 512], sizes = [128, 256], strides = [1, 1]} : vector<128x8192xf32> to vector<128x256xf32>
    %slice3A_33 = vector.extract_strided_slice %add3A_29 {offsets = [0, 768], sizes = [128, 256], strides = [1, 1]} : vector<128x8192xf32> to vector<128x256xf32>
    %slice3A_34 = vector.extract_strided_slice %add3A_29 {offsets = [0, 1024], sizes = [128, 256], strides = [1, 1]} : vector<128x8192xf32> to vector<128x256xf32>
    %slice3A_35 = vector.extract_strided_slice %add3A_29 {offsets = [0, 1280], sizes = [128, 256], strides = [1, 1]} : vector<128x8192xf32> to vector<128x256xf32>
    %slice3A_36 = vector.extract_strided_slice %add3A_29 {offsets = [0, 1536], sizes = [128, 256], strides = [1, 1]} : vector<128x8192xf32> to vector<128x256xf32>
    %slice3A_37 = vector.extract_strided_slice %add3A_29 {offsets = [0, 1792], sizes = [128, 256], strides = [1, 1]} : vector<128x8192xf32> to vector<128x256xf32>
    %slice3A_38 = vector.extract_strided_slice %add3A_29 {offsets = [0, 2048], sizes = [128, 256], strides = [1, 1]} : vector<128x8192xf32> to vector<128x256xf32>
    %slice3A_39 = vector.extract_strided_slice %add3A_29 {offsets = [0, 2304], sizes = [128, 256], strides = [1, 1]} : vector<128x8192xf32> to vector<128x256xf32>
    %slice3A_40 = vector.extract_strided_slice %add3A_29 {offsets = [0, 2560], sizes = [128, 256], strides = [1, 1]} : vector<128x8192xf32> to vector<128x256xf32>
    %slice3A_41 = vector.extract_strided_slice %add3A_29 {offsets = [0, 2816], sizes = [128, 256], strides = [1, 1]} : vector<128x8192xf32> to vector<128x256xf32>
    %slice3A_42 = vector.extract_strided_slice %add3A_29 {offsets = [0, 3072], sizes = [128, 256], strides = [1, 1]} : vector<128x8192xf32> to vector<128x256xf32>
    %slice3A_43 = vector.extract_strided_slice %add3A_29 {offsets = [0, 3328], sizes = [128, 256], strides = [1, 1]} : vector<128x8192xf32> to vector<128x256xf32>
    %slice3A_44 = vector.extract_strided_slice %add3A_29 {offsets = [0, 3584], sizes = [128, 256], strides = [1, 1]} : vector<128x8192xf32> to vector<128x256xf32>
    %slice3A_45 = vector.extract_strided_slice %add3A_29 {offsets = [0, 3840], sizes = [128, 256], strides = [1, 1]} : vector<128x8192xf32> to vector<128x256xf32>
    %slice3A_46 = vector.extract_strided_slice %add3A_29 {offsets = [0, 4096], sizes = [128, 256], strides = [1, 1]} : vector<128x8192xf32> to vector<128x256xf32>
    %slice3A_47 = vector.extract_strided_slice %add3A_29 {offsets = [0, 4352], sizes = [128, 256], strides = [1, 1]} : vector<128x8192xf32> to vector<128x256xf32>
    %slice3A_48 = vector.extract_strided_slice %add3A_29 {offsets = [0, 4608], sizes = [128, 256], strides = [1, 1]} : vector<128x8192xf32> to vector<128x256xf32>
    %slice3A_49 = vector.extract_strided_slice %add3A_29 {offsets = [0, 4864], sizes = [128, 256], strides = [1, 1]} : vector<128x8192xf32> to vector<128x256xf32>
    %slice3A_50 = vector.extract_strided_slice %add3A_29 {offsets = [0, 5120], sizes = [128, 256], strides = [1, 1]} : vector<128x8192xf32> to vector<128x256xf32>
    %slice3A_51 = vector.extract_strided_slice %add3A_29 {offsets = [0, 5376], sizes = [128, 256], strides = [1, 1]} : vector<128x8192xf32> to vector<128x256xf32>
    %slice3A_52 = vector.extract_strided_slice %add3A_29 {offsets = [0, 5632], sizes = [128, 256], strides = [1, 1]} : vector<128x8192xf32> to vector<128x256xf32>
    %slice3A_53 = vector.extract_strided_slice %add3A_29 {offsets = [0, 5888], sizes = [128, 256], strides = [1, 1]} : vector<128x8192xf32> to vector<128x256xf32>
    %slice3A_54 = vector.extract_strided_slice %add3A_29 {offsets = [0, 6144], sizes = [128, 256], strides = [1, 1]} : vector<128x8192xf32> to vector<128x256xf32>
    %slice3A_55 = vector.extract_strided_slice %add3A_29 {offsets = [0, 6400], sizes = [128, 256], strides = [1, 1]} : vector<128x8192xf32> to vector<128x256xf32>
    %slice3A_56 = vector.extract_strided_slice %add3A_29 {offsets = [0, 6656], sizes = [128, 256], strides = [1, 1]} : vector<128x8192xf32> to vector<128x256xf32>
    %slice3A_57 = vector.extract_strided_slice %add3A_29 {offsets = [0, 6912], sizes = [128, 256], strides = [1, 1]} : vector<128x8192xf32> to vector<128x256xf32>
    %slice3A_58 = vector.extract_strided_slice %add3A_29 {offsets = [0, 7168], sizes = [128, 256], strides = [1, 1]} : vector<128x8192xf32> to vector<128x256xf32>
    %slice3A_59 = vector.extract_strided_slice %add3A_29 {offsets = [0, 7424], sizes = [128, 256], strides = [1, 1]} : vector<128x8192xf32> to vector<128x256xf32>
    %slice3A_60 = vector.extract_strided_slice %add3A_29 {offsets = [0, 7680], sizes = [128, 256], strides = [1, 1]} : vector<128x8192xf32> to vector<128x256xf32>
    %slice3A_61 = vector.extract_strided_slice %add3A_29 {offsets = [0, 7936], sizes = [128, 256], strides = [1, 1]} : vector<128x8192xf32> to vector<128x256xf32>
    %broadcast_in_dim3A = arith.constant 0 : i32
    %broadcast_in_dim3A_62 = vector.broadcast %broadcast_in_dim3A : i32 to vector<128x256xi32>
    %lt3A = arith.cmpf olt, %slice3A_31, %slice3A_30 : vector<128x256xf32>
    %select_n3A = arith.select %lt3A, %slice3A_31, %slice3A_30 : vector<128x256xi1>, vector<128x256xf32>
    %jit3A = arith.constant 1 : i32
    %broadcast_in_dim3A_63 = vector.broadcast %jit3A : i32 to vector<128x256xi32>
    %select_n3A_64 = arith.select %lt3A, %broadcast_in_dim3A_63, %broadcast_in_dim3A_62 : vector<128x256xi1>, vector<128x256xi32>
    %lt3A_65 = arith.cmpf olt, %slice3A_32, %select_n3A : vector<128x256xf32>
    %select_n3A_66 = arith.select %lt3A_65, %slice3A_32, %select_n3A : vector<128x256xi1>, vector<128x256xf32>
    %jit3A_67 = arith.constant 2 : i32
    %broadcast_in_dim3A_68 = vector.broadcast %jit3A_67 : i32 to vector<128x256xi32>
    %select_n3A_69 = arith.select %lt3A_65, %broadcast_in_dim3A_68, %select_n3A_64 : vector<128x256xi1>, vector<128x256xi32>
    %lt3A_70 = arith.cmpf olt, %slice3A_33, %select_n3A_66 : vector<128x256xf32>
    %select_n3A_71 = arith.select %lt3A_70, %slice3A_33, %select_n3A_66 : vector<128x256xi1>, vector<128x256xf32>
    %jit3A_72 = arith.constant 3 : i32
    %broadcast_in_dim3A_73 = vector.broadcast %jit3A_72 : i32 to vector<128x256xi32>
    %select_n3A_74 = arith.select %lt3A_70, %broadcast_in_dim3A_73, %select_n3A_69 : vector<128x256xi1>, vector<128x256xi32>
    %lt3A_75 = arith.cmpf olt, %slice3A_34, %select_n3A_71 : vector<128x256xf32>
    %select_n3A_76 = arith.select %lt3A_75, %slice3A_34, %select_n3A_71 : vector<128x256xi1>, vector<128x256xf32>
    %jit3A_77 = arith.constant 4 : i32
    %broadcast_in_dim3A_78 = vector.broadcast %jit3A_77 : i32 to vector<128x256xi32>
    %select_n3A_79 = arith.select %lt3A_75, %broadcast_in_dim3A_78, %select_n3A_74 : vector<128x256xi1>, vector<128x256xi32>
    %lt3A_80 = arith.cmpf olt, %slice3A_35, %select_n3A_76 : vector<128x256xf32>
    %select_n3A_81 = arith.select %lt3A_80, %slice3A_35, %select_n3A_76 : vector<128x256xi1>, vector<128x256xf32>
    %jit3A_82 = arith.constant 5 : i32
    %broadcast_in_dim3A_83 = vector.broadcast %jit3A_82 : i32 to vector<128x256xi32>
    %select_n3A_84 = arith.select %lt3A_80, %broadcast_in_dim3A_83, %select_n3A_79 : vector<128x256xi1>, vector<128x256xi32>
    %lt3A_85 = arith.cmpf olt, %slice3A_36, %select_n3A_81 : vector<128x256xf32>
    %select_n3A_86 = arith.select %lt3A_85, %slice3A_36, %select_n3A_81 : vector<128x256xi1>, vector<128x256xf32>
    %jit3A_87 = arith.constant 6 : i32
    %broadcast_in_dim3A_88 = vector.broadcast %jit3A_87 : i32 to vector<128x256xi32>
    %select_n3A_89 = arith.select %lt3A_85, %broadcast_in_dim3A_88, %select_n3A_84 : vector<128x256xi1>, vector<128x256xi32>
    %lt3A_90 = arith.cmpf olt, %slice3A_37, %select_n3A_86 : vector<128x256xf32>
    %select_n3A_91 = arith.select %lt3A_90, %slice3A_37, %select_n3A_86 : vector<128x256xi1>, vector<128x256xf32>
    %jit3A_92 = arith.constant 7 : i32
    %broadcast_in_dim3A_93 = vector.broadcast %jit3A_92 : i32 to vector<128x256xi32>
    %select_n3A_94 = arith.select %lt3A_90, %broadcast_in_dim3A_93, %select_n3A_89 : vector<128x256xi1>, vector<128x256xi32>
    %lt3A_95 = arith.cmpf olt, %slice3A_38, %select_n3A_91 : vector<128x256xf32>
    %select_n3A_96 = arith.select %lt3A_95, %slice3A_38, %select_n3A_91 : vector<128x256xi1>, vector<128x256xf32>
    %jit3A_97 = arith.constant 8 : i32
    %broadcast_in_dim3A_98 = vector.broadcast %jit3A_97 : i32 to vector<128x256xi32>
    %select_n3A_99 = arith.select %lt3A_95, %broadcast_in_dim3A_98, %select_n3A_94 : vector<128x256xi1>, vector<128x256xi32>
    %lt3A_100 = arith.cmpf olt, %slice3A_39, %select_n3A_96 : vector<128x256xf32>
    %select_n3A_101 = arith.select %lt3A_100, %slice3A_39, %select_n3A_96 : vector<128x256xi1>, vector<128x256xf32>
    %jit3A_102 = arith.constant 9 : i32
    %broadcast_in_dim3A_103 = vector.broadcast %jit3A_102 : i32 to vector<128x256xi32>
    %select_n3A_104 = arith.select %lt3A_100, %broadcast_in_dim3A_103, %select_n3A_99 : vector<128x256xi1>, vector<128x256xi32>
    %lt3A_105 = arith.cmpf olt, %slice3A_40, %select_n3A_101 : vector<128x256xf32>
    %select_n3A_106 = arith.select %lt3A_105, %slice3A_40, %select_n3A_101 : vector<128x256xi1>, vector<128x256xf32>
    %jit3A_107 = arith.constant 10 : i32
    %broadcast_in_dim3A_108 = vector.broadcast %jit3A_107 : i32 to vector<128x256xi32>
    %select_n3A_109 = arith.select %lt3A_105, %broadcast_in_dim3A_108, %select_n3A_104 : vector<128x256xi1>, vector<128x256xi32>
    %lt3A_110 = arith.cmpf olt, %slice3A_41, %select_n3A_106 : vector<128x256xf32>
    %select_n3A_111 = arith.select %lt3A_110, %slice3A_41, %select_n3A_106 : vector<128x256xi1>, vector<128x256xf32>
    %jit3A_112 = arith.constant 11 : i32
    %broadcast_in_dim3A_113 = vector.broadcast %jit3A_112 : i32 to vector<128x256xi32>
    %select_n3A_114 = arith.select %lt3A_110, %broadcast_in_dim3A_113, %select_n3A_109 : vector<128x256xi1>, vector<128x256xi32>
    %lt3A_115 = arith.cmpf olt, %slice3A_42, %select_n3A_111 : vector<128x256xf32>
    %select_n3A_116 = arith.select %lt3A_115, %slice3A_42, %select_n3A_111 : vector<128x256xi1>, vector<128x256xf32>
    %jit3A_117 = arith.constant 12 : i32
    %broadcast_in_dim3A_118 = vector.broadcast %jit3A_117 : i32 to vector<128x256xi32>
    %select_n3A_119 = arith.select %lt3A_115, %broadcast_in_dim3A_118, %select_n3A_114 : vector<128x256xi1>, vector<128x256xi32>
    %lt3A_120 = arith.cmpf olt, %slice3A_43, %select_n3A_116 : vector<128x256xf32>
    %select_n3A_121 = arith.select %lt3A_120, %slice3A_43, %select_n3A_116 : vector<128x256xi1>, vector<128x256xf32>
    %jit3A_122 = arith.constant 13 : i32
    %broadcast_in_dim3A_123 = vector.broadcast %jit3A_122 : i32 to vector<128x256xi32>
    %select_n3A_124 = arith.select %lt3A_120, %broadcast_in_dim3A_123, %select_n3A_119 : vector<128x256xi1>, vector<128x256xi32>
    %lt3A_125 = arith.cmpf olt, %slice3A_44, %select_n3A_121 : vector<128x256xf32>
    %select_n3A_126 = arith.select %lt3A_125, %slice3A_44, %select_n3A_121 : vector<128x256xi1>, vector<128x256xf32>
    %jit3A_127 = arith.constant 14 : i32
    %broadcast_in_dim3A_128 = vector.broadcast %jit3A_127 : i32 to vector<128x256xi32>
    %select_n3A_129 = arith.select %lt3A_125, %broadcast_in_dim3A_128, %select_n3A_124 : vector<128x256xi1>, vector<128x256xi32>
    %lt3A_130 = arith.cmpf olt, %slice3A_45, %select_n3A_126 : vector<128x256xf32>
    %select_n3A_131 = arith.select %lt3A_130, %slice3A_45, %select_n3A_126 : vector<128x256xi1>, vector<128x256xf32>
    %jit3A_132 = arith.constant 15 : i32
    %broadcast_in_dim3A_133 = vector.broadcast %jit3A_132 : i32 to vector<128x256xi32>
    %select_n3A_134 = arith.select %lt3A_130, %broadcast_in_dim3A_133, %select_n3A_129 : vector<128x256xi1>, vector<128x256xi32>
    %lt3A_135 = arith.cmpf olt, %slice3A_46, %select_n3A_131 : vector<128x256xf32>
    %select_n3A_136 = arith.select %lt3A_135, %slice3A_46, %select_n3A_131 : vector<128x256xi1>, vector<128x256xf32>
    %jit3A_137 = arith.constant 16 : i32
    %broadcast_in_dim3A_138 = vector.broadcast %jit3A_137 : i32 to vector<128x256xi32>
    %select_n3A_139 = arith.select %lt3A_135, %broadcast_in_dim3A_138, %select_n3A_134 : vector<128x256xi1>, vector<128x256xi32>
    %lt3A_140 = arith.cmpf olt, %slice3A_47, %select_n3A_136 : vector<128x256xf32>
    %select_n3A_141 = arith.select %lt3A_140, %slice3A_47, %select_n3A_136 : vector<128x256xi1>, vector<128x256xf32>
    %jit3A_142 = arith.constant 17 : i32
    %broadcast_in_dim3A_143 = vector.broadcast %jit3A_142 : i32 to vector<128x256xi32>
    %select_n3A_144 = arith.select %lt3A_140, %broadcast_in_dim3A_143, %select_n3A_139 : vector<128x256xi1>, vector<128x256xi32>
    %lt3A_145 = arith.cmpf olt, %slice3A_48, %select_n3A_141 : vector<128x256xf32>
    %select_n3A_146 = arith.select %lt3A_145, %slice3A_48, %select_n3A_141 : vector<128x256xi1>, vector<128x256xf32>
    %jit3A_147 = arith.constant 18 : i32
    %broadcast_in_dim3A_148 = vector.broadcast %jit3A_147 : i32 to vector<128x256xi32>
    %select_n3A_149 = arith.select %lt3A_145, %broadcast_in_dim3A_148, %select_n3A_144 : vector<128x256xi1>, vector<128x256xi32>
    %lt3A_150 = arith.cmpf olt, %slice3A_49, %select_n3A_146 : vector<128x256xf32>
    %select_n3A_151 = arith.select %lt3A_150, %slice3A_49, %select_n3A_146 : vector<128x256xi1>, vector<128x256xf32>
    %jit3A_152 = arith.constant 19 : i32
    %broadcast_in_dim3A_153 = vector.broadcast %jit3A_152 : i32 to vector<128x256xi32>
    %select_n3A_154 = arith.select %lt3A_150, %broadcast_in_dim3A_153, %select_n3A_149 : vector<128x256xi1>, vector<128x256xi32>
    %lt3A_155 = arith.cmpf olt, %slice3A_50, %select_n3A_151 : vector<128x256xf32>
    %select_n3A_156 = arith.select %lt3A_155, %slice3A_50, %select_n3A_151 : vector<128x256xi1>, vector<128x256xf32>
    %jit3A_157 = arith.constant 20 : i32
    %broadcast_in_dim3A_158 = vector.broadcast %jit3A_157 : i32 to vector<128x256xi32>
    %select_n3A_159 = arith.select %lt3A_155, %broadcast_in_dim3A_158, %select_n3A_154 : vector<128x256xi1>, vector<128x256xi32>
    %lt3A_160 = arith.cmpf olt, %slice3A_51, %select_n3A_156 : vector<128x256xf32>
    %select_n3A_161 = arith.select %lt3A_160, %slice3A_51, %select_n3A_156 : vector<128x256xi1>, vector<128x256xf32>
    %jit3A_162 = arith.constant 21 : i32
    %broadcast_in_dim3A_163 = vector.broadcast %jit3A_162 : i32 to vector<128x256xi32>
    %select_n3A_164 = arith.select %lt3A_160, %broadcast_in_dim3A_163, %select_n3A_159 : vector<128x256xi1>, vector<128x256xi32>
    %lt3A_165 = arith.cmpf olt, %slice3A_52, %select_n3A_161 : vector<128x256xf32>
    %select_n3A_166 = arith.select %lt3A_165, %slice3A_52, %select_n3A_161 : vector<128x256xi1>, vector<128x256xf32>
    %jit3A_167 = arith.constant 22 : i32
    %broadcast_in_dim3A_168 = vector.broadcast %jit3A_167 : i32 to vector<128x256xi32>
    %select_n3A_169 = arith.select %lt3A_165, %broadcast_in_dim3A_168, %select_n3A_164 : vector<128x256xi1>, vector<128x256xi32>
    %lt3A_170 = arith.cmpf olt, %slice3A_53, %select_n3A_166 : vector<128x256xf32>
    %select_n3A_171 = arith.select %lt3A_170, %slice3A_53, %select_n3A_166 : vector<128x256xi1>, vector<128x256xf32>
    %jit3A_172 = arith.constant 23 : i32
    %broadcast_in_dim3A_173 = vector.broadcast %jit3A_172 : i32 to vector<128x256xi32>
    %select_n3A_174 = arith.select %lt3A_170, %broadcast_in_dim3A_173, %select_n3A_169 : vector<128x256xi1>, vector<128x256xi32>
    %lt3A_175 = arith.cmpf olt, %slice3A_54, %select_n3A_171 : vector<128x256xf32>
    %select_n3A_176 = arith.select %lt3A_175, %slice3A_54, %select_n3A_171 : vector<128x256xi1>, vector<128x256xf32>
    %jit3A_177 = arith.constant 24 : i32
    %broadcast_in_dim3A_178 = vector.broadcast %jit3A_177 : i32 to vector<128x256xi32>
    %select_n3A_179 = arith.select %lt3A_175, %broadcast_in_dim3A_178, %select_n3A_174 : vector<128x256xi1>, vector<128x256xi32>
    %lt3A_180 = arith.cmpf olt, %slice3A_55, %select_n3A_176 : vector<128x256xf32>
    %select_n3A_181 = arith.select %lt3A_180, %slice3A_55, %select_n3A_176 : vector<128x256xi1>, vector<128x256xf32>
    %jit3A_182 = arith.constant 25 : i32
    %broadcast_in_dim3A_183 = vector.broadcast %jit3A_182 : i32 to vector<128x256xi32>
    %select_n3A_184 = arith.select %lt3A_180, %broadcast_in_dim3A_183, %select_n3A_179 : vector<128x256xi1>, vector<128x256xi32>
    %lt3A_185 = arith.cmpf olt, %slice3A_56, %select_n3A_181 : vector<128x256xf32>
    %select_n3A_186 = arith.select %lt3A_185, %slice3A_56, %select_n3A_181 : vector<128x256xi1>, vector<128x256xf32>
    %jit3A_187 = arith.constant 26 : i32
    %broadcast_in_dim3A_188 = vector.broadcast %jit3A_187 : i32 to vector<128x256xi32>
    %select_n3A_189 = arith.select %lt3A_185, %broadcast_in_dim3A_188, %select_n3A_184 : vector<128x256xi1>, vector<128x256xi32>
    %lt3A_190 = arith.cmpf olt, %slice3A_57, %select_n3A_186 : vector<128x256xf32>
    %select_n3A_191 = arith.select %lt3A_190, %slice3A_57, %select_n3A_186 : vector<128x256xi1>, vector<128x256xf32>
    %jit3A_192 = arith.constant 27 : i32
    %broadcast_in_dim3A_193 = vector.broadcast %jit3A_192 : i32 to vector<128x256xi32>
    %select_n3A_194 = arith.select %lt3A_190, %broadcast_in_dim3A_193, %select_n3A_189 : vector<128x256xi1>, vector<128x256xi32>
    %lt3A_195 = arith.cmpf olt, %slice3A_58, %select_n3A_191 : vector<128x256xf32>
    %select_n3A_196 = arith.select %lt3A_195, %slice3A_58, %select_n3A_191 : vector<128x256xi1>, vector<128x256xf32>
    %jit3A_197 = arith.constant 28 : i32
    %broadcast_in_dim3A_198 = vector.broadcast %jit3A_197 : i32 to vector<128x256xi32>
    %select_n3A_199 = arith.select %lt3A_195, %broadcast_in_dim3A_198, %select_n3A_194 : vector<128x256xi1>, vector<128x256xi32>
    %lt3A_200 = arith.cmpf olt, %slice3A_59, %select_n3A_196 : vector<128x256xf32>
    %select_n3A_201 = arith.select %lt3A_200, %slice3A_59, %select_n3A_196 : vector<128x256xi1>, vector<128x256xf32>
    %jit3A_202 = arith.constant 29 : i32
    %broadcast_in_dim3A_203 = vector.broadcast %jit3A_202 : i32 to vector<128x256xi32>
    %select_n3A_204 = arith.select %lt3A_200, %broadcast_in_dim3A_203, %select_n3A_199 : vector<128x256xi1>, vector<128x256xi32>
    %lt3A_205 = arith.cmpf olt, %slice3A_60, %select_n3A_201 : vector<128x256xf32>
    %select_n3A_206 = arith.select %lt3A_205, %slice3A_60, %select_n3A_201 : vector<128x256xi1>, vector<128x256xf32>
    %jit3A_207 = arith.constant 30 : i32
    %broadcast_in_dim3A_208 = vector.broadcast %jit3A_207 : i32 to vector<128x256xi32>
    %select_n3A_209 = arith.select %lt3A_205, %broadcast_in_dim3A_208, %select_n3A_204 : vector<128x256xi1>, vector<128x256xi32>
    %lt3A_210 = arith.cmpf olt, %slice3A_61, %select_n3A_206 : vector<128x256xf32>
    %select_n3A_211 = arith.select %lt3A_210, %slice3A_61, %select_n3A_206 : vector<128x256xi1>, vector<128x256xf32>
    %jit3A_212 = arith.constant 31 : i32
    %broadcast_in_dim3A_213 = vector.broadcast %jit3A_212 : i32 to vector<128x256xi32>
    %select_n3A_214 = arith.select %lt3A_210, %broadcast_in_dim3A_213, %select_n3A_209 : vector<128x256xi1>, vector<128x256xi32>
    %eq3A = arith.constant 0 : i32
    %eq3A_215 = vector.broadcast %eq3A : i32 to vector<128x256xi32>
    %eq3A_216 = arith.cmpi eq, %select_n3A_214, %eq3A_215 : vector<128x256xi32>
    %jit3A_217 = arith.constant 0x7F800000 : f32
    %broadcast_in_dim3A_218 = vector.broadcast %jit3A_217 : f32 to vector<128x256xf32>
    %select_n3A_219 = arith.select %eq3A_216, %broadcast_in_dim3A_218, %slice3A_30 : vector<128x256xi1>, vector<128x256xf32>
    %eq3A_220 = arith.constant 1 : i32
    %eq3A_221 = vector.broadcast %eq3A_220 : i32 to vector<128x256xi32>
    %eq3A_222 = arith.cmpi eq, %select_n3A_214, %eq3A_221 : vector<128x256xi32>
    %jit3A_223 = arith.constant 0x7F800000 : f32
    %broadcast_in_dim3A_224 = vector.broadcast %jit3A_223 : f32 to vector<128x256xf32>
    %select_n3A_225 = arith.select %eq3A_222, %broadcast_in_dim3A_224, %slice3A_31 : vector<128x256xi1>, vector<128x256xf32>
    %eq3A_226 = arith.constant 2 : i32
    %eq3A_227 = vector.broadcast %eq3A_226 : i32 to vector<128x256xi32>
    %eq3A_228 = arith.cmpi eq, %select_n3A_214, %eq3A_227 : vector<128x256xi32>
    %jit3A_229 = arith.constant 0x7F800000 : f32
    %broadcast_in_dim3A_230 = vector.broadcast %jit3A_229 : f32 to vector<128x256xf32>
    %select_n3A_231 = arith.select %eq3A_228, %broadcast_in_dim3A_230, %slice3A_32 : vector<128x256xi1>, vector<128x256xf32>
    %eq3A_232 = arith.constant 3 : i32
    %eq3A_233 = vector.broadcast %eq3A_232 : i32 to vector<128x256xi32>
    %eq3A_234 = arith.cmpi eq, %select_n3A_214, %eq3A_233 : vector<128x256xi32>
    %jit3A_235 = arith.constant 0x7F800000 : f32
    %broadcast_in_dim3A_236 = vector.broadcast %jit3A_235 : f32 to vector<128x256xf32>
    %select_n3A_237 = arith.select %eq3A_234, %broadcast_in_dim3A_236, %slice3A_33 : vector<128x256xi1>, vector<128x256xf32>
    %eq3A_238 = arith.constant 4 : i32
    %eq3A_239 = vector.broadcast %eq3A_238 : i32 to vector<128x256xi32>
    %eq3A_240 = arith.cmpi eq, %select_n3A_214, %eq3A_239 : vector<128x256xi32>
    %jit3A_241 = arith.constant 0x7F800000 : f32
    %broadcast_in_dim3A_242 = vector.broadcast %jit3A_241 : f32 to vector<128x256xf32>
    %select_n3A_243 = arith.select %eq3A_240, %broadcast_in_dim3A_242, %slice3A_34 : vector<128x256xi1>, vector<128x256xf32>
    %eq3A_244 = arith.constant 5 : i32
    %eq3A_245 = vector.broadcast %eq3A_244 : i32 to vector<128x256xi32>
    %eq3A_246 = arith.cmpi eq, %select_n3A_214, %eq3A_245 : vector<128x256xi32>
    %jit3A_247 = arith.constant 0x7F800000 : f32
    %broadcast_in_dim3A_248 = vector.broadcast %jit3A_247 : f32 to vector<128x256xf32>
    %select_n3A_249 = arith.select %eq3A_246, %broadcast_in_dim3A_248, %slice3A_35 : vector<128x256xi1>, vector<128x256xf32>
    %eq3A_250 = arith.constant 6 : i32
    %eq3A_251 = vector.broadcast %eq3A_250 : i32 to vector<128x256xi32>
    %eq3A_252 = arith.cmpi eq, %select_n3A_214, %eq3A_251 : vector<128x256xi32>
    %jit3A_253 = arith.constant 0x7F800000 : f32
    %broadcast_in_dim3A_254 = vector.broadcast %jit3A_253 : f32 to vector<128x256xf32>
    %select_n3A_255 = arith.select %eq3A_252, %broadcast_in_dim3A_254, %slice3A_36 : vector<128x256xi1>, vector<128x256xf32>
    %eq3A_256 = arith.constant 7 : i32
    %eq3A_257 = vector.broadcast %eq3A_256 : i32 to vector<128x256xi32>
    %eq3A_258 = arith.cmpi eq, %select_n3A_214, %eq3A_257 : vector<128x256xi32>
    %jit3A_259 = arith.constant 0x7F800000 : f32
    %broadcast_in_dim3A_260 = vector.broadcast %jit3A_259 : f32 to vector<128x256xf32>
    %select_n3A_261 = arith.select %eq3A_258, %broadcast_in_dim3A_260, %slice3A_37 : vector<128x256xi1>, vector<128x256xf32>
    %eq3A_262 = arith.constant 8 : i32
    %eq3A_263 = vector.broadcast %eq3A_262 : i32 to vector<128x256xi32>
    %eq3A_264 = arith.cmpi eq, %select_n3A_214, %eq3A_263 : vector<128x256xi32>
    %jit3A_265 = arith.constant 0x7F800000 : f32
    %broadcast_in_dim3A_266 = vector.broadcast %jit3A_265 : f32 to vector<128x256xf32>
    %select_n3A_267 = arith.select %eq3A_264, %broadcast_in_dim3A_266, %slice3A_38 : vector<128x256xi1>, vector<128x256xf32>
    %eq3A_268 = arith.constant 9 : i32
    %eq3A_269 = vector.broadcast %eq3A_268 : i32 to vector<128x256xi32>
    %eq3A_270 = arith.cmpi eq, %select_n3A_214, %eq3A_269 : vector<128x256xi32>
    %jit3A_271 = arith.constant 0x7F800000 : f32
    %broadcast_in_dim3A_272 = vector.broadcast %jit3A_271 : f32 to vector<128x256xf32>
    %select_n3A_273 = arith.select %eq3A_270, %broadcast_in_dim3A_272, %slice3A_39 : vector<128x256xi1>, vector<128x256xf32>
    %eq3A_274 = arith.constant 10 : i32
    %eq3A_275 = vector.broadcast %eq3A_274 : i32 to vector<128x256xi32>
    %eq3A_276 = arith.cmpi eq, %select_n3A_214, %eq3A_275 : vector<128x256xi32>
    %jit3A_277 = arith.constant 0x7F800000 : f32
    %broadcast_in_dim3A_278 = vector.broadcast %jit3A_277 : f32 to vector<128x256xf32>
    %select_n3A_279 = arith.select %eq3A_276, %broadcast_in_dim3A_278, %slice3A_40 : vector<128x256xi1>, vector<128x256xf32>
    %eq3A_280 = arith.constant 11 : i32
    %eq3A_281 = vector.broadcast %eq3A_280 : i32 to vector<128x256xi32>
    %eq3A_282 = arith.cmpi eq, %select_n3A_214, %eq3A_281 : vector<128x256xi32>
    %jit3A_283 = arith.constant 0x7F800000 : f32
    %broadcast_in_dim3A_284 = vector.broadcast %jit3A_283 : f32 to vector<128x256xf32>
    %select_n3A_285 = arith.select %eq3A_282, %broadcast_in_dim3A_284, %slice3A_41 : vector<128x256xi1>, vector<128x256xf32>
    %eq3A_286 = arith.constant 12 : i32
    %eq3A_287 = vector.broadcast %eq3A_286 : i32 to vector<128x256xi32>
    %eq3A_288 = arith.cmpi eq, %select_n3A_214, %eq3A_287 : vector<128x256xi32>
    %jit3A_289 = arith.constant 0x7F800000 : f32
    %broadcast_in_dim3A_290 = vector.broadcast %jit3A_289 : f32 to vector<128x256xf32>
    %select_n3A_291 = arith.select %eq3A_288, %broadcast_in_dim3A_290, %slice3A_42 : vector<128x256xi1>, vector<128x256xf32>
    %eq3A_292 = arith.constant 13 : i32
    %eq3A_293 = vector.broadcast %eq3A_292 : i32 to vector<128x256xi32>
    %eq3A_294 = arith.cmpi eq, %select_n3A_214, %eq3A_293 : vector<128x256xi32>
    %jit3A_295 = arith.constant 0x7F800000 : f32
    %broadcast_in_dim3A_296 = vector.broadcast %jit3A_295 : f32 to vector<128x256xf32>
    %select_n3A_297 = arith.select %eq3A_294, %broadcast_in_dim3A_296, %slice3A_43 : vector<128x256xi1>, vector<128x256xf32>
    %eq3A_298 = arith.constant 14 : i32
    %eq3A_299 = vector.broadcast %eq3A_298 : i32 to vector<128x256xi32>
    %eq3A_300 = arith.cmpi eq, %select_n3A_214, %eq3A_299 : vector<128x256xi32>
    %jit3A_301 = arith.constant 0x7F800000 : f32
    %broadcast_in_dim3A_302 = vector.broadcast %jit3A_301 : f32 to vector<128x256xf32>
    %select_n3A_303 = arith.select %eq3A_300, %broadcast_in_dim3A_302, %slice3A_44 : vector<128x256xi1>, vector<128x256xf32>
    %eq3A_304 = arith.constant 15 : i32
    %eq3A_305 = vector.broadcast %eq3A_304 : i32 to vector<128x256xi32>
    %eq3A_306 = arith.cmpi eq, %select_n3A_214, %eq3A_305 : vector<128x256xi32>
    %jit3A_307 = arith.constant 0x7F800000 : f32
    %broadcast_in_dim3A_308 = vector.broadcast %jit3A_307 : f32 to vector<128x256xf32>
    %select_n3A_309 = arith.select %eq3A_306, %broadcast_in_dim3A_308, %slice3A_45 : vector<128x256xi1>, vector<128x256xf32>
    %eq3A_310 = arith.constant 16 : i32
    %eq3A_311 = vector.broadcast %eq3A_310 : i32 to vector<128x256xi32>
    %eq3A_312 = arith.cmpi eq, %select_n3A_214, %eq3A_311 : vector<128x256xi32>
    %jit3A_313 = arith.constant 0x7F800000 : f32
    %broadcast_in_dim3A_314 = vector.broadcast %jit3A_313 : f32 to vector<128x256xf32>
    %select_n3A_315 = arith.select %eq3A_312, %broadcast_in_dim3A_314, %slice3A_46 : vector<128x256xi1>, vector<128x256xf32>
    %eq3A_316 = arith.constant 17 : i32
    %eq3A_317 = vector.broadcast %eq3A_316 : i32 to vector<128x256xi32>
    %eq3A_318 = arith.cmpi eq, %select_n3A_214, %eq3A_317 : vector<128x256xi32>
    %jit3A_319 = arith.constant 0x7F800000 : f32
    %broadcast_in_dim3A_320 = vector.broadcast %jit3A_319 : f32 to vector<128x256xf32>
    %select_n3A_321 = arith.select %eq3A_318, %broadcast_in_dim3A_320, %slice3A_47 : vector<128x256xi1>, vector<128x256xf32>
    %eq3A_322 = arith.constant 18 : i32
    %eq3A_323 = vector.broadcast %eq3A_322 : i32 to vector<128x256xi32>
    %eq3A_324 = arith.cmpi eq, %select_n3A_214, %eq3A_323 : vector<128x256xi32>
    %jit3A_325 = arith.constant 0x7F800000 : f32
    %broadcast_in_dim3A_326 = vector.broadcast %jit3A_325 : f32 to vector<128x256xf32>
    %select_n3A_327 = arith.select %eq3A_324, %broadcast_in_dim3A_326, %slice3A_48 : vector<128x256xi1>, vector<128x256xf32>
    %eq3A_328 = arith.constant 19 : i32
    %eq3A_329 = vector.broadcast %eq3A_328 : i32 to vector<128x256xi32>
    %eq3A_330 = arith.cmpi eq, %select_n3A_214, %eq3A_329 : vector<128x256xi32>
    %jit3A_331 = arith.constant 0x7F800000 : f32
    %broadcast_in_dim3A_332 = vector.broadcast %jit3A_331 : f32 to vector<128x256xf32>
    %select_n3A_333 = arith.select %eq3A_330, %broadcast_in_dim3A_332, %slice3A_49 : vector<128x256xi1>, vector<128x256xf32>
    %eq3A_334 = arith.constant 20 : i32
    %eq3A_335 = vector.broadcast %eq3A_334 : i32 to vector<128x256xi32>
    %eq3A_336 = arith.cmpi eq, %select_n3A_214, %eq3A_335 : vector<128x256xi32>
    %jit3A_337 = arith.constant 0x7F800000 : f32
    %broadcast_in_dim3A_338 = vector.broadcast %jit3A_337 : f32 to vector<128x256xf32>
    %select_n3A_339 = arith.select %eq3A_336, %broadcast_in_dim3A_338, %slice3A_50 : vector<128x256xi1>, vector<128x256xf32>
    %eq3A_340 = arith.constant 21 : i32
    %eq3A_341 = vector.broadcast %eq3A_340 : i32 to vector<128x256xi32>
    %eq3A_342 = arith.cmpi eq, %select_n3A_214, %eq3A_341 : vector<128x256xi32>
    %jit3A_343 = arith.constant 0x7F800000 : f32
    %broadcast_in_dim3A_344 = vector.broadcast %jit3A_343 : f32 to vector<128x256xf32>
    %select_n3A_345 = arith.select %eq3A_342, %broadcast_in_dim3A_344, %slice3A_51 : vector<128x256xi1>, vector<128x256xf32>
    %eq3A_346 = arith.constant 22 : i32
    %eq3A_347 = vector.broadcast %eq3A_346 : i32 to vector<128x256xi32>
    %eq3A_348 = arith.cmpi eq, %select_n3A_214, %eq3A_347 : vector<128x256xi32>
    %jit3A_349 = arith.constant 0x7F800000 : f32
    %broadcast_in_dim3A_350 = vector.broadcast %jit3A_349 : f32 to vector<128x256xf32>
    %select_n3A_351 = arith.select %eq3A_348, %broadcast_in_dim3A_350, %slice3A_52 : vector<128x256xi1>, vector<128x256xf32>
    %eq3A_352 = arith.constant 23 : i32
    %eq3A_353 = vector.broadcast %eq3A_352 : i32 to vector<128x256xi32>
    %eq3A_354 = arith.cmpi eq, %select_n3A_214, %eq3A_353 : vector<128x256xi32>
    %jit3A_355 = arith.constant 0x7F800000 : f32
    %broadcast_in_dim3A_356 = vector.broadcast %jit3A_355 : f32 to vector<128x256xf32>
    %select_n3A_357 = arith.select %eq3A_354, %broadcast_in_dim3A_356, %slice3A_53 : vector<128x256xi1>, vector<128x256xf32>
    %eq3A_358 = arith.constant 24 : i32
    %eq3A_359 = vector.broadcast %eq3A_358 : i32 to vector<128x256xi32>
    %eq3A_360 = arith.cmpi eq, %select_n3A_214, %eq3A_359 : vector<128x256xi32>
    %jit3A_361 = arith.constant 0x7F800000 : f32
    %broadcast_in_dim3A_362 = vector.broadcast %jit3A_361 : f32 to vector<128x256xf32>
    %select_n3A_363 = arith.select %eq3A_360, %broadcast_in_dim3A_362, %slice3A_54 : vector<128x256xi1>, vector<128x256xf32>
    %eq3A_364 = arith.constant 25 : i32
    %eq3A_365 = vector.broadcast %eq3A_364 : i32 to vector<128x256xi32>
    %eq3A_366 = arith.cmpi eq, %select_n3A_214, %eq3A_365 : vector<128x256xi32>
    %jit3A_367 = arith.constant 0x7F800000 : f32
    %broadcast_in_dim3A_368 = vector.broadcast %jit3A_367 : f32 to vector<128x256xf32>
    %select_n3A_369 = arith.select %eq3A_366, %broadcast_in_dim3A_368, %slice3A_55 : vector<128x256xi1>, vector<128x256xf32>
    %eq3A_370 = arith.constant 26 : i32
    %eq3A_371 = vector.broadcast %eq3A_370 : i32 to vector<128x256xi32>
    %eq3A_372 = arith.cmpi eq, %select_n3A_214, %eq3A_371 : vector<128x256xi32>
    %jit3A_373 = arith.constant 0x7F800000 : f32
    %broadcast_in_dim3A_374 = vector.broadcast %jit3A_373 : f32 to vector<128x256xf32>
    %select_n3A_375 = arith.select %eq3A_372, %broadcast_in_dim3A_374, %slice3A_56 : vector<128x256xi1>, vector<128x256xf32>
    %eq3A_376 = arith.constant 27 : i32
    %eq3A_377 = vector.broadcast %eq3A_376 : i32 to vector<128x256xi32>
    %eq3A_378 = arith.cmpi eq, %select_n3A_214, %eq3A_377 : vector<128x256xi32>
    %jit3A_379 = arith.constant 0x7F800000 : f32
    %broadcast_in_dim3A_380 = vector.broadcast %jit3A_379 : f32 to vector<128x256xf32>
    %select_n3A_381 = arith.select %eq3A_378, %broadcast_in_dim3A_380, %slice3A_57 : vector<128x256xi1>, vector<128x256xf32>
    %eq3A_382 = arith.constant 28 : i32
    %eq3A_383 = vector.broadcast %eq3A_382 : i32 to vector<128x256xi32>
    %eq3A_384 = arith.cmpi eq, %select_n3A_214, %eq3A_383 : vector<128x256xi32>
    %jit3A_385 = arith.constant 0x7F800000 : f32
    %broadcast_in_dim3A_386 = vector.broadcast %jit3A_385 : f32 to vector<128x256xf32>
    %select_n3A_387 = arith.select %eq3A_384, %broadcast_in_dim3A_386, %slice3A_58 : vector<128x256xi1>, vector<128x256xf32>
    %eq3A_388 = arith.constant 29 : i32
    %eq3A_389 = vector.broadcast %eq3A_388 : i32 to vector<128x256xi32>
    %eq3A_390 = arith.cmpi eq, %select_n3A_214, %eq3A_389 : vector<128x256xi32>
    %jit3A_391 = arith.constant 0x7F800000 : f32
    %broadcast_in_dim3A_392 = vector.broadcast %jit3A_391 : f32 to vector<128x256xf32>
    %select_n3A_393 = arith.select %eq3A_390, %broadcast_in_dim3A_392, %slice3A_59 : vector<128x256xi1>, vector<128x256xf32>
    %eq3A_394 = arith.constant 30 : i32
    %eq3A_395 = vector.broadcast %eq3A_394 : i32 to vector<128x256xi32>
    %eq3A_396 = arith.cmpi eq, %select_n3A_214, %eq3A_395 : vector<128x256xi32>
    %jit3A_397 = arith.constant 0x7F800000 : f32
    %broadcast_in_dim3A_398 = vector.broadcast %jit3A_397 : f32 to vector<128x256xf32>
    %select_n3A_399 = arith.select %eq3A_396, %broadcast_in_dim3A_398, %slice3A_60 : vector<128x256xi1>, vector<128x256xf32>
    %eq3A_400 = arith.constant 31 : i32
    %eq3A_401 = vector.broadcast %eq3A_400 : i32 to vector<128x256xi32>
    %eq3A_402 = arith.cmpi eq, %select_n3A_214, %eq3A_401 : vector<128x256xi32>
    %jit3A_403 = arith.constant 0x7F800000 : f32
    %broadcast_in_dim3A_404 = vector.broadcast %jit3A_403 : f32 to vector<128x256xf32>
    %select_n3A_405 = arith.select %eq3A_402, %broadcast_in_dim3A_404, %slice3A_61 : vector<128x256xi1>, vector<128x256xf32>
    %broadcast_in_dim3A_406 = arith.constant 0 : i32
    %broadcast_in_dim3A_407 = vector.broadcast %broadcast_in_dim3A_406 : i32 to vector<128x256xi32>
    %lt3A_408 = arith.cmpf olt, %select_n3A_225, %select_n3A_219 : vector<128x256xf32>
    %select_n3A_409 = arith.select %lt3A_408, %select_n3A_225, %select_n3A_219 : vector<128x256xi1>, vector<128x256xf32>
    %jit3A_410 = arith.constant 1 : i32
    %broadcast_in_dim3A_411 = vector.broadcast %jit3A_410 : i32 to vector<128x256xi32>
    %select_n3A_412 = arith.select %lt3A_408, %broadcast_in_dim3A_411, %broadcast_in_dim3A_407 : vector<128x256xi1>, vector<128x256xi32>
    %lt3A_413 = arith.cmpf olt, %select_n3A_231, %select_n3A_409 : vector<128x256xf32>
    %select_n3A_414 = arith.select %lt3A_413, %select_n3A_231, %select_n3A_409 : vector<128x256xi1>, vector<128x256xf32>
    %jit3A_415 = arith.constant 2 : i32
    %broadcast_in_dim3A_416 = vector.broadcast %jit3A_415 : i32 to vector<128x256xi32>
    %select_n3A_417 = arith.select %lt3A_413, %broadcast_in_dim3A_416, %select_n3A_412 : vector<128x256xi1>, vector<128x256xi32>
    %lt3A_418 = arith.cmpf olt, %select_n3A_237, %select_n3A_414 : vector<128x256xf32>
    %select_n3A_419 = arith.select %lt3A_418, %select_n3A_237, %select_n3A_414 : vector<128x256xi1>, vector<128x256xf32>
    %jit3A_420 = arith.constant 3 : i32
    %broadcast_in_dim3A_421 = vector.broadcast %jit3A_420 : i32 to vector<128x256xi32>
    %select_n3A_422 = arith.select %lt3A_418, %broadcast_in_dim3A_421, %select_n3A_417 : vector<128x256xi1>, vector<128x256xi32>
    %lt3A_423 = arith.cmpf olt, %select_n3A_243, %select_n3A_419 : vector<128x256xf32>
    %select_n3A_424 = arith.select %lt3A_423, %select_n3A_243, %select_n3A_419 : vector<128x256xi1>, vector<128x256xf32>
    %jit3A_425 = arith.constant 4 : i32
    %broadcast_in_dim3A_426 = vector.broadcast %jit3A_425 : i32 to vector<128x256xi32>
    %select_n3A_427 = arith.select %lt3A_423, %broadcast_in_dim3A_426, %select_n3A_422 : vector<128x256xi1>, vector<128x256xi32>
    %lt3A_428 = arith.cmpf olt, %select_n3A_249, %select_n3A_424 : vector<128x256xf32>
    %select_n3A_429 = arith.select %lt3A_428, %select_n3A_249, %select_n3A_424 : vector<128x256xi1>, vector<128x256xf32>
    %jit3A_430 = arith.constant 5 : i32
    %broadcast_in_dim3A_431 = vector.broadcast %jit3A_430 : i32 to vector<128x256xi32>
    %select_n3A_432 = arith.select %lt3A_428, %broadcast_in_dim3A_431, %select_n3A_427 : vector<128x256xi1>, vector<128x256xi32>
    %lt3A_433 = arith.cmpf olt, %select_n3A_255, %select_n3A_429 : vector<128x256xf32>
    %select_n3A_434 = arith.select %lt3A_433, %select_n3A_255, %select_n3A_429 : vector<128x256xi1>, vector<128x256xf32>
    %jit3A_435 = arith.constant 6 : i32
    %broadcast_in_dim3A_436 = vector.broadcast %jit3A_435 : i32 to vector<128x256xi32>
    %select_n3A_437 = arith.select %lt3A_433, %broadcast_in_dim3A_436, %select_n3A_432 : vector<128x256xi1>, vector<128x256xi32>
    %lt3A_438 = arith.cmpf olt, %select_n3A_261, %select_n3A_434 : vector<128x256xf32>
    %select_n3A_439 = arith.select %lt3A_438, %select_n3A_261, %select_n3A_434 : vector<128x256xi1>, vector<128x256xf32>
    %jit3A_440 = arith.constant 7 : i32
    %broadcast_in_dim3A_441 = vector.broadcast %jit3A_440 : i32 to vector<128x256xi32>
    %select_n3A_442 = arith.select %lt3A_438, %broadcast_in_dim3A_441, %select_n3A_437 : vector<128x256xi1>, vector<128x256xi32>
    %lt3A_443 = arith.cmpf olt, %select_n3A_267, %select_n3A_439 : vector<128x256xf32>
    %select_n3A_444 = arith.select %lt3A_443, %select_n3A_267, %select_n3A_439 : vector<128x256xi1>, vector<128x256xf32>
    %jit3A_445 = arith.constant 8 : i32
    %broadcast_in_dim3A_446 = vector.broadcast %jit3A_445 : i32 to vector<128x256xi32>
    %select_n3A_447 = arith.select %lt3A_443, %broadcast_in_dim3A_446, %select_n3A_442 : vector<128x256xi1>, vector<128x256xi32>
    %lt3A_448 = arith.cmpf olt, %select_n3A_273, %select_n3A_444 : vector<128x256xf32>
    %select_n3A_449 = arith.select %lt3A_448, %select_n3A_273, %select_n3A_444 : vector<128x256xi1>, vector<128x256xf32>
    %jit3A_450 = arith.constant 9 : i32
    %broadcast_in_dim3A_451 = vector.broadcast %jit3A_450 : i32 to vector<128x256xi32>
    %select_n3A_452 = arith.select %lt3A_448, %broadcast_in_dim3A_451, %select_n3A_447 : vector<128x256xi1>, vector<128x256xi32>
    %lt3A_453 = arith.cmpf olt, %select_n3A_279, %select_n3A_449 : vector<128x256xf32>
    %select_n3A_454 = arith.select %lt3A_453, %select_n3A_279, %select_n3A_449 : vector<128x256xi1>, vector<128x256xf32>
    %jit3A_455 = arith.constant 10 : i32
    %broadcast_in_dim3A_456 = vector.broadcast %jit3A_455 : i32 to vector<128x256xi32>
    %select_n3A_457 = arith.select %lt3A_453, %broadcast_in_dim3A_456, %select_n3A_452 : vector<128x256xi1>, vector<128x256xi32>
    %lt3A_458 = arith.cmpf olt, %select_n3A_285, %select_n3A_454 : vector<128x256xf32>
    %select_n3A_459 = arith.select %lt3A_458, %select_n3A_285, %select_n3A_454 : vector<128x256xi1>, vector<128x256xf32>
    %jit3A_460 = arith.constant 11 : i32
    %broadcast_in_dim3A_461 = vector.broadcast %jit3A_460 : i32 to vector<128x256xi32>
    %select_n3A_462 = arith.select %lt3A_458, %broadcast_in_dim3A_461, %select_n3A_457 : vector<128x256xi1>, vector<128x256xi32>
    %lt3A_463 = arith.cmpf olt, %select_n3A_291, %select_n3A_459 : vector<128x256xf32>
    %select_n3A_464 = arith.select %lt3A_463, %select_n3A_291, %select_n3A_459 : vector<128x256xi1>, vector<128x256xf32>
    %jit3A_465 = arith.constant 12 : i32
    %broadcast_in_dim3A_466 = vector.broadcast %jit3A_465 : i32 to vector<128x256xi32>
    %select_n3A_467 = arith.select %lt3A_463, %broadcast_in_dim3A_466, %select_n3A_462 : vector<128x256xi1>, vector<128x256xi32>
    %lt3A_468 = arith.cmpf olt, %select_n3A_297, %select_n3A_464 : vector<128x256xf32>
    %select_n3A_469 = arith.select %lt3A_468, %select_n3A_297, %select_n3A_464 : vector<128x256xi1>, vector<128x256xf32>
    %jit3A_470 = arith.constant 13 : i32
    %broadcast_in_dim3A_471 = vector.broadcast %jit3A_470 : i32 to vector<128x256xi32>
    %select_n3A_472 = arith.select %lt3A_468, %broadcast_in_dim3A_471, %select_n3A_467 : vector<128x256xi1>, vector<128x256xi32>
    %lt3A_473 = arith.cmpf olt, %select_n3A_303, %select_n3A_469 : vector<128x256xf32>
    %select_n3A_474 = arith.select %lt3A_473, %select_n3A_303, %select_n3A_469 : vector<128x256xi1>, vector<128x256xf32>
    %jit3A_475 = arith.constant 14 : i32
    %broadcast_in_dim3A_476 = vector.broadcast %jit3A_475 : i32 to vector<128x256xi32>
    %select_n3A_477 = arith.select %lt3A_473, %broadcast_in_dim3A_476, %select_n3A_472 : vector<128x256xi1>, vector<128x256xi32>
    %lt3A_478 = arith.cmpf olt, %select_n3A_309, %select_n3A_474 : vector<128x256xf32>
    %select_n3A_479 = arith.select %lt3A_478, %select_n3A_309, %select_n3A_474 : vector<128x256xi1>, vector<128x256xf32>
    %jit3A_480 = arith.constant 15 : i32
    %broadcast_in_dim3A_481 = vector.broadcast %jit3A_480 : i32 to vector<128x256xi32>
    %select_n3A_482 = arith.select %lt3A_478, %broadcast_in_dim3A_481, %select_n3A_477 : vector<128x256xi1>, vector<128x256xi32>
    %lt3A_483 = arith.cmpf olt, %select_n3A_315, %select_n3A_479 : vector<128x256xf32>
    %select_n3A_484 = arith.select %lt3A_483, %select_n3A_315, %select_n3A_479 : vector<128x256xi1>, vector<128x256xf32>
    %jit3A_485 = arith.constant 16 : i32
    %broadcast_in_dim3A_486 = vector.broadcast %jit3A_485 : i32 to vector<128x256xi32>
    %select_n3A_487 = arith.select %lt3A_483, %broadcast_in_dim3A_486, %select_n3A_482 : vector<128x256xi1>, vector<128x256xi32>
    %lt3A_488 = arith.cmpf olt, %select_n3A_321, %select_n3A_484 : vector<128x256xf32>
    %select_n3A_489 = arith.select %lt3A_488, %select_n3A_321, %select_n3A_484 : vector<128x256xi1>, vector<128x256xf32>
    %jit3A_490 = arith.constant 17 : i32
    %broadcast_in_dim3A_491 = vector.broadcast %jit3A_490 : i32 to vector<128x256xi32>
    %select_n3A_492 = arith.select %lt3A_488, %broadcast_in_dim3A_491, %select_n3A_487 : vector<128x256xi1>, vector<128x256xi32>
    %lt3A_493 = arith.cmpf olt, %select_n3A_327, %select_n3A_489 : vector<128x256xf32>
    %select_n3A_494 = arith.select %lt3A_493, %select_n3A_327, %select_n3A_489 : vector<128x256xi1>, vector<128x256xf32>
    %jit3A_495 = arith.constant 18 : i32
    %broadcast_in_dim3A_496 = vector.broadcast %jit3A_495 : i32 to vector<128x256xi32>
    %select_n3A_497 = arith.select %lt3A_493, %broadcast_in_dim3A_496, %select_n3A_492 : vector<128x256xi1>, vector<128x256xi32>
    %lt3A_498 = arith.cmpf olt, %select_n3A_333, %select_n3A_494 : vector<128x256xf32>
    %select_n3A_499 = arith.select %lt3A_498, %select_n3A_333, %select_n3A_494 : vector<128x256xi1>, vector<128x256xf32>
    %jit3A_500 = arith.constant 19 : i32
    %broadcast_in_dim3A_501 = vector.broadcast %jit3A_500 : i32 to vector<128x256xi32>
    %select_n3A_502 = arith.select %lt3A_498, %broadcast_in_dim3A_501, %select_n3A_497 : vector<128x256xi1>, vector<128x256xi32>
    %lt3A_503 = arith.cmpf olt, %select_n3A_339, %select_n3A_499 : vector<128x256xf32>
    %select_n3A_504 = arith.select %lt3A_503, %select_n3A_339, %select_n3A_499 : vector<128x256xi1>, vector<128x256xf32>
    %jit3A_505 = arith.constant 20 : i32
    %broadcast_in_dim3A_506 = vector.broadcast %jit3A_505 : i32 to vector<128x256xi32>
    %select_n3A_507 = arith.select %lt3A_503, %broadcast_in_dim3A_506, %select_n3A_502 : vector<128x256xi1>, vector<128x256xi32>
    %lt3A_508 = arith.cmpf olt, %select_n3A_345, %select_n3A_504 : vector<128x256xf32>
    %select_n3A_509 = arith.select %lt3A_508, %select_n3A_345, %select_n3A_504 : vector<128x256xi1>, vector<128x256xf32>
    %jit3A_510 = arith.constant 21 : i32
    %broadcast_in_dim3A_511 = vector.broadcast %jit3A_510 : i32 to vector<128x256xi32>
    %select_n3A_512 = arith.select %lt3A_508, %broadcast_in_dim3A_511, %select_n3A_507 : vector<128x256xi1>, vector<128x256xi32>
    %lt3A_513 = arith.cmpf olt, %select_n3A_351, %select_n3A_509 : vector<128x256xf32>
    %select_n3A_514 = arith.select %lt3A_513, %select_n3A_351, %select_n3A_509 : vector<128x256xi1>, vector<128x256xf32>
    %jit3A_515 = arith.constant 22 : i32
    %broadcast_in_dim3A_516 = vector.broadcast %jit3A_515 : i32 to vector<128x256xi32>
    %select_n3A_517 = arith.select %lt3A_513, %broadcast_in_dim3A_516, %select_n3A_512 : vector<128x256xi1>, vector<128x256xi32>
    %lt3A_518 = arith.cmpf olt, %select_n3A_357, %select_n3A_514 : vector<128x256xf32>
    %select_n3A_519 = arith.select %lt3A_518, %select_n3A_357, %select_n3A_514 : vector<128x256xi1>, vector<128x256xf32>
    %jit3A_520 = arith.constant 23 : i32
    %broadcast_in_dim3A_521 = vector.broadcast %jit3A_520 : i32 to vector<128x256xi32>
    %select_n3A_522 = arith.select %lt3A_518, %broadcast_in_dim3A_521, %select_n3A_517 : vector<128x256xi1>, vector<128x256xi32>
    %lt3A_523 = arith.cmpf olt, %select_n3A_363, %select_n3A_519 : vector<128x256xf32>
    %select_n3A_524 = arith.select %lt3A_523, %select_n3A_363, %select_n3A_519 : vector<128x256xi1>, vector<128x256xf32>
    %jit3A_525 = arith.constant 24 : i32
    %broadcast_in_dim3A_526 = vector.broadcast %jit3A_525 : i32 to vector<128x256xi32>
    %select_n3A_527 = arith.select %lt3A_523, %broadcast_in_dim3A_526, %select_n3A_522 : vector<128x256xi1>, vector<128x256xi32>
    %lt3A_528 = arith.cmpf olt, %select_n3A_369, %select_n3A_524 : vector<128x256xf32>
    %select_n3A_529 = arith.select %lt3A_528, %select_n3A_369, %select_n3A_524 : vector<128x256xi1>, vector<128x256xf32>
    %jit3A_530 = arith.constant 25 : i32
    %broadcast_in_dim3A_531 = vector.broadcast %jit3A_530 : i32 to vector<128x256xi32>
    %select_n3A_532 = arith.select %lt3A_528, %broadcast_in_dim3A_531, %select_n3A_527 : vector<128x256xi1>, vector<128x256xi32>
    %lt3A_533 = arith.cmpf olt, %select_n3A_375, %select_n3A_529 : vector<128x256xf32>
    %select_n3A_534 = arith.select %lt3A_533, %select_n3A_375, %select_n3A_529 : vector<128x256xi1>, vector<128x256xf32>
    %jit3A_535 = arith.constant 26 : i32
    %broadcast_in_dim3A_536 = vector.broadcast %jit3A_535 : i32 to vector<128x256xi32>
    %select_n3A_537 = arith.select %lt3A_533, %broadcast_in_dim3A_536, %select_n3A_532 : vector<128x256xi1>, vector<128x256xi32>
    %lt3A_538 = arith.cmpf olt, %select_n3A_381, %select_n3A_534 : vector<128x256xf32>
    %select_n3A_539 = arith.select %lt3A_538, %select_n3A_381, %select_n3A_534 : vector<128x256xi1>, vector<128x256xf32>
    %jit3A_540 = arith.constant 27 : i32
    %broadcast_in_dim3A_541 = vector.broadcast %jit3A_540 : i32 to vector<128x256xi32>
    %select_n3A_542 = arith.select %lt3A_538, %broadcast_in_dim3A_541, %select_n3A_537 : vector<128x256xi1>, vector<128x256xi32>
    %lt3A_543 = arith.cmpf olt, %select_n3A_387, %select_n3A_539 : vector<128x256xf32>
    %select_n3A_544 = arith.select %lt3A_543, %select_n3A_387, %select_n3A_539 : vector<128x256xi1>, vector<128x256xf32>
    %jit3A_545 = arith.constant 28 : i32
    %broadcast_in_dim3A_546 = vector.broadcast %jit3A_545 : i32 to vector<128x256xi32>
    %select_n3A_547 = arith.select %lt3A_543, %broadcast_in_dim3A_546, %select_n3A_542 : vector<128x256xi1>, vector<128x256xi32>
    %lt3A_548 = arith.cmpf olt, %select_n3A_393, %select_n3A_544 : vector<128x256xf32>
    %select_n3A_549 = arith.select %lt3A_548, %select_n3A_393, %select_n3A_544 : vector<128x256xi1>, vector<128x256xf32>
    %jit3A_550 = arith.constant 29 : i32
    %broadcast_in_dim3A_551 = vector.broadcast %jit3A_550 : i32 to vector<128x256xi32>
    %select_n3A_552 = arith.select %lt3A_548, %broadcast_in_dim3A_551, %select_n3A_547 : vector<128x256xi1>, vector<128x256xi32>
    %lt3A_553 = arith.cmpf olt, %select_n3A_399, %select_n3A_549 : vector<128x256xf32>
    %select_n3A_554 = arith.select %lt3A_553, %select_n3A_399, %select_n3A_549 : vector<128x256xi1>, vector<128x256xf32>
    %jit3A_555 = arith.constant 30 : i32
    %broadcast_in_dim3A_556 = vector.broadcast %jit3A_555 : i32 to vector<128x256xi32>
    %select_n3A_557 = arith.select %lt3A_553, %broadcast_in_dim3A_556, %select_n3A_552 : vector<128x256xi1>, vector<128x256xi32>
    %lt3A_558 = arith.cmpf olt, %select_n3A_405, %select_n3A_554 : vector<128x256xf32>
    %select_n3A_559 = arith.select %lt3A_558, %select_n3A_405, %select_n3A_554 : vector<128x256xi1>, vector<128x256xf32>
    %jit3A_560 = arith.constant 31 : i32
    %broadcast_in_dim3A_561 = vector.broadcast %jit3A_560 : i32 to vector<128x256xi32>
    %select_n3A_562 = arith.select %lt3A_558, %broadcast_in_dim3A_561, %select_n3A_557 : vector<128x256xi1>, vector<128x256xi32>
    %eq3A_563 = arith.constant 0 : i32
    %eq3A_564 = vector.broadcast %eq3A_563 : i32 to vector<128x256xi32>
    %eq3A_565 = arith.cmpi eq, %select_n3A_562, %eq3A_564 : vector<128x256xi32>
    %jit3A_566 = arith.constant 0x7F800000 : f32
    %broadcast_in_dim3A_567 = vector.broadcast %jit3A_566 : f32 to vector<128x256xf32>
    %select_n3A_568 = arith.select %eq3A_565, %broadcast_in_dim3A_567, %select_n3A_219 : vector<128x256xi1>, vector<128x256xf32>
    %eq3A_569 = arith.constant 1 : i32
    %eq3A_570 = vector.broadcast %eq3A_569 : i32 to vector<128x256xi32>
    %eq3A_571 = arith.cmpi eq, %select_n3A_562, %eq3A_570 : vector<128x256xi32>
    %jit3A_572 = arith.constant 0x7F800000 : f32
    %broadcast_in_dim3A_573 = vector.broadcast %jit3A_572 : f32 to vector<128x256xf32>
    %select_n3A_574 = arith.select %eq3A_571, %broadcast_in_dim3A_573, %select_n3A_225 : vector<128x256xi1>, vector<128x256xf32>
    %eq3A_575 = arith.constant 2 : i32
    %eq3A_576 = vector.broadcast %eq3A_575 : i32 to vector<128x256xi32>
    %eq3A_577 = arith.cmpi eq, %select_n3A_562, %eq3A_576 : vector<128x256xi32>
    %jit3A_578 = arith.constant 0x7F800000 : f32
    %broadcast_in_dim3A_579 = vector.broadcast %jit3A_578 : f32 to vector<128x256xf32>
    %select_n3A_580 = arith.select %eq3A_577, %broadcast_in_dim3A_579, %select_n3A_231 : vector<128x256xi1>, vector<128x256xf32>
    %eq3A_581 = arith.constant 3 : i32
    %eq3A_582 = vector.broadcast %eq3A_581 : i32 to vector<128x256xi32>
    %eq3A_583 = arith.cmpi eq, %select_n3A_562, %eq3A_582 : vector<128x256xi32>
    %jit3A_584 = arith.constant 0x7F800000 : f32
    %broadcast_in_dim3A_585 = vector.broadcast %jit3A_584 : f32 to vector<128x256xf32>
    %select_n3A_586 = arith.select %eq3A_583, %broadcast_in_dim3A_585, %select_n3A_237 : vector<128x256xi1>, vector<128x256xf32>
    %eq3A_587 = arith.constant 4 : i32
    %eq3A_588 = vector.broadcast %eq3A_587 : i32 to vector<128x256xi32>
    %eq3A_589 = arith.cmpi eq, %select_n3A_562, %eq3A_588 : vector<128x256xi32>
    %jit3A_590 = arith.constant 0x7F800000 : f32
    %broadcast_in_dim3A_591 = vector.broadcast %jit3A_590 : f32 to vector<128x256xf32>
    %select_n3A_592 = arith.select %eq3A_589, %broadcast_in_dim3A_591, %select_n3A_243 : vector<128x256xi1>, vector<128x256xf32>
    %eq3A_593 = arith.constant 5 : i32
    %eq3A_594 = vector.broadcast %eq3A_593 : i32 to vector<128x256xi32>
    %eq3A_595 = arith.cmpi eq, %select_n3A_562, %eq3A_594 : vector<128x256xi32>
    %jit3A_596 = arith.constant 0x7F800000 : f32
    %broadcast_in_dim3A_597 = vector.broadcast %jit3A_596 : f32 to vector<128x256xf32>
    %select_n3A_598 = arith.select %eq3A_595, %broadcast_in_dim3A_597, %select_n3A_249 : vector<128x256xi1>, vector<128x256xf32>
    %eq3A_599 = arith.constant 6 : i32
    %eq3A_600 = vector.broadcast %eq3A_599 : i32 to vector<128x256xi32>
    %eq3A_601 = arith.cmpi eq, %select_n3A_562, %eq3A_600 : vector<128x256xi32>
    %jit3A_602 = arith.constant 0x7F800000 : f32
    %broadcast_in_dim3A_603 = vector.broadcast %jit3A_602 : f32 to vector<128x256xf32>
    %select_n3A_604 = arith.select %eq3A_601, %broadcast_in_dim3A_603, %select_n3A_255 : vector<128x256xi1>, vector<128x256xf32>
    %eq3A_605 = arith.constant 7 : i32
    %eq3A_606 = vector.broadcast %eq3A_605 : i32 to vector<128x256xi32>
    %eq3A_607 = arith.cmpi eq, %select_n3A_562, %eq3A_606 : vector<128x256xi32>
    %jit3A_608 = arith.constant 0x7F800000 : f32
    %broadcast_in_dim3A_609 = vector.broadcast %jit3A_608 : f32 to vector<128x256xf32>
    %select_n3A_610 = arith.select %eq3A_607, %broadcast_in_dim3A_609, %select_n3A_261 : vector<128x256xi1>, vector<128x256xf32>
    %eq3A_611 = arith.constant 8 : i32
    %eq3A_612 = vector.broadcast %eq3A_611 : i32 to vector<128x256xi32>
    %eq3A_613 = arith.cmpi eq, %select_n3A_562, %eq3A_612 : vector<128x256xi32>
    %jit3A_614 = arith.constant 0x7F800000 : f32
    %broadcast_in_dim3A_615 = vector.broadcast %jit3A_614 : f32 to vector<128x256xf32>
    %select_n3A_616 = arith.select %eq3A_613, %broadcast_in_dim3A_615, %select_n3A_267 : vector<128x256xi1>, vector<128x256xf32>
    %eq3A_617 = arith.constant 9 : i32
    %eq3A_618 = vector.broadcast %eq3A_617 : i32 to vector<128x256xi32>
    %eq3A_619 = arith.cmpi eq, %select_n3A_562, %eq3A_618 : vector<128x256xi32>
    %jit3A_620 = arith.constant 0x7F800000 : f32
    %broadcast_in_dim3A_621 = vector.broadcast %jit3A_620 : f32 to vector<128x256xf32>
    %select_n3A_622 = arith.select %eq3A_619, %broadcast_in_dim3A_621, %select_n3A_273 : vector<128x256xi1>, vector<128x256xf32>
    %eq3A_623 = arith.constant 10 : i32
    %eq3A_624 = vector.broadcast %eq3A_623 : i32 to vector<128x256xi32>
    %eq3A_625 = arith.cmpi eq, %select_n3A_562, %eq3A_624 : vector<128x256xi32>
    %jit3A_626 = arith.constant 0x7F800000 : f32
    %broadcast_in_dim3A_627 = vector.broadcast %jit3A_626 : f32 to vector<128x256xf32>
    %select_n3A_628 = arith.select %eq3A_625, %broadcast_in_dim3A_627, %select_n3A_279 : vector<128x256xi1>, vector<128x256xf32>
    %eq3A_629 = arith.constant 11 : i32
    %eq3A_630 = vector.broadcast %eq3A_629 : i32 to vector<128x256xi32>
    %eq3A_631 = arith.cmpi eq, %select_n3A_562, %eq3A_630 : vector<128x256xi32>
    %jit3A_632 = arith.constant 0x7F800000 : f32
    %broadcast_in_dim3A_633 = vector.broadcast %jit3A_632 : f32 to vector<128x256xf32>
    %select_n3A_634 = arith.select %eq3A_631, %broadcast_in_dim3A_633, %select_n3A_285 : vector<128x256xi1>, vector<128x256xf32>
    %eq3A_635 = arith.constant 12 : i32
    %eq3A_636 = vector.broadcast %eq3A_635 : i32 to vector<128x256xi32>
    %eq3A_637 = arith.cmpi eq, %select_n3A_562, %eq3A_636 : vector<128x256xi32>
    %jit3A_638 = arith.constant 0x7F800000 : f32
    %broadcast_in_dim3A_639 = vector.broadcast %jit3A_638 : f32 to vector<128x256xf32>
    %select_n3A_640 = arith.select %eq3A_637, %broadcast_in_dim3A_639, %select_n3A_291 : vector<128x256xi1>, vector<128x256xf32>
    %eq3A_641 = arith.constant 13 : i32
    %eq3A_642 = vector.broadcast %eq3A_641 : i32 to vector<128x256xi32>
    %eq3A_643 = arith.cmpi eq, %select_n3A_562, %eq3A_642 : vector<128x256xi32>
    %jit3A_644 = arith.constant 0x7F800000 : f32
    %broadcast_in_dim3A_645 = vector.broadcast %jit3A_644 : f32 to vector<128x256xf32>
    %select_n3A_646 = arith.select %eq3A_643, %broadcast_in_dim3A_645, %select_n3A_297 : vector<128x256xi1>, vector<128x256xf32>
    %eq3A_647 = arith.constant 14 : i32
    %eq3A_648 = vector.broadcast %eq3A_647 : i32 to vector<128x256xi32>
    %eq3A_649 = arith.cmpi eq, %select_n3A_562, %eq3A_648 : vector<128x256xi32>
    %jit3A_650 = arith.constant 0x7F800000 : f32
    %broadcast_in_dim3A_651 = vector.broadcast %jit3A_650 : f32 to vector<128x256xf32>
    %select_n3A_652 = arith.select %eq3A_649, %broadcast_in_dim3A_651, %select_n3A_303 : vector<128x256xi1>, vector<128x256xf32>
    %eq3A_653 = arith.constant 15 : i32
    %eq3A_654 = vector.broadcast %eq3A_653 : i32 to vector<128x256xi32>
    %eq3A_655 = arith.cmpi eq, %select_n3A_562, %eq3A_654 : vector<128x256xi32>
    %jit3A_656 = arith.constant 0x7F800000 : f32
    %broadcast_in_dim3A_657 = vector.broadcast %jit3A_656 : f32 to vector<128x256xf32>
    %select_n3A_658 = arith.select %eq3A_655, %broadcast_in_dim3A_657, %select_n3A_309 : vector<128x256xi1>, vector<128x256xf32>
    %eq3A_659 = arith.constant 16 : i32
    %eq3A_660 = vector.broadcast %eq3A_659 : i32 to vector<128x256xi32>
    %eq3A_661 = arith.cmpi eq, %select_n3A_562, %eq3A_660 : vector<128x256xi32>
    %jit3A_662 = arith.constant 0x7F800000 : f32
    %broadcast_in_dim3A_663 = vector.broadcast %jit3A_662 : f32 to vector<128x256xf32>
    %select_n3A_664 = arith.select %eq3A_661, %broadcast_in_dim3A_663, %select_n3A_315 : vector<128x256xi1>, vector<128x256xf32>
    %eq3A_665 = arith.constant 17 : i32
    %eq3A_666 = vector.broadcast %eq3A_665 : i32 to vector<128x256xi32>
    %eq3A_667 = arith.cmpi eq, %select_n3A_562, %eq3A_666 : vector<128x256xi32>
    %jit3A_668 = arith.constant 0x7F800000 : f32
    %broadcast_in_dim3A_669 = vector.broadcast %jit3A_668 : f32 to vector<128x256xf32>
    %select_n3A_670 = arith.select %eq3A_667, %broadcast_in_dim3A_669, %select_n3A_321 : vector<128x256xi1>, vector<128x256xf32>
    %eq3A_671 = arith.constant 18 : i32
    %eq3A_672 = vector.broadcast %eq3A_671 : i32 to vector<128x256xi32>
    %eq3A_673 = arith.cmpi eq, %select_n3A_562, %eq3A_672 : vector<128x256xi32>
    %jit3A_674 = arith.constant 0x7F800000 : f32
    %broadcast_in_dim3A_675 = vector.broadcast %jit3A_674 : f32 to vector<128x256xf32>
    %select_n3A_676 = arith.select %eq3A_673, %broadcast_in_dim3A_675, %select_n3A_327 : vector<128x256xi1>, vector<128x256xf32>
    %eq3A_677 = arith.constant 19 : i32
    %eq3A_678 = vector.broadcast %eq3A_677 : i32 to vector<128x256xi32>
    %eq3A_679 = arith.cmpi eq, %select_n3A_562, %eq3A_678 : vector<128x256xi32>
    %jit3A_680 = arith.constant 0x7F800000 : f32
    %broadcast_in_dim3A_681 = vector.broadcast %jit3A_680 : f32 to vector<128x256xf32>
    %select_n3A_682 = arith.select %eq3A_679, %broadcast_in_dim3A_681, %select_n3A_333 : vector<128x256xi1>, vector<128x256xf32>
    %eq3A_683 = arith.constant 20 : i32
    %eq3A_684 = vector.broadcast %eq3A_683 : i32 to vector<128x256xi32>
    %eq3A_685 = arith.cmpi eq, %select_n3A_562, %eq3A_684 : vector<128x256xi32>
    %jit3A_686 = arith.constant 0x7F800000 : f32
    %broadcast_in_dim3A_687 = vector.broadcast %jit3A_686 : f32 to vector<128x256xf32>
    %select_n3A_688 = arith.select %eq3A_685, %broadcast_in_dim3A_687, %select_n3A_339 : vector<128x256xi1>, vector<128x256xf32>
    %eq3A_689 = arith.constant 21 : i32
    %eq3A_690 = vector.broadcast %eq3A_689 : i32 to vector<128x256xi32>
    %eq3A_691 = arith.cmpi eq, %select_n3A_562, %eq3A_690 : vector<128x256xi32>
    %jit3A_692 = arith.constant 0x7F800000 : f32
    %broadcast_in_dim3A_693 = vector.broadcast %jit3A_692 : f32 to vector<128x256xf32>
    %select_n3A_694 = arith.select %eq3A_691, %broadcast_in_dim3A_693, %select_n3A_345 : vector<128x256xi1>, vector<128x256xf32>
    %eq3A_695 = arith.constant 22 : i32
    %eq3A_696 = vector.broadcast %eq3A_695 : i32 to vector<128x256xi32>
    %eq3A_697 = arith.cmpi eq, %select_n3A_562, %eq3A_696 : vector<128x256xi32>
    %jit3A_698 = arith.constant 0x7F800000 : f32
    %broadcast_in_dim3A_699 = vector.broadcast %jit3A_698 : f32 to vector<128x256xf32>
    %select_n3A_700 = arith.select %eq3A_697, %broadcast_in_dim3A_699, %select_n3A_351 : vector<128x256xi1>, vector<128x256xf32>
    %eq3A_701 = arith.constant 23 : i32
    %eq3A_702 = vector.broadcast %eq3A_701 : i32 to vector<128x256xi32>
    %eq3A_703 = arith.cmpi eq, %select_n3A_562, %eq3A_702 : vector<128x256xi32>
    %jit3A_704 = arith.constant 0x7F800000 : f32
    %broadcast_in_dim3A_705 = vector.broadcast %jit3A_704 : f32 to vector<128x256xf32>
    %select_n3A_706 = arith.select %eq3A_703, %broadcast_in_dim3A_705, %select_n3A_357 : vector<128x256xi1>, vector<128x256xf32>
    %eq3A_707 = arith.constant 24 : i32
    %eq3A_708 = vector.broadcast %eq3A_707 : i32 to vector<128x256xi32>
    %eq3A_709 = arith.cmpi eq, %select_n3A_562, %eq3A_708 : vector<128x256xi32>
    %jit3A_710 = arith.constant 0x7F800000 : f32
    %broadcast_in_dim3A_711 = vector.broadcast %jit3A_710 : f32 to vector<128x256xf32>
    %select_n3A_712 = arith.select %eq3A_709, %broadcast_in_dim3A_711, %select_n3A_363 : vector<128x256xi1>, vector<128x256xf32>
    %eq3A_713 = arith.constant 25 : i32
    %eq3A_714 = vector.broadcast %eq3A_713 : i32 to vector<128x256xi32>
    %eq3A_715 = arith.cmpi eq, %select_n3A_562, %eq3A_714 : vector<128x256xi32>
    %jit3A_716 = arith.constant 0x7F800000 : f32
    %broadcast_in_dim3A_717 = vector.broadcast %jit3A_716 : f32 to vector<128x256xf32>
    %select_n3A_718 = arith.select %eq3A_715, %broadcast_in_dim3A_717, %select_n3A_369 : vector<128x256xi1>, vector<128x256xf32>
    %eq3A_719 = arith.constant 26 : i32
    %eq3A_720 = vector.broadcast %eq3A_719 : i32 to vector<128x256xi32>
    %eq3A_721 = arith.cmpi eq, %select_n3A_562, %eq3A_720 : vector<128x256xi32>
    %jit3A_722 = arith.constant 0x7F800000 : f32
    %broadcast_in_dim3A_723 = vector.broadcast %jit3A_722 : f32 to vector<128x256xf32>
    %select_n3A_724 = arith.select %eq3A_721, %broadcast_in_dim3A_723, %select_n3A_375 : vector<128x256xi1>, vector<128x256xf32>
    %eq3A_725 = arith.constant 27 : i32
    %eq3A_726 = vector.broadcast %eq3A_725 : i32 to vector<128x256xi32>
    %eq3A_727 = arith.cmpi eq, %select_n3A_562, %eq3A_726 : vector<128x256xi32>
    %jit3A_728 = arith.constant 0x7F800000 : f32
    %broadcast_in_dim3A_729 = vector.broadcast %jit3A_728 : f32 to vector<128x256xf32>
    %select_n3A_730 = arith.select %eq3A_727, %broadcast_in_dim3A_729, %select_n3A_381 : vector<128x256xi1>, vector<128x256xf32>
    %eq3A_731 = arith.constant 28 : i32
    %eq3A_732 = vector.broadcast %eq3A_731 : i32 to vector<128x256xi32>
    %eq3A_733 = arith.cmpi eq, %select_n3A_562, %eq3A_732 : vector<128x256xi32>
    %jit3A_734 = arith.constant 0x7F800000 : f32
    %broadcast_in_dim3A_735 = vector.broadcast %jit3A_734 : f32 to vector<128x256xf32>
    %select_n3A_736 = arith.select %eq3A_733, %broadcast_in_dim3A_735, %select_n3A_387 : vector<128x256xi1>, vector<128x256xf32>
    %eq3A_737 = arith.constant 29 : i32
    %eq3A_738 = vector.broadcast %eq3A_737 : i32 to vector<128x256xi32>
    %eq3A_739 = arith.cmpi eq, %select_n3A_562, %eq3A_738 : vector<128x256xi32>
    %jit3A_740 = arith.constant 0x7F800000 : f32
    %broadcast_in_dim3A_741 = vector.broadcast %jit3A_740 : f32 to vector<128x256xf32>
    %select_n3A_742 = arith.select %eq3A_739, %broadcast_in_dim3A_741, %select_n3A_393 : vector<128x256xi1>, vector<128x256xf32>
    %eq3A_743 = arith.constant 30 : i32
    %eq3A_744 = vector.broadcast %eq3A_743 : i32 to vector<128x256xi32>
    %eq3A_745 = arith.cmpi eq, %select_n3A_562, %eq3A_744 : vector<128x256xi32>
    %jit3A_746 = arith.constant 0x7F800000 : f32
    %broadcast_in_dim3A_747 = vector.broadcast %jit3A_746 : f32 to vector<128x256xf32>
    %select_n3A_748 = arith.select %eq3A_745, %broadcast_in_dim3A_747, %select_n3A_399 : vector<128x256xi1>, vector<128x256xf32>
    %eq3A_749 = arith.constant 31 : i32
    %eq3A_750 = vector.broadcast %eq3A_749 : i32 to vector<128x256xi32>
    %eq3A_751 = arith.cmpi eq, %select_n3A_562, %eq3A_750 : vector<128x256xi32>
    %jit3A_752 = arith.constant 0x7F800000 : f32
    %broadcast_in_dim3A_753 = vector.broadcast %jit3A_752 : f32 to vector<128x256xf32>
    %select_n3A_754 = arith.select %eq3A_751, %broadcast_in_dim3A_753, %select_n3A_405 : vector<128x256xi1>, vector<128x256xf32>
    %broadcast_in_dim3A_755 = arith.constant 0 : i32
    %broadcast_in_dim3A_756 = vector.broadcast %broadcast_in_dim3A_755 : i32 to vector<128x256xi32>
    %lt3A_757 = arith.cmpf olt, %select_n3A_574, %select_n3A_568 : vector<128x256xf32>
    %select_n3A_758 = arith.select %lt3A_757, %select_n3A_574, %select_n3A_568 : vector<128x256xi1>, vector<128x256xf32>
    %jit3A_759 = arith.constant 1 : i32
    %broadcast_in_dim3A_760 = vector.broadcast %jit3A_759 : i32 to vector<128x256xi32>
    %select_n3A_761 = arith.select %lt3A_757, %broadcast_in_dim3A_760, %broadcast_in_dim3A_756 : vector<128x256xi1>, vector<128x256xi32>
    %lt3A_762 = arith.cmpf olt, %select_n3A_580, %select_n3A_758 : vector<128x256xf32>
    %select_n3A_763 = arith.select %lt3A_762, %select_n3A_580, %select_n3A_758 : vector<128x256xi1>, vector<128x256xf32>
    %jit3A_764 = arith.constant 2 : i32
    %broadcast_in_dim3A_765 = vector.broadcast %jit3A_764 : i32 to vector<128x256xi32>
    %select_n3A_766 = arith.select %lt3A_762, %broadcast_in_dim3A_765, %select_n3A_761 : vector<128x256xi1>, vector<128x256xi32>
    %lt3A_767 = arith.cmpf olt, %select_n3A_586, %select_n3A_763 : vector<128x256xf32>
    %select_n3A_768 = arith.select %lt3A_767, %select_n3A_586, %select_n3A_763 : vector<128x256xi1>, vector<128x256xf32>
    %jit3A_769 = arith.constant 3 : i32
    %broadcast_in_dim3A_770 = vector.broadcast %jit3A_769 : i32 to vector<128x256xi32>
    %select_n3A_771 = arith.select %lt3A_767, %broadcast_in_dim3A_770, %select_n3A_766 : vector<128x256xi1>, vector<128x256xi32>
    %lt3A_772 = arith.cmpf olt, %select_n3A_592, %select_n3A_768 : vector<128x256xf32>
    %select_n3A_773 = arith.select %lt3A_772, %select_n3A_592, %select_n3A_768 : vector<128x256xi1>, vector<128x256xf32>
    %jit3A_774 = arith.constant 4 : i32
    %broadcast_in_dim3A_775 = vector.broadcast %jit3A_774 : i32 to vector<128x256xi32>
    %select_n3A_776 = arith.select %lt3A_772, %broadcast_in_dim3A_775, %select_n3A_771 : vector<128x256xi1>, vector<128x256xi32>
    %lt3A_777 = arith.cmpf olt, %select_n3A_598, %select_n3A_773 : vector<128x256xf32>
    %select_n3A_778 = arith.select %lt3A_777, %select_n3A_598, %select_n3A_773 : vector<128x256xi1>, vector<128x256xf32>
    %jit3A_779 = arith.constant 5 : i32
    %broadcast_in_dim3A_780 = vector.broadcast %jit3A_779 : i32 to vector<128x256xi32>
    %select_n3A_781 = arith.select %lt3A_777, %broadcast_in_dim3A_780, %select_n3A_776 : vector<128x256xi1>, vector<128x256xi32>
    %lt3A_782 = arith.cmpf olt, %select_n3A_604, %select_n3A_778 : vector<128x256xf32>
    %select_n3A_783 = arith.select %lt3A_782, %select_n3A_604, %select_n3A_778 : vector<128x256xi1>, vector<128x256xf32>
    %jit3A_784 = arith.constant 6 : i32
    %broadcast_in_dim3A_785 = vector.broadcast %jit3A_784 : i32 to vector<128x256xi32>
    %select_n3A_786 = arith.select %lt3A_782, %broadcast_in_dim3A_785, %select_n3A_781 : vector<128x256xi1>, vector<128x256xi32>
    %lt3A_787 = arith.cmpf olt, %select_n3A_610, %select_n3A_783 : vector<128x256xf32>
    %select_n3A_788 = arith.select %lt3A_787, %select_n3A_610, %select_n3A_783 : vector<128x256xi1>, vector<128x256xf32>
    %jit3A_789 = arith.constant 7 : i32
    %broadcast_in_dim3A_790 = vector.broadcast %jit3A_789 : i32 to vector<128x256xi32>
    %select_n3A_791 = arith.select %lt3A_787, %broadcast_in_dim3A_790, %select_n3A_786 : vector<128x256xi1>, vector<128x256xi32>
    %lt3A_792 = arith.cmpf olt, %select_n3A_616, %select_n3A_788 : vector<128x256xf32>
    %select_n3A_793 = arith.select %lt3A_792, %select_n3A_616, %select_n3A_788 : vector<128x256xi1>, vector<128x256xf32>
    %jit3A_794 = arith.constant 8 : i32
    %broadcast_in_dim3A_795 = vector.broadcast %jit3A_794 : i32 to vector<128x256xi32>
    %select_n3A_796 = arith.select %lt3A_792, %broadcast_in_dim3A_795, %select_n3A_791 : vector<128x256xi1>, vector<128x256xi32>
    %lt3A_797 = arith.cmpf olt, %select_n3A_622, %select_n3A_793 : vector<128x256xf32>
    %select_n3A_798 = arith.select %lt3A_797, %select_n3A_622, %select_n3A_793 : vector<128x256xi1>, vector<128x256xf32>
    %jit3A_799 = arith.constant 9 : i32
    %broadcast_in_dim3A_800 = vector.broadcast %jit3A_799 : i32 to vector<128x256xi32>
    %select_n3A_801 = arith.select %lt3A_797, %broadcast_in_dim3A_800, %select_n3A_796 : vector<128x256xi1>, vector<128x256xi32>
    %lt3A_802 = arith.cmpf olt, %select_n3A_628, %select_n3A_798 : vector<128x256xf32>
    %select_n3A_803 = arith.select %lt3A_802, %select_n3A_628, %select_n3A_798 : vector<128x256xi1>, vector<128x256xf32>
    %jit3A_804 = arith.constant 10 : i32
    %broadcast_in_dim3A_805 = vector.broadcast %jit3A_804 : i32 to vector<128x256xi32>
    %select_n3A_806 = arith.select %lt3A_802, %broadcast_in_dim3A_805, %select_n3A_801 : vector<128x256xi1>, vector<128x256xi32>
    %lt3A_807 = arith.cmpf olt, %select_n3A_634, %select_n3A_803 : vector<128x256xf32>
    %select_n3A_808 = arith.select %lt3A_807, %select_n3A_634, %select_n3A_803 : vector<128x256xi1>, vector<128x256xf32>
    %jit3A_809 = arith.constant 11 : i32
    %broadcast_in_dim3A_810 = vector.broadcast %jit3A_809 : i32 to vector<128x256xi32>
    %select_n3A_811 = arith.select %lt3A_807, %broadcast_in_dim3A_810, %select_n3A_806 : vector<128x256xi1>, vector<128x256xi32>
    %lt3A_812 = arith.cmpf olt, %select_n3A_640, %select_n3A_808 : vector<128x256xf32>
    %select_n3A_813 = arith.select %lt3A_812, %select_n3A_640, %select_n3A_808 : vector<128x256xi1>, vector<128x256xf32>
    %jit3A_814 = arith.constant 12 : i32
    %broadcast_in_dim3A_815 = vector.broadcast %jit3A_814 : i32 to vector<128x256xi32>
    %select_n3A_816 = arith.select %lt3A_812, %broadcast_in_dim3A_815, %select_n3A_811 : vector<128x256xi1>, vector<128x256xi32>
    %lt3A_817 = arith.cmpf olt, %select_n3A_646, %select_n3A_813 : vector<128x256xf32>
    %select_n3A_818 = arith.select %lt3A_817, %select_n3A_646, %select_n3A_813 : vector<128x256xi1>, vector<128x256xf32>
    %jit3A_819 = arith.constant 13 : i32
    %broadcast_in_dim3A_820 = vector.broadcast %jit3A_819 : i32 to vector<128x256xi32>
    %select_n3A_821 = arith.select %lt3A_817, %broadcast_in_dim3A_820, %select_n3A_816 : vector<128x256xi1>, vector<128x256xi32>
    %lt3A_822 = arith.cmpf olt, %select_n3A_652, %select_n3A_818 : vector<128x256xf32>
    %select_n3A_823 = arith.select %lt3A_822, %select_n3A_652, %select_n3A_818 : vector<128x256xi1>, vector<128x256xf32>
    %jit3A_824 = arith.constant 14 : i32
    %broadcast_in_dim3A_825 = vector.broadcast %jit3A_824 : i32 to vector<128x256xi32>
    %select_n3A_826 = arith.select %lt3A_822, %broadcast_in_dim3A_825, %select_n3A_821 : vector<128x256xi1>, vector<128x256xi32>
    %lt3A_827 = arith.cmpf olt, %select_n3A_658, %select_n3A_823 : vector<128x256xf32>
    %select_n3A_828 = arith.select %lt3A_827, %select_n3A_658, %select_n3A_823 : vector<128x256xi1>, vector<128x256xf32>
    %jit3A_829 = arith.constant 15 : i32
    %broadcast_in_dim3A_830 = vector.broadcast %jit3A_829 : i32 to vector<128x256xi32>
    %select_n3A_831 = arith.select %lt3A_827, %broadcast_in_dim3A_830, %select_n3A_826 : vector<128x256xi1>, vector<128x256xi32>
    %lt3A_832 = arith.cmpf olt, %select_n3A_664, %select_n3A_828 : vector<128x256xf32>
    %select_n3A_833 = arith.select %lt3A_832, %select_n3A_664, %select_n3A_828 : vector<128x256xi1>, vector<128x256xf32>
    %jit3A_834 = arith.constant 16 : i32
    %broadcast_in_dim3A_835 = vector.broadcast %jit3A_834 : i32 to vector<128x256xi32>
    %select_n3A_836 = arith.select %lt3A_832, %broadcast_in_dim3A_835, %select_n3A_831 : vector<128x256xi1>, vector<128x256xi32>
    %lt3A_837 = arith.cmpf olt, %select_n3A_670, %select_n3A_833 : vector<128x256xf32>
    %select_n3A_838 = arith.select %lt3A_837, %select_n3A_670, %select_n3A_833 : vector<128x256xi1>, vector<128x256xf32>
    %jit3A_839 = arith.constant 17 : i32
    %broadcast_in_dim3A_840 = vector.broadcast %jit3A_839 : i32 to vector<128x256xi32>
    %select_n3A_841 = arith.select %lt3A_837, %broadcast_in_dim3A_840, %select_n3A_836 : vector<128x256xi1>, vector<128x256xi32>
    %lt3A_842 = arith.cmpf olt, %select_n3A_676, %select_n3A_838 : vector<128x256xf32>
    %select_n3A_843 = arith.select %lt3A_842, %select_n3A_676, %select_n3A_838 : vector<128x256xi1>, vector<128x256xf32>
    %jit3A_844 = arith.constant 18 : i32
    %broadcast_in_dim3A_845 = vector.broadcast %jit3A_844 : i32 to vector<128x256xi32>
    %select_n3A_846 = arith.select %lt3A_842, %broadcast_in_dim3A_845, %select_n3A_841 : vector<128x256xi1>, vector<128x256xi32>
    %lt3A_847 = arith.cmpf olt, %select_n3A_682, %select_n3A_843 : vector<128x256xf32>
    %select_n3A_848 = arith.select %lt3A_847, %select_n3A_682, %select_n3A_843 : vector<128x256xi1>, vector<128x256xf32>
    %jit3A_849 = arith.constant 19 : i32
    %broadcast_in_dim3A_850 = vector.broadcast %jit3A_849 : i32 to vector<128x256xi32>
    %select_n3A_851 = arith.select %lt3A_847, %broadcast_in_dim3A_850, %select_n3A_846 : vector<128x256xi1>, vector<128x256xi32>
    %lt3A_852 = arith.cmpf olt, %select_n3A_688, %select_n3A_848 : vector<128x256xf32>
    %select_n3A_853 = arith.select %lt3A_852, %select_n3A_688, %select_n3A_848 : vector<128x256xi1>, vector<128x256xf32>
    %jit3A_854 = arith.constant 20 : i32
    %broadcast_in_dim3A_855 = vector.broadcast %jit3A_854 : i32 to vector<128x256xi32>
    %select_n3A_856 = arith.select %lt3A_852, %broadcast_in_dim3A_855, %select_n3A_851 : vector<128x256xi1>, vector<128x256xi32>
    %lt3A_857 = arith.cmpf olt, %select_n3A_694, %select_n3A_853 : vector<128x256xf32>
    %select_n3A_858 = arith.select %lt3A_857, %select_n3A_694, %select_n3A_853 : vector<128x256xi1>, vector<128x256xf32>
    %jit3A_859 = arith.constant 21 : i32
    %broadcast_in_dim3A_860 = vector.broadcast %jit3A_859 : i32 to vector<128x256xi32>
    %select_n3A_861 = arith.select %lt3A_857, %broadcast_in_dim3A_860, %select_n3A_856 : vector<128x256xi1>, vector<128x256xi32>
    %lt3A_862 = arith.cmpf olt, %select_n3A_700, %select_n3A_858 : vector<128x256xf32>
    %select_n3A_863 = arith.select %lt3A_862, %select_n3A_700, %select_n3A_858 : vector<128x256xi1>, vector<128x256xf32>
    %jit3A_864 = arith.constant 22 : i32
    %broadcast_in_dim3A_865 = vector.broadcast %jit3A_864 : i32 to vector<128x256xi32>
    %select_n3A_866 = arith.select %lt3A_862, %broadcast_in_dim3A_865, %select_n3A_861 : vector<128x256xi1>, vector<128x256xi32>
    %lt3A_867 = arith.cmpf olt, %select_n3A_706, %select_n3A_863 : vector<128x256xf32>
    %select_n3A_868 = arith.select %lt3A_867, %select_n3A_706, %select_n3A_863 : vector<128x256xi1>, vector<128x256xf32>
    %jit3A_869 = arith.constant 23 : i32
    %broadcast_in_dim3A_870 = vector.broadcast %jit3A_869 : i32 to vector<128x256xi32>
    %select_n3A_871 = arith.select %lt3A_867, %broadcast_in_dim3A_870, %select_n3A_866 : vector<128x256xi1>, vector<128x256xi32>
    %lt3A_872 = arith.cmpf olt, %select_n3A_712, %select_n3A_868 : vector<128x256xf32>
    %select_n3A_873 = arith.select %lt3A_872, %select_n3A_712, %select_n3A_868 : vector<128x256xi1>, vector<128x256xf32>
    %jit3A_874 = arith.constant 24 : i32
    %broadcast_in_dim3A_875 = vector.broadcast %jit3A_874 : i32 to vector<128x256xi32>
    %select_n3A_876 = arith.select %lt3A_872, %broadcast_in_dim3A_875, %select_n3A_871 : vector<128x256xi1>, vector<128x256xi32>
    %lt3A_877 = arith.cmpf olt, %select_n3A_718, %select_n3A_873 : vector<128x256xf32>
    %select_n3A_878 = arith.select %lt3A_877, %select_n3A_718, %select_n3A_873 : vector<128x256xi1>, vector<128x256xf32>
    %jit3A_879 = arith.constant 25 : i32
    %broadcast_in_dim3A_880 = vector.broadcast %jit3A_879 : i32 to vector<128x256xi32>
    %select_n3A_881 = arith.select %lt3A_877, %broadcast_in_dim3A_880, %select_n3A_876 : vector<128x256xi1>, vector<128x256xi32>
    %lt3A_882 = arith.cmpf olt, %select_n3A_724, %select_n3A_878 : vector<128x256xf32>
    %select_n3A_883 = arith.select %lt3A_882, %select_n3A_724, %select_n3A_878 : vector<128x256xi1>, vector<128x256xf32>
    %jit3A_884 = arith.constant 26 : i32
    %broadcast_in_dim3A_885 = vector.broadcast %jit3A_884 : i32 to vector<128x256xi32>
    %select_n3A_886 = arith.select %lt3A_882, %broadcast_in_dim3A_885, %select_n3A_881 : vector<128x256xi1>, vector<128x256xi32>
    %lt3A_887 = arith.cmpf olt, %select_n3A_730, %select_n3A_883 : vector<128x256xf32>
    %select_n3A_888 = arith.select %lt3A_887, %select_n3A_730, %select_n3A_883 : vector<128x256xi1>, vector<128x256xf32>
    %jit3A_889 = arith.constant 27 : i32
    %broadcast_in_dim3A_890 = vector.broadcast %jit3A_889 : i32 to vector<128x256xi32>
    %select_n3A_891 = arith.select %lt3A_887, %broadcast_in_dim3A_890, %select_n3A_886 : vector<128x256xi1>, vector<128x256xi32>
    %lt3A_892 = arith.cmpf olt, %select_n3A_736, %select_n3A_888 : vector<128x256xf32>
    %select_n3A_893 = arith.select %lt3A_892, %select_n3A_736, %select_n3A_888 : vector<128x256xi1>, vector<128x256xf32>
    %jit3A_894 = arith.constant 28 : i32
    %broadcast_in_dim3A_895 = vector.broadcast %jit3A_894 : i32 to vector<128x256xi32>
    %select_n3A_896 = arith.select %lt3A_892, %broadcast_in_dim3A_895, %select_n3A_891 : vector<128x256xi1>, vector<128x256xi32>
    %lt3A_897 = arith.cmpf olt, %select_n3A_742, %select_n3A_893 : vector<128x256xf32>
    %select_n3A_898 = arith.select %lt3A_897, %select_n3A_742, %select_n3A_893 : vector<128x256xi1>, vector<128x256xf32>
    %jit3A_899 = arith.constant 29 : i32
    %broadcast_in_dim3A_900 = vector.broadcast %jit3A_899 : i32 to vector<128x256xi32>
    %select_n3A_901 = arith.select %lt3A_897, %broadcast_in_dim3A_900, %select_n3A_896 : vector<128x256xi1>, vector<128x256xi32>
    %lt3A_902 = arith.cmpf olt, %select_n3A_748, %select_n3A_898 : vector<128x256xf32>
    %select_n3A_903 = arith.select %lt3A_902, %select_n3A_748, %select_n3A_898 : vector<128x256xi1>, vector<128x256xf32>
    %jit3A_904 = arith.constant 30 : i32
    %broadcast_in_dim3A_905 = vector.broadcast %jit3A_904 : i32 to vector<128x256xi32>
    %select_n3A_906 = arith.select %lt3A_902, %broadcast_in_dim3A_905, %select_n3A_901 : vector<128x256xi1>, vector<128x256xi32>
    %lt3A_907 = arith.cmpf olt, %select_n3A_754, %select_n3A_903 : vector<128x256xf32>
    %select_n3A_908 = arith.select %lt3A_907, %select_n3A_754, %select_n3A_903 : vector<128x256xi1>, vector<128x256xf32>
    %jit3A_909 = arith.constant 31 : i32
    %broadcast_in_dim3A_910 = vector.broadcast %jit3A_909 : i32 to vector<128x256xi32>
    %select_n3A_911 = arith.select %lt3A_907, %broadcast_in_dim3A_910, %select_n3A_906 : vector<128x256xi1>, vector<128x256xi32>
    %iota3A = tpu.iota {dimensions = array<i32: 1>} : vector<1x256xi32>
    %mul3A_912 = arith.constant 256 : i32
    %mul3A_913 = vector.broadcast %mul3A_912 : i32 to vector<128x256xi32>
    %mul3A_914 = arith.muli %select_n3A_214, %mul3A_913 : vector<128x256xi32>
    %add3A_915 = vector.broadcast %iota3A : vector<1x256xi32> to vector<128x256xi32>
    %add3A_916 = arith.addi %mul3A_914, %add3A_915 : vector<128x256xi32>
    %mul3A_917 = arith.constant 256 : i32
    %mul3A_918 = vector.broadcast %mul3A_917 : i32 to vector<128x256xi32>
    %mul3A_919 = arith.muli %select_n3A_562, %mul3A_918 : vector<128x256xi32>
    %add3A_920 = vector.broadcast %iota3A : vector<1x256xi32> to vector<128x256xi32>
    %add3A_921 = arith.addi %mul3A_919, %add3A_920 : vector<128x256xi32>
    %mul3A_922 = arith.constant 256 : i32
    %mul3A_923 = vector.broadcast %mul3A_922 : i32 to vector<128x256xi32>
    %mul3A_924 = arith.muli %select_n3A_911, %mul3A_923 : vector<128x256xi32>
    %add3A_925 = vector.broadcast %iota3A : vector<1x256xi32> to vector<128x256xi32>
    %add3A_926 = arith.addi %mul3A_924, %add3A_925 : vector<128x256xi32>
    %broadcast_in_dim3A_927 = arith.constant 0 : i32
    %broadcast_in_dim3A_928 = vector.broadcast %broadcast_in_dim3A_927 : i32 to vector<128x256xi32>
    %broadcast_in_dim3A_929 = arith.constant false
    %broadcast_in_dim3A_930 = vector.broadcast %broadcast_in_dim3A_929 : i1 to vector<128x1xi1>
    %reduce_min3A = arith.constant dense<0x7F800000> : vector<128xf32>
    %reduce_min3A_931 = vector.multi_reduction <minimumf>, %select_n3A_211, %reduce_min3A [1] : vector<128x256xf32> to vector<128xf32>
    %broadcast_in_dim3A_932 = vector.shape_cast %reduce_min3A_931 : vector<128xf32> to vector<128x1xf32>
    %eq3A_933 = vector.broadcast %broadcast_in_dim3A_932 : vector<128x1xf32> to vector<128x256xf32>
    %eq3A_934 = arith.cmpf oeq, %select_n3A_211, %eq3A_933 : vector<128x256xf32>
    %jit3A_935 = arith.constant 16384 : i32
    %broadcast_in_dim3A_936 = vector.broadcast %jit3A_935 : i32 to vector<128x256xi32>
    %select_n3A_937 = arith.select %eq3A_934, %add3A_916, %broadcast_in_dim3A_936 : vector<128x256xi1>, vector<128x256xi32>
    %reduce_min3A_938 = arith.constant dense<2147483647> : vector<128xi32>
    %reduce_min3A_939 = vector.multi_reduction <minsi>, %select_n3A_937, %reduce_min3A_938 [1] : vector<128x256xi32> to vector<128xi32>
    %broadcast_in_dim3A_940 = vector.shape_cast %reduce_min3A_939 : vector<128xi32> to vector<128x1xi32>
    %eq3A_941 = vector.broadcast %broadcast_in_dim3A_940 : vector<128x1xi32> to vector<128x256xi32>
    %eq3A_942 = arith.cmpi eq, %add3A_916, %eq3A_941 : vector<128x256xi32>
    %eq3A_943 = vector.broadcast %broadcast_in_dim3A_932 : vector<128x1xf32> to vector<128x256xf32>
    %eq3A_944 = arith.cmpf oeq, %select_n3A_211, %eq3A_943 : vector<128x256xf32>
    %and3A = arith.andi %eq3A_942, %eq3A_944 : vector<128x256xi1>
    %eq3A_945 = arith.constant 2 : i32
    %eq3A_946 = vector.broadcast %eq3A_945 : i32 to vector<128x256xi32>
    %eq3A_947 = arith.cmpi eq, %broadcast_in_dim3A_928, %eq3A_946 : vector<128x256xi32>
    %and3A_948 = arith.andi %and3A, %eq3A_947 : vector<128x256xi1>
    %reduce_or3A = arith.constant 1.000000e+00 : f32
    %reduce_or3A_949 = arith.constant 0.000000e+00 : f32
    %reduce_or3A_950 = vector.broadcast %reduce_or3A : f32 to vector<128x256xf32>
    %reduce_or3A_951 = vector.broadcast %reduce_or3A_949 : f32 to vector<128x256xf32>
    %reduce_or3A_952 = arith.select %and3A_948, %reduce_or3A_950, %reduce_or3A_951 : vector<128x256xi1>, vector<128x256xf32>
    %reduce_or3A_953 = arith.constant dense<0xFF800000> : vector<128xf32>
    %reduce_or3A_954 = vector.multi_reduction <maximumf>, %reduce_or3A_952, %reduce_or3A_953 [1] : vector<128x256xf32> to vector<128xf32>
    %reduce_or3A_955 = arith.constant 0.000000e+00 : f32
    %reduce_or3A_956 = vector.broadcast %reduce_or3A_955 : f32 to vector<128xf32>
    %reduce_or3A_957 = arith.cmpf ogt, %reduce_or3A_954, %reduce_or3A_956 : vector<128xf32>
    %broadcast_in_dim3A_958 = vector.shape_cast %reduce_or3A_957 : vector<128xi1> to vector<128x1xi1>
    %or3A = arith.ori %broadcast_in_dim3A_930, %broadcast_in_dim3A_958 : vector<128x1xi1>
    %convert_element_type3A_959 = arith.extui %and3A : vector<128x256xi1> to vector<128x256xi32>
    %add3A_960 = arith.addi %broadcast_in_dim3A_928, %convert_element_type3A_959 : vector<128x256xi32>
    %select_n3A_961 = arith.select %and3A, %select_n3A_559, %select_n3A_211 : vector<128x256xi1>, vector<128x256xf32>
    %select_n3A_962 = arith.select %and3A, %add3A_921, %add3A_916 : vector<128x256xi1>, vector<128x256xi32>
    %select_n3A_963 = arith.select %and3A, %select_n3A_908, %select_n3A_559 : vector<128x256xi1>, vector<128x256xf32>
    %select_n3A_964 = arith.select %and3A, %add3A_926, %add3A_921 : vector<128x256xi1>, vector<128x256xi32>
    %jit3A_965 = arith.constant 0x7F800000 : f32
    %broadcast_in_dim3A_966 = vector.broadcast %jit3A_965 : f32 to vector<128x256xf32>
    %select_n3A_967 = arith.select %and3A, %broadcast_in_dim3A_966, %select_n3A_908 : vector<128x256xi1>, vector<128x256xf32>
    %reduce_min3A_968 = arith.constant dense<0x7F800000> : vector<128xf32>
    %reduce_min3A_969 = vector.multi_reduction <minimumf>, %select_n3A_961, %reduce_min3A_968 [1] : vector<128x256xf32> to vector<128xf32>
    %broadcast_in_dim3A_970 = vector.shape_cast %reduce_min3A_969 : vector<128xf32> to vector<128x1xf32>
    %eq3A_971 = vector.broadcast %broadcast_in_dim3A_970 : vector<128x1xf32> to vector<128x256xf32>
    %eq3A_972 = arith.cmpf oeq, %select_n3A_961, %eq3A_971 : vector<128x256xf32>
    %jit3A_973 = arith.constant 16384 : i32
    %broadcast_in_dim3A_974 = vector.broadcast %jit3A_973 : i32 to vector<128x256xi32>
    %select_n3A_975 = arith.select %eq3A_972, %select_n3A_962, %broadcast_in_dim3A_974 : vector<128x256xi1>, vector<128x256xi32>
    %reduce_min3A_976 = arith.constant dense<2147483647> : vector<128xi32>
    %reduce_min3A_977 = vector.multi_reduction <minsi>, %select_n3A_975, %reduce_min3A_976 [1] : vector<128x256xi32> to vector<128xi32>
    %broadcast_in_dim3A_978 = vector.shape_cast %reduce_min3A_977 : vector<128xi32> to vector<128x1xi32>
    %eq3A_979 = vector.broadcast %broadcast_in_dim3A_978 : vector<128x1xi32> to vector<128x256xi32>
    %eq3A_980 = arith.cmpi eq, %select_n3A_962, %eq3A_979 : vector<128x256xi32>
    %eq3A_981 = vector.broadcast %broadcast_in_dim3A_970 : vector<128x1xf32> to vector<128x256xf32>
    %eq3A_982 = arith.cmpf oeq, %select_n3A_961, %eq3A_981 : vector<128x256xf32>
    %and3A_983 = arith.andi %eq3A_980, %eq3A_982 : vector<128x256xi1>
    %eq3A_984 = arith.constant 2 : i32
    %eq3A_985 = vector.broadcast %eq3A_984 : i32 to vector<128x256xi32>
    %eq3A_986 = arith.cmpi eq, %add3A_960, %eq3A_985 : vector<128x256xi32>
    %and3A_987 = arith.andi %and3A_983, %eq3A_986 : vector<128x256xi1>
    %reduce_or3A_988 = arith.constant 1.000000e+00 : f32
    %reduce_or3A_989 = arith.constant 0.000000e+00 : f32
    %reduce_or3A_990 = vector.broadcast %reduce_or3A_988 : f32 to vector<128x256xf32>
    %reduce_or3A_991 = vector.broadcast %reduce_or3A_989 : f32 to vector<128x256xf32>
    %reduce_or3A_992 = arith.select %and3A_987, %reduce_or3A_990, %reduce_or3A_991 : vector<128x256xi1>, vector<128x256xf32>
    %reduce_or3A_993 = arith.constant dense<0xFF800000> : vector<128xf32>
    %reduce_or3A_994 = vector.multi_reduction <maximumf>, %reduce_or3A_992, %reduce_or3A_993 [1] : vector<128x256xf32> to vector<128xf32>
    %reduce_or3A_995 = arith.constant 0.000000e+00 : f32
    %reduce_or3A_996 = vector.broadcast %reduce_or3A_995 : f32 to vector<128xf32>
    %reduce_or3A_997 = arith.cmpf ogt, %reduce_or3A_994, %reduce_or3A_996 : vector<128xf32>
    %broadcast_in_dim3A_998 = vector.shape_cast %reduce_or3A_997 : vector<128xi1> to vector<128x1xi1>
    %or3A_999 = arith.ori %or3A, %broadcast_in_dim3A_998 : vector<128x1xi1>
    %convert_element_type3A_1000 = arith.extui %and3A_983 : vector<128x256xi1> to vector<128x256xi32>
    %add3A_1001 = arith.addi %add3A_960, %convert_element_type3A_1000 : vector<128x256xi32>
    %select_n3A_1002 = arith.select %and3A_983, %select_n3A_963, %select_n3A_961 : vector<128x256xi1>, vector<128x256xf32>
    %select_n3A_1003 = arith.select %and3A_983, %select_n3A_964, %select_n3A_962 : vector<128x256xi1>, vector<128x256xi32>
    %select_n3A_1004 = arith.select %and3A_983, %select_n3A_967, %select_n3A_963 : vector<128x256xi1>, vector<128x256xf32>
    %select_n3A_1005 = arith.select %and3A_983, %add3A_926, %select_n3A_964 : vector<128x256xi1>, vector<128x256xi32>
    %jit3A_1006 = arith.constant 0x7F800000 : f32
    %broadcast_in_dim3A_1007 = vector.broadcast %jit3A_1006 : f32 to vector<128x256xf32>
    %select_n3A_1008 = arith.select %and3A_983, %broadcast_in_dim3A_1007, %select_n3A_967 : vector<128x256xi1>, vector<128x256xf32>
    %reduce_min3A_1009 = arith.constant dense<0x7F800000> : vector<128xf32>
    %reduce_min3A_1010 = vector.multi_reduction <minimumf>, %select_n3A_1002, %reduce_min3A_1009 [1] : vector<128x256xf32> to vector<128xf32>
    %broadcast_in_dim3A_1011 = vector.shape_cast %reduce_min3A_1010 : vector<128xf32> to vector<128x1xf32>
    %eq3A_1012 = vector.broadcast %broadcast_in_dim3A_1011 : vector<128x1xf32> to vector<128x256xf32>
    %eq3A_1013 = arith.cmpf oeq, %select_n3A_1002, %eq3A_1012 : vector<128x256xf32>
    %jit3A_1014 = arith.constant 16384 : i32
    %broadcast_in_dim3A_1015 = vector.broadcast %jit3A_1014 : i32 to vector<128x256xi32>
    %select_n3A_1016 = arith.select %eq3A_1013, %select_n3A_1003, %broadcast_in_dim3A_1015 : vector<128x256xi1>, vector<128x256xi32>
    %reduce_min3A_1017 = arith.constant dense<2147483647> : vector<128xi32>
    %reduce_min3A_1018 = vector.multi_reduction <minsi>, %select_n3A_1016, %reduce_min3A_1017 [1] : vector<128x256xi32> to vector<128xi32>
    %broadcast_in_dim3A_1019 = vector.shape_cast %reduce_min3A_1018 : vector<128xi32> to vector<128x1xi32>
    %eq3A_1020 = vector.broadcast %broadcast_in_dim3A_1019 : vector<128x1xi32> to vector<128x256xi32>
    %eq3A_1021 = arith.cmpi eq, %select_n3A_1003, %eq3A_1020 : vector<128x256xi32>
    %eq3A_1022 = vector.broadcast %broadcast_in_dim3A_1011 : vector<128x1xf32> to vector<128x256xf32>
    %eq3A_1023 = arith.cmpf oeq, %select_n3A_1002, %eq3A_1022 : vector<128x256xf32>
    %and3A_1024 = arith.andi %eq3A_1021, %eq3A_1023 : vector<128x256xi1>
    %eq3A_1025 = arith.constant 2 : i32
    %eq3A_1026 = vector.broadcast %eq3A_1025 : i32 to vector<128x256xi32>
    %eq3A_1027 = arith.cmpi eq, %add3A_1001, %eq3A_1026 : vector<128x256xi32>
    %and3A_1028 = arith.andi %and3A_1024, %eq3A_1027 : vector<128x256xi1>
    %reduce_or3A_1029 = arith.constant 1.000000e+00 : f32
    %reduce_or3A_1030 = arith.constant 0.000000e+00 : f32
    %reduce_or3A_1031 = vector.broadcast %reduce_or3A_1029 : f32 to vector<128x256xf32>
    %reduce_or3A_1032 = vector.broadcast %reduce_or3A_1030 : f32 to vector<128x256xf32>
    %reduce_or3A_1033 = arith.select %and3A_1028, %reduce_or3A_1031, %reduce_or3A_1032 : vector<128x256xi1>, vector<128x256xf32>
    %reduce_or3A_1034 = arith.constant dense<0xFF800000> : vector<128xf32>
    %reduce_or3A_1035 = vector.multi_reduction <maximumf>, %reduce_or3A_1033, %reduce_or3A_1034 [1] : vector<128x256xf32> to vector<128xf32>
    %reduce_or3A_1036 = arith.constant 0.000000e+00 : f32
    %reduce_or3A_1037 = vector.broadcast %reduce_or3A_1036 : f32 to vector<128xf32>
    %reduce_or3A_1038 = arith.cmpf ogt, %reduce_or3A_1035, %reduce_or3A_1037 : vector<128xf32>
    %broadcast_in_dim3A_1039 = vector.shape_cast %reduce_or3A_1038 : vector<128xi1> to vector<128x1xi1>
    %or3A_1040 = arith.ori %or3A_999, %broadcast_in_dim3A_1039 : vector<128x1xi1>
    %convert_element_type3A_1041 = arith.extui %and3A_1024 : vector<128x256xi1> to vector<128x256xi32>
    %add3A_1042 = arith.addi %add3A_1001, %convert_element_type3A_1041 : vector<128x256xi32>
    %select_n3A_1043 = arith.select %and3A_1024, %select_n3A_1004, %select_n3A_1002 : vector<128x256xi1>, vector<128x256xf32>
    %select_n3A_1044 = arith.select %and3A_1024, %select_n3A_1005, %select_n3A_1003 : vector<128x256xi1>, vector<128x256xi32>
    %select_n3A_1045 = arith.select %and3A_1024, %select_n3A_1008, %select_n3A_1004 : vector<128x256xi1>, vector<128x256xf32>
    %select_n3A_1046 = arith.select %and3A_1024, %add3A_926, %select_n3A_1005 : vector<128x256xi1>, vector<128x256xi32>
    %jit3A_1047 = arith.constant 0x7F800000 : f32
    %broadcast_in_dim3A_1048 = vector.broadcast %jit3A_1047 : f32 to vector<128x256xf32>
    %select_n3A_1049 = arith.select %and3A_1024, %broadcast_in_dim3A_1048, %select_n3A_1008 : vector<128x256xi1>, vector<128x256xf32>
    %reduce_min3A_1050 = arith.constant dense<0x7F800000> : vector<128xf32>
    %reduce_min3A_1051 = vector.multi_reduction <minimumf>, %select_n3A_1043, %reduce_min3A_1050 [1] : vector<128x256xf32> to vector<128xf32>
    %broadcast_in_dim3A_1052 = vector.shape_cast %reduce_min3A_1051 : vector<128xf32> to vector<128x1xf32>
    %eq3A_1053 = vector.broadcast %broadcast_in_dim3A_1052 : vector<128x1xf32> to vector<128x256xf32>
    %eq3A_1054 = arith.cmpf oeq, %select_n3A_1043, %eq3A_1053 : vector<128x256xf32>
    %jit3A_1055 = arith.constant 16384 : i32
    %broadcast_in_dim3A_1056 = vector.broadcast %jit3A_1055 : i32 to vector<128x256xi32>
    %select_n3A_1057 = arith.select %eq3A_1054, %select_n3A_1044, %broadcast_in_dim3A_1056 : vector<128x256xi1>, vector<128x256xi32>
    %reduce_min3A_1058 = arith.constant dense<2147483647> : vector<128xi32>
    %reduce_min3A_1059 = vector.multi_reduction <minsi>, %select_n3A_1057, %reduce_min3A_1058 [1] : vector<128x256xi32> to vector<128xi32>
    %broadcast_in_dim3A_1060 = vector.shape_cast %reduce_min3A_1059 : vector<128xi32> to vector<128x1xi32>
    %eq3A_1061 = vector.broadcast %broadcast_in_dim3A_1060 : vector<128x1xi32> to vector<128x256xi32>
    %eq3A_1062 = arith.cmpi eq, %select_n3A_1044, %eq3A_1061 : vector<128x256xi32>
    %eq3A_1063 = vector.broadcast %broadcast_in_dim3A_1052 : vector<128x1xf32> to vector<128x256xf32>
    %eq3A_1064 = arith.cmpf oeq, %select_n3A_1043, %eq3A_1063 : vector<128x256xf32>
    %and3A_1065 = arith.andi %eq3A_1062, %eq3A_1064 : vector<128x256xi1>
    %eq3A_1066 = arith.constant 2 : i32
    %eq3A_1067 = vector.broadcast %eq3A_1066 : i32 to vector<128x256xi32>
    %eq3A_1068 = arith.cmpi eq, %add3A_1042, %eq3A_1067 : vector<128x256xi32>
    %and3A_1069 = arith.andi %and3A_1065, %eq3A_1068 : vector<128x256xi1>
    %reduce_or3A_1070 = arith.constant 1.000000e+00 : f32
    %reduce_or3A_1071 = arith.constant 0.000000e+00 : f32
    %reduce_or3A_1072 = vector.broadcast %reduce_or3A_1070 : f32 to vector<128x256xf32>
    %reduce_or3A_1073 = vector.broadcast %reduce_or3A_1071 : f32 to vector<128x256xf32>
    %reduce_or3A_1074 = arith.select %and3A_1069, %reduce_or3A_1072, %reduce_or3A_1073 : vector<128x256xi1>, vector<128x256xf32>
    %reduce_or3A_1075 = arith.constant dense<0xFF800000> : vector<128xf32>
    %reduce_or3A_1076 = vector.multi_reduction <maximumf>, %reduce_or3A_1074, %reduce_or3A_1075 [1] : vector<128x256xf32> to vector<128xf32>
    %reduce_or3A_1077 = arith.constant 0.000000e+00 : f32
    %reduce_or3A_1078 = vector.broadcast %reduce_or3A_1077 : f32 to vector<128xf32>
    %reduce_or3A_1079 = arith.cmpf ogt, %reduce_or3A_1076, %reduce_or3A_1078 : vector<128xf32>
    %broadcast_in_dim3A_1080 = vector.shape_cast %reduce_or3A_1079 : vector<128xi1> to vector<128x1xi1>
    %or3A_1081 = arith.ori %or3A_1040, %broadcast_in_dim3A_1080 : vector<128x1xi1>
    %convert_element_type3A_1082 = arith.extui %and3A_1065 : vector<128x256xi1> to vector<128x256xi32>
    %add3A_1083 = arith.addi %add3A_1042, %convert_element_type3A_1082 : vector<128x256xi32>
    %select_n3A_1084 = arith.select %and3A_1065, %select_n3A_1045, %select_n3A_1043 : vector<128x256xi1>, vector<128x256xf32>
    %select_n3A_1085 = arith.select %and3A_1065, %select_n3A_1046, %select_n3A_1044 : vector<128x256xi1>, vector<128x256xi32>
    %select_n3A_1086 = arith.select %and3A_1065, %select_n3A_1049, %select_n3A_1045 : vector<128x256xi1>, vector<128x256xf32>
    %select_n3A_1087 = arith.select %and3A_1065, %add3A_926, %select_n3A_1046 : vector<128x256xi1>, vector<128x256xi32>
    %jit3A_1088 = arith.constant 0x7F800000 : f32
    %broadcast_in_dim3A_1089 = vector.broadcast %jit3A_1088 : f32 to vector<128x256xf32>
    %select_n3A_1090 = arith.select %and3A_1065, %broadcast_in_dim3A_1089, %select_n3A_1049 : vector<128x256xi1>, vector<128x256xf32>
    %reduce_min3A_1091 = arith.constant dense<0x7F800000> : vector<128xf32>
    %reduce_min3A_1092 = vector.multi_reduction <minimumf>, %select_n3A_1084, %reduce_min3A_1091 [1] : vector<128x256xf32> to vector<128xf32>
    %broadcast_in_dim3A_1093 = vector.shape_cast %reduce_min3A_1092 : vector<128xf32> to vector<128x1xf32>
    %eq3A_1094 = vector.broadcast %broadcast_in_dim3A_1093 : vector<128x1xf32> to vector<128x256xf32>
    %eq3A_1095 = arith.cmpf oeq, %select_n3A_1084, %eq3A_1094 : vector<128x256xf32>
    %jit3A_1096 = arith.constant 16384 : i32
    %broadcast_in_dim3A_1097 = vector.broadcast %jit3A_1096 : i32 to vector<128x256xi32>
    %select_n3A_1098 = arith.select %eq3A_1095, %select_n3A_1085, %broadcast_in_dim3A_1097 : vector<128x256xi1>, vector<128x256xi32>
    %reduce_min3A_1099 = arith.constant dense<2147483647> : vector<128xi32>
    %reduce_min3A_1100 = vector.multi_reduction <minsi>, %select_n3A_1098, %reduce_min3A_1099 [1] : vector<128x256xi32> to vector<128xi32>
    %broadcast_in_dim3A_1101 = vector.shape_cast %reduce_min3A_1100 : vector<128xi32> to vector<128x1xi32>
    %eq3A_1102 = vector.broadcast %broadcast_in_dim3A_1101 : vector<128x1xi32> to vector<128x256xi32>
    %eq3A_1103 = arith.cmpi eq, %select_n3A_1085, %eq3A_1102 : vector<128x256xi32>
    %eq3A_1104 = vector.broadcast %broadcast_in_dim3A_1093 : vector<128x1xf32> to vector<128x256xf32>
    %eq3A_1105 = arith.cmpf oeq, %select_n3A_1084, %eq3A_1104 : vector<128x256xf32>
    %and3A_1106 = arith.andi %eq3A_1103, %eq3A_1105 : vector<128x256xi1>
    %eq3A_1107 = arith.constant 2 : i32
    %eq3A_1108 = vector.broadcast %eq3A_1107 : i32 to vector<128x256xi32>
    %eq3A_1109 = arith.cmpi eq, %add3A_1083, %eq3A_1108 : vector<128x256xi32>
    %and3A_1110 = arith.andi %and3A_1106, %eq3A_1109 : vector<128x256xi1>
    %reduce_or3A_1111 = arith.constant 1.000000e+00 : f32
    %reduce_or3A_1112 = arith.constant 0.000000e+00 : f32
    %reduce_or3A_1113 = vector.broadcast %reduce_or3A_1111 : f32 to vector<128x256xf32>
    %reduce_or3A_1114 = vector.broadcast %reduce_or3A_1112 : f32 to vector<128x256xf32>
    %reduce_or3A_1115 = arith.select %and3A_1110, %reduce_or3A_1113, %reduce_or3A_1114 : vector<128x256xi1>, vector<128x256xf32>
    %reduce_or3A_1116 = arith.constant dense<0xFF800000> : vector<128xf32>
    %reduce_or3A_1117 = vector.multi_reduction <maximumf>, %reduce_or3A_1115, %reduce_or3A_1116 [1] : vector<128x256xf32> to vector<128xf32>
    %reduce_or3A_1118 = arith.constant 0.000000e+00 : f32
    %reduce_or3A_1119 = vector.broadcast %reduce_or3A_1118 : f32 to vector<128xf32>
    %reduce_or3A_1120 = arith.cmpf ogt, %reduce_or3A_1117, %reduce_or3A_1119 : vector<128xf32>
    %broadcast_in_dim3A_1121 = vector.shape_cast %reduce_or3A_1120 : vector<128xi1> to vector<128x1xi1>
    %or3A_1122 = arith.ori %or3A_1081, %broadcast_in_dim3A_1121 : vector<128x1xi1>
    %convert_element_type3A_1123 = arith.extui %and3A_1106 : vector<128x256xi1> to vector<128x256xi32>
    %add3A_1124 = arith.addi %add3A_1083, %convert_element_type3A_1123 : vector<128x256xi32>
    %select_n3A_1125 = arith.select %and3A_1106, %select_n3A_1086, %select_n3A_1084 : vector<128x256xi1>, vector<128x256xf32>
    %select_n3A_1126 = arith.select %and3A_1106, %select_n3A_1087, %select_n3A_1085 : vector<128x256xi1>, vector<128x256xi32>
    %select_n3A_1127 = arith.select %and3A_1106, %select_n3A_1090, %select_n3A_1086 : vector<128x256xi1>, vector<128x256xf32>
    %select_n3A_1128 = arith.select %and3A_1106, %add3A_926, %select_n3A_1087 : vector<128x256xi1>, vector<128x256xi32>
    %jit3A_1129 = arith.constant 0x7F800000 : f32
    %broadcast_in_dim3A_1130 = vector.broadcast %jit3A_1129 : f32 to vector<128x256xf32>
    %select_n3A_1131 = arith.select %and3A_1106, %broadcast_in_dim3A_1130, %select_n3A_1090 : vector<128x256xi1>, vector<128x256xf32>
    %reduce_min3A_1132 = arith.constant dense<0x7F800000> : vector<128xf32>
    %reduce_min3A_1133 = vector.multi_reduction <minimumf>, %select_n3A_1125, %reduce_min3A_1132 [1] : vector<128x256xf32> to vector<128xf32>
    %broadcast_in_dim3A_1134 = vector.shape_cast %reduce_min3A_1133 : vector<128xf32> to vector<128x1xf32>
    %eq3A_1135 = vector.broadcast %broadcast_in_dim3A_1134 : vector<128x1xf32> to vector<128x256xf32>
    %eq3A_1136 = arith.cmpf oeq, %select_n3A_1125, %eq3A_1135 : vector<128x256xf32>
    %jit3A_1137 = arith.constant 16384 : i32
    %broadcast_in_dim3A_1138 = vector.broadcast %jit3A_1137 : i32 to vector<128x256xi32>
    %select_n3A_1139 = arith.select %eq3A_1136, %select_n3A_1126, %broadcast_in_dim3A_1138 : vector<128x256xi1>, vector<128x256xi32>
    %reduce_min3A_1140 = arith.constant dense<2147483647> : vector<128xi32>
    %reduce_min3A_1141 = vector.multi_reduction <minsi>, %select_n3A_1139, %reduce_min3A_1140 [1] : vector<128x256xi32> to vector<128xi32>
    %broadcast_in_dim3A_1142 = vector.shape_cast %reduce_min3A_1141 : vector<128xi32> to vector<128x1xi32>
    %eq3A_1143 = vector.broadcast %broadcast_in_dim3A_1142 : vector<128x1xi32> to vector<128x256xi32>
    %eq3A_1144 = arith.cmpi eq, %select_n3A_1126, %eq3A_1143 : vector<128x256xi32>
    %eq3A_1145 = vector.broadcast %broadcast_in_dim3A_1134 : vector<128x1xf32> to vector<128x256xf32>
    %eq3A_1146 = arith.cmpf oeq, %select_n3A_1125, %eq3A_1145 : vector<128x256xf32>
    %and3A_1147 = arith.andi %eq3A_1144, %eq3A_1146 : vector<128x256xi1>
    %eq3A_1148 = arith.constant 2 : i32
    %eq3A_1149 = vector.broadcast %eq3A_1148 : i32 to vector<128x256xi32>
    %eq3A_1150 = arith.cmpi eq, %add3A_1124, %eq3A_1149 : vector<128x256xi32>
    %and3A_1151 = arith.andi %and3A_1147, %eq3A_1150 : vector<128x256xi1>
    %reduce_or3A_1152 = arith.constant 1.000000e+00 : f32
    %reduce_or3A_1153 = arith.constant 0.000000e+00 : f32
    %reduce_or3A_1154 = vector.broadcast %reduce_or3A_1152 : f32 to vector<128x256xf32>
    %reduce_or3A_1155 = vector.broadcast %reduce_or3A_1153 : f32 to vector<128x256xf32>
    %reduce_or3A_1156 = arith.select %and3A_1151, %reduce_or3A_1154, %reduce_or3A_1155 : vector<128x256xi1>, vector<128x256xf32>
    %reduce_or3A_1157 = arith.constant dense<0xFF800000> : vector<128xf32>
    %reduce_or3A_1158 = vector.multi_reduction <maximumf>, %reduce_or3A_1156, %reduce_or3A_1157 [1] : vector<128x256xf32> to vector<128xf32>
    %reduce_or3A_1159 = arith.constant 0.000000e+00 : f32
    %reduce_or3A_1160 = vector.broadcast %reduce_or3A_1159 : f32 to vector<128xf32>
    %reduce_or3A_1161 = arith.cmpf ogt, %reduce_or3A_1158, %reduce_or3A_1160 : vector<128xf32>
    %broadcast_in_dim3A_1162 = vector.shape_cast %reduce_or3A_1161 : vector<128xi1> to vector<128x1xi1>
    %or3A_1163 = arith.ori %or3A_1122, %broadcast_in_dim3A_1162 : vector<128x1xi1>
    %convert_element_type3A_1164 = arith.extui %and3A_1147 : vector<128x256xi1> to vector<128x256xi32>
    %add3A_1165 = arith.addi %add3A_1124, %convert_element_type3A_1164 : vector<128x256xi32>
    %select_n3A_1166 = arith.select %and3A_1147, %select_n3A_1127, %select_n3A_1125 : vector<128x256xi1>, vector<128x256xf32>
    %select_n3A_1167 = arith.select %and3A_1147, %select_n3A_1128, %select_n3A_1126 : vector<128x256xi1>, vector<128x256xi32>
    %select_n3A_1168 = arith.select %and3A_1147, %select_n3A_1131, %select_n3A_1127 : vector<128x256xi1>, vector<128x256xf32>
    %select_n3A_1169 = arith.select %and3A_1147, %add3A_926, %select_n3A_1128 : vector<128x256xi1>, vector<128x256xi32>
    %reduce_min3A_1170 = arith.constant dense<0x7F800000> : vector<128xf32>
    %reduce_min3A_1171 = vector.multi_reduction <minimumf>, %select_n3A_1166, %reduce_min3A_1170 [1] : vector<128x256xf32> to vector<128xf32>
    %broadcast_in_dim3A_1172 = vector.shape_cast %reduce_min3A_1171 : vector<128xf32> to vector<128x1xf32>
    %eq3A_1173 = vector.broadcast %broadcast_in_dim3A_1172 : vector<128x1xf32> to vector<128x256xf32>
    %eq3A_1174 = arith.cmpf oeq, %select_n3A_1166, %eq3A_1173 : vector<128x256xf32>
    %jit3A_1175 = arith.constant 16384 : i32
    %broadcast_in_dim3A_1176 = vector.broadcast %jit3A_1175 : i32 to vector<128x256xi32>
    %select_n3A_1177 = arith.select %eq3A_1174, %select_n3A_1167, %broadcast_in_dim3A_1176 : vector<128x256xi1>, vector<128x256xi32>
    %reduce_min3A_1178 = arith.constant dense<2147483647> : vector<128xi32>
    %reduce_min3A_1179 = vector.multi_reduction <minsi>, %select_n3A_1177, %reduce_min3A_1178 [1] : vector<128x256xi32> to vector<128xi32>
    %broadcast_in_dim3A_1180 = vector.shape_cast %reduce_min3A_1179 : vector<128xi32> to vector<128x1xi32>
    %eq3A_1181 = vector.broadcast %broadcast_in_dim3A_1180 : vector<128x1xi32> to vector<128x256xi32>
    %eq3A_1182 = arith.cmpi eq, %select_n3A_1167, %eq3A_1181 : vector<128x256xi32>
    %eq3A_1183 = vector.broadcast %broadcast_in_dim3A_1172 : vector<128x1xf32> to vector<128x256xf32>
    %eq3A_1184 = arith.cmpf oeq, %select_n3A_1166, %eq3A_1183 : vector<128x256xf32>
    %and3A_1185 = arith.andi %eq3A_1182, %eq3A_1184 : vector<128x256xi1>
    %eq3A_1186 = arith.constant 2 : i32
    %eq3A_1187 = vector.broadcast %eq3A_1186 : i32 to vector<128x256xi32>
    %eq3A_1188 = arith.cmpi eq, %add3A_1165, %eq3A_1187 : vector<128x256xi32>
    %and3A_1189 = arith.andi %and3A_1185, %eq3A_1188 : vector<128x256xi1>
    %reduce_or3A_1190 = arith.constant 1.000000e+00 : f32
    %reduce_or3A_1191 = arith.constant 0.000000e+00 : f32
    %reduce_or3A_1192 = vector.broadcast %reduce_or3A_1190 : f32 to vector<128x256xf32>
    %reduce_or3A_1193 = vector.broadcast %reduce_or3A_1191 : f32 to vector<128x256xf32>
    %reduce_or3A_1194 = arith.select %and3A_1189, %reduce_or3A_1192, %reduce_or3A_1193 : vector<128x256xi1>, vector<128x256xf32>
    %reduce_or3A_1195 = arith.constant dense<0xFF800000> : vector<128xf32>
    %reduce_or3A_1196 = vector.multi_reduction <maximumf>, %reduce_or3A_1194, %reduce_or3A_1195 [1] : vector<128x256xf32> to vector<128xf32>
    %reduce_or3A_1197 = arith.constant 0.000000e+00 : f32
    %reduce_or3A_1198 = vector.broadcast %reduce_or3A_1197 : f32 to vector<128xf32>
    %reduce_or3A_1199 = arith.cmpf ogt, %reduce_or3A_1196, %reduce_or3A_1198 : vector<128xf32>
    %broadcast_in_dim3A_1200 = vector.shape_cast %reduce_or3A_1199 : vector<128xi1> to vector<128x1xi1>
    %or3A_1201 = arith.ori %or3A_1163, %broadcast_in_dim3A_1200 : vector<128x1xi1>
    %select_n3A_1202 = arith.select %and3A_1185, %select_n3A_1168, %select_n3A_1166 : vector<128x256xi1>, vector<128x256xf32>
    %select_n3A_1203 = arith.select %and3A_1185, %select_n3A_1169, %select_n3A_1167 : vector<128x256xi1>, vector<128x256xi32>
    %reduce_min3A_1204 = arith.constant dense<0x7F800000> : vector<128xf32>
    %reduce_min3A_1205 = vector.multi_reduction <minimumf>, %select_n3A_1202, %reduce_min3A_1204 [1] : vector<128x256xf32> to vector<128xf32>
    %broadcast_in_dim3A_1206 = vector.shape_cast %reduce_min3A_1205 : vector<128xf32> to vector<128x1xf32>
    %eq3A_1207 = vector.broadcast %broadcast_in_dim3A_1206 : vector<128x1xf32> to vector<128x256xf32>
    %eq3A_1208 = arith.cmpf oeq, %select_n3A_1202, %eq3A_1207 : vector<128x256xf32>
    %jit3A_1209 = arith.constant 16384 : i32
    %broadcast_in_dim3A_1210 = vector.broadcast %jit3A_1209 : i32 to vector<128x256xi32>
    %select_n3A_1211 = arith.select %eq3A_1208, %select_n3A_1203, %broadcast_in_dim3A_1210 : vector<128x256xi1>, vector<128x256xi32>
    %reduce_min3A_1212 = arith.constant dense<2147483647> : vector<128xi32>
    %reduce_min3A_1213 = vector.multi_reduction <minsi>, %select_n3A_1211, %reduce_min3A_1212 [1] : vector<128x256xi32> to vector<128xi32>
    %broadcast_in_dim3A_1214 = vector.shape_cast %reduce_min3A_1213 : vector<128xi32> to vector<128x1xi32>
    %concatenate3A = tpu.concatenate %broadcast_in_dim3A_940, %broadcast_in_dim3A_978, %broadcast_in_dim3A_1019, %broadcast_in_dim3A_1060, %broadcast_in_dim3A_1101, %broadcast_in_dim3A_1142, %broadcast_in_dim3A_1180, %broadcast_in_dim3A_1214 in 1 : vector<128x1xi32>, vector<128x1xi32>, vector<128x1xi32>, vector<128x1xi32>, vector<128x1xi32>, vector<128x1xi32>, vector<128x1xi32>, vector<128x1xi32> -> vector<128x8xi32>
    %reduce_or3A_1215 = arith.constant 1.000000e+00 : f32
    %reduce_or3A_1216 = arith.constant 0.000000e+00 : f32
    %reduce_or3A_1217 = vector.broadcast %reduce_or3A_1215 : f32 to vector<128x1xf32>
    %reduce_or3A_1218 = vector.broadcast %reduce_or3A_1216 : f32 to vector<128x1xf32>
    %reduce_or3A_1219 = arith.select %or3A_1201, %reduce_or3A_1217, %reduce_or3A_1218 : vector<128x1xi1>, vector<128x1xf32>
    %reduce_or3A_1220 = vector.shape_cast %reduce_or3A_1219 : vector<128x1xf32> to vector<1x128x1xf32>
    %reduce_or3A_1221 = arith.constant dense<0xFF800000> : vector<1xf32>
    %reduce_or3A_1222 = vector.multi_reduction <maximumf>, %reduce_or3A_1220, %reduce_or3A_1221 [1, 2] : vector<1x128x1xf32> to vector<1xf32>
    %reduce_or3A_1223 = vector.shape_cast %reduce_or3A_1222 : vector<1xf32> to vector<1x1x1xf32>
    %reduce_or3A_1224 = vector.extract %reduce_or3A_1223[0, 0, 0] : f32 from vector<1x1x1xf32>
    %reduce_or3A_1225 = arith.constant 0.000000e+00 : f32
    %reduce_or3A_1226 = arith.cmpf ogt, %reduce_or3A_1224, %reduce_or3A_1225 : f32
    %convert_element_type3A_1227 = arith.extui %reduce_or3A_1226 : i1 to i32
    %cond3A = arith.constant 0x7F800000 : f32
    %cond3A_1228 = arith.constant 0 : i32
    %cond3A_1229 = arith.cmpi ne, %convert_element_type3A_1227, %cond3A_1228 : i32
    %cond3A_1230 = scf.if %cond3A_1229 -> (vector<128x8xi32>) {
      %iota3A_1239 = tpu.iota {dimensions = array<i32: 1>} : vector<128x8192xi32>
      %argmin3A = tpu.reduce_index %add3A_29 {axis = 1 : i32, kind = #tpu.reduction_kind<arg_min>} : vector<128x8192xf32> -> vector<128xi32>
      %reshape3A = vector.shape_cast %argmin3A : vector<128xi32> to vector<128x1xi32>
      %eq3A_1240 = vector.broadcast %reshape3A : vector<128x1xi32> to vector<128x8192xi32>
      %eq3A_1241 = arith.cmpi eq, %iota3A_1239, %eq3A_1240 : vector<128x8192xi32>
      %broadcast_in_dim3A_1242 = vector.broadcast %cond3A : f32 to vector<128x8192xf32>
      %select_n3A_1243 = arith.select %eq3A_1241, %broadcast_in_dim3A_1242, %add3A_29 : vector<128x8192xi1>, vector<128x8192xf32>
      %argmin3A_1244 = tpu.reduce_index %select_n3A_1243 {axis = 1 : i32, kind = #tpu.reduction_kind<arg_min>} : vector<128x8192xf32> -> vector<128xi32>
      %reshape3A_1245 = vector.shape_cast %argmin3A_1244 : vector<128xi32> to vector<128x1xi32>
      %eq3A_1246 = vector.broadcast %reshape3A_1245 : vector<128x1xi32> to vector<128x8192xi32>
      %eq3A_1247 = arith.cmpi eq, %iota3A_1239, %eq3A_1246 : vector<128x8192xi32>
      %broadcast_in_dim3A_1248 = vector.broadcast %cond3A : f32 to vector<128x8192xf32>
      %select_n3A_1249 = arith.select %eq3A_1247, %broadcast_in_dim3A_1248, %select_n3A_1243 : vector<128x8192xi1>, vector<128x8192xf32>
      %argmin3A_1250 = tpu.reduce_index %select_n3A_1249 {axis = 1 : i32, kind = #tpu.reduction_kind<arg_min>} : vector<128x8192xf32> -> vector<128xi32>
      %reshape3A_1251 = vector.shape_cast %argmin3A_1250 : vector<128xi32> to vector<128x1xi32>
      %eq3A_1252 = vector.broadcast %reshape3A_1251 : vector<128x1xi32> to vector<128x8192xi32>
      %eq3A_1253 = arith.cmpi eq, %iota3A_1239, %eq3A_1252 : vector<128x8192xi32>
      %broadcast_in_dim3A_1254 = vector.broadcast %cond3A : f32 to vector<128x8192xf32>
      %select_n3A_1255 = arith.select %eq3A_1253, %broadcast_in_dim3A_1254, %select_n3A_1249 : vector<128x8192xi1>, vector<128x8192xf32>
      %argmin3A_1256 = tpu.reduce_index %select_n3A_1255 {axis = 1 : i32, kind = #tpu.reduction_kind<arg_min>} : vector<128x8192xf32> -> vector<128xi32>
      %reshape3A_1257 = vector.shape_cast %argmin3A_1256 : vector<128xi32> to vector<128x1xi32>
      %eq3A_1258 = vector.broadcast %reshape3A_1257 : vector<128x1xi32> to vector<128x8192xi32>
      %eq3A_1259 = arith.cmpi eq, %iota3A_1239, %eq3A_1258 : vector<128x8192xi32>
      %broadcast_in_dim3A_1260 = vector.broadcast %cond3A : f32 to vector<128x8192xf32>
      %select_n3A_1261 = arith.select %eq3A_1259, %broadcast_in_dim3A_1260, %select_n3A_1255 : vector<128x8192xi1>, vector<128x8192xf32>
      %argmin3A_1262 = tpu.reduce_index %select_n3A_1261 {axis = 1 : i32, kind = #tpu.reduction_kind<arg_min>} : vector<128x8192xf32> -> vector<128xi32>
      %reshape3A_1263 = vector.shape_cast %argmin3A_1262 : vector<128xi32> to vector<128x1xi32>
      %eq3A_1264 = vector.broadcast %reshape3A_1263 : vector<128x1xi32> to vector<128x8192xi32>
      %eq3A_1265 = arith.cmpi eq, %iota3A_1239, %eq3A_1264 : vector<128x8192xi32>
      %broadcast_in_dim3A_1266 = vector.broadcast %cond3A : f32 to vector<128x8192xf32>
      %select_n3A_1267 = arith.select %eq3A_1265, %broadcast_in_dim3A_1266, %select_n3A_1261 : vector<128x8192xi1>, vector<128x8192xf32>
      %argmin3A_1268 = tpu.reduce_index %select_n3A_1267 {axis = 1 : i32, kind = #tpu.reduction_kind<arg_min>} : vector<128x8192xf32> -> vector<128xi32>
      %reshape3A_1269 = vector.shape_cast %argmin3A_1268 : vector<128xi32> to vector<128x1xi32>
      %eq3A_1270 = vector.broadcast %reshape3A_1269 : vector<128x1xi32> to vector<128x8192xi32>
      %eq3A_1271 = arith.cmpi eq, %iota3A_1239, %eq3A_1270 : vector<128x8192xi32>
      %broadcast_in_dim3A_1272 = vector.broadcast %cond3A : f32 to vector<128x8192xf32>
      %select_n3A_1273 = arith.select %eq3A_1271, %broadcast_in_dim3A_1272, %select_n3A_1267 : vector<128x8192xi1>, vector<128x8192xf32>
      %argmin3A_1274 = tpu.reduce_index %select_n3A_1273 {axis = 1 : i32, kind = #tpu.reduction_kind<arg_min>} : vector<128x8192xf32> -> vector<128xi32>
      %reshape3A_1275 = vector.shape_cast %argmin3A_1274 : vector<128xi32> to vector<128x1xi32>
      %eq3A_1276 = vector.broadcast %reshape3A_1275 : vector<128x1xi32> to vector<128x8192xi32>
      %eq3A_1277 = arith.cmpi eq, %iota3A_1239, %eq3A_1276 : vector<128x8192xi32>
      %broadcast_in_dim3A_1278 = vector.broadcast %cond3A : f32 to vector<128x8192xf32>
      %select_n3A_1279 = arith.select %eq3A_1277, %broadcast_in_dim3A_1278, %select_n3A_1273 : vector<128x8192xi1>, vector<128x8192xf32>
      %argmin3A_1280 = tpu.reduce_index %select_n3A_1279 {axis = 1 : i32, kind = #tpu.reduction_kind<arg_min>} : vector<128x8192xf32> -> vector<128xi32>
      %reshape3A_1281 = vector.shape_cast %argmin3A_1280 : vector<128xi32> to vector<128x1xi32>
      %concatenate3A_1282 = tpu.concatenate %reshape3A, %reshape3A_1245, %reshape3A_1251, %reshape3A_1257, %reshape3A_1263, %reshape3A_1269, %reshape3A_1275, %reshape3A_1281 in 1 : vector<128x1xi32>, vector<128x1xi32>, vector<128x1xi32>, vector<128x1xi32>, vector<128x1xi32>, vector<128x1xi32>, vector<128x1xi32>, vector<128x1xi32> -> vector<128x8xi32>
      scf.yield %concatenate3A_1282 : vector<128x8xi32>
    } else {
      scf.yield %concatenate3A : vector<128x8xi32>
    }
    %add3A_1231 = arith.constant 8192 : i32
    %add3A_1232 = vector.broadcast %add3A_1231 : i32 to vector<128x8xi32>
    %add3A_1233 = arith.addi %cond3A_1230, %add3A_1232 : vector<128x8xi32>
    %transpose3A = tpu.transpose %add3A_1233, [1, 0] : vector<128x8xi32> -> vector<8x128xi32>
    %swap3A = arith.constant 0 : index
    %swap3A_1234 = arith.constant 0 : index
    %swap3A_1235 = arith.constant 0 : index
    %swap3A_1236 = vector.load %arg4[%swap3A, %swap3A_1234, %swap3A_1235] : memref<1x8x128xi32, #tpu.memory_space<vmem>>, vector<1x8x128xi32>
    %swap3A_1237 = vector.shape_cast %swap3A_1236 : vector<1x8x128xi32> to vector<8x128xi32>
    %swap3A_1238 = vector.shape_cast %transpose3A : vector<8x128xi32> to vector<1x8x128xi32>
    tpu.vector_store %arg4[%swap3A, %swap3A_1234, %swap3A_1235], %swap3A_1238 {strides = array<i32>} : memref<1x8x128xi32, #tpu.memory_space<vmem>>, vector<1x8x128xi32>,
    return
  }
  func.func @transform_0(%arg0: i32, %arg1: i32) -> (i32, i32, i32) {
    %c0_i32 = arith.constant 0 : i32
    %c0_i32_0 = arith.constant 0 : i32
    return %arg0, %arg1, %c0_i32 : i32, i32, i32
  }
  func.func @transform_1(%arg0: i32, %arg1: i32) -> (i32, i32, i32) {
    %c0_i32 = arith.constant 0 : i32
    %c0_i32_0 = arith.constant 0 : i32
    %c0_i32_1 = arith.constant 0 : i32
    return %arg0, %c0_i32, %c0_i32_0 : i32, i32, i32
  }
  func.func @transform_2(%arg0: i32, %arg1: i32) -> (i32, i32, i32) {
    %c0_i32 = arith.constant 0 : i32
    %c0_i32_0 = arith.constant 0 : i32
    return %arg0, %c0_i32, %arg1 : i32, i32, i32
  }
}

module attributes {stable_mosaic.version = 14 : i64} {
  func.func @_knn_body(%arg0: i32, %arg1: i32, %arg2: memref<1x128x3xf32, #tpu.memory_space<vmem>>, %arg3: memref<1x3x8192xf32, #tpu.memory_space<vmem>>, %arg4: memref<1x8x128xi32, #tpu.memory_space<vmem>>) attributes {dimension_semantics = [#tpu.dimension_semantics<arbitrary>, #tpu.dimension_semantics<arbitrary>], iteration_bounds = array<i64: 1, 16>, scalar_prefetch = 0 : i64, scratch_operands = 0 : i64, tpu.core_type = #tpu.core_type<tc>, window_params = [{transform_indices = @transform_0, window_bounds = array<i64: 1, 128, 3>}, {transform_indices = @transform_1, window_bounds = array<i64: 1, 3, 8192>}, {transform_indices = @transform_2, window_bounds = array<i64: 1, 8, 128>}]} {
    %get3A = arith.constant 0 : index
    %get3A_0 = arith.constant 0 : index
    %get3A_1 = arith.constant 0 : index
    %get3A_2 = vector.load %arg2[%get3A, %get3A_0, %get3A_1] : memref<1x128x3xf32, #tpu.memory_space<vmem>>, vector<1x128x3xf32>
    %get3A_3 = vector.shape_cast %get3A_2 : vector<1x128x3xf32> to vector<128x3xf32>
    %slice3A = vector.extract_strided_slice %get3A_3 {offsets = [0, 0], sizes = [128, 1], strides = [1, 1]} : vector<128x3xf32> to vector<128x1xf32>
    %slice3A_4 = vector.extract_strided_slice %get3A_3 {offsets = [0, 1], sizes = [128, 1], strides = [1, 1]} : vector<128x3xf32> to vector<128x1xf32>
    %slice3A_5 = vector.extract_strided_slice %get3A_3 {offsets = [0, 2], sizes = [128, 1], strides = [1, 1]} : vector<128x3xf32> to vector<128x1xf32>
    %get3A_6 = arith.constant 0 : index
    %get3A_7 = arith.constant 0 : index
    %get3A_8 = arith.constant 0 : index
    %get3A_9 = vector.load %arg3[%get3A_6, %get3A_7, %get3A_8] : memref<1x3x8192xf32, #tpu.memory_space<vmem>>, vector<1x3x8192xf32>
    %get3A_10 = vector.shape_cast %get3A_9 : vector<1x3x8192xf32> to vector<3x8192xf32>
    %slice3A_11 = vector.extract_strided_slice %get3A_10 {offsets = [0, 0], sizes = [1, 8192], strides = [1, 1]} : vector<3x8192xf32> to vector<1x8192xf32>
    %slice3A_12 = vector.extract_strided_slice %get3A_10 {offsets = [1, 0], sizes = [1, 8192], strides = [1, 1]} : vector<3x8192xf32> to vector<1x8192xf32>
    %slice3A_13 = vector.extract_strided_slice %get3A_10 {offsets = [2, 0], sizes = [1, 8192], strides = [1, 1]} : vector<3x8192xf32> to vector<1x8192xf32>
    %mul3A = arith.mulf %slice3A, %slice3A : vector<128x1xf32>
    %mul3A_14 = arith.mulf %slice3A_4, %slice3A_4 : vector<128x1xf32>
    %add3A = arith.addf %mul3A, %mul3A_14 : vector<128x1xf32>
    %mul3A_15 = arith.mulf %slice3A_5, %slice3A_5 : vector<128x1xf32>
    %add3A_16 = arith.addf %add3A, %mul3A_15 : vector<128x1xf32>
    %mul3A_17 = arith.mulf %slice3A_11, %slice3A_11 : vector<1x8192xf32>
    %mul3A_18 = arith.mulf %slice3A_12, %slice3A_12 : vector<1x8192xf32>
    %add3A_19 = arith.addf %mul3A_17, %mul3A_18 : vector<1x8192xf32>
    %mul3A_20 = arith.mulf %slice3A_13, %slice3A_13 : vector<1x8192xf32>
    %add3A_21 = arith.addf %add3A_19, %mul3A_20 : vector<1x8192xf32>
    %convert_element_type3A = arith.truncf %get3A_3 : vector<128x3xf32> to vector<128x3xbf16>
    %convert_element_type3A_22 = arith.truncf %get3A_10 : vector<3x8192xf32> to vector<3x8192xbf16>
    %dot_general3A = arith.constant dense<0.000000e+00> : vector<128x8192xf32>
    %dot_general3A_23 = tpu.matmul %convert_element_type3A, %convert_element_type3A_22, %dot_general3A {dimension_numbers = #tpu.dot_dimension_numbers<[1], [0], [0], [1], [0, 0, 1, 1], [], []>, transpose_lhs_hint = false} : vector<128x3xbf16>, vector<3x8192xbf16>, vector<128x8192xf32> -> vector<128x8192xf32>
    %mul3A_24 = arith.constant 2.000000e+00 : f32
    %mul3A_25 = vector.broadcast %mul3A_24 : f32 to vector<128x8192xf32>
    %mul3A_26 = arith.mulf %mul3A_25, %dot_general3A_23 : vector<128x8192xf32>
    %sub3A = vector.broadcast %add3A_16 : vector<128x1xf32> to vector<128x8192xf32>
    %sub3A_27 = arith.subf %sub3A, %mul3A_26 : vector<128x8192xf32>
    %add3A_28 = vector.broadcast %add3A_21 : vector<1x8192xf32> to vector<128x8192xf32>
    %add3A_29 = arith.addf %sub3A_27, %add3A_28 : vector<128x8192xf32>
    %slice3A_30 = vector.extract_strided_slice %add3A_29 {offsets = [0, 0], sizes = [128, 256], strides = [1, 1]} : vector<128x8192xf32> to vector<128x256xf32>
    %slice3A_31 = vector.extract_strided_slice %add3A_29 {offsets = [0, 256], sizes = [128, 256], strides = [1, 1]} : vector<128x8192xf32> to vector<128x256xf32>
    %slice3A_32 = vector.extract_strided_slice %add3A_29 {offsets = [0, 512], sizes = [128, 256], strides = [1, 1]} : vector<128x8192xf32> to vector<128x256xf32>
    %slice3A_33 = vector.extract_strided_slice %add3A_29 {offsets = [0, 768], sizes = [128, 256], strides = [1, 1]} : vector<128x8192xf32> to vector<128x256xf32>
    %slice3A_34 = vector.extract_strided_slice %add3A_29 {offsets = [0, 1024], sizes = [128, 256], strides = [1, 1]} : vector<128x8192xf32> to vector<128x256xf32>
    %slice3A_35 = vector.extract_strided_slice %add3A_29 {offsets = [0, 1280], sizes = [128, 256], strides = [1, 1]} : vector<128x8192xf32> to vector<128x256xf32>
    %slice3A_36 = vector.extract_strided_slice %add3A_29 {offsets = [0, 1536], sizes = [128, 256], strides = [1, 1]} : vector<128x8192xf32> to vector<128x256xf32>
    %slice3A_37 = vector.extract_strided_slice %add3A_29 {offsets = [0, 1792], sizes = [128, 256], strides = [1, 1]} : vector<128x8192xf32> to vector<128x256xf32>
    %slice3A_38 = vector.extract_strided_slice %add3A_29 {offsets = [0, 2048], sizes = [128, 256], strides = [1, 1]} : vector<128x8192xf32> to vector<128x256xf32>
    %slice3A_39 = vector.extract_strided_slice %add3A_29 {offsets = [0, 2304], sizes = [128, 256], strides = [1, 1]} : vector<128x8192xf32> to vector<128x256xf32>
    %slice3A_40 = vector.extract_strided_slice %add3A_29 {offsets = [0, 2560], sizes = [128, 256], strides = [1, 1]} : vector<128x8192xf32> to vector<128x256xf32>
    %slice3A_41 = vector.extract_strided_slice %add3A_29 {offsets = [0, 2816], sizes = [128, 256], strides = [1, 1]} : vector<128x8192xf32> to vector<128x256xf32>
    %slice3A_42 = vector.extract_strided_slice %add3A_29 {offsets = [0, 3072], sizes = [128, 256], strides = [1, 1]} : vector<128x8192xf32> to vector<128x256xf32>
    %slice3A_43 = vector.extract_strided_slice %add3A_29 {offsets = [0, 3328], sizes = [128, 256], strides = [1, 1]} : vector<128x8192xf32> to vector<128x256xf32>
    %slice3A_44 = vector.extract_strided_slice %add3A_29 {offsets = [0, 3584], sizes = [128, 256], strides = [1, 1]} : vector<128x8192xf32> to vector<128x256xf32>
    %slice3A_45 = vector.extract_strided_slice %add3A_29 {offsets = [0, 3840], sizes = [128, 256], strides = [1, 1]} : vector<128x8192xf32> to vector<128x256xf32>
    %slice3A_46 = vector.extract_strided_slice %add3A_29 {offsets = [0, 4096], sizes = [128, 256], strides = [1, 1]} : vector<128x8192xf32> to vector<128x256xf32>
    %slice3A_47 = vector.extract_strided_slice %add3A_29 {offsets = [0, 4352], sizes = [128, 256], strides = [1, 1]} : vector<128x8192xf32> to vector<128x256xf32>
    %slice3A_48 = vector.extract_strided_slice %add3A_29 {offsets = [0, 4608], sizes = [128, 256], strides = [1, 1]} : vector<128x8192xf32> to vector<128x256xf32>
    %slice3A_49 = vector.extract_strided_slice %add3A_29 {offsets = [0, 4864], sizes = [128, 256], strides = [1, 1]} : vector<128x8192xf32> to vector<128x256xf32>
    %slice3A_50 = vector.extract_strided_slice %add3A_29 {offsets = [0, 5120], sizes = [128, 256], strides = [1, 1]} : vector<128x8192xf32> to vector<128x256xf32>
    %slice3A_51 = vector.extract_strided_slice %add3A_29 {offsets = [0, 5376], sizes = [128, 256], strides = [1, 1]} : vector<128x8192xf32> to vector<128x256xf32>
    %slice3A_52 = vector.extract_strided_slice %add3A_29 {offsets = [0, 5632], sizes = [128, 256], strides = [1, 1]} : vector<128x8192xf32> to vector<128x256xf32>
    %slice3A_53 = vector.extract_strided_slice %add3A_29 {offsets = [0, 5888], sizes = [128, 256], strides = [1, 1]} : vector<128x8192xf32> to vector<128x256xf32>
    %slice3A_54 = vector.extract_strided_slice %add3A_29 {offsets = [0, 6144], sizes = [128, 256], strides = [1, 1]} : vector<128x8192xf32> to vector<128x256xf32>
    %slice3A_55 = vector.extract_strided_slice %add3A_29 {offsets = [0, 6400], sizes = [128, 256], strides = [1, 1]} : vector<128x8192xf32> to vector<128x256xf32>
    %slice3A_56 = vector.extract_strided_slice %add3A_29 {offsets = [0, 6656], sizes = [128, 256], strides = [1, 1]} : vector<128x8192xf32> to vector<128x256xf32>
    %slice3A_57 = vector.extract_strided_slice %add3A_29 {offsets = [0, 6912], sizes = [128, 256], strides = [1, 1]} : vector<128x8192xf32> to vector<128x256xf32>
    %slice3A_58 = vector.extract_strided_slice %add3A_29 {offsets = [0, 7168], sizes = [128, 256], strides = [1, 1]} : vector<128x8192xf32> to vector<128x256xf32>
    %slice3A_59 = vector.extract_strided_slice %add3A_29 {offsets = [0, 7424], sizes = [128, 256], strides = [1, 1]} : vector<128x8192xf32> to vector<128x256xf32>
    %slice3A_60 = vector.extract_strided_slice %add3A_29 {offsets = [0, 7680], sizes = [128, 256], strides = [1, 1]} : vector<128x8192xf32> to vector<128x256xf32>
    %slice3A_61 = vector.extract_strided_slice %add3A_29 {offsets = [0, 7936], sizes = [128, 256], strides = [1, 1]} : vector<128x8192xf32> to vector<128x256xf32>
    %broadcast_in_dim3A = arith.constant 0 : i32
    %broadcast_in_dim3A_62 = vector.broadcast %broadcast_in_dim3A : i32 to vector<128x256xi32>
    %lt3A = arith.cmpf olt, %slice3A_31, %slice3A_30 : vector<128x256xf32>
    %select_n3A = arith.select %lt3A, %slice3A_31, %slice3A_30 : vector<128x256xi1>, vector<128x256xf32>
    %jit3A = arith.constant 1 : i32
    %broadcast_in_dim3A_63 = vector.broadcast %jit3A : i32 to vector<128x256xi32>
    %select_n3A_64 = arith.select %lt3A, %broadcast_in_dim3A_63, %broadcast_in_dim3A_62 : vector<128x256xi1>, vector<128x256xi32>
    %lt3A_65 = arith.cmpf olt, %slice3A_32, %select_n3A : vector<128x256xf32>
    %select_n3A_66 = arith.select %lt3A_65, %slice3A_32, %select_n3A : vector<128x256xi1>, vector<128x256xf32>
    %jit3A_67 = arith.constant 2 : i32
    %broadcast_in_dim3A_68 = vector.broadcast %jit3A_67 : i32 to vector<128x256xi32>
    %select_n3A_69 = arith.select %lt3A_65, %broadcast_in_dim3A_68, %select_n3A_64 : vector<128x256xi1>, vector<128x256xi32>
    %lt3A_70 = arith.cmpf olt, %slice3A_33, %select_n3A_66 : vector<128x256xf32>
    %select_n3A_71 = arith.select %lt3A_70, %slice3A_33, %select_n3A_66 : vector<128x256xi1>, vector<128x256xf32>
    %jit3A_72 = arith.constant 3 : i32
    %broadcast_in_dim3A_73 = vector.broadcast %jit3A_72 : i32 to vector<128x256xi32>
    %select_n3A_74 = arith.select %lt3A_70, %broadcast_in_dim3A_73, %select_n3A_69 : vector<128x256xi1>, vector<128x256xi32>
    %lt3A_75 = arith.cmpf olt, %slice3A_34, %select_n3A_71 : vector<128x256xf32>
    %select_n3A_76 = arith.select %lt3A_75, %slice3A_34, %select_n3A_71 : vector<128x256xi1>, vector<128x256xf32>
    %jit3A_77 = arith.constant 4 : i32
    %broadcast_in_dim3A_78 = vector.broadcast %jit3A_77 : i32 to vector<128x256xi32>
    %select_n3A_79 = arith.select %lt3A_75, %broadcast_in_dim3A_78, %select_n3A_74 : vector<128x256xi1>, vector<128x256xi32>
    %lt3A_80 = arith.cmpf olt, %slice3A_35, %select_n3A_76 : vector<128x256xf32>
    %select_n3A_81 = arith.select %lt3A_80, %slice3A_35, %select_n3A_76 : vector<128x256xi1>, vector<128x256xf32>
    %jit3A_82 = arith.constant 5 : i32
    %broadcast_in_dim3A_83 = vector.broadcast %jit3A_82 : i32 to vector<128x256xi32>
    %select_n3A_84 = arith.select %lt3A_80, %broadcast_in_dim3A_83, %select_n3A_79 : vector<128x256xi1>, vector<128x256xi32>
    %lt3A_85 = arith.cmpf olt, %slice3A_36, %select_n3A_81 : vector<128x256xf32>
    %select_n3A_86 = arith.select %lt3A_85, %slice3A_36, %select_n3A_81 : vector<128x256xi1>, vector<128x256xf32>
    %jit3A_87 = arith.constant 6 : i32
    %broadcast_in_dim3A_88 = vector.broadcast %jit3A_87 : i32 to vector<128x256xi32>
    %select_n3A_89 = arith.select %lt3A_85, %broadcast_in_dim3A_88, %select_n3A_84 : vector<128x256xi1>, vector<128x256xi32>
    %lt3A_90 = arith.cmpf olt, %slice3A_37, %select_n3A_86 : vector<128x256xf32>
    %select_n3A_91 = arith.select %lt3A_90, %slice3A_37, %select_n3A_86 : vector<128x256xi1>, vector<128x256xf32>
    %jit3A_92 = arith.constant 7 : i32
    %broadcast_in_dim3A_93 = vector.broadcast %jit3A_92 : i32 to vector<128x256xi32>
    %select_n3A_94 = arith.select %lt3A_90, %broadcast_in_dim3A_93, %select_n3A_89 : vector<128x256xi1>, vector<128x256xi32>
    %lt3A_95 = arith.cmpf olt, %slice3A_38, %select_n3A_91 : vector<128x256xf32>
    %select_n3A_96 = arith.select %lt3A_95, %slice3A_38, %select_n3A_91 : vector<128x256xi1>, vector<128x256xf32>
    %jit3A_97 = arith.constant 8 : i32
    %broadcast_in_dim3A_98 = vector.broadcast %jit3A_97 : i32 to vector<128x256xi32>
    %select_n3A_99 = arith.select %lt3A_95, %broadcast_in_dim3A_98, %select_n3A_94 : vector<128x256xi1>, vector<128x256xi32>
    %lt3A_100 = arith.cmpf olt, %slice3A_39, %select_n3A_96 : vector<128x256xf32>
    %select_n3A_101 = arith.select %lt3A_100, %slice3A_39, %select_n3A_96 : vector<128x256xi1>, vector<128x256xf32>
    %jit3A_102 = arith.constant 9 : i32
    %broadcast_in_dim3A_103 = vector.broadcast %jit3A_102 : i32 to vector<128x256xi32>
    %select_n3A_104 = arith.select %lt3A_100, %broadcast_in_dim3A_103, %select_n3A_99 : vector<128x256xi1>, vector<128x256xi32>
    %lt3A_105 = arith.cmpf olt, %slice3A_40, %select_n3A_101 : vector<128x256xf32>
    %select_n3A_106 = arith.select %lt3A_105, %slice3A_40, %select_n3A_101 : vector<128x256xi1>, vector<128x256xf32>
    %jit3A_107 = arith.constant 10 : i32
    %broadcast_in_dim3A_108 = vector.broadcast %jit3A_107 : i32 to vector<128x256xi32>
    %select_n3A_109 = arith.select %lt3A_105, %broadcast_in_dim3A_108, %select_n3A_104 : vector<128x256xi1>, vector<128x256xi32>
    %lt3A_110 = arith.cmpf olt, %slice3A_41, %select_n3A_106 : vector<128x256xf32>
    %select_n3A_111 = arith.select %lt3A_110, %slice3A_41, %select_n3A_106 : vector<128x256xi1>, vector<128x256xf32>
    %jit3A_112 = arith.constant 11 : i32
    %broadcast_in_dim3A_113 = vector.broadcast %jit3A_112 : i32 to vector<128x256xi32>
    %select_n3A_114 = arith.select %lt3A_110, %broadcast_in_dim3A_113, %select_n3A_109 : vector<128x256xi1>, vector<128x256xi32>
    %lt3A_115 = arith.cmpf olt, %slice3A_42, %select_n3A_111 : vector<128x256xf32>
    %select_n3A_116 = arith.select %lt3A_115, %slice3A_42, %select_n3A_111 : vector<128x256xi1>, vector<128x256xf32>
    %jit3A_117 = arith.constant 12 : i32
    %broadcast_in_dim3A_118 = vector.broadcast %jit3A_117 : i32 to vector<128x256xi32>
    %select_n3A_119 = arith.select %lt3A_115, %broadcast_in_dim3A_118, %select_n3A_114 : vector<128x256xi1>, vector<128x256xi32>
    %lt3A_120 = arith.cmpf olt, %slice3A_43, %select_n3A_116 : vector<128x256xf32>
    %select_n3A_121 = arith.select %lt3A_120, %slice3A_43, %select_n3A_116 : vector<128x256xi1>, vector<128x256xf32>
    %jit3A_122 = arith.constant 13 : i32
    %broadcast_in_dim3A_123 = vector.broadcast %jit3A_122 : i32 to vector<128x256xi32>
    %select_n3A_124 = arith.select %lt3A_120, %broadcast_in_dim3A_123, %select_n3A_119 : vector<128x256xi1>, vector<128x256xi32>
    %lt3A_125 = arith.cmpf olt, %slice3A_44, %select_n3A_121 : vector<128x256xf32>
    %select_n3A_126 = arith.select %lt3A_125, %slice3A_44, %select_n3A_121 : vector<128x256xi1>, vector<128x256xf32>
    %jit3A_127 = arith.constant 14 : i32
    %broadcast_in_dim3A_128 = vector.broadcast %jit3A_127 : i32 to vector<128x256xi32>
    %select_n3A_129 = arith.select %lt3A_125, %broadcast_in_dim3A_128, %select_n3A_124 : vector<128x256xi1>, vector<128x256xi32>
    %lt3A_130 = arith.cmpf olt, %slice3A_45, %select_n3A_126 : vector<128x256xf32>
    %select_n3A_131 = arith.select %lt3A_130, %slice3A_45, %select_n3A_126 : vector<128x256xi1>, vector<128x256xf32>
    %jit3A_132 = arith.constant 15 : i32
    %broadcast_in_dim3A_133 = vector.broadcast %jit3A_132 : i32 to vector<128x256xi32>
    %select_n3A_134 = arith.select %lt3A_130, %broadcast_in_dim3A_133, %select_n3A_129 : vector<128x256xi1>, vector<128x256xi32>
    %lt3A_135 = arith.cmpf olt, %slice3A_46, %select_n3A_131 : vector<128x256xf32>
    %select_n3A_136 = arith.select %lt3A_135, %slice3A_46, %select_n3A_131 : vector<128x256xi1>, vector<128x256xf32>
    %jit3A_137 = arith.constant 16 : i32
    %broadcast_in_dim3A_138 = vector.broadcast %jit3A_137 : i32 to vector<128x256xi32>
    %select_n3A_139 = arith.select %lt3A_135, %broadcast_in_dim3A_138, %select_n3A_134 : vector<128x256xi1>, vector<128x256xi32>
    %lt3A_140 = arith.cmpf olt, %slice3A_47, %select_n3A_136 : vector<128x256xf32>
    %select_n3A_141 = arith.select %lt3A_140, %slice3A_47, %select_n3A_136 : vector<128x256xi1>, vector<128x256xf32>
    %jit3A_142 = arith.constant 17 : i32
    %broadcast_in_dim3A_143 = vector.broadcast %jit3A_142 : i32 to vector<128x256xi32>
    %select_n3A_144 = arith.select %lt3A_140, %broadcast_in_dim3A_143, %select_n3A_139 : vector<128x256xi1>, vector<128x256xi32>
    %lt3A_145 = arith.cmpf olt, %slice3A_48, %select_n3A_141 : vector<128x256xf32>
    %select_n3A_146 = arith.select %lt3A_145, %slice3A_48, %select_n3A_141 : vector<128x256xi1>, vector<128x256xf32>
    %jit3A_147 = arith.constant 18 : i32
    %broadcast_in_dim3A_148 = vector.broadcast %jit3A_147 : i32 to vector<128x256xi32>
    %select_n3A_149 = arith.select %lt3A_145, %broadcast_in_dim3A_148, %select_n3A_144 : vector<128x256xi1>, vector<128x256xi32>
    %lt3A_150 = arith.cmpf olt, %slice3A_49, %select_n3A_146 : vector<128x256xf32>
    %select_n3A_151 = arith.select %lt3A_150, %slice3A_49, %select_n3A_146 : vector<128x256xi1>, vector<128x256xf32>
    %jit3A_152 = arith.constant 19 : i32
    %broadcast_in_dim3A_153 = vector.broadcast %jit3A_152 : i32 to vector<128x256xi32>
    %select_n3A_154 = arith.select %lt3A_150, %broadcast_in_dim3A_153, %select_n3A_149 : vector<128x256xi1>, vector<128x256xi32>
    %lt3A_155 = arith.cmpf olt, %slice3A_50, %select_n3A_151 : vector<128x256xf32>
    %select_n3A_156 = arith.select %lt3A_155, %slice3A_50, %select_n3A_151 : vector<128x256xi1>, vector<128x256xf32>
    %jit3A_157 = arith.constant 20 : i32
    %broadcast_in_dim3A_158 = vector.broadcast %jit3A_157 : i32 to vector<128x256xi32>
    %select_n3A_159 = arith.select %lt3A_155, %broadcast_in_dim3A_158, %select_n3A_154 : vector<128x256xi1>, vector<128x256xi32>
    %lt3A_160 = arith.cmpf olt, %slice3A_51, %select_n3A_156 : vector<128x256xf32>
    %select_n3A_161 = arith.select %lt3A_160, %slice3A_51, %select_n3A_156 : vector<128x256xi1>, vector<128x256xf32>
    %jit3A_162 = arith.constant 21 : i32
    %broadcast_in_dim3A_163 = vector.broadcast %jit3A_162 : i32 to vector<128x256xi32>
    %select_n3A_164 = arith.select %lt3A_160, %broadcast_in_dim3A_163, %select_n3A_159 : vector<128x256xi1>, vector<128x256xi32>
    %lt3A_165 = arith.cmpf olt, %slice3A_52, %select_n3A_161 : vector<128x256xf32>
    %select_n3A_166 = arith.select %lt3A_165, %slice3A_52, %select_n3A_161 : vector<128x256xi1>, vector<128x256xf32>
    %jit3A_167 = arith.constant 22 : i32
    %broadcast_in_dim3A_168 = vector.broadcast %jit3A_167 : i32 to vector<128x256xi32>
    %select_n3A_169 = arith.select %lt3A_165, %broadcast_in_dim3A_168, %select_n3A_164 : vector<128x256xi1>, vector<128x256xi32>
    %lt3A_170 = arith.cmpf olt, %slice3A_53, %select_n3A_166 : vector<128x256xf32>
    %select_n3A_171 = arith.select %lt3A_170, %slice3A_53, %select_n3A_166 : vector<128x256xi1>, vector<128x256xf32>
    %jit3A_172 = arith.constant 23 : i32
    %broadcast_in_dim3A_173 = vector.broadcast %jit3A_172 : i32 to vector<128x256xi32>
    %select_n3A_174 = arith.select %lt3A_170, %broadcast_in_dim3A_173, %select_n3A_169 : vector<128x256xi1>, vector<128x256xi32>
    %lt3A_175 = arith.cmpf olt, %slice3A_54, %select_n3A_171 : vector<128x256xf32>
    %select_n3A_176 = arith.select %lt3A_175, %slice3A_54, %select_n3A_171 : vector<128x256xi1>, vector<128x256xf32>
    %jit3A_177 = arith.constant 24 : i32
    %broadcast_in_dim3A_178 = vector.broadcast %jit3A_177 : i32 to vector<128x256xi32>
    %select_n3A_179 = arith.select %lt3A_175, %broadcast_in_dim3A_178, %select_n3A_174 : vector<128x256xi1>, vector<128x256xi32>
    %lt3A_180 = arith.cmpf olt, %slice3A_55, %select_n3A_176 : vector<128x256xf32>
    %select_n3A_181 = arith.select %lt3A_180, %slice3A_55, %select_n3A_176 : vector<128x256xi1>, vector<128x256xf32>
    %jit3A_182 = arith.constant 25 : i32
    %broadcast_in_dim3A_183 = vector.broadcast %jit3A_182 : i32 to vector<128x256xi32>
    %select_n3A_184 = arith.select %lt3A_180, %broadcast_in_dim3A_183, %select_n3A_179 : vector<128x256xi1>, vector<128x256xi32>
    %lt3A_185 = arith.cmpf olt, %slice3A_56, %select_n3A_181 : vector<128x256xf32>
    %select_n3A_186 = arith.select %lt3A_185, %slice3A_56, %select_n3A_181 : vector<128x256xi1>, vector<128x256xf32>
    %jit3A_187 = arith.constant 26 : i32
    %broadcast_in_dim3A_188 = vector.broadcast %jit3A_187 : i32 to vector<128x256xi32>
    %select_n3A_189 = arith.select %lt3A_185, %broadcast_in_dim3A_188, %select_n3A_184 : vector<128x256xi1>, vector<128x256xi32>
    %lt3A_190 = arith.cmpf olt, %slice3A_57, %select_n3A_186 : vector<128x256xf32>
    %select_n3A_191 = arith.select %lt3A_190, %slice3A_57, %select_n3A_186 : vector<128x256xi1>, vector<128x256xf32>
    %jit3A_192 = arith.constant 27 : i32
    %broadcast_in_dim3A_193 = vector.broadcast %jit3A_192 : i32 to vector<128x256xi32>
    %select_n3A_194 = arith.select %lt3A_190, %broadcast_in_dim3A_193, %select_n3A_189 : vector<128x256xi1>, vector<128x256xi32>
    %lt3A_195 = arith.cmpf olt, %slice3A_58, %select_n3A_191 : vector<128x256xf32>
    %select_n3A_196 = arith.select %lt3A_195, %slice3A_58, %select_n3A_191 : vector<128x256xi1>, vector<128x256xf32>
    %jit3A_197 = arith.constant 28 : i32
    %broadcast_in_dim3A_198 = vector.broadcast %jit3A_197 : i32 to vector<128x256xi32>
    %select_n3A_199 = arith.select %lt3A_195, %broadcast_in_dim3A_198, %select_n3A_194 : vector<128x256xi1>, vector<128x256xi32>
    %lt3A_200 = arith.cmpf olt, %slice3A_59, %select_n3A_196 : vector<128x256xf32>
    %select_n3A_201 = arith.select %lt3A_200, %slice3A_59, %select_n3A_196 : vector<128x256xi1>, vector<128x256xf32>
    %jit3A_202 = arith.constant 29 : i32
    %broadcast_in_dim3A_203 = vector.broadcast %jit3A_202 : i32 to vector<128x256xi32>
    %select_n3A_204 = arith.select %lt3A_200, %broadcast_in_dim3A_203, %select_n3A_199 : vector<128x256xi1>, vector<128x256xi32>
    %lt3A_205 = arith.cmpf olt, %slice3A_60, %select_n3A_201 : vector<128x256xf32>
    %select_n3A_206 = arith.select %lt3A_205, %slice3A_60, %select_n3A_201 : vector<128x256xi1>, vector<128x256xf32>
    %jit3A_207 = arith.constant 30 : i32
    %broadcast_in_dim3A_208 = vector.broadcast %jit3A_207 : i32 to vector<128x256xi32>
    %select_n3A_209 = arith.select %lt3A_205, %broadcast_in_dim3A_208, %select_n3A_204 : vector<128x256xi1>, vector<128x256xi32>
    %lt3A_210 = arith.cmpf olt, %slice3A_61, %select_n3A_206 : vector<128x256xf32>
    %select_n3A_211 = arith.select %lt3A_210, %slice3A_61, %select_n3A_206 : vector<128x256xi1>, vector<128x256xf32>
    %jit3A_212 = arith.constant 31 : i32
    %broadcast_in_dim3A_213 = vector.broadcast %jit3A_212 : i32 to vector<128x256xi32>
    %select_n3A_214 = arith.select %lt3A_210, %broadcast_in_dim3A_213, %select_n3A_209 : vector<128x256xi1>, vector<128x256xi32>
    %eq3A = arith.constant 0 : i32
    %eq3A_215 = vector.broadcast %eq3A : i32 to vector<128x256xi32>
    %eq3A_216 = arith.cmpi eq, %select_n3A_214, %eq3A_215 : vector<128x256xi32>
    %jit3A_217 = arith.constant 0x7F800000 : f32
    %broadcast_in_dim3A_218 = vector.broadcast %jit3A_217 : f32 to vector<128x256xf32>
    %select_n3A_219 = arith.select %eq3A_216, %broadcast_in_dim3A_218, %slice3A_30 : vector<128x256xi1>, vector<128x256xf32>
    %eq3A_220 = arith.constant 1 : i32
    %eq3A_221 = vector.broadcast %eq3A_220 : i32 to vector<128x256xi32>
    %eq3A_222 = arith.cmpi eq, %select_n3A_214, %eq3A_221 : vector<128x256xi32>
    %jit3A_223 = arith.constant 0x7F800000 : f32
    %broadcast_in_dim3A_224 = vector.broadcast %jit3A_223 : f32 to vector<128x256xf32>
    %select_n3A_225 = arith.select %eq3A_222, %broadcast_in_dim3A_224, %slice3A_31 : vector<128x256xi1>, vector<128x256xf32>
    %eq3A_226 = arith.constant 2 : i32
    %eq3A_227 = vector.broadcast %eq3A_226 : i32 to vector<128x256xi32>
    %eq3A_228 = arith.cmpi eq, %select_n3A_214, %eq3A_227 : vector<128x256xi32>
    %jit3A_229 = arith.constant 0x7F800000 : f32
    %broadcast_in_dim3A_230 = vector.broadcast %jit3A_229 : f32 to vector<128x256xf32>
    %select_n3A_231 = arith.select %eq3A_228, %broadcast_in_dim3A_230, %slice3A_32 : vector<128x256xi1>, vector<128x256xf32>
    %eq3A_232 = arith.constant 3 : i32
    %eq3A_233 = vector.broadcast %eq3A_232 : i32 to vector<128x256xi32>
    %eq3A_234 = arith.cmpi eq, %select_n3A_214, %eq3A_233 : vector<128x256xi32>
    %jit3A_235 = arith.constant 0x7F800000 : f32
    %broadcast_in_dim3A_236 = vector.broadcast %jit3A_235 : f32 to vector<128x256xf32>
    %select_n3A_237 = arith.select %eq3A_234, %broadcast_in_dim3A_236, %slice3A_33 : vector<128x256xi1>, vector<128x256xf32>
    %eq3A_238 = arith.constant 4 : i32
    %eq3A_239 = vector.broadcast %eq3A_238 : i32 to vector<128x256xi32>
    %eq3A_240 = arith.cmpi eq, %select_n3A_214, %eq3A_239 : vector<128x256xi32>
    %jit3A_241 = arith.constant 0x7F800000 : f32
    %broadcast_in_dim3A_242 = vector.broadcast %jit3A_241 : f32 to vector<128x256xf32>
    %select_n3A_243 = arith.select %eq3A_240, %broadcast_in_dim3A_242, %slice3A_34 : vector<128x256xi1>, vector<128x256xf32>
    %eq3A_244 = arith.constant 5 : i32
    %eq3A_245 = vector.broadcast %eq3A_244 : i32 to vector<128x256xi32>
    %eq3A_246 = arith.cmpi eq, %select_n3A_214, %eq3A_245 : vector<128x256xi32>
    %jit3A_247 = arith.constant 0x7F800000 : f32
    %broadcast_in_dim3A_248 = vector.broadcast %jit3A_247 : f32 to vector<128x256xf32>
    %select_n3A_249 = arith.select %eq3A_246, %broadcast_in_dim3A_248, %slice3A_35 : vector<128x256xi1>, vector<128x256xf32>
    %eq3A_250 = arith.constant 6 : i32
    %eq3A_251 = vector.broadcast %eq3A_250 : i32 to vector<128x256xi32>
    %eq3A_252 = arith.cmpi eq, %select_n3A_214, %eq3A_251 : vector<128x256xi32>
    %jit3A_253 = arith.constant 0x7F800000 : f32
    %broadcast_in_dim3A_254 = vector.broadcast %jit3A_253 : f32 to vector<128x256xf32>
    %select_n3A_255 = arith.select %eq3A_252, %broadcast_in_dim3A_254, %slice3A_36 : vector<128x256xi1>, vector<128x256xf32>
    %eq3A_256 = arith.constant 7 : i32
    %eq3A_257 = vector.broadcast %eq3A_256 : i32 to vector<128x256xi32>
    %eq3A_258 = arith.cmpi eq, %select_n3A_214, %eq3A_257 : vector<128x256xi32>
    %jit3A_259 = arith.constant 0x7F800000 : f32
    %broadcast_in_dim3A_260 = vector.broadcast %jit3A_259 : f32 to vector<128x256xf32>
    %select_n3A_261 = arith.select %eq3A_258, %broadcast_in_dim3A_260, %slice3A_37 : vector<128x256xi1>, vector<128x256xf32>
    %eq3A_262 = arith.constant 8 : i32
    %eq3A_263 = vector.broadcast %eq3A_262 : i32 to vector<128x256xi32>
    %eq3A_264 = arith.cmpi eq, %select_n3A_214, %eq3A_263 : vector<128x256xi32>
    %jit3A_265 = arith.constant 0x7F800000 : f32
    %broadcast_in_dim3A_266 = vector.broadcast %jit3A_265 : f32 to vector<128x256xf32>
    %select_n3A_267 = arith.select %eq3A_264, %broadcast_in_dim3A_266, %slice3A_38 : vector<128x256xi1>, vector<128x256xf32>
    %eq3A_268 = arith.constant 9 : i32
    %eq3A_269 = vector.broadcast %eq3A_268 : i32 to vector<128x256xi32>
    %eq3A_270 = arith.cmpi eq, %select_n3A_214, %eq3A_269 : vector<128x256xi32>
    %jit3A_271 = arith.constant 0x7F800000 : f32
    %broadcast_in_dim3A_272 = vector.broadcast %jit3A_271 : f32 to vector<128x256xf32>
    %select_n3A_273 = arith.select %eq3A_270, %broadcast_in_dim3A_272, %slice3A_39 : vector<128x256xi1>, vector<128x256xf32>
    %eq3A_274 = arith.constant 10 : i32
    %eq3A_275 = vector.broadcast %eq3A_274 : i32 to vector<128x256xi32>
    %eq3A_276 = arith.cmpi eq, %select_n3A_214, %eq3A_275 : vector<128x256xi32>
    %jit3A_277 = arith.constant 0x7F800000 : f32
    %broadcast_in_dim3A_278 = vector.broadcast %jit3A_277 : f32 to vector<128x256xf32>
    %select_n3A_279 = arith.select %eq3A_276, %broadcast_in_dim3A_278, %slice3A_40 : vector<128x256xi1>, vector<128x256xf32>
    %eq3A_280 = arith.constant 11 : i32
    %eq3A_281 = vector.broadcast %eq3A_280 : i32 to vector<128x256xi32>
    %eq3A_282 = arith.cmpi eq, %select_n3A_214, %eq3A_281 : vector<128x256xi32>
    %jit3A_283 = arith.constant 0x7F800000 : f32
    %broadcast_in_dim3A_284 = vector.broadcast %jit3A_283 : f32 to vector<128x256xf32>
    %select_n3A_285 = arith.select %eq3A_282, %broadcast_in_dim3A_284, %slice3A_41 : vector<128x256xi1>, vector<128x256xf32>
    %eq3A_286 = arith.constant 12 : i32
    %eq3A_287 = vector.broadcast %eq3A_286 : i32 to vector<128x256xi32>
    %eq3A_288 = arith.cmpi eq, %select_n3A_214, %eq3A_287 : vector<128x256xi32>
    %jit3A_289 = arith.constant 0x7F800000 : f32
    %broadcast_in_dim3A_290 = vector.broadcast %jit3A_289 : f32 to vector<128x256xf32>
    %select_n3A_291 = arith.select %eq3A_288, %broadcast_in_dim3A_290, %slice3A_42 : vector<128x256xi1>, vector<128x256xf32>
    %eq3A_292 = arith.constant 13 : i32
    %eq3A_293 = vector.broadcast %eq3A_292 : i32 to vector<128x256xi32>
    %eq3A_294 = arith.cmpi eq, %select_n3A_214, %eq3A_293 : vector<128x256xi32>
    %jit3A_295 = arith.constant 0x7F800000 : f32
    %broadcast_in_dim3A_296 = vector.broadcast %jit3A_295 : f32 to vector<128x256xf32>
    %select_n3A_297 = arith.select %eq3A_294, %broadcast_in_dim3A_296, %slice3A_43 : vector<128x256xi1>, vector<128x256xf32>
    %eq3A_298 = arith.constant 14 : i32
    %eq3A_299 = vector.broadcast %eq3A_298 : i32 to vector<128x256xi32>
    %eq3A_300 = arith.cmpi eq, %select_n3A_214, %eq3A_299 : vector<128x256xi32>
    %jit3A_301 = arith.constant 0x7F800000 : f32
    %broadcast_in_dim3A_302 = vector.broadcast %jit3A_301 : f32 to vector<128x256xf32>
    %select_n3A_303 = arith.select %eq3A_300, %broadcast_in_dim3A_302, %slice3A_44 : vector<128x256xi1>, vector<128x256xf32>
    %eq3A_304 = arith.constant 15 : i32
    %eq3A_305 = vector.broadcast %eq3A_304 : i32 to vector<128x256xi32>
    %eq3A_306 = arith.cmpi eq, %select_n3A_214, %eq3A_305 : vector<128x256xi32>
    %jit3A_307 = arith.constant 0x7F800000 : f32
    %broadcast_in_dim3A_308 = vector.broadcast %jit3A_307 : f32 to vector<128x256xf32>
    %select_n3A_309 = arith.select %eq3A_306, %broadcast_in_dim3A_308, %slice3A_45 : vector<128x256xi1>, vector<128x256xf32>
    %eq3A_310 = arith.constant 16 : i32
    %eq3A_311 = vector.broadcast %eq3A_310 : i32 to vector<128x256xi32>
    %eq3A_312 = arith.cmpi eq, %select_n3A_214, %eq3A_311 : vector<128x256xi32>
    %jit3A_313 = arith.constant 0x7F800000 : f32
    %broadcast_in_dim3A_314 = vector.broadcast %jit3A_313 : f32 to vector<128x256xf32>
    %select_n3A_315 = arith.select %eq3A_312, %broadcast_in_dim3A_314, %slice3A_46 : vector<128x256xi1>, vector<128x256xf32>
    %eq3A_316 = arith.constant 17 : i32
    %eq3A_317 = vector.broadcast %eq3A_316 : i32 to vector<128x256xi32>
    %eq3A_318 = arith.cmpi eq, %select_n3A_214, %eq3A_317 : vector<128x256xi32>
    %jit3A_319 = arith.constant 0x7F800000 : f32
    %broadcast_in_dim3A_320 = vector.broadcast %jit3A_319 : f32 to vector<128x256xf32>
    %select_n3A_321 = arith.select %eq3A_318, %broadcast_in_dim3A_320, %slice3A_47 : vector<128x256xi1>, vector<128x256xf32>
    %eq3A_322 = arith.constant 18 : i32
    %eq3A_323 = vector.broadcast %eq3A_322 : i32 to vector<128x256xi32>
    %eq3A_324 = arith.cmpi eq, %select_n3A_214, %eq3A_323 : vector<128x256xi32>
    %jit3A_325 = arith.constant 0x7F800000 : f32
    %broadcast_in_dim3A_326 = vector.broadcast %jit3A_325 : f32 to vector<128x256xf32>
    %select_n3A_327 = arith.select %eq3A_324, %broadcast_in_dim3A_326, %slice3A_48 : vector<128x256xi1>, vector<128x256xf32>
    %eq3A_328 = arith.constant 19 : i32
    %eq3A_329 = vector.broadcast %eq3A_328 : i32 to vector<128x256xi32>
    %eq3A_330 = arith.cmpi eq, %select_n3A_214, %eq3A_329 : vector<128x256xi32>
    %jit3A_331 = arith.constant 0x7F800000 : f32
    %broadcast_in_dim3A_332 = vector.broadcast %jit3A_331 : f32 to vector<128x256xf32>
    %select_n3A_333 = arith.select %eq3A_330, %broadcast_in_dim3A_332, %slice3A_49 : vector<128x256xi1>, vector<128x256xf32>
    %eq3A_334 = arith.constant 20 : i32
    %eq3A_335 = vector.broadcast %eq3A_334 : i32 to vector<128x256xi32>
    %eq3A_336 = arith.cmpi eq, %select_n3A_214, %eq3A_335 : vector<128x256xi32>
    %jit3A_337 = arith.constant 0x7F800000 : f32
    %broadcast_in_dim3A_338 = vector.broadcast %jit3A_337 : f32 to vector<128x256xf32>
    %select_n3A_339 = arith.select %eq3A_336, %broadcast_in_dim3A_338, %slice3A_50 : vector<128x256xi1>, vector<128x256xf32>
    %eq3A_340 = arith.constant 21 : i32
    %eq3A_341 = vector.broadcast %eq3A_340 : i32 to vector<128x256xi32>
    %eq3A_342 = arith.cmpi eq, %select_n3A_214, %eq3A_341 : vector<128x256xi32>
    %jit3A_343 = arith.constant 0x7F800000 : f32
    %broadcast_in_dim3A_344 = vector.broadcast %jit3A_343 : f32 to vector<128x256xf32>
    %select_n3A_345 = arith.select %eq3A_342, %broadcast_in_dim3A_344, %slice3A_51 : vector<128x256xi1>, vector<128x256xf32>
    %eq3A_346 = arith.constant 22 : i32
    %eq3A_347 = vector.broadcast %eq3A_346 : i32 to vector<128x256xi32>
    %eq3A_348 = arith.cmpi eq, %select_n3A_214, %eq3A_347 : vector<128x256xi32>
    %jit3A_349 = arith.constant 0x7F800000 : f32
    %broadcast_in_dim3A_350 = vector.broadcast %jit3A_349 : f32 to vector<128x256xf32>
    %select_n3A_351 = arith.select %eq3A_348, %broadcast_in_dim3A_350, %slice3A_52 : vector<128x256xi1>, vector<128x256xf32>
    %eq3A_352 = arith.constant 23 : i32
    %eq3A_353 = vector.broadcast %eq3A_352 : i32 to vector<128x256xi32>
    %eq3A_354 = arith.cmpi eq, %select_n3A_214, %eq3A_353 : vector<128x256xi32>
    %jit3A_355 = arith.constant 0x7F800000 : f32
    %broadcast_in_dim3A_356 = vector.broadcast %jit3A_355 : f32 to vector<128x256xf32>
    %select_n3A_357 = arith.select %eq3A_354, %broadcast_in_dim3A_356, %slice3A_53 : vector<128x256xi1>, vector<128x256xf32>
    %eq3A_358 = arith.constant 24 : i32
    %eq3A_359 = vector.broadcast %eq3A_358 : i32 to vector<128x256xi32>
    %eq3A_360 = arith.cmpi eq, %select_n3A_214, %eq3A_359 : vector<128x256xi32>
    %jit3A_361 = arith.constant 0x7F800000 : f32
    %broadcast_in_dim3A_362 = vector.broadcast %jit3A_361 : f32 to vector<128x256xf32>
    %select_n3A_363 = arith.select %eq3A_360, %broadcast_in_dim3A_362, %slice3A_54 : vector<128x256xi1>, vector<128x256xf32>
    %eq3A_364 = arith.constant 25 : i32
    %eq3A_365 = vector.broadcast %eq3A_364 : i32 to vector<128x256xi32>
    %eq3A_366 = arith.cmpi eq, %select_n3A_214, %eq3A_365 : vector<128x256xi32>
    %jit3A_367 = arith.constant 0x7F800000 : f32
    %broadcast_in_dim3A_368 = vector.broadcast %jit3A_367 : f32 to vector<128x256xf32>
    %select_n3A_369 = arith.select %eq3A_366, %broadcast_in_dim3A_368, %slice3A_55 : vector<128x256xi1>, vector<128x256xf32>
    %eq3A_370 = arith.constant 26 : i32
    %eq3A_371 = vector.broadcast %eq3A_370 : i32 to vector<128x256xi32>
    %eq3A_372 = arith.cmpi eq, %select_n3A_214, %eq3A_371 : vector<128x256xi32>
    %jit3A_373 = arith.constant 0x7F800000 : f32
    %broadcast_in_dim3A_374 = vector.broadcast %jit3A_373 : f32 to vector<128x256xf32>
    %select_n3A_375 = arith.select %eq3A_372, %broadcast_in_dim3A_374, %slice3A_56 : vector<128x256xi1>, vector<128x256xf32>
    %eq3A_376 = arith.constant 27 : i32
    %eq3A_377 = vector.broadcast %eq3A_376 : i32 to vector<128x256xi32>
    %eq3A_378 = arith.cmpi eq, %select_n3A_214, %eq3A_377 : vector<128x256xi32>
    %jit3A_379 = arith.constant 0x7F800000 : f32
    %broadcast_in_dim3A_380 = vector.broadcast %jit3A_379 : f32 to vector<128x256xf32>
    %select_n3A_381 = arith.select %eq3A_378, %broadcast_in_dim3A_380, %slice3A_57 : vector<128x256xi1>, vector<128x256xf32>
    %eq3A_382 = arith.constant 28 : i32
    %eq3A_383 = vector.broadcast %eq3A_382 : i32 to vector<128x256xi32>
    %eq3A_384 = arith.cmpi eq, %select_n3A_214, %eq3A_383 : vector<128x256xi32>
    %jit3A_385 = arith.constant 0x7F800000 : f32
    %broadcast_in_dim3A_386 = vector.broadcast %jit3A_385 : f32 to vector<128x256xf32>
    %select_n3A_387 = arith.select %eq3A_384, %broadcast_in_dim3A_386, %slice3A_58 : vector<128x256xi1>, vector<128x256xf32>
    %eq3A_388 = arith.constant 29 : i32
    %eq3A_389 = vector.broadcast %eq3A_388 : i32 to vector<128x256xi32>
    %eq3A_390 = arith.cmpi eq, %select_n3A_214, %eq3A_389 : vector<128x256xi32>
    %jit3A_391 = arith.constant 0x7F800000 : f32
    %broadcast_in_dim3A_392 = vector.broadcast %jit3A_391 : f32 to vector<128x256xf32>
    %select_n3A_393 = arith.select %eq3A_390, %broadcast_in_dim3A_392, %slice3A_59 : vector<128x256xi1>, vector<128x256xf32>
    %eq3A_394 = arith.constant 30 : i32
    %eq3A_395 = vector.broadcast %eq3A_394 : i32 to vector<128x256xi32>
    %eq3A_396 = arith.cmpi eq, %select_n3A_214, %eq3A_395 : vector<128x256xi32>
    %jit3A_397 = arith.constant 0x7F800000 : f32
    %broadcast_in_dim3A_398 = vector.broadcast %jit3A_397 : f32 to vector<128x256xf32>
    %select_n3A_399 = arith.select %eq3A_396, %broadcast_in_dim3A_398, %slice3A_60 : vector<128x256xi1>, vector<128x256xf32>
    %eq3A_400 = arith.constant 31 : i32
    %eq3A_401 = vector.broadcast %eq3A_400 : i32 to vector<128x256xi32>
    %eq3A_402 = arith.cmpi eq, %select_n3A_214, %eq3A_401 : vector<128x256xi32>
    %jit3A_403 = arith.constant 0x7F800000 : f32
    %broadcast_in_dim3A_404 = vector.broadcast %jit3A_403 : f32 to vector<128x256xf32>
    %select_n3A_405 = arith.select %eq3A_402, %broadcast_in_dim3A_404, %slice3A_61 : vector<128x256xi1>, vector<128x256xf32>
    %broadcast_in_dim3A_406 = arith.constant 0 : i32
    %broadcast_in_dim3A_407 = vector.broadcast %broadcast_in_dim3A_406 : i32 to vector<128x256xi32>
    %lt3A_408 = arith.cmpf olt, %select_n3A_225, %select_n3A_219 : vector<128x256xf32>
    %select_n3A_409 = arith.select %lt3A_408, %select_n3A_225, %select_n3A_219 : vector<128x256xi1>, vector<128x256xf32>
    %jit3A_410 = arith.constant 1 : i32
    %broadcast_in_dim3A_411 = vector.broadcast %jit3A_410 : i32 to vector<128x256xi32>
    %select_n3A_412 = arith.select %lt3A_408, %broadcast_in_dim3A_411, %broadcast_in_dim3A_407 : vector<128x256xi1>, vector<128x256xi32>
    %lt3A_413 = arith.cmpf olt, %select_n3A_231, %select_n3A_409 : vector<128x256xf32>
    %select_n3A_414 = arith.select %lt3A_413, %select_n3A_231, %select_n3A_409 : vector<128x256xi1>, vector<128x256xf32>
    %jit3A_415 = arith.constant 2 : i32
    %broadcast_in_dim3A_416 = vector.broadcast %jit3A_415 : i32 to vector<128x256xi32>
    %select_n3A_417 = arith.select %lt3A_413, %broadcast_in_dim3A_416, %select_n3A_412 : vector<128x256xi1>, vector<128x256xi32>
    %lt3A_418 = arith.cmpf olt, %select_n3A_237, %select_n3A_414 : vector<128x256xf32>
    %select_n3A_419 = arith.select %lt3A_418, %select_n3A_237, %select_n3A_414 : vector<128x256xi1>, vector<128x256xf32>
    %jit3A_420 = arith.constant 3 : i32
    %broadcast_in_dim3A_421 = vector.broadcast %jit3A_420 : i32 to vector<128x256xi32>
    %select_n3A_422 = arith.select %lt3A_418, %broadcast_in_dim3A_421, %select_n3A_417 : vector<128x256xi1>, vector<128x256xi32>
    %lt3A_423 = arith.cmpf olt, %select_n3A_243, %select_n3A_419 : vector<128x256xf32>
    %select_n3A_424 = arith.select %lt3A_423, %select_n3A_243, %select_n3A_419 : vector<128x256xi1>, vector<128x256xf32>
    %jit3A_425 = arith.constant 4 : i32
    %broadcast_in_dim3A_426 = vector.broadcast %jit3A_425 : i32 to vector<128x256xi32>
    %select_n3A_427 = arith.select %lt3A_423, %broadcast_in_dim3A_426, %select_n3A_422 : vector<128x256xi1>, vector<128x256xi32>
    %lt3A_428 = arith.cmpf olt, %select_n3A_249, %select_n3A_424 : vector<128x256xf32>
    %select_n3A_429 = arith.select %lt3A_428, %select_n3A_249, %select_n3A_424 : vector<128x256xi1>, vector<128x256xf32>
    %jit3A_430 = arith.constant 5 : i32
    %broadcast_in_dim3A_431 = vector.broadcast %jit3A_430 : i32 to vector<128x256xi32>
    %select_n3A_432 = arith.select %lt3A_428, %broadcast_in_dim3A_431, %select_n3A_427 : vector<128x256xi1>, vector<128x256xi32>
    %lt3A_433 = arith.cmpf olt, %select_n3A_255, %select_n3A_429 : vector<128x256xf32>
    %select_n3A_434 = arith.select %lt3A_433, %select_n3A_255, %select_n3A_429 : vector<128x256xi1>, vector<128x256xf32>
    %jit3A_435 = arith.constant 6 : i32
    %broadcast_in_dim3A_436 = vector.broadcast %jit3A_435 : i32 to vector<128x256xi32>
    %select_n3A_437 = arith.select %lt3A_433, %broadcast_in_dim3A_436, %select_n3A_432 : vector<128x256xi1>, vector<128x256xi32>
    %lt3A_438 = arith.cmpf olt, %select_n3A_261, %select_n3A_434 : vector<128x256xf32>
    %select_n3A_439 = arith.select %lt3A_438, %select_n3A_261, %select_n3A_434 : vector<128x256xi1>, vector<128x256xf32>
    %jit3A_440 = arith.constant 7 : i32
    %broadcast_in_dim3A_441 = vector.broadcast %jit3A_440 : i32 to vector<128x256xi32>
    %select_n3A_442 = arith.select %lt3A_438, %broadcast_in_dim3A_441, %select_n3A_437 : vector<128x256xi1>, vector<128x256xi32>
    %lt3A_443 = arith.cmpf olt, %select_n3A_267, %select_n3A_439 : vector<128x256xf32>
    %select_n3A_444 = arith.select %lt3A_443, %select_n3A_267, %select_n3A_439 : vector<128x256xi1>, vector<128x256xf32>
    %jit3A_445 = arith.constant 8 : i32
    %broadcast_in_dim3A_446 = vector.broadcast %jit3A_445 : i32 to vector<128x256xi32>
    %select_n3A_447 = arith.select %lt3A_443, %broadcast_in_dim3A_446, %select_n3A_442 : vector<128x256xi1>, vector<128x256xi32>
    %lt3A_448 = arith.cmpf olt, %select_n3A_273, %select_n3A_444 : vector<128x256xf32>
    %select_n3A_449 = arith.select %lt3A_448, %select_n3A_273, %select_n3A_444 : vector<128x256xi1>, vector<128x256xf32>
    %jit3A_450 = arith.constant 9 : i32
    %broadcast_in_dim3A_451 = vector.broadcast %jit3A_450 : i32 to vector<128x256xi32>
    %select_n3A_452 = arith.select %lt3A_448, %broadcast_in_dim3A_451, %select_n3A_447 : vector<128x256xi1>, vector<128x256xi32>
    %lt3A_453 = arith.cmpf olt, %select_n3A_279, %select_n3A_449 : vector<128x256xf32>
    %select_n3A_454 = arith.select %lt3A_453, %select_n3A_279, %select_n3A_449 : vector<128x256xi1>, vector<128x256xf32>
    %jit3A_455 = arith.constant 10 : i32
    %broadcast_in_dim3A_456 = vector.broadcast %jit3A_455 : i32 to vector<128x256xi32>
    %select_n3A_457 = arith.select %lt3A_453, %broadcast_in_dim3A_456, %select_n3A_452 : vector<128x256xi1>, vector<128x256xi32>
    %lt3A_458 = arith.cmpf olt, %select_n3A_285, %select_n3A_454 : vector<128x256xf32>
    %select_n3A_459 = arith.select %lt3A_458, %select_n3A_285, %select_n3A_454 : vector<128x256xi1>, vector<128x256xf32>
    %jit3A_460 = arith.constant 11 : i32
    %broadcast_in_dim3A_461 = vector.broadcast %jit3A_460 : i32 to vector<128x256xi32>
    %select_n3A_462 = arith.select %lt3A_458, %broadcast_in_dim3A_461, %select_n3A_457 : vector<128x256xi1>, vector<128x256xi32>
    %lt3A_463 = arith.cmpf olt, %select_n3A_291, %select_n3A_459 : vector<128x256xf32>
    %select_n3A_464 = arith.select %lt3A_463, %select_n3A_291, %select_n3A_459 : vector<128x256xi1>, vector<128x256xf32>
    %jit3A_465 = arith.constant 12 : i32
    %broadcast_in_dim3A_466 = vector.broadcast %jit3A_465 : i32 to vector<128x256xi32>
    %select_n3A_467 = arith.select %lt3A_463, %broadcast_in_dim3A_466, %select_n3A_462 : vector<128x256xi1>, vector<128x256xi32>
    %lt3A_468 = arith.cmpf olt, %select_n3A_297, %select_n3A_464 : vector<128x256xf32>
    %select_n3A_469 = arith.select %lt3A_468, %select_n3A_297, %select_n3A_464 : vector<128x256xi1>, vector<128x256xf32>
    %jit3A_470 = arith.constant 13 : i32
    %broadcast_in_dim3A_471 = vector.broadcast %jit3A_470 : i32 to vector<128x256xi32>
    %select_n3A_472 = arith.select %lt3A_468, %broadcast_in_dim3A_471, %select_n3A_467 : vector<128x256xi1>, vector<128x256xi32>
    %lt3A_473 = arith.cmpf olt, %select_n3A_303, %select_n3A_469 : vector<128x256xf32>
    %select_n3A_474 = arith.select %lt3A_473, %select_n3A_303, %select_n3A_469 : vector<128x256xi1>, vector<128x256xf32>
    %jit3A_475 = arith.constant 14 : i32
    %broadcast_in_dim3A_476 = vector.broadcast %jit3A_475 : i32 to vector<128x256xi32>
    %select_n3A_477 = arith.select %lt3A_473, %broadcast_in_dim3A_476, %select_n3A_472 : vector<128x256xi1>, vector<128x256xi32>
    %lt3A_478 = arith.cmpf olt, %select_n3A_309, %select_n3A_474 : vector<128x256xf32>
    %select_n3A_479 = arith.select %lt3A_478, %select_n3A_309, %select_n3A_474 : vector<128x256xi1>, vector<128x256xf32>
    %jit3A_480 = arith.constant 15 : i32
    %broadcast_in_dim3A_481 = vector.broadcast %jit3A_480 : i32 to vector<128x256xi32>
    %select_n3A_482 = arith.select %lt3A_478, %broadcast_in_dim3A_481, %select_n3A_477 : vector<128x256xi1>, vector<128x256xi32>
    %lt3A_483 = arith.cmpf olt, %select_n3A_315, %select_n3A_479 : vector<128x256xf32>
    %select_n3A_484 = arith.select %lt3A_483, %select_n3A_315, %select_n3A_479 : vector<128x256xi1>, vector<128x256xf32>
    %jit3A_485 = arith.constant 16 : i32
    %broadcast_in_dim3A_486 = vector.broadcast %jit3A_485 : i32 to vector<128x256xi32>
    %select_n3A_487 = arith.select %lt3A_483, %broadcast_in_dim3A_486, %select_n3A_482 : vector<128x256xi1>, vector<128x256xi32>
    %lt3A_488 = arith.cmpf olt, %select_n3A_321, %select_n3A_484 : vector<128x256xf32>
    %select_n3A_489 = arith.select %lt3A_488, %select_n3A_321, %select_n3A_484 : vector<128x256xi1>, vector<128x256xf32>
    %jit3A_490 = arith.constant 17 : i32
    %broadcast_in_dim3A_491 = vector.broadcast %jit3A_490 : i32 to vector<128x256xi32>
    %select_n3A_492 = arith.select %lt3A_488, %broadcast_in_dim3A_491, %select_n3A_487 : vector<128x256xi1>, vector<128x256xi32>
    %lt3A_493 = arith.cmpf olt, %select_n3A_327, %select_n3A_489 : vector<128x256xf32>
    %select_n3A_494 = arith.select %lt3A_493, %select_n3A_327, %select_n3A_489 : vector<128x256xi1>, vector<128x256xf32>
    %jit3A_495 = arith.constant 18 : i32
    %broadcast_in_dim3A_496 = vector.broadcast %jit3A_495 : i32 to vector<128x256xi32>
    %select_n3A_497 = arith.select %lt3A_493, %broadcast_in_dim3A_496, %select_n3A_492 : vector<128x256xi1>, vector<128x256xi32>
    %lt3A_498 = arith.cmpf olt, %select_n3A_333, %select_n3A_494 : vector<128x256xf32>
    %select_n3A_499 = arith.select %lt3A_498, %select_n3A_333, %select_n3A_494 : vector<128x256xi1>, vector<128x256xf32>
    %jit3A_500 = arith.constant 19 : i32
    %broadcast_in_dim3A_501 = vector.broadcast %jit3A_500 : i32 to vector<128x256xi32>
    %select_n3A_502 = arith.select %lt3A_498, %broadcast_in_dim3A_501, %select_n3A_497 : vector<128x256xi1>, vector<128x256xi32>
    %lt3A_503 = arith.cmpf olt, %select_n3A_339, %select_n3A_499 : vector<128x256xf32>
    %select_n3A_504 = arith.select %lt3A_503, %select_n3A_339, %select_n3A_499 : vector<128x256xi1>, vector<128x256xf32>
    %jit3A_505 = arith.constant 20 : i32
    %broadcast_in_dim3A_506 = vector.broadcast %jit3A_505 : i32 to vector<128x256xi32>
    %select_n3A_507 = arith.select %lt3A_503, %broadcast_in_dim3A_506, %select_n3A_502 : vector<128x256xi1>, vector<128x256xi32>
    %lt3A_508 = arith.cmpf olt, %select_n3A_345, %select_n3A_504 : vector<128x256xf32>
    %select_n3A_509 = arith.select %lt3A_508, %select_n3A_345, %select_n3A_504 : vector<128x256xi1>, vector<128x256xf32>
    %jit3A_510 = arith.constant 21 : i32
    %broadcast_in_dim3A_511 = vector.broadcast %jit3A_510 : i32 to vector<128x256xi32>
    %select_n3A_512 = arith.select %lt3A_508, %broadcast_in_dim3A_511, %select_n3A_507 : vector<128x256xi1>, vector<128x256xi32>
    %lt3A_513 = arith.cmpf olt, %select_n3A_351, %select_n3A_509 : vector<128x256xf32>
    %select_n3A_514 = arith.select %lt3A_513, %select_n3A_351, %select_n3A_509 : vector<128x256xi1>, vector<128x256xf32>
    %jit3A_515 = arith.constant 22 : i32
    %broadcast_in_dim3A_516 = vector.broadcast %jit3A_515 : i32 to vector<128x256xi32>
    %select_n3A_517 = arith.select %lt3A_513, %broadcast_in_dim3A_516, %select_n3A_512 : vector<128x256xi1>, vector<128x256xi32>
    %lt3A_518 = arith.cmpf olt, %select_n3A_357, %select_n3A_514 : vector<128x256xf32>
    %select_n3A_519 = arith.select %lt3A_518, %select_n3A_357, %select_n3A_514 : vector<128x256xi1>, vector<128x256xf32>
    %jit3A_520 = arith.constant 23 : i32
    %broadcast_in_dim3A_521 = vector.broadcast %jit3A_520 : i32 to vector<128x256xi32>
    %select_n3A_522 = arith.select %lt3A_518, %broadcast_in_dim3A_521, %select_n3A_517 : vector<128x256xi1>, vector<128x256xi32>
    %lt3A_523 = arith.cmpf olt, %select_n3A_363, %select_n3A_519 : vector<128x256xf32>
    %select_n3A_524 = arith.select %lt3A_523, %select_n3A_363, %select_n3A_519 : vector<128x256xi1>, vector<128x256xf32>
    %jit3A_525 = arith.constant 24 : i32
    %broadcast_in_dim3A_526 = vector.broadcast %jit3A_525 : i32 to vector<128x256xi32>
    %select_n3A_527 = arith.select %lt3A_523, %broadcast_in_dim3A_526, %select_n3A_522 : vector<128x256xi1>, vector<128x256xi32>
    %lt3A_528 = arith.cmpf olt, %select_n3A_369, %select_n3A_524 : vector<128x256xf32>
    %select_n3A_529 = arith.select %lt3A_528, %select_n3A_369, %select_n3A_524 : vector<128x256xi1>, vector<128x256xf32>
    %jit3A_530 = arith.constant 25 : i32
    %broadcast_in_dim3A_531 = vector.broadcast %jit3A_530 : i32 to vector<128x256xi32>
    %select_n3A_532 = arith.select %lt3A_528, %broadcast_in_dim3A_531, %select_n3A_527 : vector<128x256xi1>, vector<128x256xi32>
    %lt3A_533 = arith.cmpf olt, %select_n3A_375, %select_n3A_529 : vector<128x256xf32>
    %select_n3A_534 = arith.select %lt3A_533, %select_n3A_375, %select_n3A_529 : vector<128x256xi1>, vector<128x256xf32>
    %jit3A_535 = arith.constant 26 : i32
    %broadcast_in_dim3A_536 = vector.broadcast %jit3A_535 : i32 to vector<128x256xi32>
    %select_n3A_537 = arith.select %lt3A_533, %broadcast_in_dim3A_536, %select_n3A_532 : vector<128x256xi1>, vector<128x256xi32>
    %lt3A_538 = arith.cmpf olt, %select_n3A_381, %select_n3A_534 : vector<128x256xf32>
    %select_n3A_539 = arith.select %lt3A_538, %select_n3A_381, %select_n3A_534 : vector<128x256xi1>, vector<128x256xf32>
    %jit3A_540 = arith.constant 27 : i32
    %broadcast_in_dim3A_541 = vector.broadcast %jit3A_540 : i32 to vector<128x256xi32>
    %select_n3A_542 = arith.select %lt3A_538, %broadcast_in_dim3A_541, %select_n3A_537 : vector<128x256xi1>, vector<128x256xi32>
    %lt3A_543 = arith.cmpf olt, %select_n3A_387, %select_n3A_539 : vector<128x256xf32>
    %select_n3A_544 = arith.select %lt3A_543, %select_n3A_387, %select_n3A_539 : vector<128x256xi1>, vector<128x256xf32>
    %jit3A_545 = arith.constant 28 : i32
    %broadcast_in_dim3A_546 = vector.broadcast %jit3A_545 : i32 to vector<128x256xi32>
    %select_n3A_547 = arith.select %lt3A_543, %broadcast_in_dim3A_546, %select_n3A_542 : vector<128x256xi1>, vector<128x256xi32>
    %lt3A_548 = arith.cmpf olt, %select_n3A_393, %select_n3A_544 : vector<128x256xf32>
    %select_n3A_549 = arith.select %lt3A_548, %select_n3A_393, %select_n3A_544 : vector<128x256xi1>, vector<128x256xf32>
    %jit3A_550 = arith.constant 29 : i32
    %broadcast_in_dim3A_551 = vector.broadcast %jit3A_550 : i32 to vector<128x256xi32>
    %select_n3A_552 = arith.select %lt3A_548, %broadcast_in_dim3A_551, %select_n3A_547 : vector<128x256xi1>, vector<128x256xi32>
    %lt3A_553 = arith.cmpf olt, %select_n3A_399, %select_n3A_549 : vector<128x256xf32>
    %select_n3A_554 = arith.select %lt3A_553, %select_n3A_399, %select_n3A_549 : vector<128x256xi1>, vector<128x256xf32>
    %jit3A_555 = arith.constant 30 : i32
    %broadcast_in_dim3A_556 = vector.broadcast %jit3A_555 : i32 to vector<128x256xi32>
    %select_n3A_557 = arith.select %lt3A_553, %broadcast_in_dim3A_556, %select_n3A_552 : vector<128x256xi1>, vector<128x256xi32>
    %lt3A_558 = arith.cmpf olt, %select_n3A_405, %select_n3A_554 : vector<128x256xf32>
    %select_n3A_559 = arith.select %lt3A_558, %select_n3A_405, %select_n3A_554 : vector<128x256xi1>, vector<128x256xf32>
    %jit3A_560 = arith.constant 31 : i32
    %broadcast_in_dim3A_561 = vector.broadcast %jit3A_560 : i32 to vector<128x256xi32>
    %select_n3A_562 = arith.select %lt3A_558, %broadcast_in_dim3A_561, %select_n3A_557 : vector<128x256xi1>, vector<128x256xi32>
    %eq3A_563 = arith.constant 0 : i32
    %eq3A_564 = vector.broadcast %eq3A_563 : i32 to vector<128x256xi32>
    %eq3A_565 = arith.cmpi eq, %select_n3A_562, %eq3A_564 : vector<128x256xi32>
    %jit3A_566 = arith.constant 0x7F800000 : f32
    %broadcast_in_dim3A_567 = vector.broadcast %jit3A_566 : f32 to vector<128x256xf32>
    %select_n3A_568 = arith.select %eq3A_565, %broadcast_in_dim3A_567, %select_n3A_219 : vector<128x256xi1>, vector<128x256xf32>
    %eq3A_569 = arith.constant 1 : i32
    %eq3A_570 = vector.broadcast %eq3A_569 : i32 to vector<128x256xi32>
    %eq3A_571 = arith.cmpi eq, %select_n3A_562, %eq3A_570 : vector<128x256xi32>
    %jit3A_572 = arith.constant 0x7F800000 : f32
    %broadcast_in_dim3A_573 = vector.broadcast %jit3A_572 : f32 to vector<128x256xf32>
    %select_n3A_574 = arith.select %eq3A_571, %broadcast_in_dim3A_573, %select_n3A_225 : vector<128x256xi1>, vector<128x256xf32>
    %eq3A_575 = arith.constant 2 : i32
    %eq3A_576 = vector.broadcast %eq3A_575 : i32 to vector<128x256xi32>
    %eq3A_577 = arith.cmpi eq, %select_n3A_562, %eq3A_576 : vector<128x256xi32>
    %jit3A_578 = arith.constant 0x7F800000 : f32
    %broadcast_in_dim3A_579 = vector.broadcast %jit3A_578 : f32 to vector<128x256xf32>
    %select_n3A_580 = arith.select %eq3A_577, %broadcast_in_dim3A_579, %select_n3A_231 : vector<128x256xi1>, vector<128x256xf32>
    %eq3A_581 = arith.constant 3 : i32
    %eq3A_582 = vector.broadcast %eq3A_581 : i32 to vector<128x256xi32>
    %eq3A_583 = arith.cmpi eq, %select_n3A_562, %eq3A_582 : vector<128x256xi32>
    %jit3A_584 = arith.constant 0x7F800000 : f32
    %broadcast_in_dim3A_585 = vector.broadcast %jit3A_584 : f32 to vector<128x256xf32>
    %select_n3A_586 = arith.select %eq3A_583, %broadcast_in_dim3A_585, %select_n3A_237 : vector<128x256xi1>, vector<128x256xf32>
    %eq3A_587 = arith.constant 4 : i32
    %eq3A_588 = vector.broadcast %eq3A_587 : i32 to vector<128x256xi32>
    %eq3A_589 = arith.cmpi eq, %select_n3A_562, %eq3A_588 : vector<128x256xi32>
    %jit3A_590 = arith.constant 0x7F800000 : f32
    %broadcast_in_dim3A_591 = vector.broadcast %jit3A_590 : f32 to vector<128x256xf32>
    %select_n3A_592 = arith.select %eq3A_589, %broadcast_in_dim3A_591, %select_n3A_243 : vector<128x256xi1>, vector<128x256xf32>
    %eq3A_593 = arith.constant 5 : i32
    %eq3A_594 = vector.broadcast %eq3A_593 : i32 to vector<128x256xi32>
    %eq3A_595 = arith.cmpi eq, %select_n3A_562, %eq3A_594 : vector<128x256xi32>
    %jit3A_596 = arith.constant 0x7F800000 : f32
    %broadcast_in_dim3A_597 = vector.broadcast %jit3A_596 : f32 to vector<128x256xf32>
    %select_n3A_598 = arith.select %eq3A_595, %broadcast_in_dim3A_597, %select_n3A_249 : vector<128x256xi1>, vector<128x256xf32>
    %eq3A_599 = arith.constant 6 : i32
    %eq3A_600 = vector.broadcast %eq3A_599 : i32 to vector<128x256xi32>
    %eq3A_601 = arith.cmpi eq, %select_n3A_562, %eq3A_600 : vector<128x256xi32>
    %jit3A_602 = arith.constant 0x7F800000 : f32
    %broadcast_in_dim3A_603 = vector.broadcast %jit3A_602 : f32 to vector<128x256xf32>
    %select_n3A_604 = arith.select %eq3A_601, %broadcast_in_dim3A_603, %select_n3A_255 : vector<128x256xi1>, vector<128x256xf32>
    %eq3A_605 = arith.constant 7 : i32
    %eq3A_606 = vector.broadcast %eq3A_605 : i32 to vector<128x256xi32>
    %eq3A_607 = arith.cmpi eq, %select_n3A_562, %eq3A_606 : vector<128x256xi32>
    %jit3A_608 = arith.constant 0x7F800000 : f32
    %broadcast_in_dim3A_609 = vector.broadcast %jit3A_608 : f32 to vector<128x256xf32>
    %select_n3A_610 = arith.select %eq3A_607, %broadcast_in_dim3A_609, %select_n3A_261 : vector<128x256xi1>, vector<128x256xf32>
    %eq3A_611 = arith.constant 8 : i32
    %eq3A_612 = vector.broadcast %eq3A_611 : i32 to vector<128x256xi32>
    %eq3A_613 = arith.cmpi eq, %select_n3A_562, %eq3A_612 : vector<128x256xi32>
    %jit3A_614 = arith.constant 0x7F800000 : f32
    %broadcast_in_dim3A_615 = vector.broadcast %jit3A_614 : f32 to vector<128x256xf32>
    %select_n3A_616 = arith.select %eq3A_613, %broadcast_in_dim3A_615, %select_n3A_267 : vector<128x256xi1>, vector<128x256xf32>
    %eq3A_617 = arith.constant 9 : i32
    %eq3A_618 = vector.broadcast %eq3A_617 : i32 to vector<128x256xi32>
    %eq3A_619 = arith.cmpi eq, %select_n3A_562, %eq3A_618 : vector<128x256xi32>
    %jit3A_620 = arith.constant 0x7F800000 : f32
    %broadcast_in_dim3A_621 = vector.broadcast %jit3A_620 : f32 to vector<128x256xf32>
    %select_n3A_622 = arith.select %eq3A_619, %broadcast_in_dim3A_621, %select_n3A_273 : vector<128x256xi1>, vector<128x256xf32>
    %eq3A_623 = arith.constant 10 : i32
    %eq3A_624 = vector.broadcast %eq3A_623 : i32 to vector<128x256xi32>
    %eq3A_625 = arith.cmpi eq, %select_n3A_562, %eq3A_624 : vector<128x256xi32>
    %jit3A_626 = arith.constant 0x7F800000 : f32
    %broadcast_in_dim3A_627 = vector.broadcast %jit3A_626 : f32 to vector<128x256xf32>
    %select_n3A_628 = arith.select %eq3A_625, %broadcast_in_dim3A_627, %select_n3A_279 : vector<128x256xi1>, vector<128x256xf32>
    %eq3A_629 = arith.constant 11 : i32
    %eq3A_630 = vector.broadcast %eq3A_629 : i32 to vector<128x256xi32>
    %eq3A_631 = arith.cmpi eq, %select_n3A_562, %eq3A_630 : vector<128x256xi32>
    %jit3A_632 = arith.constant 0x7F800000 : f32
    %broadcast_in_dim3A_633 = vector.broadcast %jit3A_632 : f32 to vector<128x256xf32>
    %select_n3A_634 = arith.select %eq3A_631, %broadcast_in_dim3A_633, %select_n3A_285 : vector<128x256xi1>, vector<128x256xf32>
    %eq3A_635 = arith.constant 12 : i32
    %eq3A_636 = vector.broadcast %eq3A_635 : i32 to vector<128x256xi32>
    %eq3A_637 = arith.cmpi eq, %select_n3A_562, %eq3A_636 : vector<128x256xi32>
    %jit3A_638 = arith.constant 0x7F800000 : f32
    %broadcast_in_dim3A_639 = vector.broadcast %jit3A_638 : f32 to vector<128x256xf32>
    %select_n3A_640 = arith.select %eq3A_637, %broadcast_in_dim3A_639, %select_n3A_291 : vector<128x256xi1>, vector<128x256xf32>
    %eq3A_641 = arith.constant 13 : i32
    %eq3A_642 = vector.broadcast %eq3A_641 : i32 to vector<128x256xi32>
    %eq3A_643 = arith.cmpi eq, %select_n3A_562, %eq3A_642 : vector<128x256xi32>
    %jit3A_644 = arith.constant 0x7F800000 : f32
    %broadcast_in_dim3A_645 = vector.broadcast %jit3A_644 : f32 to vector<128x256xf32>
    %select_n3A_646 = arith.select %eq3A_643, %broadcast_in_dim3A_645, %select_n3A_297 : vector<128x256xi1>, vector<128x256xf32>
    %eq3A_647 = arith.constant 14 : i32
    %eq3A_648 = vector.broadcast %eq3A_647 : i32 to vector<128x256xi32>
    %eq3A_649 = arith.cmpi eq, %select_n3A_562, %eq3A_648 : vector<128x256xi32>
    %jit3A_650 = arith.constant 0x7F800000 : f32
    %broadcast_in_dim3A_651 = vector.broadcast %jit3A_650 : f32 to vector<128x256xf32>
    %select_n3A_652 = arith.select %eq3A_649, %broadcast_in_dim3A_651, %select_n3A_303 : vector<128x256xi1>, vector<128x256xf32>
    %eq3A_653 = arith.constant 15 : i32
    %eq3A_654 = vector.broadcast %eq3A_653 : i32 to vector<128x256xi32>
    %eq3A_655 = arith.cmpi eq, %select_n3A_562, %eq3A_654 : vector<128x256xi32>
    %jit3A_656 = arith.constant 0x7F800000 : f32
    %broadcast_in_dim3A_657 = vector.broadcast %jit3A_656 : f32 to vector<128x256xf32>
    %select_n3A_658 = arith.select %eq3A_655, %broadcast_in_dim3A_657, %select_n3A_309 : vector<128x256xi1>, vector<128x256xf32>
    %eq3A_659 = arith.constant 16 : i32
    %eq3A_660 = vector.broadcast %eq3A_659 : i32 to vector<128x256xi32>
    %eq3A_661 = arith.cmpi eq, %select_n3A_562, %eq3A_660 : vector<128x256xi32>
    %jit3A_662 = arith.constant 0x7F800000 : f32
    %broadcast_in_dim3A_663 = vector.broadcast %jit3A_662 : f32 to vector<128x256xf32>
    %select_n3A_664 = arith.select %eq3A_661, %broadcast_in_dim3A_663, %select_n3A_315 : vector<128x256xi1>, vector<128x256xf32>
    %eq3A_665 = arith.constant 17 : i32
    %eq3A_666 = vector.broadcast %eq3A_665 : i32 to vector<128x256xi32>
    %eq3A_667 = arith.cmpi eq, %select_n3A_562, %eq3A_666 : vector<128x256xi32>
    %jit3A_668 = arith.constant 0x7F800000 : f32
    %broadcast_in_dim3A_669 = vector.broadcast %jit3A_668 : f32 to vector<128x256xf32>
    %select_n3A_670 = arith.select %eq3A_667, %broadcast_in_dim3A_669, %select_n3A_321 : vector<128x256xi1>, vector<128x256xf32>
    %eq3A_671 = arith.constant 18 : i32
    %eq3A_672 = vector.broadcast %eq3A_671 : i32 to vector<128x256xi32>
    %eq3A_673 = arith.cmpi eq, %select_n3A_562, %eq3A_672 : vector<128x256xi32>
    %jit3A_674 = arith.constant 0x7F800000 : f32
    %broadcast_in_dim3A_675 = vector.broadcast %jit3A_674 : f32 to vector<128x256xf32>
    %select_n3A_676 = arith.select %eq3A_673, %broadcast_in_dim3A_675, %select_n3A_327 : vector<128x256xi1>, vector<128x256xf32>
    %eq3A_677 = arith.constant 19 : i32
    %eq3A_678 = vector.broadcast %eq3A_677 : i32 to vector<128x256xi32>
    %eq3A_679 = arith.cmpi eq, %select_n3A_562, %eq3A_678 : vector<128x256xi32>
    %jit3A_680 = arith.constant 0x7F800000 : f32
    %broadcast_in_dim3A_681 = vector.broadcast %jit3A_680 : f32 to vector<128x256xf32>
    %select_n3A_682 = arith.select %eq3A_679, %broadcast_in_dim3A_681, %select_n3A_333 : vector<128x256xi1>, vector<128x256xf32>
    %eq3A_683 = arith.constant 20 : i32
    %eq3A_684 = vector.broadcast %eq3A_683 : i32 to vector<128x256xi32>
    %eq3A_685 = arith.cmpi eq, %select_n3A_562, %eq3A_684 : vector<128x256xi32>
    %jit3A_686 = arith.constant 0x7F800000 : f32
    %broadcast_in_dim3A_687 = vector.broadcast %jit3A_686 : f32 to vector<128x256xf32>
    %select_n3A_688 = arith.select %eq3A_685, %broadcast_in_dim3A_687, %select_n3A_339 : vector<128x256xi1>, vector<128x256xf32>
    %eq3A_689 = arith.constant 21 : i32
    %eq3A_690 = vector.broadcast %eq3A_689 : i32 to vector<128x256xi32>
    %eq3A_691 = arith.cmpi eq, %select_n3A_562, %eq3A_690 : vector<128x256xi32>
    %jit3A_692 = arith.constant 0x7F800000 : f32
    %broadcast_in_dim3A_693 = vector.broadcast %jit3A_692 : f32 to vector<128x256xf32>
    %select_n3A_694 = arith.select %eq3A_691, %broadcast_in_dim3A_693, %select_n3A_345 : vector<128x256xi1>, vector<128x256xf32>
    %eq3A_695 = arith.constant 22 : i32
    %eq3A_696 = vector.broadcast %eq3A_695 : i32 to vector<128x256xi32>
    %eq3A_697 = arith.cmpi eq, %select_n3A_562, %eq3A_696 : vector<128x256xi32>
    %jit3A_698 = arith.constant 0x7F800000 : f32
    %broadcast_in_dim3A_699 = vector.broadcast %jit3A_698 : f32 to vector<128x256xf32>
    %select_n3A_700 = arith.select %eq3A_697, %broadcast_in_dim3A_699, %select_n3A_351 : vector<128x256xi1>, vector<128x256xf32>
    %eq3A_701 = arith.constant 23 : i32
    %eq3A_702 = vector.broadcast %eq3A_701 : i32 to vector<128x256xi32>
    %eq3A_703 = arith.cmpi eq, %select_n3A_562, %eq3A_702 : vector<128x256xi32>
    %jit3A_704 = arith.constant 0x7F800000 : f32
    %broadcast_in_dim3A_705 = vector.broadcast %jit3A_704 : f32 to vector<128x256xf32>
    %select_n3A_706 = arith.select %eq3A_703, %broadcast_in_dim3A_705, %select_n3A_357 : vector<128x256xi1>, vector<128x256xf32>
    %eq3A_707 = arith.constant 24 : i32
    %eq3A_708 = vector.broadcast %eq3A_707 : i32 to vector<128x256xi32>
    %eq3A_709 = arith.cmpi eq, %select_n3A_562, %eq3A_708 : vector<128x256xi32>
    %jit3A_710 = arith.constant 0x7F800000 : f32
    %broadcast_in_dim3A_711 = vector.broadcast %jit3A_710 : f32 to vector<128x256xf32>
    %select_n3A_712 = arith.select %eq3A_709, %broadcast_in_dim3A_711, %select_n3A_363 : vector<128x256xi1>, vector<128x256xf32>
    %eq3A_713 = arith.constant 25 : i32
    %eq3A_714 = vector.broadcast %eq3A_713 : i32 to vector<128x256xi32>
    %eq3A_715 = arith.cmpi eq, %select_n3A_562, %eq3A_714 : vector<128x256xi32>
    %jit3A_716 = arith.constant 0x7F800000 : f32
    %broadcast_in_dim3A_717 = vector.broadcast %jit3A_716 : f32 to vector<128x256xf32>
    %select_n3A_718 = arith.select %eq3A_715, %broadcast_in_dim3A_717, %select_n3A_369 : vector<128x256xi1>, vector<128x256xf32>
    %eq3A_719 = arith.constant 26 : i32
    %eq3A_720 = vector.broadcast %eq3A_719 : i32 to vector<128x256xi32>
    %eq3A_721 = arith.cmpi eq, %select_n3A_562, %eq3A_720 : vector<128x256xi32>
    %jit3A_722 = arith.constant 0x7F800000 : f32
    %broadcast_in_dim3A_723 = vector.broadcast %jit3A_722 : f32 to vector<128x256xf32>
    %select_n3A_724 = arith.select %eq3A_721, %broadcast_in_dim3A_723, %select_n3A_375 : vector<128x256xi1>, vector<128x256xf32>
    %eq3A_725 = arith.constant 27 : i32
    %eq3A_726 = vector.broadcast %eq3A_725 : i32 to vector<128x256xi32>
    %eq3A_727 = arith.cmpi eq, %select_n3A_562, %eq3A_726 : vector<128x256xi32>
    %jit3A_728 = arith.constant 0x7F800000 : f32
    %broadcast_in_dim3A_729 = vector.broadcast %jit3A_728 : f32 to vector<128x256xf32>
    %select_n3A_730 = arith.select %eq3A_727, %broadcast_in_dim3A_729, %select_n3A_381 : vector<128x256xi1>, vector<128x256xf32>
    %eq3A_731 = arith.constant 28 : i32
    %eq3A_732 = vector.broadcast %eq3A_731 : i32 to vector<128x256xi32>
    %eq3A_733 = arith.cmpi eq, %select_n3A_562, %eq3A_732 : vector<128x256xi32>
    %jit3A_734 = arith.constant 0x7F800000 : f32
    %broadcast_in_dim3A_735 = vector.broadcast %jit3A_734 : f32 to vector<128x256xf32>
    %select_n3A_736 = arith.select %eq3A_733, %broadcast_in_dim3A_735, %select_n3A_387 : vector<128x256xi1>, vector<128x256xf32>
    %eq3A_737 = arith.constant 29 : i32
    %eq3A_738 = vector.broadcast %eq3A_737 : i32 to vector<128x256xi32>
    %eq3A_739 = arith.cmpi eq, %select_n3A_562, %eq3A_738 : vector<128x256xi32>
    %jit3A_740 = arith.constant 0x7F800000 : f32
    %broadcast_in_dim3A_741 = vector.broadcast %jit3A_740 : f32 to vector<128x256xf32>
    %select_n3A_742 = arith.select %eq3A_739, %broadcast_in_dim3A_741, %select_n3A_393 : vector<128x256xi1>, vector<128x256xf32>
    %eq3A_743 = arith.constant 30 : i32
    %eq3A_744 = vector.broadcast %eq3A_743 : i32 to vector<128x256xi32>
    %eq3A_745 = arith.cmpi eq, %select_n3A_562, %eq3A_744 : vector<128x256xi32>
    %jit3A_746 = arith.constant 0x7F800000 : f32
    %broadcast_in_dim3A_747 = vector.broadcast %jit3A_746 : f32 to vector<128x256xf32>
    %select_n3A_748 = arith.select %eq3A_745, %broadcast_in_dim3A_747, %select_n3A_399 : vector<128x256xi1>, vector<128x256xf32>
    %eq3A_749 = arith.constant 31 : i32
    %eq3A_750 = vector.broadcast %eq3A_749 : i32 to vector<128x256xi32>
    %eq3A_751 = arith.cmpi eq, %select_n3A_562, %eq3A_750 : vector<128x256xi32>
    %jit3A_752 = arith.constant 0x7F800000 : f32
    %broadcast_in_dim3A_753 = vector.broadcast %jit3A_752 : f32 to vector<128x256xf32>
    %select_n3A_754 = arith.select %eq3A_751, %broadcast_in_dim3A_753, %select_n3A_405 : vector<128x256xi1>, vector<128x256xf32>
    %broadcast_in_dim3A_755 = arith.constant 0 : i32
    %broadcast_in_dim3A_756 = vector.broadcast %broadcast_in_dim3A_755 : i32 to vector<128x256xi32>
    %lt3A_757 = arith.cmpf olt, %select_n3A_574, %select_n3A_568 : vector<128x256xf32>
    %select_n3A_758 = arith.select %lt3A_757, %select_n3A_574, %select_n3A_568 : vector<128x256xi1>, vector<128x256xf32>
    %jit3A_759 = arith.constant 1 : i32
    %broadcast_in_dim3A_760 = vector.broadcast %jit3A_759 : i32 to vector<128x256xi32>
    %select_n3A_761 = arith.select %lt3A_757, %broadcast_in_dim3A_760, %broadcast_in_dim3A_756 : vector<128x256xi1>, vector<128x256xi32>
    %lt3A_762 = arith.cmpf olt, %select_n3A_580, %select_n3A_758 : vector<128x256xf32>
    %select_n3A_763 = arith.select %lt3A_762, %select_n3A_580, %select_n3A_758 : vector<128x256xi1>, vector<128x256xf32>
    %jit3A_764 = arith.constant 2 : i32
    %broadcast_in_dim3A_765 = vector.broadcast %jit3A_764 : i32 to vector<128x256xi32>
    %select_n3A_766 = arith.select %lt3A_762, %broadcast_in_dim3A_765, %select_n3A_761 : vector<128x256xi1>, vector<128x256xi32>
    %lt3A_767 = arith.cmpf olt, %select_n3A_586, %select_n3A_763 : vector<128x256xf32>
    %select_n3A_768 = arith.select %lt3A_767, %select_n3A_586, %select_n3A_763 : vector<128x256xi1>, vector<128x256xf32>
    %jit3A_769 = arith.constant 3 : i32
    %broadcast_in_dim3A_770 = vector.broadcast %jit3A_769 : i32 to vector<128x256xi32>
    %select_n3A_771 = arith.select %lt3A_767, %broadcast_in_dim3A_770, %select_n3A_766 : vector<128x256xi1>, vector<128x256xi32>
    %lt3A_772 = arith.cmpf olt, %select_n3A_592, %select_n3A_768 : vector<128x256xf32>
    %select_n3A_773 = arith.select %lt3A_772, %select_n3A_592, %select_n3A_768 : vector<128x256xi1>, vector<128x256xf32>
    %jit3A_774 = arith.constant 4 : i32
    %broadcast_in_dim3A_775 = vector.broadcast %jit3A_774 : i32 to vector<128x256xi32>
    %select_n3A_776 = arith.select %lt3A_772, %broadcast_in_dim3A_775, %select_n3A_771 : vector<128x256xi1>, vector<128x256xi32>
    %lt3A_777 = arith.cmpf olt, %select_n3A_598, %select_n3A_773 : vector<128x256xf32>
    %select_n3A_778 = arith.select %lt3A_777, %select_n3A_598, %select_n3A_773 : vector<128x256xi1>, vector<128x256xf32>
    %jit3A_779 = arith.constant 5 : i32
    %broadcast_in_dim3A_780 = vector.broadcast %jit3A_779 : i32 to vector<128x256xi32>
    %select_n3A_781 = arith.select %lt3A_777, %broadcast_in_dim3A_780, %select_n3A_776 : vector<128x256xi1>, vector<128x256xi32>
    %lt3A_782 = arith.cmpf olt, %select_n3A_604, %select_n3A_778 : vector<128x256xf32>
    %select_n3A_783 = arith.select %lt3A_782, %select_n3A_604, %select_n3A_778 : vector<128x256xi1>, vector<128x256xf32>
    %jit3A_784 = arith.constant 6 : i32
    %broadcast_in_dim3A_785 = vector.broadcast %jit3A_784 : i32 to vector<128x256xi32>
    %select_n3A_786 = arith.select %lt3A_782, %broadcast_in_dim3A_785, %select_n3A_781 : vector<128x256xi1>, vector<128x256xi32>
    %lt3A_787 = arith.cmpf olt, %select_n3A_610, %select_n3A_783 : vector<128x256xf32>
    %select_n3A_788 = arith.select %lt3A_787, %select_n3A_610, %select_n3A_783 : vector<128x256xi1>, vector<128x256xf32>
    %jit3A_789 = arith.constant 7 : i32
    %broadcast_in_dim3A_790 = vector.broadcast %jit3A_789 : i32 to vector<128x256xi32>
    %select_n3A_791 = arith.select %lt3A_787, %broadcast_in_dim3A_790, %select_n3A_786 : vector<128x256xi1>, vector<128x256xi32>
    %lt3A_792 = arith.cmpf olt, %select_n3A_616, %select_n3A_788 : vector<128x256xf32>
    %select_n3A_793 = arith.select %lt3A_792, %select_n3A_616, %select_n3A_788 : vector<128x256xi1>, vector<128x256xf32>
    %jit3A_794 = arith.constant 8 : i32
    %broadcast_in_dim3A_795 = vector.broadcast %jit3A_794 : i32 to vector<128x256xi32>
    %select_n3A_796 = arith.select %lt3A_792, %broadcast_in_dim3A_795, %select_n3A_791 : vector<128x256xi1>, vector<128x256xi32>
    %lt3A_797 = arith.cmpf olt, %select_n3A_622, %select_n3A_793 : vector<128x256xf32>
    %select_n3A_798 = arith.select %lt3A_797, %select_n3A_622, %select_n3A_793 : vector<128x256xi1>, vector<128x256xf32>
    %jit3A_799 = arith.constant 9 : i32
    %broadcast_in_dim3A_800 = vector.broadcast %jit3A_799 : i32 to vector<128x256xi32>
    %select_n3A_801 = arith.select %lt3A_797, %broadcast_in_dim3A_800, %select_n3A_796 : vector<128x256xi1>, vector<128x256xi32>
    %lt3A_802 = arith.cmpf olt, %select_n3A_628, %select_n3A_798 : vector<128x256xf32>
    %select_n3A_803 = arith.select %lt3A_802, %select_n3A_628, %select_n3A_798 : vector<128x256xi1>, vector<128x256xf32>
    %jit3A_804 = arith.constant 10 : i32
    %broadcast_in_dim3A_805 = vector.broadcast %jit3A_804 : i32 to vector<128x256xi32>
    %select_n3A_806 = arith.select %lt3A_802, %broadcast_in_dim3A_805, %select_n3A_801 : vector<128x256xi1>, vector<128x256xi32>
    %lt3A_807 = arith.cmpf olt, %select_n3A_634, %select_n3A_803 : vector<128x256xf32>
    %select_n3A_808 = arith.select %lt3A_807, %select_n3A_634, %select_n3A_803 : vector<128x256xi1>, vector<128x256xf32>
    %jit3A_809 = arith.constant 11 : i32
    %broadcast_in_dim3A_810 = vector.broadcast %jit3A_809 : i32 to vector<128x256xi32>
    %select_n3A_811 = arith.select %lt3A_807, %broadcast_in_dim3A_810, %select_n3A_806 : vector<128x256xi1>, vector<128x256xi32>
    %lt3A_812 = arith.cmpf olt, %select_n3A_640, %select_n3A_808 : vector<128x256xf32>
    %select_n3A_813 = arith.select %lt3A_812, %select_n3A_640, %select_n3A_808 : vector<128x256xi1>, vector<128x256xf32>
    %jit3A_814 = arith.constant 12 : i32
    %broadcast_in_dim3A_815 = vector.broadcast %jit3A_814 : i32 to vector<128x256xi32>
    %select_n3A_816 = arith.select %lt3A_812, %broadcast_in_dim3A_815, %select_n3A_811 : vector<128x256xi1>, vector<128x256xi32>
    %lt3A_817 = arith.cmpf olt, %select_n3A_646, %select_n3A_813 : vector<128x256xf32>
    %select_n3A_818 = arith.select %lt3A_817, %select_n3A_646, %select_n3A_813 : vector<128x256xi1>, vector<128x256xf32>
    %jit3A_819 = arith.constant 13 : i32
    %broadcast_in_dim3A_820 = vector.broadcast %jit3A_819 : i32 to vector<128x256xi32>
    %select_n3A_821 = arith.select %lt3A_817, %broadcast_in_dim3A_820, %select_n3A_816 : vector<128x256xi1>, vector<128x256xi32>
    %lt3A_822 = arith.cmpf olt, %select_n3A_652, %select_n3A_818 : vector<128x256xf32>
    %select_n3A_823 = arith.select %lt3A_822, %select_n3A_652, %select_n3A_818 : vector<128x256xi1>, vector<128x256xf32>
    %jit3A_824 = arith.constant 14 : i32
    %broadcast_in_dim3A_825 = vector.broadcast %jit3A_824 : i32 to vector<128x256xi32>
    %select_n3A_826 = arith.select %lt3A_822, %broadcast_in_dim3A_825, %select_n3A_821 : vector<128x256xi1>, vector<128x256xi32>
    %lt3A_827 = arith.cmpf olt, %select_n3A_658, %select_n3A_823 : vector<128x256xf32>
    %select_n3A_828 = arith.select %lt3A_827, %select_n3A_658, %select_n3A_823 : vector<128x256xi1>, vector<128x256xf32>
    %jit3A_829 = arith.constant 15 : i32
    %broadcast_in_dim3A_830 = vector.broadcast %jit3A_829 : i32 to vector<128x256xi32>
    %select_n3A_831 = arith.select %lt3A_827, %broadcast_in_dim3A_830, %select_n3A_826 : vector<128x256xi1>, vector<128x256xi32>
    %lt3A_832 = arith.cmpf olt, %select_n3A_664, %select_n3A_828 : vector<128x256xf32>
    %select_n3A_833 = arith.select %lt3A_832, %select_n3A_664, %select_n3A_828 : vector<128x256xi1>, vector<128x256xf32>
    %jit3A_834 = arith.constant 16 : i32
    %broadcast_in_dim3A_835 = vector.broadcast %jit3A_834 : i32 to vector<128x256xi32>
    %select_n3A_836 = arith.select %lt3A_832, %broadcast_in_dim3A_835, %select_n3A_831 : vector<128x256xi1>, vector<128x256xi32>
    %lt3A_837 = arith.cmpf olt, %select_n3A_670, %select_n3A_833 : vector<128x256xf32>
    %select_n3A_838 = arith.select %lt3A_837, %select_n3A_670, %select_n3A_833 : vector<128x256xi1>, vector<128x256xf32>
    %jit3A_839 = arith.constant 17 : i32
    %broadcast_in_dim3A_840 = vector.broadcast %jit3A_839 : i32 to vector<128x256xi32>
    %select_n3A_841 = arith.select %lt3A_837, %broadcast_in_dim3A_840, %select_n3A_836 : vector<128x256xi1>, vector<128x256xi32>
    %lt3A_842 = arith.cmpf olt, %select_n3A_676, %select_n3A_838 : vector<128x256xf32>
    %select_n3A_843 = arith.select %lt3A_842, %select_n3A_676, %select_n3A_838 : vector<128x256xi1>, vector<128x256xf32>
    %jit3A_844 = arith.constant 18 : i32
    %broadcast_in_dim3A_845 = vector.broadcast %jit3A_844 : i32 to vector<128x256xi32>
    %select_n3A_846 = arith.select %lt3A_842, %broadcast_in_dim3A_845, %select_n3A_841 : vector<128x256xi1>, vector<128x256xi32>
    %lt3A_847 = arith.cmpf olt, %select_n3A_682, %select_n3A_843 : vector<128x256xf32>
    %select_n3A_848 = arith.select %lt3A_847, %select_n3A_682, %select_n3A_843 : vector<128x256xi1>, vector<128x256xf32>
    %jit3A_849 = arith.constant 19 : i32
    %broadcast_in_dim3A_850 = vector.broadcast %jit3A_849 : i32 to vector<128x256xi32>
    %select_n3A_851 = arith.select %lt3A_847, %broadcast_in_dim3A_850, %select_n3A_846 : vector<128x256xi1>, vector<128x256xi32>
    %lt3A_852 = arith.cmpf olt, %select_n3A_688, %select_n3A_848 : vector<128x256xf32>
    %select_n3A_853 = arith.select %lt3A_852, %select_n3A_688, %select_n3A_848 : vector<128x256xi1>, vector<128x256xf32>
    %jit3A_854 = arith.constant 20 : i32
    %broadcast_in_dim3A_855 = vector.broadcast %jit3A_854 : i32 to vector<128x256xi32>
    %select_n3A_856 = arith.select %lt3A_852, %broadcast_in_dim3A_855, %select_n3A_851 : vector<128x256xi1>, vector<128x256xi32>
    %lt3A_857 = arith.cmpf olt, %select_n3A_694, %select_n3A_853 : vector<128x256xf32>
    %select_n3A_858 = arith.select %lt3A_857, %select_n3A_694, %select_n3A_853 : vector<128x256xi1>, vector<128x256xf32>
    %jit3A_859 = arith.constant 21 : i32
    %broadcast_in_dim3A_860 = vector.broadcast %jit3A_859 : i32 to vector<128x256xi32>
    %select_n3A_861 = arith.select %lt3A_857, %broadcast_in_dim3A_860, %select_n3A_856 : vector<128x256xi1>, vector<128x256xi32>
    %lt3A_862 = arith.cmpf olt, %select_n3A_700, %select_n3A_858 : vector<128x256xf32>
    %select_n3A_863 = arith.select %lt3A_862, %select_n3A_700, %select_n3A_858 : vector<128x256xi1>, vector<128x256xf32>
    %jit3A_864 = arith.constant 22 : i32
    %broadcast_in_dim3A_865 = vector.broadcast %jit3A_864 : i32 to vector<128x256xi32>
    %select_n3A_866 = arith.select %lt3A_862, %broadcast_in_dim3A_865, %select_n3A_861 : vector<128x256xi1>, vector<128x256xi32>
    %lt3A_867 = arith.cmpf olt, %select_n3A_706, %select_n3A_863 : vector<128x256xf32>
    %select_n3A_868 = arith.select %lt3A_867, %select_n3A_706, %select_n3A_863 : vector<128x256xi1>, vector<128x256xf32>
    %jit3A_869 = arith.constant 23 : i32
    %broadcast_in_dim3A_870 = vector.broadcast %jit3A_869 : i32 to vector<128x256xi32>
    %select_n3A_871 = arith.select %lt3A_867, %broadcast_in_dim3A_870, %select_n3A_866 : vector<128x256xi1>, vector<128x256xi32>
    %lt3A_872 = arith.cmpf olt, %select_n3A_712, %select_n3A_868 : vector<128x256xf32>
    %select_n3A_873 = arith.select %lt3A_872, %select_n3A_712, %select_n3A_868 : vector<128x256xi1>, vector<128x256xf32>
    %jit3A_874 = arith.constant 24 : i32
    %broadcast_in_dim3A_875 = vector.broadcast %jit3A_874 : i32 to vector<128x256xi32>
    %select_n3A_876 = arith.select %lt3A_872, %broadcast_in_dim3A_875, %select_n3A_871 : vector<128x256xi1>, vector<128x256xi32>
    %lt3A_877 = arith.cmpf olt, %select_n3A_718, %select_n3A_873 : vector<128x256xf32>
    %select_n3A_878 = arith.select %lt3A_877, %select_n3A_718, %select_n3A_873 : vector<128x256xi1>, vector<128x256xf32>
    %jit3A_879 = arith.constant 25 : i32
    %broadcast_in_dim3A_880 = vector.broadcast %jit3A_879 : i32 to vector<128x256xi32>
    %select_n3A_881 = arith.select %lt3A_877, %broadcast_in_dim3A_880, %select_n3A_876 : vector<128x256xi1>, vector<128x256xi32>
    %lt3A_882 = arith.cmpf olt, %select_n3A_724, %select_n3A_878 : vector<128x256xf32>
    %select_n3A_883 = arith.select %lt3A_882, %select_n3A_724, %select_n3A_878 : vector<128x256xi1>, vector<128x256xf32>
    %jit3A_884 = arith.constant 26 : i32
    %broadcast_in_dim3A_885 = vector.broadcast %jit3A_884 : i32 to vector<128x256xi32>
    %select_n3A_886 = arith.select %lt3A_882, %broadcast_in_dim3A_885, %select_n3A_881 : vector<128x256xi1>, vector<128x256xi32>
    %lt3A_887 = arith.cmpf olt, %select_n3A_730, %select_n3A_883 : vector<128x256xf32>
    %select_n3A_888 = arith.select %lt3A_887, %select_n3A_730, %select_n3A_883 : vector<128x256xi1>, vector<128x256xf32>
    %jit3A_889 = arith.constant 27 : i32
    %broadcast_in_dim3A_890 = vector.broadcast %jit3A_889 : i32 to vector<128x256xi32>
    %select_n3A_891 = arith.select %lt3A_887, %broadcast_in_dim3A_890, %select_n3A_886 : vector<128x256xi1>, vector<128x256xi32>
    %lt3A_892 = arith.cmpf olt, %select_n3A_736, %select_n3A_888 : vector<128x256xf32>
    %select_n3A_893 = arith.select %lt3A_892, %select_n3A_736, %select_n3A_888 : vector<128x256xi1>, vector<128x256xf32>
    %jit3A_894 = arith.constant 28 : i32
    %broadcast_in_dim3A_895 = vector.broadcast %jit3A_894 : i32 to vector<128x256xi32>
    %select_n3A_896 = arith.select %lt3A_892, %broadcast_in_dim3A_895, %select_n3A_891 : vector<128x256xi1>, vector<128x256xi32>
    %lt3A_897 = arith.cmpf olt, %select_n3A_742, %select_n3A_893 : vector<128x256xf32>
    %select_n3A_898 = arith.select %lt3A_897, %select_n3A_742, %select_n3A_893 : vector<128x256xi1>, vector<128x256xf32>
    %jit3A_899 = arith.constant 29 : i32
    %broadcast_in_dim3A_900 = vector.broadcast %jit3A_899 : i32 to vector<128x256xi32>
    %select_n3A_901 = arith.select %lt3A_897, %broadcast_in_dim3A_900, %select_n3A_896 : vector<128x256xi1>, vector<128x256xi32>
    %lt3A_902 = arith.cmpf olt, %select_n3A_748, %select_n3A_898 : vector<128x256xf32>
    %select_n3A_903 = arith.select %lt3A_902, %select_n3A_748, %select_n3A_898 : vector<128x256xi1>, vector<128x256xf32>
    %jit3A_904 = arith.constant 30 : i32
    %broadcast_in_dim3A_905 = vector.broadcast %jit3A_904 : i32 to vector<128x256xi32>
    %select_n3A_906 = arith.select %lt3A_902, %broadcast_in_dim3A_905, %select_n3A_901 : vector<128x256xi1>, vector<128x256xi32>
    %lt3A_907 = arith.cmpf olt, %select_n3A_754, %select_n3A_903 : vector<128x256xf32>
    %select_n3A_908 = arith.select %lt3A_907, %select_n3A_754, %select_n3A_903 : vector<128x256xi1>, vector<128x256xf32>
    %jit3A_909 = arith.constant 31 : i32
    %broadcast_in_dim3A_910 = vector.broadcast %jit3A_909 : i32 to vector<128x256xi32>
    %select_n3A_911 = arith.select %lt3A_907, %broadcast_in_dim3A_910, %select_n3A_906 : vector<128x256xi1>, vector<128x256xi32>
    %iota3A = tpu.iota {dimensions = array<i32: 1>} : vector<1x256xi32>
    %mul3A_912 = arith.constant 256 : i32
    %mul3A_913 = vector.broadcast %mul3A_912 : i32 to vector<128x256xi32>
    %mul3A_914 = arith.muli %select_n3A_214, %mul3A_913 : vector<128x256xi32>
    %add3A_915 = vector.broadcast %iota3A : vector<1x256xi32> to vector<128x256xi32>
    %add3A_916 = arith.addi %mul3A_914, %add3A_915 : vector<128x256xi32>
    %mul3A_917 = arith.constant 256 : i32
    %mul3A_918 = vector.broadcast %mul3A_917 : i32 to vector<128x256xi32>
    %mul3A_919 = arith.muli %select_n3A_562, %mul3A_918 : vector<128x256xi32>
    %add3A_920 = vector.broadcast %iota3A : vector<1x256xi32> to vector<128x256xi32>
    %add3A_921 = arith.addi %mul3A_919, %add3A_920 : vector<128x256xi32>
    %mul3A_922 = arith.constant 256 : i32
    %mul3A_923 = vector.broadcast %mul3A_922 : i32 to vector<128x256xi32>
    %mul3A_924 = arith.muli %select_n3A_911, %mul3A_923 : vector<128x256xi32>
    %add3A_925 = vector.broadcast %iota3A : vector<1x256xi32> to vector<128x256xi32>
    %add3A_926 = arith.addi %mul3A_924, %add3A_925 : vector<128x256xi32>
    %broadcast_in_dim3A_927 = arith.constant 0 : i32
    %broadcast_in_dim3A_928 = vector.broadcast %broadcast_in_dim3A_927 : i32 to vector<128x256xi32>
    %broadcast_in_dim3A_929 = arith.constant false
    %broadcast_in_dim3A_930 = vector.broadcast %broadcast_in_dim3A_929 : i1 to vector<128x1xi1>
    %reduce_min3A = arith.constant dense<0x7F800000> : vector<128xf32>
    %reduce_min3A_931 = vector.multi_reduction <minimumf>, %select_n3A_211, %reduce_min3A [1] : vector<128x256xf32> to vector<128xf32>
    %broadcast_in_dim3A_932 = vector.shape_cast %reduce_min3A_931 : vector<128xf32> to vector<128x1xf32>
    %eq3A_933 = vector.broadcast %broadcast_in_dim3A_932 : vector<128x1xf32> to vector<128x256xf32>
    %eq3A_934 = arith.cmpf oeq, %select_n3A_211, %eq3A_933 : vector<128x256xf32>
    %jit3A_935 = arith.constant 16384 : i32
    %broadcast_in_dim3A_936 = vector.broadcast %jit3A_935 : i32 to vector<128x256xi32>
    %select_n3A_937 = arith.select %eq3A_934, %add3A_916, %broadcast_in_dim3A_936 : vector<128x256xi1>, vector<128x256xi32>
    %reduce_min3A_938 = arith.constant dense<2147483647> : vector<128xi32>
    %reduce_min3A_939 = vector.multi_reduction <minsi>, %select_n3A_937, %reduce_min3A_938 [1] : vector<128x256xi32> to vector<128xi32>
    %broadcast_in_dim3A_940 = vector.shape_cast %reduce_min3A_939 : vector<128xi32> to vector<128x1xi32>
    %eq3A_941 = vector.broadcast %broadcast_in_dim3A_940 : vector<128x1xi32> to vector<128x256xi32>
    %eq3A_942 = arith.cmpi eq, %add3A_916, %eq3A_941 : vector<128x256xi32>
    %eq3A_943 = vector.broadcast %broadcast_in_dim3A_932 : vector<128x1xf32> to vector<128x256xf32>
    %eq3A_944 = arith.cmpf oeq, %select_n3A_211, %eq3A_943 : vector<128x256xf32>
    %and3A = arith.andi %eq3A_942, %eq3A_944 : vector<128x256xi1>
    %eq3A_945 = arith.constant 2 : i32
    %eq3A_946 = vector.broadcast %eq3A_945 : i32 to vector<128x256xi32>
    %eq3A_947 = arith.cmpi eq, %broadcast_in_dim3A_928, %eq3A_946 : vector<128x256xi32>
    %and3A_948 = arith.andi %and3A, %eq3A_947 : vector<128x256xi1>
    %reduce_or3A = arith.constant 1.000000e+00 : f32
    %reduce_or3A_949 = arith.constant 0.000000e+00 : f32
    %reduce_or3A_950 = vector.broadcast %reduce_or3A : f32 to vector<128x256xf32>
    %reduce_or3A_951 = vector.broadcast %reduce_or3A_949 : f32 to vector<128x256xf32>
    %reduce_or3A_952 = arith.select %and3A_948, %reduce_or3A_950, %reduce_or3A_951 : vector<128x256xi1>, vector<128x256xf32>
    %reduce_or3A_953 = arith.constant dense<0xFF800000> : vector<128xf32>
    %reduce_or3A_954 = vector.multi_reduction <maximumf>, %reduce_or3A_952, %reduce_or3A_953 [1] : vector<128x256xf32> to vector<128xf32>
    %reduce_or3A_955 = arith.constant 0.000000e+00 : f32
    %reduce_or3A_956 = vector.broadcast %reduce_or3A_955 : f32 to vector<128xf32>
    %reduce_or3A_957 = arith.cmpf ogt, %reduce_or3A_954, %reduce_or3A_956 : vector<128xf32>
    %broadcast_in_dim3A_958 = vector.shape_cast %reduce_or3A_957 : vector<128xi1> to vector<128x1xi1>
    %or3A = arith.ori %broadcast_in_dim3A_930, %broadcast_in_dim3A_958 : vector<128x1xi1>
    %convert_element_type3A_959 = arith.extui %and3A : vector<128x256xi1> to vector<128x256xi32>
    %add3A_960 = arith.addi %broadcast_in_dim3A_928, %convert_element_type3A_959 : vector<128x256xi32>
    %select_n3A_961 = arith.select %and3A, %select_n3A_559, %select_n3A_211 : vector<128x256xi1>, vector<128x256xf32>
    %select_n3A_962 = arith.select %and3A, %add3A_921, %add3A_916 : vector<128x256xi1>, vector<128x256xi32>
    %select_n3A_963 = arith.select %and3A, %select_n3A_908, %select_n3A_559 : vector<128x256xi1>, vector<128x256xf32>
    %select_n3A_964 = arith.select %and3A, %add3A_926, %add3A_921 : vector<128x256xi1>, vector<128x256xi32>
    %jit3A_965 = arith.constant 0x7F800000 : f32
    %broadcast_in_dim3A_966 = vector.broadcast %jit3A_965 : f32 to vector<128x256xf32>
    %select_n3A_967 = arith.select %and3A, %broadcast_in_dim3A_966, %select_n3A_908 : vector<128x256xi1>, vector<128x256xf32>
    %reduce_min3A_968 = arith.constant dense<0x7F800000> : vector<128xf32>
    %reduce_min3A_969 = vector.multi_reduction <minimumf>, %select_n3A_961, %reduce_min3A_968 [1] : vector<128x256xf32> to vector<128xf32>
    %broadcast_in_dim3A_970 = vector.shape_cast %reduce_min3A_969 : vector<128xf32> to vector<128x1xf32>
    %eq3A_971 = vector.broadcast %broadcast_in_dim3A_970 : vector<128x1xf32> to vector<128x256xf32>
    %eq3A_972 = arith.cmpf oeq, %select_n3A_961, %eq3A_971 : vector<128x256xf32>
    %jit3A_973 = arith.constant 16384 : i32
    %broadcast_in_dim3A_974 = vector.broadcast %jit3A_973 : i32 to vector<128x256xi32>
    %select_n3A_975 = arith.select %eq3A_972, %select_n3A_962, %broadcast_in_dim3A_974 : vector<128x256xi1>, vector<128x256xi32>
    %reduce_min3A_976 = arith.constant dense<2147483647> : vector<128xi32>
    %reduce_min3A_977 = vector.multi_reduction <minsi>, %select_n3A_975, %reduce_min3A_976 [1] : vector<128x256xi32> to vector<128xi32>
    %broadcast_in_dim3A_978 = vector.shape_cast %reduce_min3A_977 : vector<128xi32> to vector<128x1xi32>
    %eq3A_979 = vector.broadcast %broadcast_in_dim3A_978 : vector<128x1xi32> to vector<128x256xi32>
    %eq3A_980 = arith.cmpi eq, %select_n3A_962, %eq3A_979 : vector<128x256xi32>
    %eq3A_981 = vector.broadcast %broadcast_in_dim3A_970 : vector<128x1xf32> to vector<128x256xf32>
    %eq3A_982 = arith.cmpf oeq, %select_n3A_961, %eq3A_981 : vector<128x256xf32>
    %and3A_983 = arith.andi %eq3A_980, %eq3A_982 : vector<128x256xi1>
    %eq3A_984 = arith.constant 2 : i32
    %eq3A_985 = vector.broadcast %eq3A_984 : i32 to vector<128x256xi32>
    %eq3A_986 = arith.cmpi eq, %add3A_960, %eq3A_985 : vector<128x256xi32>
    %and3A_987 = arith.andi %and3A_983, %eq3A_986 : vector<128x256xi1>
    %reduce_or3A_988 = arith.constant 1.000000e+00 : f32
    %reduce_or3A_989 = arith.constant 0.000000e+00 : f32
    %reduce_or3A_990 = vector.broadcast %reduce_or3A_988 : f32 to vector<128x256xf32>
    %reduce_or3A_991 = vector.broadcast %reduce_or3A_989 : f32 to vector<128x256xf32>
    %reduce_or3A_992 = arith.select %and3A_987, %reduce_or3A_990, %reduce_or3A_991 : vector<128x256xi1>, vector<128x256xf32>
    %reduce_or3A_993 = arith.constant dense<0xFF800000> : vector<128xf32>
    %reduce_or3A_994 = vector.multi_reduction <maximumf>, %reduce_or3A_992, %reduce_or3A_993 [1] : vector<128x256xf32> to vector<128xf32>
    %reduce_or3A_995 = arith.constant 0.000000e+00 : f32
    %reduce_or3A_996 = vector.broadcast %reduce_or3A_995 : f32 to vector<128xf32>
    %reduce_or3A_997 = arith.cmpf ogt, %reduce_or3A_994, %reduce_or3A_996 : vector<128xf32>
    %broadcast_in_dim3A_998 = vector.shape_cast %reduce_or3A_997 : vector<128xi1> to vector<128x1xi1>
    %or3A_999 = arith.ori %or3A, %broadcast_in_dim3A_998 : vector<128x1xi1>
    %convert_element_type3A_1000 = arith.extui %and3A_983 : vector<128x256xi1> to vector<128x256xi32>
    %add3A_1001 = arith.addi %add3A_960, %convert_element_type3A_1000 : vector<128x256xi32>
    %select_n3A_1002 = arith.select %and3A_983, %select_n3A_963, %select_n3A_961 : vector<128x256xi1>, vector<128x256xf32>
    %select_n3A_1003 = arith.select %and3A_983, %select_n3A_964, %select_n3A_962 : vector<128x256xi1>, vector<128x256xi32>
    %select_n3A_1004 = arith.select %and3A_983, %select_n3A_967, %select_n3A_963 : vector<128x256xi1>, vector<128x256xf32>
    %select_n3A_1005 = arith.select %and3A_983, %add3A_926, %select_n3A_964 : vector<128x256xi1>, vector<128x256xi32>
    %jit3A_1006 = arith.constant 0x7F800000 : f32
    %broadcast_in_dim3A_1007 = vector.broadcast %jit3A_1006 : f32 to vector<128x256xf32>
    %select_n3A_1008 = arith.select %and3A_983, %broadcast_in_dim3A_1007, %select_n3A_967 : vector<128x256xi1>, vector<128x256xf32>
    %reduce_min3A_1009 = arith.constant dense<0x7F800000> : vector<128xf32>
    %reduce_min3A_1010 = vector.multi_reduction <minimumf>, %select_n3A_1002, %reduce_min3A_1009 [1] : vector<128x256xf32> to vector<128xf32>
    %broadcast_in_dim3A_1011 = vector.shape_cast %reduce_min3A_1010 : vector<128xf32> to vector<128x1xf32>
    %eq3A_1012 = vector.broadcast %broadcast_in_dim3A_1011 : vector<128x1xf32> to vector<128x256xf32>
    %eq3A_1013 = arith.cmpf oeq, %select_n3A_1002, %eq3A_1012 : vector<128x256xf32>
    %jit3A_1014 = arith.constant 16384 : i32
    %broadcast_in_dim3A_1015 = vector.broadcast %jit3A_1014 : i32 to vector<128x256xi32>
    %select_n3A_1016 = arith.select %eq3A_1013, %select_n3A_1003, %broadcast_in_dim3A_1015 : vector<128x256xi1>, vector<128x256xi32>
    %reduce_min3A_1017 = arith.constant dense<2147483647> : vector<128xi32>
    %reduce_min3A_1018 = vector.multi_reduction <minsi>, %select_n3A_1016, %reduce_min3A_1017 [1] : vector<128x256xi32> to vector<128xi32>
    %broadcast_in_dim3A_1019 = vector.shape_cast %reduce_min3A_1018 : vector<128xi32> to vector<128x1xi32>
    %eq3A_1020 = vector.broadcast %broadcast_in_dim3A_1019 : vector<128x1xi32> to vector<128x256xi32>
    %eq3A_1021 = arith.cmpi eq, %select_n3A_1003, %eq3A_1020 : vector<128x256xi32>
    %eq3A_1022 = vector.broadcast %broadcast_in_dim3A_1011 : vector<128x1xf32> to vector<128x256xf32>
    %eq3A_1023 = arith.cmpf oeq, %select_n3A_1002, %eq3A_1022 : vector<128x256xf32>
    %and3A_1024 = arith.andi %eq3A_1021, %eq3A_1023 : vector<128x256xi1>
    %eq3A_1025 = arith.constant 2 : i32
    %eq3A_1026 = vector.broadcast %eq3A_1025 : i32 to vector<128x256xi32>
    %eq3A_1027 = arith.cmpi eq, %add3A_1001, %eq3A_1026 : vector<128x256xi32>
    %and3A_1028 = arith.andi %and3A_1024, %eq3A_1027 : vector<128x256xi1>
    %reduce_or3A_1029 = arith.constant 1.000000e+00 : f32
    %reduce_or3A_1030 = arith.constant 0.000000e+00 : f32
    %reduce_or3A_1031 = vector.broadcast %reduce_or3A_1029 : f32 to vector<128x256xf32>
    %reduce_or3A_1032 = vector.broadcast %reduce_or3A_1030 : f32 to vector<128x256xf32>
    %reduce_or3A_1033 = arith.select %and3A_1028, %reduce_or3A_1031, %reduce_or3A_1032 : vector<128x256xi1>, vector<128x256xf32>
    %reduce_or3A_1034 = arith.constant dense<0xFF800000> : vector<128xf32>
    %reduce_or3A_1035 = vector.multi_reduction <maximumf>, %reduce_or3A_1033, %reduce_or3A_1034 [1] : vector<128x256xf32> to vector<128xf32>
    %reduce_or3A_1036 = arith.constant 0.000000e+00 : f32
    %reduce_or3A_1037 = vector.broadcast %reduce_or3A_1036 : f32 to vector<128xf32>
    %reduce_or3A_1038 = arith.cmpf ogt, %reduce_or3A_1035, %reduce_or3A_1037 : vector<128xf32>
    %broadcast_in_dim3A_1039 = vector.shape_cast %reduce_or3A_1038 : vector<128xi1> to vector<128x1xi1>
    %or3A_1040 = arith.ori %or3A_999, %broadcast_in_dim3A_1039 : vector<128x1xi1>
    %convert_element_type3A_1041 = arith.extui %and3A_1024 : vector<128x256xi1> to vector<128x256xi32>
    %add3A_1042 = arith.addi %add3A_1001, %convert_element_type3A_1041 : vector<128x256xi32>
    %select_n3A_1043 = arith.select %and3A_1024, %select_n3A_1004, %select_n3A_1002 : vector<128x256xi1>, vector<128x256xf32>
    %select_n3A_1044 = arith.select %and3A_1024, %select_n3A_1005, %select_n3A_1003 : vector<128x256xi1>, vector<128x256xi32>
    %select_n3A_1045 = arith.select %and3A_1024, %select_n3A_1008, %select_n3A_1004 : vector<128x256xi1>, vector<128x256xf32>
    %select_n3A_1046 = arith.select %and3A_1024, %add3A_926, %select_n3A_1005 : vector<128x256xi1>, vector<128x256xi32>
    %jit3A_1047 = arith.constant 0x7F800000 : f32
    %broadcast_in_dim3A_1048 = vector.broadcast %jit3A_1047 : f32 to vector<128x256xf32>
    %select_n3A_1049 = arith.select %and3A_1024, %broadcast_in_dim3A_1048, %select_n3A_1008 : vector<128x256xi1>, vector<128x256xf32>
    %reduce_min3A_1050 = arith.constant dense<0x7F800000> : vector<128xf32>
    %reduce_min3A_1051 = vector.multi_reduction <minimumf>, %select_n3A_1043, %reduce_min3A_1050 [1] : vector<128x256xf32> to vector<128xf32>
    %broadcast_in_dim3A_1052 = vector.shape_cast %reduce_min3A_1051 : vector<128xf32> to vector<128x1xf32>
    %eq3A_1053 = vector.broadcast %broadcast_in_dim3A_1052 : vector<128x1xf32> to vector<128x256xf32>
    %eq3A_1054 = arith.cmpf oeq, %select_n3A_1043, %eq3A_1053 : vector<128x256xf32>
    %jit3A_1055 = arith.constant 16384 : i32
    %broadcast_in_dim3A_1056 = vector.broadcast %jit3A_1055 : i32 to vector<128x256xi32>
    %select_n3A_1057 = arith.select %eq3A_1054, %select_n3A_1044, %broadcast_in_dim3A_1056 : vector<128x256xi1>, vector<128x256xi32>
    %reduce_min3A_1058 = arith.constant dense<2147483647> : vector<128xi32>
    %reduce_min3A_1059 = vector.multi_reduction <minsi>, %select_n3A_1057, %reduce_min3A_1058 [1] : vector<128x256xi32> to vector<128xi32>
    %broadcast_in_dim3A_1060 = vector.shape_cast %reduce_min3A_1059 : vector<128xi32> to vector<128x1xi32>
    %eq3A_1061 = vector.broadcast %broadcast_in_dim3A_1060 : vector<128x1xi32> to vector<128x256xi32>
    %eq3A_1062 = arith.cmpi eq, %select_n3A_1044, %eq3A_1061 : vector<128x256xi32>
    %eq3A_1063 = vector.broadcast %broadcast_in_dim3A_1052 : vector<128x1xf32> to vector<128x256xf32>
    %eq3A_1064 = arith.cmpf oeq, %select_n3A_1043, %eq3A_1063 : vector<128x256xf32>
    %and3A_1065 = arith.andi %eq3A_1062, %eq3A_1064 : vector<128x256xi1>
    %eq3A_1066 = arith.constant 2 : i32
    %eq3A_1067 = vector.broadcast %eq3A_1066 : i32 to vector<128x256xi32>
    %eq3A_1068 = arith.cmpi eq, %add3A_1042, %eq3A_1067 : vector<128x256xi32>
    %and3A_1069 = arith.andi %and3A_1065, %eq3A_1068 : vector<128x256xi1>
    %reduce_or3A_1070 = arith.constant 1.000000e+00 : f32
    %reduce_or3A_1071 = arith.constant 0.000000e+00 : f32
    %reduce_or3A_1072 = vector.broadcast %reduce_or3A_1070 : f32 to vector<128x256xf32>
    %reduce_or3A_1073 = vector.broadcast %reduce_or3A_1071 : f32 to vector<128x256xf32>
    %reduce_or3A_1074 = arith.select %and3A_1069, %reduce_or3A_1072, %reduce_or3A_1073 : vector<128x256xi1>, vector<128x256xf32>
    %reduce_or3A_1075 = arith.constant dense<0xFF800000> : vector<128xf32>
    %reduce_or3A_1076 = vector.multi_reduction <maximumf>, %reduce_or3A_1074, %reduce_or3A_1075 [1] : vector<128x256xf32> to vector<128xf32>
    %reduce_or3A_1077 = arith.constant 0.000000e+00 : f32
    %reduce_or3A_1078 = vector.broadcast %reduce_or3A_1077 : f32 to vector<128xf32>
    %reduce_or3A_1079 = arith.cmpf ogt, %reduce_or3A_1076, %reduce_or3A_1078 : vector<128xf32>
    %broadcast_in_dim3A_1080 = vector.shape_cast %reduce_or3A_1079 : vector<128xi1> to vector<128x1xi1>
    %or3A_1081 = arith.ori %or3A_1040, %broadcast_in_dim3A_1080 : vector<128x1xi1>
    %convert_element_type3A_1082 = arith.extui %and3A_1065 : vector<128x256xi1> to vector<128x256xi32>
    %add3A_1083 = arith.addi %add3A_1042, %convert_element_type3A_1082 : vector<128x256xi32>
    %select_n3A_1084 = arith.select %and3A_1065, %select_n3A_1045, %select_n3A_1043 : vector<128x256xi1>, vector<128x256xf32>
    %select_n3A_1085 = arith.select %and3A_1065, %select_n3A_1046, %select_n3A_1044 : vector<128x256xi1>, vector<128x256xi32>
    %select_n3A_1086 = arith.select %and3A_1065, %select_n3A_1049, %select_n3A_1045 : vector<128x256xi1>, vector<128x256xf32>
    %select_n3A_1087 = arith.select %and3A_1065, %add3A_926, %select_n3A_1046 : vector<128x256xi1>, vector<128x256xi32>
    %jit3A_1088 = arith.constant 0x7F800000 : f32
    %broadcast_in_dim3A_1089 = vector.broadcast %jit3A_1088 : f32 to vector<128x256xf32>
    %select_n3A_1090 = arith.select %and3A_1065, %broadcast_in_dim3A_1089, %select_n3A_1049 : vector<128x256xi1>, vector<128x256xf32>
    %reduce_min3A_1091 = arith.constant dense<0x7F800000> : vector<128xf32>
    %reduce_min3A_1092 = vector.multi_reduction <minimumf>, %select_n3A_1084, %reduce_min3A_1091 [1] : vector<128x256xf32> to vector<128xf32>
    %broadcast_in_dim3A_1093 = vector.shape_cast %reduce_min3A_1092 : vector<128xf32> to vector<128x1xf32>
    %eq3A_1094 = vector.broadcast %broadcast_in_dim3A_1093 : vector<128x1xf32> to vector<128x256xf32>
    %eq3A_1095 = arith.cmpf oeq, %select_n3A_1084, %eq3A_1094 : vector<128x256xf32>
    %jit3A_1096 = arith.constant 16384 : i32
    %broadcast_in_dim3A_1097 = vector.broadcast %jit3A_1096 : i32 to vector<128x256xi32>
    %select_n3A_1098 = arith.select %eq3A_1095, %select_n3A_1085, %broadcast_in_dim3A_1097 : vector<128x256xi1>, vector<128x256xi32>
    %reduce_min3A_1099 = arith.constant dense<2147483647> : vector<128xi32>
    %reduce_min3A_1100 = vector.multi_reduction <minsi>, %select_n3A_1098, %reduce_min3A_1099 [1] : vector<128x256xi32> to vector<128xi32>
    %broadcast_in_dim3A_1101 = vector.shape_cast %reduce_min3A_1100 : vector<128xi32> to vector<128x1xi32>
    %eq3A_1102 = vector.broadcast %broadcast_in_dim3A_1101 : vector<128x1xi32> to vector<128x256xi32>
    %eq3A_1103 = arith.cmpi eq, %select_n3A_1085, %eq3A_1102 : vector<128x256xi32>
    %eq3A_1104 = vector.broadcast %broadcast_in_dim3A_1093 : vector<128x1xf32> to vector<128x256xf32>
    %eq3A_1105 = arith.cmpf oeq, %select_n3A_1084, %eq3A_1104 : vector<128x256xf32>
    %and3A_1106 = arith.andi %eq3A_1103, %eq3A_1105 : vector<128x256xi1>
    %eq3A_1107 = arith.constant 2 : i32
    %eq3A_1108 = vector.broadcast %eq3A_1107 : i32 to vector<128x256xi32>
    %eq3A_1109 = arith.cmpi eq, %add3A_1083, %eq3A_1108 : vector<128x256xi32>
    %and3A_1110 = arith.andi %and3A_1106, %eq3A_1109 : vector<128x256xi1>
    %reduce_or3A_1111 = arith.constant 1.000000e+00 : f32
    %reduce_or3A_1112 = arith.constant 0.000000e+00 : f32
    %reduce_or3A_1113 = vector.broadcast %reduce_or3A_1111 : f32 to vector<128x256xf32>
    %reduce_or3A_1114 = vector.broadcast %reduce_or3A_1112 : f32 to vector<128x256xf32>
    %reduce_or3A_1115 = arith.select %and3A_1110, %reduce_or3A_1113, %reduce_or3A_1114 : vector<128x256xi1>, vector<128x256xf32>
    %reduce_or3A_1116 = arith.constant dense<0xFF800000> : vector<128xf32>
    %reduce_or3A_1117 = vector.multi_reduction <maximumf>, %reduce_or3A_1115, %reduce_or3A_1116 [1] : vector<128x256xf32> to vector<128xf32>
    %reduce_or3A_1118 = arith.constant 0.000000e+00 : f32
    %reduce_or3A_1119 = vector.broadcast %reduce_or3A_1118 : f32 to vector<128xf32>
    %reduce_or3A_1120 = arith.cmpf ogt, %reduce_or3A_1117, %reduce_or3A_1119 : vector<128xf32>
    %broadcast_in_dim3A_1121 = vector.shape_cast %reduce_or3A_1120 : vector<128xi1> to vector<128x1xi1>
    %or3A_1122 = arith.ori %or3A_1081, %broadcast_in_dim3A_1121 : vector<128x1xi1>
    %convert_element_type3A_1123 = arith.extui %and3A_1106 : vector<128x256xi1> to vector<128x256xi32>
    %add3A_1124 = arith.addi %add3A_1083, %convert_element_type3A_1123 : vector<128x256xi32>
    %select_n3A_1125 = arith.select %and3A_1106, %select_n3A_1086, %select_n3A_1084 : vector<128x256xi1>, vector<128x256xf32>
    %select_n3A_1126 = arith.select %and3A_1106, %select_n3A_1087, %select_n3A_1085 : vector<128x256xi1>, vector<128x256xi32>
    %select_n3A_1127 = arith.select %and3A_1106, %select_n3A_1090, %select_n3A_1086 : vector<128x256xi1>, vector<128x256xf32>
    %select_n3A_1128 = arith.select %and3A_1106, %add3A_926, %select_n3A_1087 : vector<128x256xi1>, vector<128x256xi32>
    %jit3A_1129 = arith.constant 0x7F800000 : f32
    %broadcast_in_dim3A_1130 = vector.broadcast %jit3A_1129 : f32 to vector<128x256xf32>
    %select_n3A_1131 = arith.select %and3A_1106, %broadcast_in_dim3A_1130, %select_n3A_1090 : vector<128x256xi1>, vector<128x256xf32>
    %reduce_min3A_1132 = arith.constant dense<0x7F800000> : vector<128xf32>
    %reduce_min3A_1133 = vector.multi_reduction <minimumf>, %select_n3A_1125, %reduce_min3A_1132 [1] : vector<128x256xf32> to vector<128xf32>
    %broadcast_in_dim3A_1134 = vector.shape_cast %reduce_min3A_1133 : vector<128xf32> to vector<128x1xf32>
    %eq3A_1135 = vector.broadcast %broadcast_in_dim3A_1134 : vector<128x1xf32> to vector<128x256xf32>
    %eq3A_1136 = arith.cmpf oeq, %select_n3A_1125, %eq3A_1135 : vector<128x256xf32>
    %jit3A_1137 = arith.constant 16384 : i32
    %broadcast_in_dim3A_1138 = vector.broadcast %jit3A_1137 : i32 to vector<128x256xi32>
    %select_n3A_1139 = arith.select %eq3A_1136, %select_n3A_1126, %broadcast_in_dim3A_1138 : vector<128x256xi1>, vector<128x256xi32>
    %reduce_min3A_1140 = arith.constant dense<2147483647> : vector<128xi32>
    %reduce_min3A_1141 = vector.multi_reduction <minsi>, %select_n3A_1139, %reduce_min3A_1140 [1] : vector<128x256xi32> to vector<128xi32>
    %broadcast_in_dim3A_1142 = vector.shape_cast %reduce_min3A_1141 : vector<128xi32> to vector<128x1xi32>
    %eq3A_1143 = vector.broadcast %broadcast_in_dim3A_1142 : vector<128x1xi32> to vector<128x256xi32>
    %eq3A_1144 = arith.cmpi eq, %select_n3A_1126, %eq3A_1143 : vector<128x256xi32>
    %eq3A_1145 = vector.broadcast %broadcast_in_dim3A_1134 : vector<128x1xf32> to vector<128x256xf32>
    %eq3A_1146 = arith.cmpf oeq, %select_n3A_1125, %eq3A_1145 : vector<128x256xf32>
    %and3A_1147 = arith.andi %eq3A_1144, %eq3A_1146 : vector<128x256xi1>
    %eq3A_1148 = arith.constant 2 : i32
    %eq3A_1149 = vector.broadcast %eq3A_1148 : i32 to vector<128x256xi32>
    %eq3A_1150 = arith.cmpi eq, %add3A_1124, %eq3A_1149 : vector<128x256xi32>
    %and3A_1151 = arith.andi %and3A_1147, %eq3A_1150 : vector<128x256xi1>
    %reduce_or3A_1152 = arith.constant 1.000000e+00 : f32
    %reduce_or3A_1153 = arith.constant 0.000000e+00 : f32
    %reduce_or3A_1154 = vector.broadcast %reduce_or3A_1152 : f32 to vector<128x256xf32>
    %reduce_or3A_1155 = vector.broadcast %reduce_or3A_1153 : f32 to vector<128x256xf32>
    %reduce_or3A_1156 = arith.select %and3A_1151, %reduce_or3A_1154, %reduce_or3A_1155 : vector<128x256xi1>, vector<128x256xf32>
    %reduce_or3A_1157 = arith.constant dense<0xFF800000> : vector<128xf32>
    %reduce_or3A_1158 = vector.multi_reduction <maximumf>, %reduce_or3A_1156, %reduce_or3A_1157 [1] : vector<128x256xf32> to vector<128xf32>
    %reduce_or3A_1159 = arith.constant 0.000000e+00 : f32
    %reduce_or3A_1160 = vector.broadcast %reduce_or3A_1159 : f32 to vector<128xf32>
    %reduce_or3A_1161 = arith.cmpf ogt, %reduce_or3A_1158, %reduce_or3A_1160 : vector<128xf32>
    %broadcast_in_dim3A_1162 = vector.shape_cast %reduce_or3A_1161 : vector<128xi1> to vector<128x1xi1>
    %or3A_1163 = arith.ori %or3A_1122, %broadcast_in_dim3A_1162 : vector<128x1xi1>
    %convert_element_type3A_1164 = arith.extui %and3A_1147 : vector<128x256xi1> to vector<128x256xi32>
    %add3A_1165 = arith.addi %add3A_1124, %convert_element_type3A_1164 : vector<128x256xi32>
    %select_n3A_1166 = arith.select %and3A_1147, %select_n3A_1127, %select_n3A_1125 : vector<128x256xi1>, vector<128x256xf32>
    %select_n3A_1167 = arith.select %and3A_1147, %select_n3A_1128, %select_n3A_1126 : vector<128x256xi1>, vector<128x256xi32>
    %select_n3A_1168 = arith.select %and3A_1147, %select_n3A_1131, %select_n3A_1127 : vector<128x256xi1>, vector<128x256xf32>
    %select_n3A_1169 = arith.select %and3A_1147, %add3A_926, %select_n3A_1128 : vector<128x256xi1>, vector<128x256xi32>
    %reduce_min3A_1170 = arith.constant dense<0x7F800000> : vector<128xf32>
    %reduce_min3A_1171 = vector.multi_reduction <minimumf>, %select_n3A_1166, %reduce_min3A_1170 [1] : vector<128x256xf32> to vector<128xf32>
    %broadcast_in_dim3A_1172 = vector.shape_cast %reduce_min3A_1171 : vector<128xf32> to vector<128x1xf32>
    %eq3A_1173 = vector.broadcast %broadcast_in_dim3A_1172 : vector<128x1xf32> to vector<128x256xf32>
    %eq3A_1174 = arith.cmpf oeq, %select_n3A_1166, %eq3A_1173 : vector<128x256xf32>
    %jit3A_1175 = arith.constant 16384 : i32
    %broadcast_in_dim3A_1176 = vector.broadcast %jit3A_1175 : i32 to vector<128x256xi32>
    %select_n3A_1177 = arith.select %eq3A_1174, %select_n3A_1167, %broadcast_in_dim3A_1176 : vector<128x256xi1>, vector<128x256xi32>
    %reduce_min3A_1178 = arith.constant dense<2147483647> : vector<128xi32>
    %reduce_min3A_1179 = vector.multi_reduction <minsi>, %select_n3A_1177, %reduce_min3A_1178 [1] : vector<128x256xi32> to vector<128xi32>
    %broadcast_in_dim3A_1180 = vector.shape_cast %reduce_min3A_1179 : vector<128xi32> to vector<128x1xi32>
    %eq3A_1181 = vector.broadcast %broadcast_in_dim3A_1180 : vector<128x1xi32> to vector<128x256xi32>
    %eq3A_1182 = arith.cmpi eq, %select_n3A_1167, %eq3A_1181 : vector<128x256xi32>
    %eq3A_1183 = vector.broadcast %broadcast_in_dim3A_1172 : vector<128x1xf32> to vector<128x256xf32>
    %eq3A_1184 = arith.cmpf oeq, %select_n3A_1166, %eq3A_1183 : vector<128x256xf32>
    %and3A_1185 = arith.andi %eq3A_1182, %eq3A_1184 : vector<128x256xi1>
    %eq3A_1186 = arith.constant 2 : i32
    %eq3A_1187 = vector.broadcast %eq3A_1186 : i32 to vector<128x256xi32>
    %eq3A_1188 = arith.cmpi eq, %add3A_1165, %eq3A_1187 : vector<128x256xi32>
    %and3A_1189 = arith.andi %and3A_1185, %eq3A_1188 : vector<128x256xi1>
    %reduce_or3A_1190 = arith.constant 1.000000e+00 : f32
    %reduce_or3A_1191 = arith.constant 0.000000e+00 : f32
    %reduce_or3A_1192 = vector.broadcast %reduce_or3A_1190 : f32 to vector<128x256xf32>
    %reduce_or3A_1193 = vector.broadcast %reduce_or3A_1191 : f32 to vector<128x256xf32>
    %reduce_or3A_1194 = arith.select %and3A_1189, %reduce_or3A_1192, %reduce_or3A_1193 : vector<128x256xi1>, vector<128x256xf32>
    %reduce_or3A_1195 = arith.constant dense<0xFF800000> : vector<128xf32>
    %reduce_or3A_1196 = vector.multi_reduction <maximumf>, %reduce_or3A_1194, %reduce_or3A_1195 [1] : vector<128x256xf32> to vector<128xf32>
    %reduce_or3A_1197 = arith.constant 0.000000e+00 : f32
    %reduce_or3A_1198 = vector.broadcast %reduce_or3A_1197 : f32 to vector<128xf32>
    %reduce_or3A_1199 = arith.cmpf ogt, %reduce_or3A_1196, %reduce_or3A_1198 : vector<128xf32>
    %broadcast_in_dim3A_1200 = vector.shape_cast %reduce_or3A_1199 : vector<128xi1> to vector<128x1xi1>
    %or3A_1201 = arith.ori %or3A_1163, %broadcast_in_dim3A_1200 : vector<128x1xi1>
    %select_n3A_1202 = arith.select %and3A_1185, %select_n3A_1168, %select_n3A_1166 : vector<128x256xi1>, vector<128x256xf32>
    %select_n3A_1203 = arith.select %and3A_1185, %select_n3A_1169, %select_n3A_1167 : vector<128x256xi1>, vector<128x256xi32>
    %reduce_min3A_1204 = arith.constant dense<0x7F800000> : vector<128xf32>
    %reduce_min3A_1205 = vector.multi_reduction <minimumf>, %select_n3A_1202, %reduce_min3A_1204 [1] : vector<128x256xf32> to vector<128xf32>
    %broadcast_in_dim3A_1206 = vector.shape_cast %reduce_min3A_1205 : vector<128xf32> to vector<128x1xf32>
    %eq3A_1207 = vector.broadcast %broadcast_in_dim3A_1206 : vector<128x1xf32> to vector<128x256xf32>
    %eq3A_1208 = arith.cmpf oeq, %select_n3A_1202, %eq3A_1207 : vector<128x256xf32>
    %jit3A_1209 = arith.constant 16384 : i32
    %broadcast_in_dim3A_1210 = vector.broadcast %jit3A_1209 : i32 to vector<128x256xi32>
    %select_n3A_1211 = arith.select %eq3A_1208, %select_n3A_1203, %broadcast_in_dim3A_1210 : vector<128x256xi1>, vector<128x256xi32>
    %reduce_min3A_1212 = arith.constant dense<2147483647> : vector<128xi32>
    %reduce_min3A_1213 = vector.multi_reduction <minsi>, %select_n3A_1211, %reduce_min3A_1212 [1] : vector<128x256xi32> to vector<128xi32>
    %broadcast_in_dim3A_1214 = vector.shape_cast %reduce_min3A_1213 : vector<128xi32> to vector<128x1xi32>
    %concatenate3A = tpu.concatenate %broadcast_in_dim3A_940, %broadcast_in_dim3A_978, %broadcast_in_dim3A_1019, %broadcast_in_dim3A_1060, %broadcast_in_dim3A_1101, %broadcast_in_dim3A_1142, %broadcast_in_dim3A_1180, %broadcast_in_dim3A_1214 in 1 : vector<128x1xi32>, vector<128x1xi32>, vector<128x1xi32>, vector<128x1xi32>, vector<128x1xi32>, vector<128x1xi32>, vector<128x1xi32>, vector<128x1xi32> -> vector<128x8xi32>
    %reduce_or3A_1215 = arith.constant 1.000000e+00 : f32
    %reduce_or3A_1216 = arith.constant 0.000000e+00 : f32
    %reduce_or3A_1217 = vector.broadcast %reduce_or3A_1215 : f32 to vector<128x1xf32>
    %reduce_or3A_1218 = vector.broadcast %reduce_or3A_1216 : f32 to vector<128x1xf32>
    %reduce_or3A_1219 = arith.select %or3A_1201, %reduce_or3A_1217, %reduce_or3A_1218 : vector<128x1xi1>, vector<128x1xf32>
    %reduce_or3A_1220 = vector.shape_cast %reduce_or3A_1219 : vector<128x1xf32> to vector<1x128x1xf32>
    %reduce_or3A_1221 = arith.constant dense<0xFF800000> : vector<1xf32>
    %reduce_or3A_1222 = vector.multi_reduction <maximumf>, %reduce_or3A_1220, %reduce_or3A_1221 [1, 2] : vector<1x128x1xf32> to vector<1xf32>
    %reduce_or3A_1223 = vector.shape_cast %reduce_or3A_1222 : vector<1xf32> to vector<1x1x1xf32>
    %reduce_or3A_1224 = vector.extract %reduce_or3A_1223[0, 0, 0] : f32 from vector<1x1x1xf32>
    %reduce_or3A_1225 = arith.constant 0.000000e+00 : f32
    %reduce_or3A_1226 = arith.cmpf ogt, %reduce_or3A_1224, %reduce_or3A_1225 : f32
    %convert_element_type3A_1227 = arith.extui %reduce_or3A_1226 : i1 to i32
    %cond3A = arith.constant 0x7F800000 : f32
    %cond3A_1228 = arith.constant 0 : i32
    %cond3A_1229 = arith.cmpi ne, %convert_element_type3A_1227, %cond3A_1228 : i32
    %cond3A_1230 = scf.if %cond3A_1229 -> (vector<128x8xi32>) {
      %iota3A_1239 = tpu.iota {dimensions = array<i32: 1>} : vector<128x8192xi32>
      %argmin3A = tpu.reduce_index %add3A_29 {axis = 1 : i32, kind = #tpu.reduction_kind<arg_min>} : vector<128x8192xf32> -> vector<128xi32>
      %reshape3A = vector.shape_cast %argmin3A : vector<128xi32> to vector<128x1xi32>
      %eq3A_1240 = vector.broadcast %reshape3A : vector<128x1xi32> to vector<128x8192xi32>
      %eq3A_1241 = arith.cmpi eq, %iota3A_1239, %eq3A_1240 : vector<128x8192xi32>
      %broadcast_in_dim3A_1242 = vector.broadcast %cond3A : f32 to vector<128x8192xf32>
      %select_n3A_1243 = arith.select %eq3A_1241, %broadcast_in_dim3A_1242, %add3A_29 : vector<128x8192xi1>, vector<128x8192xf32>
      %argmin3A_1244 = tpu.reduce_index %select_n3A_1243 {axis = 1 : i32, kind = #tpu.reduction_kind<arg_min>} : vector<128x8192xf32> -> vector<128xi32>
      %reshape3A_1245 = vector.shape_cast %argmin3A_1244 : vector<128xi32> to vector<128x1xi32>
      %eq3A_1246 = vector.broadcast %reshape3A_1245 : vector<128x1xi32> to vector<128x8192xi32>
      %eq3A_1247 = arith.cmpi eq, %iota3A_1239, %eq3A_1246 : vector<128x8192xi32>
      %broadcast_in_dim3A_1248 = vector.broadcast %cond3A : f32 to vector<128x8192xf32>
      %select_n3A_1249 = arith.select %eq3A_1247, %broadcast_in_dim3A_1248, %select_n3A_1243 : vector<128x8192xi1>, vector<128x8192xf32>
      %argmin3A_1250 = tpu.reduce_index %select_n3A_1249 {axis = 1 : i32, kind = #tpu.reduction_kind<arg_min>} : vector<128x8192xf32> -> vector<128xi32>
      %reshape3A_1251 = vector.shape_cast %argmin3A_1250 : vector<128xi32> to vector<128x1xi32>
      %eq3A_1252 = vector.broadcast %reshape3A_1251 : vector<128x1xi32> to vector<128x8192xi32>
      %eq3A_1253 = arith.cmpi eq, %iota3A_1239, %eq3A_1252 : vector<128x8192xi32>
      %broadcast_in_dim3A_1254 = vector.broadcast %cond3A : f32 to vector<128x8192xf32>
      %select_n3A_1255 = arith.select %eq3A_1253, %broadcast_in_dim3A_1254, %select_n3A_1249 : vector<128x8192xi1>, vector<128x8192xf32>
      %argmin3A_1256 = tpu.reduce_index %select_n3A_1255 {axis = 1 : i32, kind = #tpu.reduction_kind<arg_min>} : vector<128x8192xf32> -> vector<128xi32>
      %reshape3A_1257 = vector.shape_cast %argmin3A_1256 : vector<128xi32> to vector<128x1xi32>
      %eq3A_1258 = vector.broadcast %reshape3A_1257 : vector<128x1xi32> to vector<128x8192xi32>
      %eq3A_1259 = arith.cmpi eq, %iota3A_1239, %eq3A_1258 : vector<128x8192xi32>
      %broadcast_in_dim3A_1260 = vector.broadcast %cond3A : f32 to vector<128x8192xf32>
      %select_n3A_1261 = arith.select %eq3A_1259, %broadcast_in_dim3A_1260, %select_n3A_1255 : vector<128x8192xi1>, vector<128x8192xf32>
      %argmin3A_1262 = tpu.reduce_index %select_n3A_1261 {axis = 1 : i32, kind = #tpu.reduction_kind<arg_min>} : vector<128x8192xf32> -> vector<128xi32>
      %reshape3A_1263 = vector.shape_cast %argmin3A_1262 : vector<128xi32> to vector<128x1xi32>
      %eq3A_1264 = vector.broadcast %reshape3A_1263 : vector<128x1xi32> to vector<128x8192xi32>
      %eq3A_1265 = arith.cmpi eq, %iota3A_1239, %eq3A_1264 : vector<128x8192xi32>
      %broadcast_in_dim3A_1266 = vector.broadcast %cond3A : f32 to vector<128x8192xf32>
      %select_n3A_1267 = arith.select %eq3A_1265, %broadcast_in_dim3A_1266, %select_n3A_1261 : vector<128x8192xi1>, vector<128x8192xf32>
      %argmin3A_1268 = tpu.reduce_index %select_n3A_1267 {axis = 1 : i32, kind = #tpu.reduction_kind<arg_min>} : vector<128x8192xf32> -> vector<128xi32>
      %reshape3A_1269 = vector.shape_cast %argmin3A_1268 : vector<128xi32> to vector<128x1xi32>
      %eq3A_1270 = vector.broadcast %reshape3A_1269 : vector<128x1xi32> to vector<128x8192xi32>
      %eq3A_1271 = arith.cmpi eq, %iota3A_1239, %eq3A_1270 : vector<128x8192xi32>
      %broadcast_in_dim3A_1272 = vector.broadcast %cond3A : f32 to vector<128x8192xf32>
      %select_n3A_1273 = arith.select %eq3A_1271, %broadcast_in_dim3A_1272, %select_n3A_1267 : vector<128x8192xi1>, vector<128x8192xf32>
      %argmin3A_1274 = tpu.reduce_index %select_n3A_1273 {axis = 1 : i32, kind = #tpu.reduction_kind<arg_min>} : vector<128x8192xf32> -> vector<128xi32>
      %reshape3A_1275 = vector.shape_cast %argmin3A_1274 : vector<128xi32> to vector<128x1xi32>
      %eq3A_1276 = vector.broadcast %reshape3A_1275 : vector<128x1xi32> to vector<128x8192xi32>
      %eq3A_1277 = arith.cmpi eq, %iota3A_1239, %eq3A_1276 : vector<128x8192xi32>
      %broadcast_in_dim3A_1278 = vector.broadcast %cond3A : f32 to vector<128x8192xf32>
      %select_n3A_1279 = arith.select %eq3A_1277, %broadcast_in_dim3A_1278, %select_n3A_1273 : vector<128x8192xi1>, vector<128x8192xf32>
      %argmin3A_1280 = tpu.reduce_index %select_n3A_1279 {axis = 1 : i32, kind = #tpu.reduction_kind<arg_min>} : vector<128x8192xf32> -> vector<128xi32>
      %reshape3A_1281 = vector.shape_cast %argmin3A_1280 : vector<128xi32> to vector<128x1xi32>
      %concatenate3A_1282 = tpu.concatenate %reshape3A, %reshape3A_1245, %reshape3A_1251, %reshape3A_1257, %reshape3A_1263, %reshape3A_1269, %reshape3A_1275, %reshape3A_1281 in 1 : vector<128x1xi32>, vector<128x1xi32>, vector<128x1xi32>, vector<128x1xi32>, vector<128x1xi32>, vector<128x1xi32>, vector<128x1xi32>, vector<128x1xi32> -> vector<128x8xi32>
      scf.yield %concatenate3A_1282 : vector<128x8xi32>
    } else {
      scf.yield %concatenate3A : vector<128x8xi32>
    }
    %add3A_1231 = arith.constant 0 : i32
    %add3A_1232 = vector.broadcast %add3A_1231 : i32 to vector<128x8xi32>
    %add3A_1233 = arith.addi %cond3A_1230, %add3A_1232 : vector<128x8xi32>
    %transpose3A = tpu.transpose %add3A_1233, [1, 0] : vector<128x8xi32> -> vector<8x128xi32>
    %swap3A = arith.constant 0 : index
    %swap3A_1234 = arith.constant 0 : index
    %swap3A_1235 = arith.constant 0 : index
    %swap3A_1236 = vector.load %arg4[%swap3A, %swap3A_1234, %swap3A_1235] : memref<1x8x128xi32, #tpu.memory_space<vmem>>, vector<1x8x128xi32>
    %swap3A_1237 = vector.shape_cast %swap3A_1236 : vector<1x8x128xi32> to vector<8x128xi32>
    %swap3A_1238 = vector.shape_cast %transpose3A : vector<8x128xi32> to vector<1x8x128xi32>
    tpu.vector_store %arg4[%swap3A, %swap3A_1234, %swap3A_1235], %swap3A_1238 {strides = array<i32>} : memref<1x8x128xi32, #tpu.memory_space<vmem>>, vector<1x8x128xi32>,
    return
  }
  func.func @transform_0(%arg0: i32, %arg1: i32) -> (i32, i32, i32) {
    %c0_i32 = arith.constant 0 : i32
    %c0_i32_0 = arith.constant 0 : i32
    return %arg0, %arg1, %c0_i32 : i32, i32, i32
  }
  func.func @transform_1(%arg0: i32, %arg1: i32) -> (i32, i32, i32) {
    %c0_i32 = arith.constant 0 : i32
    %c0_i32_0 = arith.constant 0 : i32
    %c0_i32_1 = arith.constant 0 : i32
    return %arg0, %c0_i32, %c0_i32_0 : i32, i32, i32
  }
  func.func @transform_2(%arg0: i32, %arg1: i32) -> (i32, i32, i32) {
    %c0_i32 = arith.constant 0 : i32
    %c0_i32_0 = arith.constant 0 : i32
    return %arg0, %c0_i32, %arg1 : i32, i32, i32
  }
}

module attributes {stable_mosaic.version = 14 : i64} {
  func.func @_mlp_body(%arg0: i32, %arg1: memref<1x256x3xf32, #tpu.memory_space<vmem>>, %arg2: memref<1x8x256x128xf32, #tpu.memory_space<vmem>>, %arg3: memref<1x8x256x128xf32, #tpu.memory_space<vmem>>, %arg4: memref<9x128xbf16, #tpu.memory_space<vmem>>, %arg5: memref<1x128xf32, #tpu.memory_space<vmem>>, %arg6: memref<2048x512xbf16, #tpu.memory_space<vmem>>, %arg7: memref<1x512xf32, #tpu.memory_space<vmem>>, %arg8: memref<512x256xbf16, #tpu.memory_space<vmem>>, %arg9: memref<1x256xf32, #tpu.memory_space<vmem>>, %arg10: memref<256x256xbf16, #tpu.memory_space<vmem>>, %arg11: memref<1x256xf32, #tpu.memory_space<vmem>>, %arg12: memref<256x256xbf16, #tpu.memory_space<vmem>>, %arg13: memref<1x256xf32, #tpu.memory_space<vmem>>, %arg14: memref<256x256xbf16, #tpu.memory_space<vmem>>, %arg15: memref<1x256xf32, #tpu.memory_space<vmem>>, %arg16: memref<1x256xbf16, #tpu.memory_space<vmem>>, %arg17: memref<1x256x1xf32, #tpu.memory_space<vmem>>) attributes {dimension_semantics = [#tpu.dimension_semantics<arbitrary>], iteration_bounds = array<i64: 8>, scalar_prefetch = 0 : i64, scratch_operands = 0 : i64, tpu.core_type = #tpu.core_type<tc>, window_params = [{transform_indices = @transform_0, window_bounds = array<i64: 1, 256, 3>}, {transform_indices = @transform_1, window_bounds = array<i64: 1, 8, 256, 128>}, {transform_indices = @transform_2, window_bounds = array<i64: 1, 8, 256, 128>}, {pipeline_mode = #tpu.pipeline_mode<synchronous>, transform_indices = @transform_3, window_bounds = array<i64: 9, 128>}, {pipeline_mode = #tpu.pipeline_mode<synchronous>, transform_indices = @transform_4, window_bounds = array<i64: 1, 128>}, {pipeline_mode = #tpu.pipeline_mode<synchronous>, transform_indices = @transform_5, window_bounds = array<i64: 2048, 512>}, {pipeline_mode = #tpu.pipeline_mode<synchronous>, transform_indices = @transform_6, window_bounds = array<i64: 1, 512>}, {pipeline_mode = #tpu.pipeline_mode<synchronous>, transform_indices = @transform_7, window_bounds = array<i64: 512, 256>}, {pipeline_mode = #tpu.pipeline_mode<synchronous>, transform_indices = @transform_8, window_bounds = array<i64: 1, 256>}, {pipeline_mode = #tpu.pipeline_mode<synchronous>, transform_indices = @transform_9, window_bounds = array<i64: 256, 256>}, {pipeline_mode = #tpu.pipeline_mode<synchronous>, transform_indices = @transform_10, window_bounds = array<i64: 1, 256>}, {pipeline_mode = #tpu.pipeline_mode<synchronous>, transform_indices = @transform_11, window_bounds = array<i64: 256, 256>}, {pipeline_mode = #tpu.pipeline_mode<synchronous>, transform_indices = @transform_12, window_bounds = array<i64: 1, 256>}, {pipeline_mode = #tpu.pipeline_mode<synchronous>, transform_indices = @transform_13, window_bounds = array<i64: 256, 256>}, {pipeline_mode = #tpu.pipeline_mode<synchronous>, transform_indices = @transform_14, window_bounds = array<i64: 1, 256>}, {pipeline_mode = #tpu.pipeline_mode<synchronous>, transform_indices = @transform_15, window_bounds = array<i64: 1, 256>}, {transform_indices = @transform_16, window_bounds = array<i64: 1, 256, 1>}]} {
    %get3A = arith.constant 0 : index
    %get3A_0 = arith.constant 0 : index
    %get3A_1 = arith.constant 0 : index
    %get3A_2 = vector.load %arg1[%get3A, %get3A_0, %get3A_1] : memref<1x256x3xf32, #tpu.memory_space<vmem>>, vector<1x256x3xf32>
    %get3A_3 = vector.shape_cast %get3A_2 : vector<1x256x3xf32> to vector<256x3xf32>
    %slice3A = vector.extract_strided_slice %get3A_3 {offsets = [0, 0], sizes = [256, 1], strides = [1, 1]} : vector<256x3xf32> to vector<256x1xf32>
    %slice3A_4 = vector.extract_strided_slice %get3A_3 {offsets = [0, 1], sizes = [256, 1], strides = [1, 1]} : vector<256x3xf32> to vector<256x1xf32>
    %slice3A_5 = vector.extract_strided_slice %get3A_3 {offsets = [0, 2], sizes = [256, 1], strides = [1, 1]} : vector<256x3xf32> to vector<256x1xf32>
    %get3A_6 = arith.constant 0 : index
    %get3A_7 = arith.constant 0 : index
    %get3A_8 = vector.load %arg4[%get3A_6, %get3A_7] : memref<9x128xbf16, #tpu.memory_space<vmem>>, vector<9x128xbf16>
    %get3A_9 = arith.constant 0 : index
    %get3A_10 = arith.constant 0 : index
    %get3A_11 = vector.load %arg5[%get3A_9, %get3A_10] : memref<1x128xf32, #tpu.memory_space<vmem>>, vector<1x128xf32>
    %get3A_12 = arith.constant 0 : index
    %get3A_13 = arith.constant 0 : index
    %get3A_14 = arith.constant 0 : index
    %get3A_15 = arith.constant 0 : index
    %get3A_16 = vector.load %arg2[%get3A_12, %get3A_13, %get3A_14, %get3A_15] : memref<1x8x256x128xf32, #tpu.memory_space<vmem>>, vector<1x1x256x128xf32>
    %get3A_17 = vector.shape_cast %get3A_16 : vector<1x1x256x128xf32> to vector<256x128xf32>
    %slice3A_18 = vector.extract_strided_slice %get3A_17 {offsets = [0, 0], sizes = [256, 1], strides = [1, 1]} : vector<256x128xf32> to vector<256x1xf32>
    %slice3A_19 = vector.extract_strided_slice %get3A_17 {offsets = [0, 1], sizes = [256, 1], strides = [1, 1]} : vector<256x128xf32> to vector<256x1xf32>
    %slice3A_20 = vector.extract_strided_slice %get3A_17 {offsets = [0, 2], sizes = [256, 1], strides = [1, 1]} : vector<256x128xf32> to vector<256x1xf32>
    %sub3A = arith.subf %slice3A_18, %slice3A : vector<256x1xf32>
    %sub3A_21 = arith.subf %slice3A_19, %slice3A_4 : vector<256x1xf32>
    %sub3A_22 = arith.subf %slice3A_20, %slice3A_5 : vector<256x1xf32>
    %concatenate3A = tpu.concatenate %slice3A, %slice3A_4, %slice3A_5, %slice3A_18, %slice3A_19, %slice3A_20, %sub3A, %sub3A_21, %sub3A_22 in 1 : vector<256x1xf32>, vector<256x1xf32>, vector<256x1xf32>, vector<256x1xf32>, vector<256x1xf32>, vector<256x1xf32>, vector<256x1xf32>, vector<256x1xf32>, vector<256x1xf32> -> vector<256x9xf32>
    %convert_element_type3A = arith.truncf %concatenate3A : vector<256x9xf32> to vector<256x9xbf16>
    %dot_general3A = arith.constant dense<0.000000e+00> : vector<256x128xf32>
    %dot_general3A_23 = tpu.matmul %convert_element_type3A, %get3A_8, %dot_general3A {dimension_numbers = #tpu.dot_dimension_numbers<[1], [0], [0], [1], [0, 0, 1, 1], [], []>, transpose_lhs_hint = false} : vector<256x9xbf16>, vector<9x128xbf16>, vector<256x128xf32> -> vector<256x128xf32>
    %add3A = vector.broadcast %get3A_11 : vector<1x128xf32> to vector<256x128xf32>
    %add3A_24 = arith.addf %dot_general3A_23, %add3A : vector<256x128xf32>
    %max3A = arith.constant 0.000000e+00 : f32
    %max3A_25 = vector.broadcast %max3A : f32 to vector<256x128xf32>
    %max3A_26 = arith.maximumf %add3A_24, %max3A_25 : vector<256x128xf32>
    %convert_element_type3A_27 = arith.truncf %max3A_26 : vector<256x128xf32> to vector<256x128xbf16>
    %get3A_28 = arith.constant 0 : index
    %get3A_29 = arith.constant 0 : index
    %get3A_30 = arith.constant 0 : index
    %get3A_31 = arith.constant 0 : index
    %get3A_32 = vector.load %arg3[%get3A_28, %get3A_29, %get3A_30, %get3A_31] : memref<1x8x256x128xf32, #tpu.memory_space<vmem>>, vector<1x1x256x128xf32>
    %get3A_33 = vector.shape_cast %get3A_32 : vector<1x1x256x128xf32> to vector<256x128xf32>
    %convert_element_type3A_34 = arith.truncf %get3A_33 : vector<256x128xf32> to vector<256x128xbf16>
    %get3A_35 = arith.constant 0 : index
    %get3A_36 = arith.constant 1 : index
    %get3A_37 = arith.constant 0 : index
    %get3A_38 = arith.constant 0 : index
    %get3A_39 = vector.load %arg2[%get3A_35, %get3A_36, %get3A_37, %get3A_38] : memref<1x8x256x128xf32, #tpu.memory_space<vmem>>, vector<1x1x256x128xf32>
    %get3A_40 = vector.shape_cast %get3A_39 : vector<1x1x256x128xf32> to vector<256x128xf32>
    %slice3A_41 = vector.extract_strided_slice %get3A_40 {offsets = [0, 0], sizes = [256, 1], strides = [1, 1]} : vector<256x128xf32> to vector<256x1xf32>
    %slice3A_42 = vector.extract_strided_slice %get3A_40 {offsets = [0, 1], sizes = [256, 1], strides = [1, 1]} : vector<256x128xf32> to vector<256x1xf32>
    %slice3A_43 = vector.extract_strided_slice %get3A_40 {offsets = [0, 2], sizes = [256, 1], strides = [1, 1]} : vector<256x128xf32> to vector<256x1xf32>
    %sub3A_44 = arith.subf %slice3A_41, %slice3A : vector<256x1xf32>
    %sub3A_45 = arith.subf %slice3A_42, %slice3A_4 : vector<256x1xf32>
    %sub3A_46 = arith.subf %slice3A_43, %slice3A_5 : vector<256x1xf32>
    %concatenate3A_47 = tpu.concatenate %slice3A, %slice3A_4, %slice3A_5, %slice3A_41, %slice3A_42, %slice3A_43, %sub3A_44, %sub3A_45, %sub3A_46 in 1 : vector<256x1xf32>, vector<256x1xf32>, vector<256x1xf32>, vector<256x1xf32>, vector<256x1xf32>, vector<256x1xf32>, vector<256x1xf32>, vector<256x1xf32>, vector<256x1xf32> -> vector<256x9xf32>
    %convert_element_type3A_48 = arith.truncf %concatenate3A_47 : vector<256x9xf32> to vector<256x9xbf16>
    %dot_general3A_49 = arith.constant dense<0.000000e+00> : vector<256x128xf32>
    %dot_general3A_50 = tpu.matmul %convert_element_type3A_48, %get3A_8, %dot_general3A_49 {dimension_numbers = #tpu.dot_dimension_numbers<[1], [0], [0], [1], [0, 0, 1, 1], [], []>, transpose_lhs_hint = false} : vector<256x9xbf16>, vector<9x128xbf16>, vector<256x128xf32> -> vector<256x128xf32>
    %add3A_51 = vector.broadcast %get3A_11 : vector<1x128xf32> to vector<256x128xf32>
    %add3A_52 = arith.addf %dot_general3A_50, %add3A_51 : vector<256x128xf32>
    %max3A_53 = arith.constant 0.000000e+00 : f32
    %max3A_54 = vector.broadcast %max3A_53 : f32 to vector<256x128xf32>
    %max3A_55 = arith.maximumf %add3A_52, %max3A_54 : vector<256x128xf32>
    %convert_element_type3A_56 = arith.truncf %max3A_55 : vector<256x128xf32> to vector<256x128xbf16>
    %get3A_57 = arith.constant 0 : index
    %get3A_58 = arith.constant 1 : index
    %get3A_59 = arith.constant 0 : index
    %get3A_60 = arith.constant 0 : index
    %get3A_61 = vector.load %arg3[%get3A_57, %get3A_58, %get3A_59, %get3A_60] : memref<1x8x256x128xf32, #tpu.memory_space<vmem>>, vector<1x1x256x128xf32>
    %get3A_62 = vector.shape_cast %get3A_61 : vector<1x1x256x128xf32> to vector<256x128xf32>
    %convert_element_type3A_63 = arith.truncf %get3A_62 : vector<256x128xf32> to vector<256x128xbf16>
    %get3A_64 = arith.constant 0 : index
    %get3A_65 = arith.constant 2 : index
    %get3A_66 = arith.constant 0 : index
    %get3A_67 = arith.constant 0 : index
    %get3A_68 = vector.load %arg2[%get3A_64, %get3A_65, %get3A_66, %get3A_67] : memref<1x8x256x128xf32, #tpu.memory_space<vmem>>, vector<1x1x256x128xf32>
    %get3A_69 = vector.shape_cast %get3A_68 : vector<1x1x256x128xf32> to vector<256x128xf32>
    %slice3A_70 = vector.extract_strided_slice %get3A_69 {offsets = [0, 0], sizes = [256, 1], strides = [1, 1]} : vector<256x128xf32> to vector<256x1xf32>
    %slice3A_71 = vector.extract_strided_slice %get3A_69 {offsets = [0, 1], sizes = [256, 1], strides = [1, 1]} : vector<256x128xf32> to vector<256x1xf32>
    %slice3A_72 = vector.extract_strided_slice %get3A_69 {offsets = [0, 2], sizes = [256, 1], strides = [1, 1]} : vector<256x128xf32> to vector<256x1xf32>
    %sub3A_73 = arith.subf %slice3A_70, %slice3A : vector<256x1xf32>
    %sub3A_74 = arith.subf %slice3A_71, %slice3A_4 : vector<256x1xf32>
    %sub3A_75 = arith.subf %slice3A_72, %slice3A_5 : vector<256x1xf32>
    %concatenate3A_76 = tpu.concatenate %slice3A, %slice3A_4, %slice3A_5, %slice3A_70, %slice3A_71, %slice3A_72, %sub3A_73, %sub3A_74, %sub3A_75 in 1 : vector<256x1xf32>, vector<256x1xf32>, vector<256x1xf32>, vector<256x1xf32>, vector<256x1xf32>, vector<256x1xf32>, vector<256x1xf32>, vector<256x1xf32>, vector<256x1xf32> -> vector<256x9xf32>
    %convert_element_type3A_77 = arith.truncf %concatenate3A_76 : vector<256x9xf32> to vector<256x9xbf16>
    %dot_general3A_78 = arith.constant dense<0.000000e+00> : vector<256x128xf32>
    %dot_general3A_79 = tpu.matmul %convert_element_type3A_77, %get3A_8, %dot_general3A_78 {dimension_numbers = #tpu.dot_dimension_numbers<[1], [0], [0], [1], [0, 0, 1, 1], [], []>, transpose_lhs_hint = false} : vector<256x9xbf16>, vector<9x128xbf16>, vector<256x128xf32> -> vector<256x128xf32>
    %add3A_80 = vector.broadcast %get3A_11 : vector<1x128xf32> to vector<256x128xf32>
    %add3A_81 = arith.addf %dot_general3A_79, %add3A_80 : vector<256x128xf32>
    %max3A_82 = arith.constant 0.000000e+00 : f32
    %max3A_83 = vector.broadcast %max3A_82 : f32 to vector<256x128xf32>
    %max3A_84 = arith.maximumf %add3A_81, %max3A_83 : vector<256x128xf32>
    %convert_element_type3A_85 = arith.truncf %max3A_84 : vector<256x128xf32> to vector<256x128xbf16>
    %get3A_86 = arith.constant 0 : index
    %get3A_87 = arith.constant 2 : index
    %get3A_88 = arith.constant 0 : index
    %get3A_89 = arith.constant 0 : index
    %get3A_90 = vector.load %arg3[%get3A_86, %get3A_87, %get3A_88, %get3A_89] : memref<1x8x256x128xf32, #tpu.memory_space<vmem>>, vector<1x1x256x128xf32>
    %get3A_91 = vector.shape_cast %get3A_90 : vector<1x1x256x128xf32> to vector<256x128xf32>
    %convert_element_type3A_92 = arith.truncf %get3A_91 : vector<256x128xf32> to vector<256x128xbf16>
    %get3A_93 = arith.constant 0 : index
    %get3A_94 = arith.constant 3 : index
    %get3A_95 = arith.constant 0 : index
    %get3A_96 = arith.constant 0 : index
    %get3A_97 = vector.load %arg2[%get3A_93, %get3A_94, %get3A_95, %get3A_96] : memref<1x8x256x128xf32, #tpu.memory_space<vmem>>, vector<1x1x256x128xf32>
    %get3A_98 = vector.shape_cast %get3A_97 : vector<1x1x256x128xf32> to vector<256x128xf32>
    %slice3A_99 = vector.extract_strided_slice %get3A_98 {offsets = [0, 0], sizes = [256, 1], strides = [1, 1]} : vector<256x128xf32> to vector<256x1xf32>
    %slice3A_100 = vector.extract_strided_slice %get3A_98 {offsets = [0, 1], sizes = [256, 1], strides = [1, 1]} : vector<256x128xf32> to vector<256x1xf32>
    %slice3A_101 = vector.extract_strided_slice %get3A_98 {offsets = [0, 2], sizes = [256, 1], strides = [1, 1]} : vector<256x128xf32> to vector<256x1xf32>
    %sub3A_102 = arith.subf %slice3A_99, %slice3A : vector<256x1xf32>
    %sub3A_103 = arith.subf %slice3A_100, %slice3A_4 : vector<256x1xf32>
    %sub3A_104 = arith.subf %slice3A_101, %slice3A_5 : vector<256x1xf32>
    %concatenate3A_105 = tpu.concatenate %slice3A, %slice3A_4, %slice3A_5, %slice3A_99, %slice3A_100, %slice3A_101, %sub3A_102, %sub3A_103, %sub3A_104 in 1 : vector<256x1xf32>, vector<256x1xf32>, vector<256x1xf32>, vector<256x1xf32>, vector<256x1xf32>, vector<256x1xf32>, vector<256x1xf32>, vector<256x1xf32>, vector<256x1xf32> -> vector<256x9xf32>
    %convert_element_type3A_106 = arith.truncf %concatenate3A_105 : vector<256x9xf32> to vector<256x9xbf16>
    %dot_general3A_107 = arith.constant dense<0.000000e+00> : vector<256x128xf32>
    %dot_general3A_108 = tpu.matmul %convert_element_type3A_106, %get3A_8, %dot_general3A_107 {dimension_numbers = #tpu.dot_dimension_numbers<[1], [0], [0], [1], [0, 0, 1, 1], [], []>, transpose_lhs_hint = false} : vector<256x9xbf16>, vector<9x128xbf16>, vector<256x128xf32> -> vector<256x128xf32>
    %add3A_109 = vector.broadcast %get3A_11 : vector<1x128xf32> to vector<256x128xf32>
    %add3A_110 = arith.addf %dot_general3A_108, %add3A_109 : vector<256x128xf32>
    %max3A_111 = arith.constant 0.000000e+00 : f32
    %max3A_112 = vector.broadcast %max3A_111 : f32 to vector<256x128xf32>
    %max3A_113 = arith.maximumf %add3A_110, %max3A_112 : vector<256x128xf32>
    %convert_element_type3A_114 = arith.truncf %max3A_113 : vector<256x128xf32> to vector<256x128xbf16>
    %get3A_115 = arith.constant 0 : index
    %get3A_116 = arith.constant 3 : index
    %get3A_117 = arith.constant 0 : index
    %get3A_118 = arith.constant 0 : index
    %get3A_119 = vector.load %arg3[%get3A_115, %get3A_116, %get3A_117, %get3A_118] : memref<1x8x256x128xf32, #tpu.memory_space<vmem>>, vector<1x1x256x128xf32>
    %get3A_120 = vector.shape_cast %get3A_119 : vector<1x1x256x128xf32> to vector<256x128xf32>
    %convert_element_type3A_121 = arith.truncf %get3A_120 : vector<256x128xf32> to vector<256x128xbf16>
    %get3A_122 = arith.constant 0 : index
    %get3A_123 = arith.constant 4 : index
    %get3A_124 = arith.constant 0 : index
    %get3A_125 = arith.constant 0 : index
    %get3A_126 = vector.load %arg2[%get3A_122, %get3A_123, %get3A_124, %get3A_125] : memref<1x8x256x128xf32, #tpu.memory_space<vmem>>, vector<1x1x256x128xf32>
    %get3A_127 = vector.shape_cast %get3A_126 : vector<1x1x256x128xf32> to vector<256x128xf32>
    %slice3A_128 = vector.extract_strided_slice %get3A_127 {offsets = [0, 0], sizes = [256, 1], strides = [1, 1]} : vector<256x128xf32> to vector<256x1xf32>
    %slice3A_129 = vector.extract_strided_slice %get3A_127 {offsets = [0, 1], sizes = [256, 1], strides = [1, 1]} : vector<256x128xf32> to vector<256x1xf32>
    %slice3A_130 = vector.extract_strided_slice %get3A_127 {offsets = [0, 2], sizes = [256, 1], strides = [1, 1]} : vector<256x128xf32> to vector<256x1xf32>
    %sub3A_131 = arith.subf %slice3A_128, %slice3A : vector<256x1xf32>
    %sub3A_132 = arith.subf %slice3A_129, %slice3A_4 : vector<256x1xf32>
    %sub3A_133 = arith.subf %slice3A_130, %slice3A_5 : vector<256x1xf32>
    %concatenate3A_134 = tpu.concatenate %slice3A, %slice3A_4, %slice3A_5, %slice3A_128, %slice3A_129, %slice3A_130, %sub3A_131, %sub3A_132, %sub3A_133 in 1 : vector<256x1xf32>, vector<256x1xf32>, vector<256x1xf32>, vector<256x1xf32>, vector<256x1xf32>, vector<256x1xf32>, vector<256x1xf32>, vector<256x1xf32>, vector<256x1xf32> -> vector<256x9xf32>
    %convert_element_type3A_135 = arith.truncf %concatenate3A_134 : vector<256x9xf32> to vector<256x9xbf16>
    %dot_general3A_136 = arith.constant dense<0.000000e+00> : vector<256x128xf32>
    %dot_general3A_137 = tpu.matmul %convert_element_type3A_135, %get3A_8, %dot_general3A_136 {dimension_numbers = #tpu.dot_dimension_numbers<[1], [0], [0], [1], [0, 0, 1, 1], [], []>, transpose_lhs_hint = false} : vector<256x9xbf16>, vector<9x128xbf16>, vector<256x128xf32> -> vector<256x128xf32>
    %add3A_138 = vector.broadcast %get3A_11 : vector<1x128xf32> to vector<256x128xf32>
    %add3A_139 = arith.addf %dot_general3A_137, %add3A_138 : vector<256x128xf32>
    %max3A_140 = arith.constant 0.000000e+00 : f32
    %max3A_141 = vector.broadcast %max3A_140 : f32 to vector<256x128xf32>
    %max3A_142 = arith.maximumf %add3A_139, %max3A_141 : vector<256x128xf32>
    %convert_element_type3A_143 = arith.truncf %max3A_142 : vector<256x128xf32> to vector<256x128xbf16>
    %get3A_144 = arith.constant 0 : index
    %get3A_145 = arith.constant 4 : index
    %get3A_146 = arith.constant 0 : index
    %get3A_147 = arith.constant 0 : index
    %get3A_148 = vector.load %arg3[%get3A_144, %get3A_145, %get3A_146, %get3A_147] : memref<1x8x256x128xf32, #tpu.memory_space<vmem>>, vector<1x1x256x128xf32>
    %get3A_149 = vector.shape_cast %get3A_148 : vector<1x1x256x128xf32> to vector<256x128xf32>
    %convert_element_type3A_150 = arith.truncf %get3A_149 : vector<256x128xf32> to vector<256x128xbf16>
    %get3A_151 = arith.constant 0 : index
    %get3A_152 = arith.constant 5 : index
    %get3A_153 = arith.constant 0 : index
    %get3A_154 = arith.constant 0 : index
    %get3A_155 = vector.load %arg2[%get3A_151, %get3A_152, %get3A_153, %get3A_154] : memref<1x8x256x128xf32, #tpu.memory_space<vmem>>, vector<1x1x256x128xf32>
    %get3A_156 = vector.shape_cast %get3A_155 : vector<1x1x256x128xf32> to vector<256x128xf32>
    %slice3A_157 = vector.extract_strided_slice %get3A_156 {offsets = [0, 0], sizes = [256, 1], strides = [1, 1]} : vector<256x128xf32> to vector<256x1xf32>
    %slice3A_158 = vector.extract_strided_slice %get3A_156 {offsets = [0, 1], sizes = [256, 1], strides = [1, 1]} : vector<256x128xf32> to vector<256x1xf32>
    %slice3A_159 = vector.extract_strided_slice %get3A_156 {offsets = [0, 2], sizes = [256, 1], strides = [1, 1]} : vector<256x128xf32> to vector<256x1xf32>
    %sub3A_160 = arith.subf %slice3A_157, %slice3A : vector<256x1xf32>
    %sub3A_161 = arith.subf %slice3A_158, %slice3A_4 : vector<256x1xf32>
    %sub3A_162 = arith.subf %slice3A_159, %slice3A_5 : vector<256x1xf32>
    %concatenate3A_163 = tpu.concatenate %slice3A, %slice3A_4, %slice3A_5, %slice3A_157, %slice3A_158, %slice3A_159, %sub3A_160, %sub3A_161, %sub3A_162 in 1 : vector<256x1xf32>, vector<256x1xf32>, vector<256x1xf32>, vector<256x1xf32>, vector<256x1xf32>, vector<256x1xf32>, vector<256x1xf32>, vector<256x1xf32>, vector<256x1xf32> -> vector<256x9xf32>
    %convert_element_type3A_164 = arith.truncf %concatenate3A_163 : vector<256x9xf32> to vector<256x9xbf16>
    %dot_general3A_165 = arith.constant dense<0.000000e+00> : vector<256x128xf32>
    %dot_general3A_166 = tpu.matmul %convert_element_type3A_164, %get3A_8, %dot_general3A_165 {dimension_numbers = #tpu.dot_dimension_numbers<[1], [0], [0], [1], [0, 0, 1, 1], [], []>, transpose_lhs_hint = false} : vector<256x9xbf16>, vector<9x128xbf16>, vector<256x128xf32> -> vector<256x128xf32>
    %add3A_167 = vector.broadcast %get3A_11 : vector<1x128xf32> to vector<256x128xf32>
    %add3A_168 = arith.addf %dot_general3A_166, %add3A_167 : vector<256x128xf32>
    %max3A_169 = arith.constant 0.000000e+00 : f32
    %max3A_170 = vector.broadcast %max3A_169 : f32 to vector<256x128xf32>
    %max3A_171 = arith.maximumf %add3A_168, %max3A_170 : vector<256x128xf32>
    %convert_element_type3A_172 = arith.truncf %max3A_171 : vector<256x128xf32> to vector<256x128xbf16>
    %get3A_173 = arith.constant 0 : index
    %get3A_174 = arith.constant 5 : index
    %get3A_175 = arith.constant 0 : index
    %get3A_176 = arith.constant 0 : index
    %get3A_177 = vector.load %arg3[%get3A_173, %get3A_174, %get3A_175, %get3A_176] : memref<1x8x256x128xf32, #tpu.memory_space<vmem>>, vector<1x1x256x128xf32>
    %get3A_178 = vector.shape_cast %get3A_177 : vector<1x1x256x128xf32> to vector<256x128xf32>
    %convert_element_type3A_179 = arith.truncf %get3A_178 : vector<256x128xf32> to vector<256x128xbf16>
    %get3A_180 = arith.constant 0 : index
    %get3A_181 = arith.constant 6 : index
    %get3A_182 = arith.constant 0 : index
    %get3A_183 = arith.constant 0 : index
    %get3A_184 = vector.load %arg2[%get3A_180, %get3A_181, %get3A_182, %get3A_183] : memref<1x8x256x128xf32, #tpu.memory_space<vmem>>, vector<1x1x256x128xf32>
    %get3A_185 = vector.shape_cast %get3A_184 : vector<1x1x256x128xf32> to vector<256x128xf32>
    %slice3A_186 = vector.extract_strided_slice %get3A_185 {offsets = [0, 0], sizes = [256, 1], strides = [1, 1]} : vector<256x128xf32> to vector<256x1xf32>
    %slice3A_187 = vector.extract_strided_slice %get3A_185 {offsets = [0, 1], sizes = [256, 1], strides = [1, 1]} : vector<256x128xf32> to vector<256x1xf32>
    %slice3A_188 = vector.extract_strided_slice %get3A_185 {offsets = [0, 2], sizes = [256, 1], strides = [1, 1]} : vector<256x128xf32> to vector<256x1xf32>
    %sub3A_189 = arith.subf %slice3A_186, %slice3A : vector<256x1xf32>
    %sub3A_190 = arith.subf %slice3A_187, %slice3A_4 : vector<256x1xf32>
    %sub3A_191 = arith.subf %slice3A_188, %slice3A_5 : vector<256x1xf32>
    %concatenate3A_192 = tpu.concatenate %slice3A, %slice3A_4, %slice3A_5, %slice3A_186, %slice3A_187, %slice3A_188, %sub3A_189, %sub3A_190, %sub3A_191 in 1 : vector<256x1xf32>, vector<256x1xf32>, vector<256x1xf32>, vector<256x1xf32>, vector<256x1xf32>, vector<256x1xf32>, vector<256x1xf32>, vector<256x1xf32>, vector<256x1xf32> -> vector<256x9xf32>
    %convert_element_type3A_193 = arith.truncf %concatenate3A_192 : vector<256x9xf32> to vector<256x9xbf16>
    %dot_general3A_194 = arith.constant dense<0.000000e+00> : vector<256x128xf32>
    %dot_general3A_195 = tpu.matmul %convert_element_type3A_193, %get3A_8, %dot_general3A_194 {dimension_numbers = #tpu.dot_dimension_numbers<[1], [0], [0], [1], [0, 0, 1, 1], [], []>, transpose_lhs_hint = false} : vector<256x9xbf16>, vector<9x128xbf16>, vector<256x128xf32> -> vector<256x128xf32>
    %add3A_196 = vector.broadcast %get3A_11 : vector<1x128xf32> to vector<256x128xf32>
    %add3A_197 = arith.addf %dot_general3A_195, %add3A_196 : vector<256x128xf32>
    %max3A_198 = arith.constant 0.000000e+00 : f32
    %max3A_199 = vector.broadcast %max3A_198 : f32 to vector<256x128xf32>
    %max3A_200 = arith.maximumf %add3A_197, %max3A_199 : vector<256x128xf32>
    %convert_element_type3A_201 = arith.truncf %max3A_200 : vector<256x128xf32> to vector<256x128xbf16>
    %get3A_202 = arith.constant 0 : index
    %get3A_203 = arith.constant 6 : index
    %get3A_204 = arith.constant 0 : index
    %get3A_205 = arith.constant 0 : index
    %get3A_206 = vector.load %arg3[%get3A_202, %get3A_203, %get3A_204, %get3A_205] : memref<1x8x256x128xf32, #tpu.memory_space<vmem>>, vector<1x1x256x128xf32>
    %get3A_207 = vector.shape_cast %get3A_206 : vector<1x1x256x128xf32> to vector<256x128xf32>
    %convert_element_type3A_208 = arith.truncf %get3A_207 : vector<256x128xf32> to vector<256x128xbf16>
    %get3A_209 = arith.constant 0 : index
    %get3A_210 = arith.constant 7 : index
    %get3A_211 = arith.constant 0 : index
    %get3A_212 = arith.constant 0 : index
    %get3A_213 = vector.load %arg2[%get3A_209, %get3A_210, %get3A_211, %get3A_212] : memref<1x8x256x128xf32, #tpu.memory_space<vmem>>, vector<1x1x256x128xf32>
    %get3A_214 = vector.shape_cast %get3A_213 : vector<1x1x256x128xf32> to vector<256x128xf32>
    %slice3A_215 = vector.extract_strided_slice %get3A_214 {offsets = [0, 0], sizes = [256, 1], strides = [1, 1]} : vector<256x128xf32> to vector<256x1xf32>
    %slice3A_216 = vector.extract_strided_slice %get3A_214 {offsets = [0, 1], sizes = [256, 1], strides = [1, 1]} : vector<256x128xf32> to vector<256x1xf32>
    %slice3A_217 = vector.extract_strided_slice %get3A_214 {offsets = [0, 2], sizes = [256, 1], strides = [1, 1]} : vector<256x128xf32> to vector<256x1xf32>
    %sub3A_218 = arith.subf %slice3A_215, %slice3A : vector<256x1xf32>
    %sub3A_219 = arith.subf %slice3A_216, %slice3A_4 : vector<256x1xf32>
    %sub3A_220 = arith.subf %slice3A_217, %slice3A_5 : vector<256x1xf32>
    %concatenate3A_221 = tpu.concatenate %slice3A, %slice3A_4, %slice3A_5, %slice3A_215, %slice3A_216, %slice3A_217, %sub3A_218, %sub3A_219, %sub3A_220 in 1 : vector<256x1xf32>, vector<256x1xf32>, vector<256x1xf32>, vector<256x1xf32>, vector<256x1xf32>, vector<256x1xf32>, vector<256x1xf32>, vector<256x1xf32>, vector<256x1xf32> -> vector<256x9xf32>
    %convert_element_type3A_222 = arith.truncf %concatenate3A_221 : vector<256x9xf32> to vector<256x9xbf16>
    %dot_general3A_223 = arith.constant dense<0.000000e+00> : vector<256x128xf32>
    %dot_general3A_224 = tpu.matmul %convert_element_type3A_222, %get3A_8, %dot_general3A_223 {dimension_numbers = #tpu.dot_dimension_numbers<[1], [0], [0], [1], [0, 0, 1, 1], [], []>, transpose_lhs_hint = false} : vector<256x9xbf16>, vector<9x128xbf16>, vector<256x128xf32> -> vector<256x128xf32>
    %add3A_225 = vector.broadcast %get3A_11 : vector<1x128xf32> to vector<256x128xf32>
    %add3A_226 = arith.addf %dot_general3A_224, %add3A_225 : vector<256x128xf32>
    %max3A_227 = arith.constant 0.000000e+00 : f32
    %max3A_228 = vector.broadcast %max3A_227 : f32 to vector<256x128xf32>
    %max3A_229 = arith.maximumf %add3A_226, %max3A_228 : vector<256x128xf32>
    %convert_element_type3A_230 = arith.truncf %max3A_229 : vector<256x128xf32> to vector<256x128xbf16>
    %get3A_231 = arith.constant 0 : index
    %get3A_232 = arith.constant 7 : index
    %get3A_233 = arith.constant 0 : index
    %get3A_234 = arith.constant 0 : index
    %get3A_235 = vector.load %arg3[%get3A_231, %get3A_232, %get3A_233, %get3A_234] : memref<1x8x256x128xf32, #tpu.memory_space<vmem>>, vector<1x1x256x128xf32>
    %get3A_236 = vector.shape_cast %get3A_235 : vector<1x1x256x128xf32> to vector<256x128xf32>
    %convert_element_type3A_237 = arith.truncf %get3A_236 : vector<256x128xf32> to vector<256x128xbf16>
    %concatenate3A_238 = tpu.concatenate %convert_element_type3A_27, %convert_element_type3A_34, %convert_element_type3A_56, %convert_element_type3A_63, %convert_element_type3A_85, %convert_element_type3A_92, %convert_element_type3A_114, %convert_element_type3A_121, %convert_element_type3A_143, %convert_element_type3A_150, %convert_element_type3A_172, %convert_element_type3A_179, %convert_element_type3A_201, %convert_element_type3A_208, %convert_element_type3A_230, %convert_element_type3A_237 in 1 : vector<256x128xbf16>, vector<256x128xbf16>, vector<256x128xbf16>, vector<256x128xbf16>, vector<256x128xbf16>, vector<256x128xbf16>, vector<256x128xbf16>, vector<256x128xbf16>, vector<256x128xbf16>, vector<256x128xbf16>, vector<256x128xbf16>, vector<256x128xbf16>, vector<256x128xbf16>, vector<256x128xbf16>, vector<256x128xbf16>, vector<256x128xbf16> -> vector<256x2048xbf16>
    %get3A_239 = arith.constant 0 : index
    %get3A_240 = arith.constant 0 : index
    %get3A_241 = vector.load %arg6[%get3A_239, %get3A_240] : memref<2048x512xbf16, #tpu.memory_space<vmem>>, vector<2048x512xbf16>
    %dot_general3A_242 = arith.constant dense<0.000000e+00> : vector<256x512xf32>
    %dot_general3A_243 = tpu.matmul %concatenate3A_238, %get3A_241, %dot_general3A_242 {dimension_numbers = #tpu.dot_dimension_numbers<[1], [0], [0], [1], [0, 0, 1, 1], [], []>, transpose_lhs_hint = false} : vector<256x2048xbf16>, vector<2048x512xbf16>, vector<256x512xf32> -> vector<256x512xf32>
    %get3A_244 = arith.constant 0 : index
    %get3A_245 = arith.constant 0 : index
    %get3A_246 = vector.load %arg7[%get3A_244, %get3A_245] : memref<1x512xf32, #tpu.memory_space<vmem>>, vector<1x512xf32>
    %add3A_247 = vector.broadcast %get3A_246 : vector<1x512xf32> to vector<256x512xf32>
    %add3A_248 = arith.addf %dot_general3A_243, %add3A_247 : vector<256x512xf32>
    %max3A_249 = arith.constant 0.000000e+00 : f32
    %max3A_250 = vector.broadcast %max3A_249 : f32 to vector<256x512xf32>
    %max3A_251 = arith.maximumf %add3A_248, %max3A_250 : vector<256x512xf32>
    %convert_element_type3A_252 = arith.truncf %max3A_251 : vector<256x512xf32> to vector<256x512xbf16>
    %get3A_253 = arith.constant 0 : index
    %get3A_254 = arith.constant 0 : index
    %get3A_255 = vector.load %arg8[%get3A_253, %get3A_254] : memref<512x256xbf16, #tpu.memory_space<vmem>>, vector<512x256xbf16>
    %dot_general3A_256 = arith.constant dense<0.000000e+00> : vector<256x256xf32>
    %dot_general3A_257 = tpu.matmul %convert_element_type3A_252, %get3A_255, %dot_general3A_256 {dimension_numbers = #tpu.dot_dimension_numbers<[1], [0], [0], [1], [0, 0, 1, 1], [], []>, transpose_lhs_hint = false} : vector<256x512xbf16>, vector<512x256xbf16>, vector<256x256xf32> -> vector<256x256xf32>
    %get3A_258 = arith.constant 0 : index
    %get3A_259 = arith.constant 0 : index
    %get3A_260 = vector.load %arg9[%get3A_258, %get3A_259] : memref<1x256xf32, #tpu.memory_space<vmem>>, vector<1x256xf32>
    %add3A_261 = vector.broadcast %get3A_260 : vector<1x256xf32> to vector<256x256xf32>
    %add3A_262 = arith.addf %dot_general3A_257, %add3A_261 : vector<256x256xf32>
    %max3A_263 = arith.constant 0.000000e+00 : f32
    %max3A_264 = vector.broadcast %max3A_263 : f32 to vector<256x256xf32>
    %max3A_265 = arith.maximumf %add3A_262, %max3A_264 : vector<256x256xf32>
    %convert_element_type3A_266 = arith.truncf %max3A_265 : vector<256x256xf32> to vector<256x256xbf16>
    %get3A_267 = arith.constant 0 : index
    %get3A_268 = arith.constant 0 : index
    %get3A_269 = vector.load %arg10[%get3A_267, %get3A_268] : memref<256x256xbf16, #tpu.memory_space<vmem>>, vector<256x256xbf16>
    %dot_general3A_270 = arith.constant dense<0.000000e+00> : vector<256x256xf32>
    %dot_general3A_271 = tpu.matmul %convert_element_type3A_266, %get3A_269, %dot_general3A_270 {dimension_numbers = #tpu.dot_dimension_numbers<[1], [0], [0], [1], [0, 0, 1, 1], [], []>, transpose_lhs_hint = false} : vector<256x256xbf16>, vector<256x256xbf16>, vector<256x256xf32> -> vector<256x256xf32>
    %get3A_272 = arith.constant 0 : index
    %get3A_273 = arith.constant 0 : index
    %get3A_274 = vector.load %arg11[%get3A_272, %get3A_273] : memref<1x256xf32, #tpu.memory_space<vmem>>, vector<1x256xf32>
    %add3A_275 = vector.broadcast %get3A_274 : vector<1x256xf32> to vector<256x256xf32>
    %add3A_276 = arith.addf %dot_general3A_271, %add3A_275 : vector<256x256xf32>
    %max3A_277 = arith.constant 0.000000e+00 : f32
    %max3A_278 = vector.broadcast %max3A_277 : f32 to vector<256x256xf32>
    %max3A_279 = arith.maximumf %add3A_276, %max3A_278 : vector<256x256xf32>
    %convert_element_type3A_280 = arith.truncf %max3A_279 : vector<256x256xf32> to vector<256x256xbf16>
    %get3A_281 = arith.constant 0 : index
    %get3A_282 = arith.constant 0 : index
    %get3A_283 = vector.load %arg12[%get3A_281, %get3A_282] : memref<256x256xbf16, #tpu.memory_space<vmem>>, vector<256x256xbf16>
    %dot_general3A_284 = arith.constant dense<0.000000e+00> : vector<256x256xf32>
    %dot_general3A_285 = tpu.matmul %convert_element_type3A_280, %get3A_283, %dot_general3A_284 {dimension_numbers = #tpu.dot_dimension_numbers<[1], [0], [0], [1], [0, 0, 1, 1], [], []>, transpose_lhs_hint = false} : vector<256x256xbf16>, vector<256x256xbf16>, vector<256x256xf32> -> vector<256x256xf32>
    %get3A_286 = arith.constant 0 : index
    %get3A_287 = arith.constant 0 : index
    %get3A_288 = vector.load %arg13[%get3A_286, %get3A_287] : memref<1x256xf32, #tpu.memory_space<vmem>>, vector<1x256xf32>
    %add3A_289 = vector.broadcast %get3A_288 : vector<1x256xf32> to vector<256x256xf32>
    %add3A_290 = arith.addf %dot_general3A_285, %add3A_289 : vector<256x256xf32>
    %max3A_291 = arith.constant 0.000000e+00 : f32
    %max3A_292 = vector.broadcast %max3A_291 : f32 to vector<256x256xf32>
    %max3A_293 = arith.maximumf %add3A_290, %max3A_292 : vector<256x256xf32>
    %convert_element_type3A_294 = arith.truncf %max3A_293 : vector<256x256xf32> to vector<256x256xbf16>
    %get3A_295 = arith.constant 0 : index
    %get3A_296 = arith.constant 0 : index
    %get3A_297 = vector.load %arg14[%get3A_295, %get3A_296] : memref<256x256xbf16, #tpu.memory_space<vmem>>, vector<256x256xbf16>
    %dot_general3A_298 = arith.constant dense<0.000000e+00> : vector<256x256xf32>
    %dot_general3A_299 = tpu.matmul %convert_element_type3A_294, %get3A_297, %dot_general3A_298 {dimension_numbers = #tpu.dot_dimension_numbers<[1], [0], [0], [1], [0, 0, 1, 1], [], []>, transpose_lhs_hint = false} : vector<256x256xbf16>, vector<256x256xbf16>, vector<256x256xf32> -> vector<256x256xf32>
    %get3A_300 = arith.constant 0 : index
    %get3A_301 = arith.constant 0 : index
    %get3A_302 = vector.load %arg15[%get3A_300, %get3A_301] : memref<1x256xf32, #tpu.memory_space<vmem>>, vector<1x256xf32>
    %add3A_303 = vector.broadcast %get3A_302 : vector<1x256xf32> to vector<256x256xf32>
    %add3A_304 = arith.addf %dot_general3A_299, %add3A_303 : vector<256x256xf32>
    %max3A_305 = arith.constant 0.000000e+00 : f32
    %max3A_306 = vector.broadcast %max3A_305 : f32 to vector<256x256xf32>
    %max3A_307 = arith.maximumf %add3A_304, %max3A_306 : vector<256x256xf32>
    %get3A_308 = arith.constant 0 : index
    %get3A_309 = arith.constant 0 : index
    %get3A_310 = vector.load %arg16[%get3A_308, %get3A_309] : memref<1x256xbf16, #tpu.memory_space<vmem>>, vector<1x256xbf16>
    %convert_element_type3A_311 = arith.extf %get3A_310 : vector<1x256xbf16> to vector<1x256xf32>
    %convert_element_type3A_312 = arith.truncf %max3A_307 : vector<256x256xf32> to vector<256x256xbf16>
    %convert_element_type3A_313 = arith.extf %convert_element_type3A_312 : vector<256x256xbf16> to vector<256x256xf32>
    %mul3A = vector.broadcast %convert_element_type3A_311 : vector<1x256xf32> to vector<256x256xf32>
    %mul3A_314 = arith.mulf %convert_element_type3A_313, %mul3A : vector<256x256xf32>
    %reduce_sum3A = arith.constant dense<0.000000e+00> : vector<256xf32>
    %reduce_sum3A_315 = vector.multi_reduction <add>, %mul3A_314, %reduce_sum3A [1] : vector<256x256xf32> to vector<256xf32>
    %broadcast_in_dim3A = vector.shape_cast %reduce_sum3A_315 : vector<256xf32> to vector<256x1xf32>
    %swap3A = arith.constant 0 : index
    %swap3A_316 = arith.constant 0 : index
    %swap3A_317 = arith.constant 0 : index
    %swap3A_318 = vector.load %arg17[%swap3A, %swap3A_316, %swap3A_317] : memref<1x256x1xf32, #tpu.memory_space<vmem>>, vector<1x256x1xf32>
    %swap3A_319 = vector.shape_cast %swap3A_318 : vector<1x256x1xf32> to vector<256x1xf32>
    %swap3A_320 = vector.shape_cast %broadcast_in_dim3A : vector<256x1xf32> to vector<1x256x1xf32>
    tpu.vector_store %arg17[%swap3A, %swap3A_316, %swap3A_317], %swap3A_320 {strides = array<i32>} : memref<1x256x1xf32, #tpu.memory_space<vmem>>, vector<1x256x1xf32>,
    return
  }
  func.func @transform_0(%arg0: i32) -> (i32, i32, i32) {
    %jit3A = arith.constant 8 : i32
    %div3A = arith.divsi %arg0, %jit3A : i32
    %sign3A = arith.constant 0 : i32
    %sign3A_0 = arith.cmpi sgt, %arg0, %sign3A : i32
    %sign3A_1 = arith.extui %sign3A_0 : i1 to i32
    %sign3A_2 = arith.constant 0 : i32
    %sign3A_3 = arith.cmpi slt, %arg0, %sign3A_2 : i32
    %sign3A_4 = arith.extui %sign3A_3 : i1 to i32
    %sign3A_5 = arith.subi %sign3A_1, %sign3A_4 : i32
    %sign3A_6 = arith.constant 0 : i32
    %sign3A_7 = arith.cmpi sgt, %jit3A, %sign3A_6 : i32
    %sign3A_8 = arith.extui %sign3A_7 : i1 to i32
    %sign3A_9 = arith.constant 0 : i32
    %sign3A_10 = arith.cmpi slt, %jit3A, %sign3A_9 : i32
    %sign3A_11 = arith.extui %sign3A_10 : i1 to i32
    %sign3A_12 = arith.subi %sign3A_8, %sign3A_11 : i32
    %ne3A = arith.cmpi ne, %sign3A_5, %sign3A_12 : i32
    %rem3A = arith.remsi %arg0, %jit3A : i32
    %ne3A_13 = arith.constant 0 : i32
    %ne3A_14 = arith.cmpi ne, %rem3A, %ne3A_13 : i32
    %and3A = arith.andi %ne3A, %ne3A_14 : i1
    %sub3A = arith.constant 1 : i32
    %sub3A_15 = arith.subi %div3A, %sub3A : i32
    %select_n3A = arith.select %and3A, %sub3A_15, %div3A : i32
    %jit3A_16 = arith.constant 8 : i32
    %eq3A = arith.constant 0 : i32
    %eq3A_17 = arith.cmpi eq, %jit3A_16, %eq3A : i32
    %jit3A_18 = arith.constant 1 : i32
    %select_n3A_19 = arith.select %eq3A_17, %jit3A_18, %jit3A_16 : i32
    %rem3A_20 = arith.remsi %arg0, %select_n3A_19 : i32
    %ne3A_21 = arith.constant 0 : i32
    %ne3A_22 = arith.cmpi ne, %rem3A_20, %ne3A_21 : i32
    %lt3A = arith.constant 0 : i32
    %lt3A_23 = arith.cmpi slt, %rem3A_20, %lt3A : i32
    %lt3A_24 = arith.constant 0 : i32
    %lt3A_25 = arith.cmpi slt, %select_n3A_19, %lt3A_24 : i32
    %ne3A_26 = arith.xori %lt3A_23, %lt3A_25 : i1
    %and3A_27 = arith.andi %ne3A_26, %ne3A_22 : i1
    %add3A = arith.addi %rem3A_20, %select_n3A_19 : i32
    %select_n3A_28 = arith.select %and3A_27, %add3A, %rem3A_20 : i32
    %c0_i32 = arith.constant 0 : i32
    %c0_i32_29 = arith.constant 0 : i32
    return %select_n3A, %select_n3A_28, %c0_i32 : i32, i32, i32
  }
  func.func @transform_1(%arg0: i32) -> (i32, i32, i32, i32) {
    %jit3A = arith.constant 8 : i32
    %div3A = arith.divsi %arg0, %jit3A : i32
    %sign3A = arith.constant 0 : i32
    %sign3A_0 = arith.cmpi sgt, %arg0, %sign3A : i32
    %sign3A_1 = arith.extui %sign3A_0 : i1 to i32
    %sign3A_2 = arith.constant 0 : i32
    %sign3A_3 = arith.cmpi slt, %arg0, %sign3A_2 : i32
    %sign3A_4 = arith.extui %sign3A_3 : i1 to i32
    %sign3A_5 = arith.subi %sign3A_1, %sign3A_4 : i32
    %sign3A_6 = arith.constant 0 : i32
    %sign3A_7 = arith.cmpi sgt, %jit3A, %sign3A_6 : i32
    %sign3A_8 = arith.extui %sign3A_7 : i1 to i32
    %sign3A_9 = arith.constant 0 : i32
    %sign3A_10 = arith.cmpi slt, %jit3A, %sign3A_9 : i32
    %sign3A_11 = arith.extui %sign3A_10 : i1 to i32
    %sign3A_12 = arith.subi %sign3A_8, %sign3A_11 : i32
    %ne3A = arith.cmpi ne, %sign3A_5, %sign3A_12 : i32
    %rem3A = arith.remsi %arg0, %jit3A : i32
    %ne3A_13 = arith.constant 0 : i32
    %ne3A_14 = arith.cmpi ne, %rem3A, %ne3A_13 : i32
    %and3A = arith.andi %ne3A, %ne3A_14 : i1
    %sub3A = arith.constant 1 : i32
    %sub3A_15 = arith.subi %div3A, %sub3A : i32
    %select_n3A = arith.select %and3A, %sub3A_15, %div3A : i32
    %jit3A_16 = arith.constant 8 : i32
    %eq3A = arith.constant 0 : i32
    %eq3A_17 = arith.cmpi eq, %jit3A_16, %eq3A : i32
    %jit3A_18 = arith.constant 1 : i32
    %select_n3A_19 = arith.select %eq3A_17, %jit3A_18, %jit3A_16 : i32
    %rem3A_20 = arith.remsi %arg0, %select_n3A_19 : i32
    %ne3A_21 = arith.constant 0 : i32
    %ne3A_22 = arith.cmpi ne, %rem3A_20, %ne3A_21 : i32
    %lt3A = arith.constant 0 : i32
    %lt3A_23 = arith.cmpi slt, %rem3A_20, %lt3A : i32
    %lt3A_24 = arith.constant 0 : i32
    %lt3A_25 = arith.cmpi slt, %select_n3A_19, %lt3A_24 : i32
    %ne3A_26 = arith.xori %lt3A_23, %lt3A_25 : i1
    %and3A_27 = arith.andi %ne3A_26, %ne3A_22 : i1
    %add3A = arith.addi %rem3A_20, %select_n3A_19 : i32
    %select_n3A_28 = arith.select %and3A_27, %add3A, %rem3A_20 : i32
    %c0_i32 = arith.constant 0 : i32
    %c0_i32_29 = arith.constant 0 : i32
    %c0_i32_30 = arith.constant 0 : i32
    return %select_n3A, %c0_i32, %select_n3A_28, %c0_i32_29 : i32, i32, i32, i32
  }
  func.func @transform_2(%arg0: i32) -> (i32, i32, i32, i32) {
    %jit3A = arith.constant 8 : i32
    %div3A = arith.divsi %arg0, %jit3A : i32
    %sign3A = arith.constant 0 : i32
    %sign3A_0 = arith.cmpi sgt, %arg0, %sign3A : i32
    %sign3A_1 = arith.extui %sign3A_0 : i1 to i32
    %sign3A_2 = arith.constant 0 : i32
    %sign3A_3 = arith.cmpi slt, %arg0, %sign3A_2 : i32
    %sign3A_4 = arith.extui %sign3A_3 : i1 to i32
    %sign3A_5 = arith.subi %sign3A_1, %sign3A_4 : i32
    %sign3A_6 = arith.constant 0 : i32
    %sign3A_7 = arith.cmpi sgt, %jit3A, %sign3A_6 : i32
    %sign3A_8 = arith.extui %sign3A_7 : i1 to i32
    %sign3A_9 = arith.constant 0 : i32
    %sign3A_10 = arith.cmpi slt, %jit3A, %sign3A_9 : i32
    %sign3A_11 = arith.extui %sign3A_10 : i1 to i32
    %sign3A_12 = arith.subi %sign3A_8, %sign3A_11 : i32
    %ne3A = arith.cmpi ne, %sign3A_5, %sign3A_12 : i32
    %rem3A = arith.remsi %arg0, %jit3A : i32
    %ne3A_13 = arith.constant 0 : i32
    %ne3A_14 = arith.cmpi ne, %rem3A, %ne3A_13 : i32
    %and3A = arith.andi %ne3A, %ne3A_14 : i1
    %sub3A = arith.constant 1 : i32
    %sub3A_15 = arith.subi %div3A, %sub3A : i32
    %select_n3A = arith.select %and3A, %sub3A_15, %div3A : i32
    %jit3A_16 = arith.constant 8 : i32
    %eq3A = arith.constant 0 : i32
    %eq3A_17 = arith.cmpi eq, %jit3A_16, %eq3A : i32
    %jit3A_18 = arith.constant 1 : i32
    %select_n3A_19 = arith.select %eq3A_17, %jit3A_18, %jit3A_16 : i32
    %rem3A_20 = arith.remsi %arg0, %select_n3A_19 : i32
    %ne3A_21 = arith.constant 0 : i32
    %ne3A_22 = arith.cmpi ne, %rem3A_20, %ne3A_21 : i32
    %lt3A = arith.constant 0 : i32
    %lt3A_23 = arith.cmpi slt, %rem3A_20, %lt3A : i32
    %lt3A_24 = arith.constant 0 : i32
    %lt3A_25 = arith.cmpi slt, %select_n3A_19, %lt3A_24 : i32
    %ne3A_26 = arith.xori %lt3A_23, %lt3A_25 : i1
    %and3A_27 = arith.andi %ne3A_26, %ne3A_22 : i1
    %add3A = arith.addi %rem3A_20, %select_n3A_19 : i32
    %select_n3A_28 = arith.select %and3A_27, %add3A, %rem3A_20 : i32
    %c0_i32 = arith.constant 0 : i32
    %c0_i32_29 = arith.constant 0 : i32
    %c0_i32_30 = arith.constant 0 : i32
    return %select_n3A, %c0_i32, %select_n3A_28, %c0_i32_29 : i32, i32, i32, i32
  }
  func.func @transform_3(%arg0: i32) -> (i32, i32) {
    %c0_i32 = arith.constant 0 : i32
    %c0_i32_0 = arith.constant 0 : i32
    %c0_i32_1 = arith.constant 0 : i32
    return %c0_i32, %c0_i32_0 : i32, i32
  }
  func.func @transform_4(%arg0: i32) -> (i32, i32) {
    %c0_i32 = arith.constant 0 : i32
    %c0_i32_0 = arith.constant 0 : i32
    %c0_i32_1 = arith.constant 0 : i32
    return %c0_i32, %c0_i32_0 : i32, i32
  }
  func.func @transform_5(%arg0: i32) -> (i32, i32) {
    %c0_i32 = arith.constant 0 : i32
    %c0_i32_0 = arith.constant 0 : i32
    %c0_i32_1 = arith.constant 0 : i32
    return %c0_i32, %c0_i32_0 : i32, i32
  }
  func.func @transform_6(%arg0: i32) -> (i32, i32) {
    %c0_i32 = arith.constant 0 : i32
    %c0_i32_0 = arith.constant 0 : i32
    %c0_i32_1 = arith.constant 0 : i32
    return %c0_i32, %c0_i32_0 : i32, i32
  }
  func.func @transform_7(%arg0: i32) -> (i32, i32) {
    %c0_i32 = arith.constant 0 : i32
    %c0_i32_0 = arith.constant 0 : i32
    %c0_i32_1 = arith.constant 0 : i32
    return %c0_i32, %c0_i32_0 : i32, i32
  }
  func.func @transform_8(%arg0: i32) -> (i32, i32) {
    %c0_i32 = arith.constant 0 : i32
    %c0_i32_0 = arith.constant 0 : i32
    %c0_i32_1 = arith.constant 0 : i32
    return %c0_i32, %c0_i32_0 : i32, i32
  }
  func.func @transform_9(%arg0: i32) -> (i32, i32) {
    %c0_i32 = arith.constant 0 : i32
    %c0_i32_0 = arith.constant 0 : i32
    %c0_i32_1 = arith.constant 0 : i32
    return %c0_i32, %c0_i32_0 : i32, i32
  }
  func.func @transform_10(%arg0: i32) -> (i32, i32) {
    %c0_i32 = arith.constant 0 : i32
    %c0_i32_0 = arith.constant 0 : i32
    %c0_i32_1 = arith.constant 0 : i32
    return %c0_i32, %c0_i32_0 : i32, i32
  }
  func.func @transform_11(%arg0: i32) -> (i32, i32) {
    %c0_i32 = arith.constant 0 : i32
    %c0_i32_0 = arith.constant 0 : i32
    %c0_i32_1 = arith.constant 0 : i32
    return %c0_i32, %c0_i32_0 : i32, i32
  }
  func.func @transform_12(%arg0: i32) -> (i32, i32) {
    %c0_i32 = arith.constant 0 : i32
    %c0_i32_0 = arith.constant 0 : i32
    %c0_i32_1 = arith.constant 0 : i32
    return %c0_i32, %c0_i32_0 : i32, i32
  }
  func.func @transform_13(%arg0: i32) -> (i32, i32) {
    %c0_i32 = arith.constant 0 : i32
    %c0_i32_0 = arith.constant 0 : i32
    %c0_i32_1 = arith.constant 0 : i32
    return %c0_i32, %c0_i32_0 : i32, i32
  }
  func.func @transform_14(%arg0: i32) -> (i32, i32) {
    %c0_i32 = arith.constant 0 : i32
    %c0_i32_0 = arith.constant 0 : i32
    %c0_i32_1 = arith.constant 0 : i32
    return %c0_i32, %c0_i32_0 : i32, i32
  }
  func.func @transform_15(%arg0: i32) -> (i32, i32) {
    %c0_i32 = arith.constant 0 : i32
    %c0_i32_0 = arith.constant 0 : i32
    %c0_i32_1 = arith.constant 0 : i32
    return %c0_i32, %c0_i32_0 : i32, i32
  }
  func.func @transform_16(%arg0: i32) -> (i32, i32, i32) {
    %jit3A = arith.constant 8 : i32
    %div3A = arith.divsi %arg0, %jit3A : i32
    %sign3A = arith.constant 0 : i32
    %sign3A_0 = arith.cmpi sgt, %arg0, %sign3A : i32
    %sign3A_1 = arith.extui %sign3A_0 : i1 to i32
    %sign3A_2 = arith.constant 0 : i32
    %sign3A_3 = arith.cmpi slt, %arg0, %sign3A_2 : i32
    %sign3A_4 = arith.extui %sign3A_3 : i1 to i32
    %sign3A_5 = arith.subi %sign3A_1, %sign3A_4 : i32
    %sign3A_6 = arith.constant 0 : i32
    %sign3A_7 = arith.cmpi sgt, %jit3A, %sign3A_6 : i32
    %sign3A_8 = arith.extui %sign3A_7 : i1 to i32
    %sign3A_9 = arith.constant 0 : i32
    %sign3A_10 = arith.cmpi slt, %jit3A, %sign3A_9 : i32
    %sign3A_11 = arith.extui %sign3A_10 : i1 to i32
    %sign3A_12 = arith.subi %sign3A_8, %sign3A_11 : i32
    %ne3A = arith.cmpi ne, %sign3A_5, %sign3A_12 : i32
    %rem3A = arith.remsi %arg0, %jit3A : i32
    %ne3A_13 = arith.constant 0 : i32
    %ne3A_14 = arith.cmpi ne, %rem3A, %ne3A_13 : i32
    %and3A = arith.andi %ne3A, %ne3A_14 : i1
    %sub3A = arith.constant 1 : i32
    %sub3A_15 = arith.subi %div3A, %sub3A : i32
    %select_n3A = arith.select %and3A, %sub3A_15, %div3A : i32
    %jit3A_16 = arith.constant 8 : i32
    %eq3A = arith.constant 0 : i32
    %eq3A_17 = arith.cmpi eq, %jit3A_16, %eq3A : i32
    %jit3A_18 = arith.constant 1 : i32
    %select_n3A_19 = arith.select %eq3A_17, %jit3A_18, %jit3A_16 : i32
    %rem3A_20 = arith.remsi %arg0, %select_n3A_19 : i32
    %ne3A_21 = arith.constant 0 : i32
    %ne3A_22 = arith.cmpi ne, %rem3A_20, %ne3A_21 : i32
    %lt3A = arith.constant 0 : i32
    %lt3A_23 = arith.cmpi slt, %rem3A_20, %lt3A : i32
    %lt3A_24 = arith.constant 0 : i32
    %lt3A_25 = arith.cmpi slt, %select_n3A_19, %lt3A_24 : i32
    %ne3A_26 = arith.xori %lt3A_23, %lt3A_25 : i1
    %and3A_27 = arith.andi %ne3A_26, %ne3A_22 : i1
    %add3A = arith.addi %rem3A_20, %select_n3A_19 : i32
    %select_n3A_28 = arith.select %and3A_27, %add3A, %rem3A_20 : i32
    %c0_i32 = arith.constant 0 : i32
    %c0_i32_29 = arith.constant 0 : i32
    return %select_n3A, %select_n3A_28, %c0_i32 : i32, i32, i32
  }
}

</mosaic_0001>

<sc_bundles>
// kernel: kernel.11.cloned.1.call-start
scs
__scs_entry_jumppad:
0x0: {  	(pc) =	sbr.rel $0x88, $3  }
0x1: {  	(tag) =	ssettag $0x0;
	lr =	simm.s32 $0x1  }
0x2: {  	[smem:$0x3F90] =	sst lr;
	_ =	strace $0xD0000000  }
0x3: {  	_ = 	snop  }
0x4: {  	_ = 	snop  }
0x5: {  	_ = 	snop  }
0x6: {  	_ = 	snop  }
0x7: {  	_ = 	snop  }
__scs_overlays_trampoline_lowered:
0x8: {  	[smem:$0x3F9F] =	sst s0  }
0x9: {  	[smem:$0x3FA0] =	sst s1  }
0xa: {  	[smem:$0x3FA1] =	sst s2  }
0xb: {  	[smem:$0x3FA2] =	sst s3  }
0xc: {  	[smem:$0x3FA3] =	sst s4  }
0xd: {  	[smem:$0x3FA4] =	sst s5  }
0xe: {  	[smem:$0x3FA5] =	sst s6  }
0xf: {  	[smem:$0x3FA6] =	sst s7  }
0x10: {  	[smem:$0x3FA7] =	sst s8  }
0x11: {  	[smem:$0x3FA8] =	sst s9;
	s0 =	simm.s32 @!p0 $0x0  }
0x12: {  	s1 =	sld [smem:$0x3F8E];
	s0 =	simm.s32 @p0 $0x1  }
0x13: {  	[smem:$0x3FA9] =	sst s0;
	s0 =	simm.s32 @!p1 $0x0  }
0x14: {  	s2 =	sld [smem:$0x3F8D];
	s0 =	simm.s32 @p1 $0x1  }
0x15: {  	[smem:$0x3FAA] =	sst s0;
	s0 =	simm.s32 @!p2 $0x0  }
0x16: {  	s3 =	sld [smem:$0x3FDB];
	s0 =	simm.s32 @p2 $0x1  }
0x17: {  	s4 =	simm.s32 $0x1BF5;
	[smem:$0x3FAC] =	sst s0  }
0x18: {  	s0 =	sld [smem:$0x3F8F];
	_ =	swait.ge [sflag:s4], $0x0  }
0x19: {  	s7 =	sld [smem:$0x3F90]  }
0x1a: {  	s8 =	sadd.s32 $0xFFFFE003, lr  }
0x1b: {  	s9 =	sadd.s32 $0xFFFFFEF7, lr;
	s5 =	simm.s32 $0xFFFFFFFF;
	p2 =	slt.u32 s8, $0xFFFFF086  }
0x1c: {  	p1 =	slt.u32 s9, $0xF7A;
	s5 =	simm.s32 @!p2 $0x0  }
0x1d: {  	s5 =	simm.s32 @p1 $0x1;
	p0 =	seq.s32 s7, s2  }
0x1e: {  	s7 =	smul.u32 @!p0 $0xF7A, s2;
	p2 =	seq.s32 @!p0 s5, $0x0  }
0x1f: {  	s9 =	smul.u32 $0xF7A, s1;
	s8 =	simm.s32 @!p0 $0x1BF5;
	p2 =	por !p2, p0  }
0x20: {  	[sflag:s8] =	ssyncset.s32 @!p0 $0xFFFFF086;
	s6 =	sadd.s32 @!p0 s3, s7;
	s7 =	simm.s32 @!p0 $0x108  }
0x21: {  	s3 =	sadd.s32 s3, s9;
	s6 =	sadd.s32 @!p0 $0x88, s6;
	s7 =	simm.s32 @p2 $0x1082  }
0x22: {  	[simem:s7], [sflag:s8] =	dma.local @!p0 [hbm:s6], $0xF7A  }
0x23: {  	s9 =	sor.u32 $0xD0000000, s2;
	s6 =	simm.s32 $0x108;
	_ =	swait.ge @!p0 [sflag:s8], $0x0  }
0x24: {  	s3 =	sadd.s32 $0x88, s3;
	s6 =	simm.s32 @!p1 $0x1082;
	[sflag:s4] =	ssyncset.s32 $0xFFFFF086  }
0x25: {  	[simem:s6], [sflag:s4] =	dma.local [hbm:s3], $0xF7A  }
0x26: {  	[smem:$0x3F90] =	sst s1;
	(tag) =	ssettag s2;
	_ =	strace s9  }
0x27: {  	s1 =	sld [smem:$0x3FA0]  }
0x28: {  	s2 =	sld [smem:$0x3FA1]  }
0x29: {  	s4 =	sld [smem:$0x3FA3]  }
0x2a: {  	p0 =	seq.s32 s5, $0x0;
	s5 =	sld [smem:$0x3FA4]  }
0x2b: {  	s6 =	sld [smem:$0x3FA5]  }
0x2c: {  	s7 =	sld [smem:$0x3FA6]  }
0x2d: {  	s3 =	simm.s32 $0x108;
	s8 =	sld [smem:$0x3FA7]  }
0x2e: {  	s3 =	simm.s32 @!p0 $0x1082;
	s9 =	sld [smem:$0x3FA8]  }
0x2f: {  	lr =	sadd.s32 s0, s3;
	s0 =	sld [smem:$0x3F9F]  }
0x30: {  	s3 =	sld [smem:$0x3FA2]  }
0x31: {  	[smem:$0x3FAB] =	sst s10  }
0x32: {  	s10 =	sld [smem:$0x3FA9];
	_ =	sdelay $0x3  }
0x33: {  	p0 =	seq.s32 s10, $0x1;
	s10 =	sld [smem:$0x3FAB];
	_ =	sdelay $0x3  }
0x34: {  	[smem:$0x3FAB] =	sst s10  }
0x35: {  	s10 =	sld [smem:$0x3FAA];
	_ =	sdelay $0x3  }
0x36: {  	p1 =	seq.s32 s10, $0x1;
	s10 =	sld [smem:$0x3FAB];
	_ =	sdelay $0x3  }
0x37: {  	[smem:$0x3FAB] =	sst s10  }
0x38: {  	s10 =	sld [smem:$0x3FAC]  }
0x39: {  	_ = 	snop;
	(pc) =	sbr.ind lr, $3  }
0x3a: {  	_ = 	snop  }
0x3b: {  	_ = 	snop  }
0x3c: {  	p2 =	seq.s32 s10, $0x1;
	s10 =	sld [smem:$0x3FAB]  }
0x3d: {  	_ =	shalt  }
0x3e: {  	_ =	shalt  }
0x3f: {  	_ =	shalt  }
0x40: {  	_ =	shalt  }
0x41: {  	_ =	shalt  }
0x42: {  	_ =	shalt  }
0x43: {  	_ =	shalt  }
0x44: {  	_ =	shalt  }
0x45: {  	_ =	shalt  }
0x46: {  	_ =	shalt  }
0x47: {  	_ =	shalt  }
0x48: {  	_ =	shalt  }
0x49: {  	_ =	shalt  }
0x4a: {  	_ =	shalt  }
0x4b: {  	_ =	shalt  }
0x4c: {  	_ =	shalt  }
0x4d: {  	_ =	shalt  }
0x4e: {  	_ =	shalt  }
0x4f: {  	_ =	shalt  }
0x50: {  	_ =	shalt  }
0x51: {  	_ =	shalt  }
0x52: {  	_ =	shalt  }
0x53: {  	_ =	shalt  }
0x54: {  	_ =	shalt  }
0x55: {  	_ =	shalt  }
0x56: {  	_ =	shalt  }
0x57: {  	_ =	shalt  }
0x58: {  	_ =	shalt  }
0x59: {  	_ =	shalt  }
0x5a: {  	_ =	shalt  }
0x5b: {  	_ =	shalt  }
0x5c: {  	_ =	shalt  }
0x5d: {  	_ =	shalt  }
0x5e: {  	_ =	shalt  }
0x5f: {  	_ =	shalt  }
0x60: {  	_ =	shalt  }
0x61: {  	_ =	shalt  }
0x62: {  	_ =	shalt  }
0x63: {  	_ =	shalt  }
0x64: {  	_ =	shalt  }
0x65: {  	_ =	shalt  }
0x66: {  	_ =	shalt  }
0x67: {  	_ =	shalt  }
0x68: {  	_ =	shalt  }
0x69: {  	_ =	shalt  }
0x6a: {  	_ =	shalt  }
0x6b: {  	_ =	shalt  }
0x6c: {  	_ =	shalt  }
0x6d: {  	_ =	shalt  }
0x6e: {  	_ =	shalt  }
0x6f: {  	_ =	shalt  }
0x70: {  	_ =	shalt  }
0x71: {  	_ =	shalt  }
0x72: {  	_ =	shalt  }
0x73: {  	_ =	shalt  }
0x74: {  	_ =	shalt  }
0x75: {  	_ =	shalt  }
0x76: {  	_ =	shalt  }
0x77: {  	_ =	shalt  }
0x78: {  	_ =	shalt  }
0x79: {  	_ =	shalt  }
0x7a: {  	_ =	shalt  }
0x7b: {  	_ =	shalt  }
0x7c: {  	_ =	shalt  }
0x7d: {  	_ =	shalt  }
0x7e: {  	_ =	shalt  }
0x7f: {  	_ =	shalt  }
0x80: {  	_ =	shalt  }
0x81: {  	_ =	shalt  }
0x82: {  	_ =	shalt  }
0x83: {  	_ =	shalt  }
0x84: {  	_ =	shalt  }
0x85: {  	_ =	shalt  }
0x86: {  	_ =	shalt  }
0x87: {  	_ =	shalt  }
.Lfunc_end0:
.L_simem_size_0:
called_computation.1_lowered:
.L_overlay_start_0:
0x88: {  	s2 =	sld [smem:$0x3FD9]  }
0x89: {  	s3 =	sld [smem:$0x3FFE];
	_ =	sdelay $0x1  }
0x8a: {  	s1 =	srdreg.scid  }
0x8b: {  	s0 =	sand.u32 $0x1, s1  }
0x8c: {  	s17 =	sshll.u32 s0, $0xA;
	s2 =	sadd.s32 s3, s2  }
0x8d: {  	s2 =	sadd.s32 s2, s17  }
0x8e: {  	[smem:$0x3FB7] =	sst s2  }
0x8f: {  	_ = 	snop  }
0x90: {  	s18 =	sld [smem:$0x3FC7];
	(tm) =	ssettm $0x1  }
0x91: {  	s19 =	sld [smem:$0x3FFB];
	_ =	sdelay $0x3  }
0x92: {  	_ =	strace s19  }
0x93: {  	s2 =	sld [smem:$0x3FFC];
	_ =	sdelay $0x3  }
0x94: {  	_ =	strace s2  }
0x95: {  	s2 =	sld [smem:$0x3FFD];
	_ =	sdelay $0x3  }
0x96: {  	_ =	strace s2  }
0x97: {  	_ =	strace $0x8FFFFFFF  }
0x98: {  	s20 =	sld [smem:$0x3FDB];
	_ =	sdelay $0x1  }
0x99: {  	s4 =	simm.s32 $_scs_section_size  }
0x9a: {  	s5 =	simm.s32 $_size__tile_overlayer_lowered;
	s6 =	simm.s32 $_tile_overlayer_lowered  }
0x9b: {  	s7 =	simm.s32 $0x1BFF;
	s21 =	sshll.u32 s6, $0x1;
	s4 =	sadd.s32 s4, s20  }
0x9c: {  	s22 =	simm.s32 $0x0;
	s5 =	sshll.u32 s5, $0x1;
	s6 =	sadd.s32 s21, s4  }
0x9d: {  	[timem:s22], [sflag:s7] =	dma.local [hbm:s6], s5  }
0x9e: {  	_ =	swait.ge [sflag:s7], s5  }
0x9f: {  	s5 =	ssub.s32 $0x0, s5;
	[sflag:s7] =	ssyncset.done $0x0  }
0xa0: {  	[sflag:s7] =	ssyncadd.s32 s5;
	_ =	sdelay $0x1  }
0xa1: {  	s23 =	simm.s32 $0x1B8B  }
0xa2: {  	_ =	swait.ge [sflag:s23], $0x1  }
0xa3: {  	[sflag:s23] =	ssyncset.done $0x0  }
0xa4: {  	[sflag:s23] =	ssyncadd.s32 $0xFFFFFFFF  }
0xa5: {  	s5 =	sld [smem:$0x0]  }
0xa6: {  	s6 =	sand.u32 $0xFFFFFFFE, s1  }
0xa7: {  	p0 =	sne.s32 s1, s6  }
0xa8: {  	s6 =	sshll.u32 @p0 s6, $0xE  }
0xa9: {  	s6 =	sadd.s32 @p0 $0x11B8D, s6;
	s7 =	sshll.u32 @p0 s5, $0x11  }
0xaa: {  	s6 =	sor.u32 @p0 s7, s6  }
0xab: {  	[sflag:s6] =	ssyncadd.remote.s32 @p0 $0x1;
	_ =	sdelay $0x1  }
0xac: {  	s6 =	simm.s32 @p0 $0x1B8D  }
0xad: {  	_ =	swait.eq @p0 [sflag:s6], $0x1  }
0xae: {  	[sflag:s6] =	ssyncadd.s32 @p0 $0xFFFFFFFF  }
0xaf: {  	s7 =	sshll.u32 @!p0 s1, $0xE  }
0xb0: {  	s7 =	sor.u32 @!p0 $0x4000, s7;
	s6 =	simm.s32 @!p0 $0x1B8D  }
0xb1: {  	s5 =	sshll.u32 @!p0 s5, $0x11;
	s7 =	sadd.s32 @!p0 $0x11B8D, s7;
	_ =	swait.eq @!p0 [sflag:s6], $0x1  }
0xb2: {  	s5 =	sor.u32 @!p0 s5, s7;
	[sflag:s6] =	ssyncadd.s32 @!p0 $0xFFFFFFFF  }
0xb3: {  	s25 =	simm.s32 $0x1B8E;
	s24 =	sld [smem:$0x3FFE];
	[sflag:s5] =	ssyncadd.remote.s32 @!p0 $0x1  }
0xb4: {  	s26 =	simm.s32 $execute0_lowered;
	[smem:$0x3FD2] =	sst s25  }
0xb5: {  	s6 =	sshll.u32 s26, $0x1;
	_ =	strace $0x80000049;
	[dreg:$0x1] =	wrdreg $0xFFFFFFFF  }
0xb6: {  	s28 =	simm.s32 $_size_execute0_lowered;
	s4 =	sadd.s32 s4, s6;
	[dreg:$0x0] =	wrdreg $0x0  }
0xb7: {  	s6 =	sshll.u32 s28, $0x1;
	[dreg:$0x2] =	wrdreg s4  }
0xb8: {  	[dreg:$0x3] =	wrdreg s6  }
0xb9: {  	[dreg:$0x4] =	wrdreg $0xC0  }
0xba: {  	_ =	task [dreg:s22], $0x5FFFF  }
0xbb: {  	[dreg:$0x1] =	wrdreg $0xFFFFFFFF  }
0xbc: {  	[dreg:$0x0] =	wrdreg $0x60  }
0xbd: {  	[dreg:$0x2] =	wrdreg s24  }
0xbe: {  	[dreg:$0x3] =	wrdreg s18  }
0xbf: {  	[dreg:$0x4] =	wrdreg $0xA  }
0xc0: {  	_ =	task.clear_ibuf [dreg:s22], $0x5FFFF;
	_ =	strace $0x90000049  }
0xc1: {  	s29 =	simm.s32 $0xA;
	_ =	strace $0x8000004B  }
0xc2: {  	_ =	swait.ge [sflag:s29], $0x1  }
0xc3: {  	[sflag:s29] =	ssyncadd.s32 $0xFFFFFFFF  }
0xc4: {  	_ =	strace $0x9000004B  }
0xc5: {  	_ =	sfence  }
0xc6: {  	s30 =	sld [smem:$0x0];
	_ =	sdelay $0x2  }
0xc7: {  	s31 =	sshll.u32 s1, $0xD;
	s1 =	sshrl.u32 s1, $0x2  }
0xc8: {  	s4 =	sand.u32 $0x4000, s31;
	s1 =	sadd.s32 s1, s30  }
0xc9: {  	s0 =	sor.u32 s4, s0;
	s1 =	sshll.u32 s1, $0x11  }
0xca: {  	s0 =	sor.u32 s1, s0  }
0xcb: {  	s0 =	sadd.s32 $0x8F2B, s0  }
0xcc: {  	[sflag:s0] =	ssyncadd.remote.s32 $0x1  }
0xcd: {  	_ =	sfence.sel $0xFFFF  }
0xce: {  	[dreg:$0x0] =	wrdreg $0xFFFFFFFF;
	(pc) =	sbr.abs _section_cstart, $3  }
0xcf: {  	[dreg:$0x1] =	wrdreg $0xFFFFFFFF  }
0xd0: {  	_ =	task.clear_ibuf [dreg:s22], $0x2FFFF;
	_ =	strace $0x9FFFFFFF  }
0xd1: {  	(tm) =	ssettm $0x7FFFFFFF  }
tec
execute0_lowered:
.L_overlay_start_1:
0x0: {  	(tag) =	ssettag $0x1  }
0x1: {  	s1 =	srdreg.scid  }
0x2: {  	s0 =	stileid.u32;
	s14 =	sand.u32 $0x1, s1  }
0x3: {  	s13 =	rddreg [dreg:$0x0];
	s29 =	sshll.u32 s0, $0xA;
	s3 =	sshll.u32 s14, $0x9  }
0x4: {  	s2 =	rddreg [dreg:$0x1];
	s12 =	sor.u32 s3, s29  }
0x5: {  	s1 =	rddreg [dreg:$0x2];
	s3 =	simm.s32 $0x0;
	s4 =	sshrl.u32 s12, $0x3  }
0x6: {  	[smem:$0x7FF] =	sst s3;
	s4 =	sadd.s32 s4, s13  }
0x7: {  	_ =	strace $0x8000004A;
	s5 =	sadd.s32 $0xC4000, s4;
	s4 =	simm.s32 $0x3  }
0x8: {  	[tilespmem:s3], [sflag:$0x3] =	stream.linear.gather [hbm4b:s5+s3], $0x200, $0x38;
	[tilespmem:$0x10200] =	vst v63  }
0x9: {  	_ =	swait.ge [sflag:s4], $0x200  }
0xa: {  	s7 =	simm.s32 $0x100;
	[sflag:s4] =	ssyncset.done $0x0  }
0xb: {  	s8 =	simm.s32 $0x200;
	s6 =	sadd.s32 $0x4000, s13;
	[sflag:s4] =	ssyncadd.s32 $0xFFFFFE00  }
0xc: {  	[tilespmem:s8], [sflag:$0x1] =	stream.indirect.gather [hbm4b:s6+s7], $0x80, s3, s7, $0xb8;
	[tilespmem:$0x10200] =	vst v63  }
0xd: {  	s9 =	simm.s32 $0x8200;
	s10 =	simm.s32 $0x1  }
0xe: {  	[tilespmem:s9], [sflag:$0x2] =	stream.indirect.gather [hbm4b:s2+s7], $0x80, s3, s7, $0xb8;
	[tilespmem:$0x10200] =	vst v63  }
0xf: {  	_ =	swait.ge [sflag:s10], $0x8000  }
0x10: {  	[sflag:s10] =	ssyncset.done $0x0  }
0x11: {  	s11 =	simm.s32 $0x2;
	[sflag:s10] =	ssyncadd.s32 $0xFFFF8000  }
0x12: {  	_ =	swait.ge [sflag:s11], $0x8000  }
0x13: {  	s15 =	sadd.s32 $0xC4800, s13;
	s16 =	sshll.u32 s12, $0x4;
	[sflag:s11] =	ssyncset.done $0x0  }
0x14: {  	s12 =	sadd.s32 s15, s16;
	[sflag:s11] =	ssyncadd.s32 $0xFFFF8000  }
0x15: {  	[hbm4b:s12+s3] =	stream.linear.scatter [tilespmem:s8], [sflag:$0x3], $0x8000, $0x38;
	[tilespmem:$0x10200] =	vst v63  }
0x16: {  	_ =	swait.ge [sflag:s4], $0x8000  }
0x17: {  	s17 =	sadd.s32 $0x104800, s13;
	[sflag:s4] =	ssyncset.done $0x0  }
0x18: {  	s13 =	sadd.s32 s17, s16;
	[sflag:s4] =	ssyncadd.s32 $0xFFFF8000  }
0x19: {  	[hbm4b:s13+s3] =	stream.linear.scatter [tilespmem:s9], [sflag:$0x3], $0x8000, $0x38;
	[tilespmem:$0x10200] =	vst v63  }
0x1a: {  	_ =	swait.ge [sflag:s4], $0x8000  }
0x1b: {  	[sflag:s4] =	ssyncset.done $0x0  }
0x1c: {  	[sflag:s4] =	ssyncadd.s32 $0xFFFF8000  }
0x1d: {  	[tilespmem:s8], [sflag:$0x1] =	stream.indirect.gather [hbm4b:s6+s7], $0x80, s7, s7, $0xb8;
	[tilespmem:$0x10200] =	vst v63  }
0x1e: {  	_ = 	snop  }
0x1f: {  	[tilespmem:s9], [sflag:$0x2] =	stream.indirect.gather [hbm4b:s2+s7], $0x80, s7, s7, $0xb8;
	[tilespmem:$0x10200] =	vst v63  }
0x20: {  	_ =	swait.ge [sflag:s10], $0x8000  }
0x21: {  	[sflag:s10] =	ssyncset.done $0x0  }
0x22: {  	s18 =	ssub.s32 $0x2, s14;
	[sflag:s10] =	ssyncadd.s32 $0xFFFF8000  }
0x23: {  	s30 =	sshrl.u32 s18, $0x1;
	_ =	swait.ge [sflag:s11], $0x8000  }
0x24: {  	s18 =	ssub.s32 s18, s30;
	s16 =	sor.u32 $0x1000, s16;
	[sflag:s11] =	ssyncset.done $0x0  }
0x25: {  	s31 =	smax.u32 s18, $0x1;
	s14 =	sadd.s32 s15, s16;
	[sflag:s11] =	ssyncadd.s32 $0xFFFF8000  }
0x26: {  	[hbm4b:s14+s3] =	stream.linear.scatter [tilespmem:s8], [sflag:$0x3], $0x8000, $0x38;
	[tilespmem:$0x10200] =	vst v63  }
0x27: {  	p0 =	sne.s32 s31, $0x1;
	_ =	swait.ge [sflag:s4], $0x8000  }
.Ltmp0:
0x28: {  	[sflag:s4] =	ssyncset.done $0x0;
	(pc) =	sbr.rel @!p0 .LBB2_2-.Ltmp0, $4  }
0x29: {  	s15 =	sadd.s32 s17, s16;
	[sflag:s4] =	ssyncadd.s32 $0xFFFF8000  }
0x2a: {  	[hbm4b:s15+s3] =	stream.linear.scatter [tilespmem:s9], [sflag:$0x3], $0x8000, $0x38;
	[tilespmem:$0x10200] =	vst v63  }
0x2b: {  	_ =	swait.ge [sflag:s4], $0x8000  }
0x2c: {  	s16 =	sadd.s32 $0xFFFFFFFF, s31;
	[sflag:s4] =	ssyncset.done $0x0  }
.LBB2_1:
0x2d: {  	p0 =	sne.s32 s16, $0x1;
	s16 =	sadd.s32 $0xFFFFFFFF, s16;
	[sflag:s4] =	ssyncadd.s32 $0xFFFF8000  }
0x2e: {  	[tilespmem:s3], [sflag:$0x3] =	stream.linear.gather [hbm4b:s5+s3], $0x200, $0x38;
	[tilespmem:$0x10200] =	vst v63  }
0x2f: {  	_ =	swait.ge [sflag:s4], $0x200  }
0x30: {  	[sflag:s4] =	ssyncset.done $0x0  }
0x31: {  	[sflag:s4] =	ssyncadd.s32 $0xFFFFFE00  }
0x32: {  	[tilespmem:s8], [sflag:$0x1] =	stream.indirect.gather [hbm4b:s6+s7], $0x80, s3, s7, $0xb8;
	[tilespmem:$0x10200] =	vst v63  }
0x33: {  	_ = 	snop  }
0x34: {  	[tilespmem:s9], [sflag:$0x2] =	stream.indirect.gather [hbm4b:s2+s7], $0x80, s3, s7, $0xb8;
	[tilespmem:$0x10200] =	vst v63  }
0x35: {  	_ =	swait.ge [sflag:s10], $0x8000  }
0x36: {  	[sflag:s10] =	ssyncset.done $0x0  }
0x37: {  	[sflag:s10] =	ssyncadd.s32 $0xFFFF8000  }
0x38: {  	_ =	swait.ge [sflag:s11], $0x8000  }
0x39: {  	[sflag:s11] =	ssyncset.done $0x0  }
0x3a: {  	[sflag:s11] =	ssyncadd.s32 $0xFFFF8000  }
0x3b: {  	[hbm4b:s12+s3] =	stream.linear.scatter [tilespmem:s8], [sflag:$0x3], $0x8000, $0x38;
	[tilespmem:$0x10200] =	vst v63  }
0x3c: {  	_ =	swait.ge [sflag:s4], $0x8000  }
0x3d: {  	[sflag:s4] =	ssyncset.done $0x0  }
0x3e: {  	[sflag:s4] =	ssyncadd.s32 $0xFFFF8000  }
0x3f: {  	[hbm4b:s13+s3] =	stream.linear.scatter [tilespmem:s9], [sflag:$0x3], $0x8000, $0x38;
	[tilespmem:$0x10200] =	vst v63  }
0x40: {  	_ =	swait.ge [sflag:s4], $0x8000  }
0x41: {  	[sflag:s4] =	ssyncset.done $0x0  }
0x42: {  	[sflag:s4] =	ssyncadd.s32 $0xFFFF8000  }
0x43: {  	[tilespmem:s8], [sflag:$0x1] =	stream.indirect.gather [hbm4b:s6+s7], $0x80, s7, s7, $0xb8;
	[tilespmem:$0x10200] =	vst v63  }
0x44: {  	_ = 	snop  }
0x45: {  	[tilespmem:s9], [sflag:$0x2] =	stream.indirect.gather [hbm4b:s2+s7], $0x80, s7, s7, $0xb8;
	[tilespmem:$0x10200] =	vst v63  }
0x46: {  	_ =	swait.ge [sflag:s10], $0x8000  }
0x47: {  	[sflag:s10] =	ssyncset.done $0x0  }
0x48: {  	[sflag:s10] =	ssyncadd.s32 $0xFFFF8000  }
0x49: {  	_ =	swait.ge [sflag:s11], $0x8000  }
0x4a: {  	[sflag:s11] =	ssyncset.done $0x0  }
0x4b: {  	[sflag:s11] =	ssyncadd.s32 $0xFFFF8000  }
0x4c: {  	[hbm4b:s14+s3] =	stream.linear.scatter [tilespmem:s8], [sflag:$0x3], $0x8000, $0x38;
	[tilespmem:$0x10200] =	vst v63  }
0x4d: {  	_ =	swait.ge [sflag:s4], $0x8000  }
.Ltmp1:
0x4e: {  	[sflag:s4] =	ssyncset.done $0x0;
	(pc) =	sbr.rel @p0 .LBB2_1-.Ltmp1, $4  }
0x4f: {  	[sflag:s4] =	ssyncadd.s32 $0xFFFF8000  }
0x50: {  	[hbm4b:s15+s3] =	stream.linear.scatter [tilespmem:s9], [sflag:$0x3], $0x8000, $0x38;
	[tilespmem:$0x10200] =	vst v63  }
0x51: {  	_ =	swait.ge [sflag:s4], $0x8000  }
0x52: {  	[sflag:s4] =	ssyncset.done $0x0  }
.LBB2_2:
0x53: {  	[sflag:s4] =	ssyncadd.s32 $0xFFFF8000  }
0x54: {  	_ =	sfence.sel $0x180000  }
0x55: {  	[bflag:$0x0] =	sbarrier.arrive $0xFFFF  }
0x56: {  	p0 =	sne.s32 s0, $0x0;
	_ =	strace $0x9000004A  }
0x57: {  	s0 =	sadd.s32 @!p0 $0x100000, s1;
	[bflag:$0x2] =	sbarrier.arrive $0xFFFF  }
0x58: {  	[sflag:s0] =	ssyncadd.tile.s32 @!p0 $0x1;
	_ =	shalt  }
.Lfunc_end2:
_tile_overlayer_lowered:
.L_overlay_start_2:
0x59: {  	(tag) =	ssettag $0x2  }
0x5a: {  	s0 =	rddreg [dreg:$0x0];
	s2 =	stileid.u32  }
0x5b: {  	s1 =	rddreg [dreg:$0x1];
	p0 =	sne.s32 s2, $0x0  }
0x5c: {  	s3 =	rddreg [dreg:$0x2];
	[bflag:$0x3] =	sbarrier.arrive $0xFFFF;
	s2 =	simm.s32 @!p0 $0x1C03  }
0x5d: {  	[timem:s3], [sflag:s2] =	dma.local @!p0 [hbm:s0], s1  }
0x5e: {  	s0 =	simm.s32 @!p0 $0x3  }
0x5f: {  	_ =	swait.ge @!p0 [sflag:s0], s1  }
0x60: {  	s1 =	ssub.s32 @!p0 $0x0, s1;
	[sflag:s0] =	ssyncset.done @!p0 $0x0  }
0x61: {  	[sflag:s0] =	ssyncadd.s32 @!p0 s1  }
0x62: {  	[bflag:$0x3] =	sbarrier.arrive $0xFFFF  }
0x63: {  	_ =	shalt  }

// kernel: kernel.8.cloned.1.call-start
scs
__scs_entry_jumppad:
0x0: {  	(pc) =	sbr.rel $0x88, $3  }
0x1: {  	(tag) =	ssettag $0x0;
	lr =	simm.s32 $0x1  }
0x2: {  	[smem:$0x3F90] =	sst lr;
	_ =	strace $0xD0000000  }
0x3: {  	_ = 	snop  }
0x4: {  	_ = 	snop  }
0x5: {  	_ = 	snop  }
0x6: {  	_ = 	snop  }
0x7: {  	_ = 	snop  }
__scs_overlays_trampoline_lowered:
0x8: {  	[smem:$0x3F9F] =	sst s0  }
0x9: {  	[smem:$0x3FA0] =	sst s1  }
0xa: {  	[smem:$0x3FA1] =	sst s2  }
0xb: {  	[smem:$0x3FA2] =	sst s3  }
0xc: {  	[smem:$0x3FA3] =	sst s4  }
0xd: {  	[smem:$0x3FA4] =	sst s5  }
0xe: {  	[smem:$0x3FA5] =	sst s6  }
0xf: {  	[smem:$0x3FA6] =	sst s7  }
0x10: {  	[smem:$0x3FA7] =	sst s8  }
0x11: {  	[smem:$0x3FA8] =	sst s9;
	s0 =	simm.s32 @!p0 $0x0  }
0x12: {  	s1 =	sld [smem:$0x3F8E];
	s0 =	simm.s32 @p0 $0x1  }
0x13: {  	[smem:$0x3FA9] =	sst s0;
	s0 =	simm.s32 @!p1 $0x0  }
0x14: {  	s2 =	sld [smem:$0x3F8D];
	s0 =	simm.s32 @p1 $0x1  }
0x15: {  	[smem:$0x3FAA] =	sst s0;
	s0 =	simm.s32 @!p2 $0x0  }
0x16: {  	s3 =	sld [smem:$0x3FDB];
	s0 =	simm.s32 @p2 $0x1  }
0x17: {  	s4 =	simm.s32 $0x1BF5;
	[smem:$0x3FAC] =	sst s0  }
0x18: {  	s0 =	sld [smem:$0x3F8F];
	_ =	swait.ge [sflag:s4], $0x0  }
0x19: {  	s7 =	sld [smem:$0x3F90]  }
0x1a: {  	s8 =	sadd.s32 $0xFFFFE003, lr  }
0x1b: {  	s9 =	sadd.s32 $0xFFFFFEF7, lr;
	s5 =	simm.s32 $0xFFFFFFFF;
	p2 =	slt.u32 s8, $0xFFFFF086  }
0x1c: {  	p1 =	slt.u32 s9, $0xF7A;
	s5 =	simm.s32 @!p2 $0x0  }
0x1d: {  	s5 =	simm.s32 @p1 $0x1;
	p0 =	seq.s32 s7, s2  }
0x1e: {  	s7 =	smul.u32 @!p0 $0xF7A, s2;
	p2 =	seq.s32 @!p0 s5, $0x0  }
0x1f: {  	s9 =	smul.u32 $0xF7A, s1;
	s8 =	simm.s32 @!p0 $0x1BF5;
	p2 =	por !p2, p0  }
0x20: {  	[sflag:s8] =	ssyncset.s32 @!p0 $0xFFFFF086;
	s6 =	sadd.s32 @!p0 s3, s7;
	s7 =	simm.s32 @!p0 $0x108  }
0x21: {  	s3 =	sadd.s32 s3, s9;
	s6 =	sadd.s32 @!p0 $0x88, s6;
	s7 =	simm.s32 @p2 $0x1082  }
0x22: {  	[simem:s7], [sflag:s8] =	dma.local @!p0 [hbm:s6], $0xF7A  }
0x23: {  	s9 =	sor.u32 $0xD0000000, s2;
	s6 =	simm.s32 $0x108;
	_ =	swait.ge @!p0 [sflag:s8], $0x0  }
0x24: {  	s3 =	sadd.s32 $0x88, s3;
	s6 =	simm.s32 @!p1 $0x1082;
	[sflag:s4] =	ssyncset.s32 $0xFFFFF086  }
0x25: {  	[simem:s6], [sflag:s4] =	dma.local [hbm:s3], $0xF7A  }
0x26: {  	[smem:$0x3F90] =	sst s1;
	(tag) =	ssettag s2;
	_ =	strace s9  }
0x27: {  	s1 =	sld [smem:$0x3FA0]  }
0x28: {  	s2 =	sld [smem:$0x3FA1]  }
0x29: {  	s4 =	sld [smem:$0x3FA3]  }
0x2a: {  	p0 =	seq.s32 s5, $0x0;
	s5 =	sld [smem:$0x3FA4]  }
0x2b: {  	s6 =	sld [smem:$0x3FA5]  }
0x2c: {  	s7 =	sld [smem:$0x3FA6]  }
0x2d: {  	s3 =	simm.s32 $0x108;
	s8 =	sld [smem:$0x3FA7]  }
0x2e: {  	s3 =	simm.s32 @!p0 $0x1082;
	s9 =	sld [smem:$0x3FA8]  }
0x2f: {  	lr =	sadd.s32 s0, s3;
	s0 =	sld [smem:$0x3F9F]  }
0x30: {  	s3 =	sld [smem:$0x3FA2]  }
0x31: {  	[smem:$0x3FAB] =	sst s10  }
0x32: {  	s10 =	sld [smem:$0x3FA9];
	_ =	sdelay $0x3  }
0x33: {  	p0 =	seq.s32 s10, $0x1;
	s10 =	sld [smem:$0x3FAB];
	_ =	sdelay $0x3  }
0x34: {  	[smem:$0x3FAB] =	sst s10  }
0x35: {  	s10 =	sld [smem:$0x3FAA];
	_ =	sdelay $0x3  }
0x36: {  	p1 =	seq.s32 s10, $0x1;
	s10 =	sld [smem:$0x3FAB];
	_ =	sdelay $0x3  }
0x37: {  	[smem:$0x3FAB] =	sst s10  }
0x38: {  	s10 =	sld [smem:$0x3FAC]  }
0x39: {  	_ = 	snop;
	(pc) =	sbr.ind lr, $3  }
0x3a: {  	_ = 	snop  }
0x3b: {  	_ = 	snop  }
0x3c: {  	p2 =	seq.s32 s10, $0x1;
	s10 =	sld [smem:$0x3FAB]  }
0x3d: {  	_ =	shalt  }
0x3e: {  	_ =	shalt  }
0x3f: {  	_ =	shalt  }
0x40: {  	_ =	shalt  }
0x41: {  	_ =	shalt  }
0x42: {  	_ =	shalt  }
0x43: {  	_ =	shalt  }
0x44: {  	_ =	shalt  }
0x45: {  	_ =	shalt  }
0x46: {  	_ =	shalt  }
0x47: {  	_ =	shalt  }
0x48: {  	_ =	shalt  }
0x49: {  	_ =	shalt  }
0x4a: {  	_ =	shalt  }
0x4b: {  	_ =	shalt  }
0x4c: {  	_ =	shalt  }
0x4d: {  	_ =	shalt  }
0x4e: {  	_ =	shalt  }
0x4f: {  	_ =	shalt  }
0x50: {  	_ =	shalt  }
0x51: {  	_ =	shalt  }
0x52: {  	_ =	shalt  }
0x53: {  	_ =	shalt  }
0x54: {  	_ =	shalt  }
0x55: {  	_ =	shalt  }
0x56: {  	_ =	shalt  }
0x57: {  	_ =	shalt  }
0x58: {  	_ =	shalt  }
0x59: {  	_ =	shalt  }
0x5a: {  	_ =	shalt  }
0x5b: {  	_ =	shalt  }
0x5c: {  	_ =	shalt  }
0x5d: {  	_ =	shalt  }
0x5e: {  	_ =	shalt  }
0x5f: {  	_ =	shalt  }
0x60: {  	_ =	shalt  }
0x61: {  	_ =	shalt  }
0x62: {  	_ =	shalt  }
0x63: {  	_ =	shalt  }
0x64: {  	_ =	shalt  }
0x65: {  	_ =	shalt  }
0x66: {  	_ =	shalt  }
0x67: {  	_ =	shalt  }
0x68: {  	_ =	shalt  }
0x69: {  	_ =	shalt  }
0x6a: {  	_ =	shalt  }
0x6b: {  	_ =	shalt  }
0x6c: {  	_ =	shalt  }
0x6d: {  	_ =	shalt  }
0x6e: {  	_ =	shalt  }
0x6f: {  	_ =	shalt  }
0x70: {  	_ =	shalt  }
0x71: {  	_ =	shalt  }
0x72: {  	_ =	shalt  }
0x73: {  	_ =	shalt  }
0x74: {  	_ =	shalt  }
0x75: {  	_ =	shalt  }
0x76: {  	_ =	shalt  }
0x77: {  	_ =	shalt  }
0x78: {  	_ =	shalt  }
0x79: {  	_ =	shalt  }
0x7a: {  	_ =	shalt  }
0x7b: {  	_ =	shalt  }
0x7c: {  	_ =	shalt  }
0x7d: {  	_ =	shalt  }
0x7e: {  	_ =	shalt  }
0x7f: {  	_ =	shalt  }
0x80: {  	_ =	shalt  }
0x81: {  	_ =	shalt  }
0x82: {  	_ =	shalt  }
0x83: {  	_ =	shalt  }
0x84: {  	_ =	shalt  }
0x85: {  	_ =	shalt  }
0x86: {  	_ =	shalt  }
0x87: {  	_ =	shalt  }
.Lfunc_end0:
.L_simem_size_0:
called_computation_lowered:
.L_overlay_start_0:
0x88: {  	s2 =	sld [smem:$0x3FD9]  }
0x89: {  	s3 =	sld [smem:$0x3FFE];
	_ =	sdelay $0x1  }
0x8a: {  	s1 =	srdreg.scid  }
0x8b: {  	s0 =	sand.u32 $0x1, s1  }
0x8c: {  	s17 =	sshll.u32 s0, $0xA;
	s2 =	sadd.s32 s3, s2  }
0x8d: {  	s2 =	sadd.s32 s2, s17  }
0x8e: {  	[smem:$0x3FB7] =	sst s2  }
0x8f: {  	_ = 	snop  }
0x90: {  	s2 =	sld [smem:$0x3FC7];
	(tm) =	ssettm $0x1  }
0x91: {  	s18 =	sld [smem:$0x3FFB];
	_ =	sdelay $0x3  }
0x92: {  	_ =	strace s18  }
0x93: {  	s3 =	sld [smem:$0x3FFC];
	_ =	sdelay $0x3  }
0x94: {  	_ =	strace s3  }
0x95: {  	s3 =	sld [smem:$0x3FFD];
	_ =	sdelay $0x3  }
0x96: {  	_ =	strace s3  }
0x97: {  	_ =	strace $0x8FFFFFFF  }
0x98: {  	s19 =	sld [smem:$0x3FDB];
	_ =	sdelay $0x1  }
0x99: {  	s4 =	simm.s32 $_scs_section_size  }
0x9a: {  	s5 =	simm.s32 $_size__tile_overlayer_lowered;
	s6 =	simm.s32 $_tile_overlayer_lowered  }
0x9b: {  	s22 =	simm.s32 $0x1BFF;
	s21 =	sshll.u32 s6, $0x1;
	s3 =	sadd.s32 s4, s19  }
0x9c: {  	s7 =	simm.s32 $0x0;
	s20 =	sshll.u32 s5, $0x1;
	s5 =	sadd.s32 s21, s3  }
0x9d: {  	[timem:s7], [sflag:s22] =	dma.local [hbm:s5], s20  }
0x9e: {  	_ =	swait.ge [sflag:s22], s20  }
0x9f: {  	s4 =	ssub.s32 $0x0, s20;
	[sflag:s22] =	ssyncset.done $0x0  }
0xa0: {  	[sflag:s22] =	ssyncadd.s32 s4;
	_ =	sdelay $0x1  }
0xa1: {  	s23 =	simm.s32 $0x1B8B  }
0xa2: {  	_ =	swait.ge [sflag:s23], $0x1  }
0xa3: {  	[sflag:s23] =	ssyncset.done $0x0  }
0xa4: {  	s25 =	simm.s32 $0x1B8E;
	s24 =	sld [smem:$0x3FFE];
	[sflag:s23] =	ssyncadd.s32 $0xFFFFFFFF  }
0xa5: {  	s26 =	simm.s32 $execute0_lowered;
	[smem:$0x3FD2] =	sst s25  }
0xa6: {  	s5 =	sshll.u32 s26, $0x1;
	_ =	strace $0x80000046;
	[dreg:$0x1] =	wrdreg $0xFFFFFFFF  }
0xa7: {  	s28 =	simm.s32 $_size_execute0_lowered;
	s3 =	sadd.s32 s3, s5;
	[dreg:$0x0] =	wrdreg $0x0  }
0xa8: {  	s5 =	sshll.u32 s28, $0x1;
	[dreg:$0x2] =	wrdreg s3  }
0xa9: {  	[dreg:$0x3] =	wrdreg s5  }
0xaa: {  	[dreg:$0x4] =	wrdreg $0xC0  }
0xab: {  	_ =	task [dreg:s7], $0x5FFFF  }
0xac: {  	[dreg:$0x1] =	wrdreg $0xFFFFFFFF  }
0xad: {  	[dreg:$0x0] =	wrdreg $0x60  }
0xae: {  	[dreg:$0x2] =	wrdreg s24  }
0xaf: {  	[dreg:$0x3] =	wrdreg s2  }
0xb0: {  	[dreg:$0x4] =	wrdreg $0x9  }
0xb1: {  	_ =	task.clear_ibuf [dreg:s7], $0x5FFFF;
	_ =	strace $0x90000046  }
0xb2: {  	s29 =	simm.s32 $0x9;
	_ =	strace $0x80000048  }
0xb3: {  	_ =	swait.ge [sflag:s29], $0x1  }
0xb4: {  	[sflag:s29] =	ssyncadd.s32 $0xFFFFFFFF  }
0xb5: {  	_ =	strace $0x90000048  }
0xb6: {  	_ =	sfence  }
0xb7: {  	s30 =	sld [smem:$0x0];
	_ =	sdelay $0x2  }
0xb8: {  	s31 =	sshll.u32 s1, $0xD;
	s1 =	sshrl.u32 s1, $0x2  }
0xb9: {  	s3 =	sand.u32 $0x4000, s31;
	s1 =	sadd.s32 s1, s30  }
0xba: {  	s0 =	sor.u32 s3, s0;
	s1 =	sshll.u32 s1, $0x11  }
0xbb: {  	s0 =	sor.u32 s1, s0  }
0xbc: {  	s0 =	sadd.s32 $0x8F2B, s0  }
0xbd: {  	[sflag:s0] =	ssyncadd.remote.s32 $0x1  }
0xbe: {  	_ =	sfence.sel $0xFFFF  }
0xbf: {  	[dreg:$0x0] =	wrdreg $0xFFFFFFFF;
	(pc) =	sbr.abs _section_cstart, $3  }
0xc0: {  	[dreg:$0x1] =	wrdreg $0xFFFFFFFF  }
0xc1: {  	_ =	task.clear_ibuf [dreg:s7], $0x2FFFF;
	_ =	strace $0x9FFFFFFF  }
0xc2: {  	(tm) =	ssettm $0x7FFFFFFF  }
0xc3: {  	_ =	shalt  }
tec
execute0_lowered:
.L_overlay_start_1:
0x0: {  	(tag) =	ssettag $0x1  }
0x1: {  	s1 =	srdreg.scid  }
0x2: {  	s0 =	stileid.u32;
	s14 =	sand.u32 $0x1, s1  }
0x3: {  	s13 =	rddreg [dreg:$0x0];
	s29 =	sshll.u32 s0, $0xA;
	s3 =	sshll.u32 s14, $0x9  }
0x4: {  	s2 =	rddreg [dreg:$0x1];
	s12 =	sor.u32 s3, s29  }
0x5: {  	s1 =	rddreg [dreg:$0x2];
	s3 =	simm.s32 $0x0;
	s4 =	sshrl.u32 s12, $0x3  }
0x6: {  	[smem:$0x7FF] =	sst s3;
	s4 =	sadd.s32 s4, s13  }
0x7: {  	_ =	strace $0x80000047;
	s5 =	sadd.s32 $0x3800, s4;
	s4 =	simm.s32 $0x3  }
0x8: {  	[tilespmem:s3], [sflag:$0x3] =	stream.linear.gather [hbm4b:s5+s3], $0x200, $0x38;
	[tilespmem:$0x10200] =	vst v63  }
0x9: {  	_ =	swait.ge [sflag:s4], $0x200  }
0xa: {  	s7 =	simm.s32 $0x100;
	[sflag:s4] =	ssyncset.done $0x0  }
0xb: {  	s8 =	simm.s32 $0x200;
	s6 =	sadd.s32 $0x4000, s13;
	[sflag:s4] =	ssyncadd.s32 $0xFFFFFE00  }
0xc: {  	[tilespmem:s8], [sflag:$0x1] =	stream.indirect.gather [hbm4b:s6+s7], $0x80, s3, s7, $0xb8;
	[tilespmem:$0x10200] =	vst v63  }
0xd: {  	s9 =	simm.s32 $0x8200;
	s10 =	simm.s32 $0x1  }
0xe: {  	[tilespmem:s9], [sflag:$0x2] =	stream.indirect.gather [hbm4b:s2+s7], $0x80, s3, s7, $0xb8;
	[tilespmem:$0x10200] =	vst v63  }
0xf: {  	_ =	swait.ge [sflag:s10], $0x8000  }
0x10: {  	[sflag:s10] =	ssyncset.done $0x0  }
0x11: {  	s11 =	simm.s32 $0x2;
	[sflag:s10] =	ssyncadd.s32 $0xFFFF8000  }
0x12: {  	_ =	swait.ge [sflag:s11], $0x8000  }
0x13: {  	s15 =	sadd.s32 $0x44000, s13;
	s16 =	sshll.u32 s12, $0x4;
	[sflag:s11] =	ssyncset.done $0x0  }
0x14: {  	s12 =	sadd.s32 s15, s16;
	[sflag:s11] =	ssyncadd.s32 $0xFFFF8000  }
0x15: {  	[hbm4b:s12+s3] =	stream.linear.scatter [tilespmem:s8], [sflag:$0x3], $0x8000, $0x38;
	[tilespmem:$0x10200] =	vst v63  }
0x16: {  	_ =	swait.ge [sflag:s4], $0x8000  }
0x17: {  	s17 =	sadd.s32 $0x84000, s13;
	[sflag:s4] =	ssyncset.done $0x0  }
0x18: {  	s13 =	sadd.s32 s17, s16;
	[sflag:s4] =	ssyncadd.s32 $0xFFFF8000  }
0x19: {  	[hbm4b:s13+s3] =	stream.linear.scatter [tilespmem:s9], [sflag:$0x3], $0x8000, $0x38;
	[tilespmem:$0x10200] =	vst v63  }
0x1a: {  	_ =	swait.ge [sflag:s4], $0x8000  }
0x1b: {  	[sflag:s4] =	ssyncset.done $0x0  }
0x1c: {  	[sflag:s4] =	ssyncadd.s32 $0xFFFF8000  }
0x1d: {  	[tilespmem:s8], [sflag:$0x1] =	stream.indirect.gather [hbm4b:s6+s7], $0x80, s7, s7, $0xb8;
	[tilespmem:$0x10200] =	vst v63  }
0x1e: {  	_ = 	snop  }
0x1f: {  	[tilespmem:s9], [sflag:$0x2] =	stream.indirect.gather [hbm4b:s2+s7], $0x80, s7, s7, $0xb8;
	[tilespmem:$0x10200] =	vst v63  }
0x20: {  	_ =	swait.ge [sflag:s10], $0x8000  }
0x21: {  	[sflag:s10] =	ssyncset.done $0x0  }
0x22: {  	s18 =	ssub.s32 $0x2, s14;
	[sflag:s10] =	ssyncadd.s32 $0xFFFF8000  }
0x23: {  	s30 =	sshrl.u32 s18, $0x1;
	_ =	swait.ge [sflag:s11], $0x8000  }
0x24: {  	s18 =	ssub.s32 s18, s30;
	s16 =	sor.u32 $0x1000, s16;
	[sflag:s11] =	ssyncset.done $0x0  }
0x25: {  	s31 =	smax.u32 s18, $0x1;
	s14 =	sadd.s32 s15, s16;
	[sflag:s11] =	ssyncadd.s32 $0xFFFF8000  }
0x26: {  	[hbm4b:s14+s3] =	stream.linear.scatter [tilespmem:s8], [sflag:$0x3], $0x8000, $0x38;
	[tilespmem:$0x10200] =	vst v63  }
0x27: {  	p0 =	sne.s32 s31, $0x1;
	_ =	swait.ge [sflag:s4], $0x8000  }
.Ltmp0:
0x28: {  	[sflag:s4] =	ssyncset.done $0x0;
	(pc) =	sbr.rel @!p0 .LBB2_2-.Ltmp0, $4  }
0x29: {  	s15 =	sadd.s32 s17, s16;
	[sflag:s4] =	ssyncadd.s32 $0xFFFF8000  }
0x2a: {  	[hbm4b:s15+s3] =	stream.linear.scatter [tilespmem:s9], [sflag:$0x3], $0x8000, $0x38;
	[tilespmem:$0x10200] =	vst v63  }
0x2b: {  	_ =	swait.ge [sflag:s4], $0x8000  }
0x2c: {  	s16 =	sadd.s32 $0xFFFFFFFF, s31;
	[sflag:s4] =	ssyncset.done $0x0  }
.LBB2_1:
0x2d: {  	p0 =	sne.s32 s16, $0x1;
	s16 =	sadd.s32 $0xFFFFFFFF, s16;
	[sflag:s4] =	ssyncadd.s32 $0xFFFF8000  }
0x2e: {  	[tilespmem:s3], [sflag:$0x3] =	stream.linear.gather [hbm4b:s5+s3], $0x200, $0x38;
	[tilespmem:$0x10200] =	vst v63  }
0x2f: {  	_ =	swait.ge [sflag:s4], $0x200  }
0x30: {  	[sflag:s4] =	ssyncset.done $0x0  }
0x31: {  	[sflag:s4] =	ssyncadd.s32 $0xFFFFFE00  }
0x32: {  	[tilespmem:s8], [sflag:$0x1] =	stream.indirect.gather [hbm4b:s6+s7], $0x80, s3, s7, $0xb8;
	[tilespmem:$0x10200] =	vst v63  }
0x33: {  	_ = 	snop  }
0x34: {  	[tilespmem:s9], [sflag:$0x2] =	stream.indirect.gather [hbm4b:s2+s7], $0x80, s3, s7, $0xb8;
	[tilespmem:$0x10200] =	vst v63  }
0x35: {  	_ =	swait.ge [sflag:s10], $0x8000  }
0x36: {  	[sflag:s10] =	ssyncset.done $0x0  }
0x37: {  	[sflag:s10] =	ssyncadd.s32 $0xFFFF8000  }
0x38: {  	_ =	swait.ge [sflag:s11], $0x8000  }
0x39: {  	[sflag:s11] =	ssyncset.done $0x0  }
0x3a: {  	[sflag:s11] =	ssyncadd.s32 $0xFFFF8000  }
0x3b: {  	[hbm4b:s12+s3] =	stream.linear.scatter [tilespmem:s8], [sflag:$0x3], $0x8000, $0x38;
	[tilespmem:$0x10200] =	vst v63  }
0x3c: {  	_ =	swait.ge [sflag:s4], $0x8000  }
0x3d: {  	[sflag:s4] =	ssyncset.done $0x0  }
0x3e: {  	[sflag:s4] =	ssyncadd.s32 $0xFFFF8000  }
0x3f: {  	[hbm4b:s13+s3] =	stream.linear.scatter [tilespmem:s9], [sflag:$0x3], $0x8000, $0x38;
	[tilespmem:$0x10200] =	vst v63  }
0x40: {  	_ =	swait.ge [sflag:s4], $0x8000  }
0x41: {  	[sflag:s4] =	ssyncset.done $0x0  }
0x42: {  	[sflag:s4] =	ssyncadd.s32 $0xFFFF8000  }
0x43: {  	[tilespmem:s8], [sflag:$0x1] =	stream.indirect.gather [hbm4b:s6+s7], $0x80, s7, s7, $0xb8;
	[tilespmem:$0x10200] =	vst v63  }
0x44: {  	_ = 	snop  }
0x45: {  	[tilespmem:s9], [sflag:$0x2] =	stream.indirect.gather [hbm4b:s2+s7], $0x80, s7, s7, $0xb8;
	[tilespmem:$0x10200] =	vst v63  }
0x46: {  	_ =	swait.ge [sflag:s10], $0x8000  }
0x47: {  	[sflag:s10] =	ssyncset.done $0x0  }
0x48: {  	[sflag:s10] =	ssyncadd.s32 $0xFFFF8000  }
0x49: {  	_ =	swait.ge [sflag:s11], $0x8000  }
0x4a: {  	[sflag:s11] =	ssyncset.done $0x0  }
0x4b: {  	[sflag:s11] =	ssyncadd.s32 $0xFFFF8000  }
0x4c: {  	[hbm4b:s14+s3] =	stream.linear.scatter [tilespmem:s8], [sflag:$0x3], $0x8000, $0x38;
	[tilespmem:$0x10200] =	vst v63  }
0x4d: {  	_ =	swait.ge [sflag:s4], $0x8000  }
.Ltmp1:
0x4e: {  	[sflag:s4] =	ssyncset.done $0x0;
	(pc) =	sbr.rel @p0 .LBB2_1-.Ltmp1, $4  }
0x4f: {  	[sflag:s4] =	ssyncadd.s32 $0xFFFF8000  }
0x50: {  	[hbm4b:s15+s3] =	stream.linear.scatter [tilespmem:s9], [sflag:$0x3], $0x8000, $0x38;
	[tilespmem:$0x10200] =	vst v63  }
0x51: {  	_ =	swait.ge [sflag:s4], $0x8000  }
0x52: {  	[sflag:s4] =	ssyncset.done $0x0  }
.LBB2_2:
0x53: {  	[sflag:s4] =	ssyncadd.s32 $0xFFFF8000  }
0x54: {  	_ =	sfence.sel $0x180000  }
0x55: {  	[bflag:$0x0] =	sbarrier.arrive $0xFFFF  }
0x56: {  	p0 =	sne.s32 s0, $0x0;
	_ =	strace $0x90000047  }
0x57: {  	s0 =	sadd.s32 @!p0 $0x100000, s1;
	[bflag:$0x2] =	sbarrier.arrive $0xFFFF  }
0x58: {  	[sflag:s0] =	ssyncadd.tile.s32 @!p0 $0x1;
	_ =	shalt  }
.Lfunc_end2:
_tile_overlayer_lowered:
.L_overlay_start_2:
0x59: {  	(tag) =	ssettag $0x2  }
0x5a: {  	s0 =	rddreg [dreg:$0x0];
	s2 =	stileid.u32  }
0x5b: {  	s1 =	rddreg [dreg:$0x1];
	p0 =	sne.s32 s2, $0x0  }
0x5c: {  	s3 =	rddreg [dreg:$0x2];
	[bflag:$0x3] =	sbarrier.arrive $0xFFFF;
	s2 =	simm.s32 @!p0 $0x1C03  }
0x5d: {  	[timem:s3], [sflag:s2] =	dma.local @!p0 [hbm:s0], s1  }
0x5e: {  	s0 =	simm.s32 @!p0 $0x3  }
0x5f: {  	_ =	swait.ge @!p0 [sflag:s0], s1  }
0x60: {  	s1 =	ssub.s32 @!p0 $0x0, s1;
	[sflag:s0] =	ssyncset.done @!p0 $0x0  }
0x61: {  	[sflag:s0] =	ssyncadd.s32 @!p0 s1  }
0x62: {  	[bflag:$0x3] =	sbarrier.arrive $0xFFFF  }
0x63: {  	_ =	shalt  }

</sc_bundles>
